<compile_context>
chip_gen: v7x
topology: tpu7x:2x2x1
jax: 0.10.2.dev20260603
libtpu: 0.0.44.dev20260713+nightly
codegen_flags: <defaults>
</compile_context>

<pallas_src>
import functools

import jax
import jax.numpy as jnp
from jax import lax
from jax.experimental import pallas as pl
from jax.experimental.pallas import tpu as pltpu
from jax.experimental.pallas import tpu_sc as plsc

B = 16384
NW = 32
BPW = B // NW
NG = BPW // 16
NCH = 16
U_RES = 400
A_RES = 50

_SC_PARAMS = pltpu.CompilerParams(
    needs_layout_passes=False, use_tc_tiling_on_sc=False)


def _sc_repack(u_t):
    mesh = plsc.VectorSubcoreMesh(core_axis_name="c", subcore_axis_name="s")

    @functools.partial(
        pl.kernel,
        out_type=jax.ShapeDtypeStruct((1600, 8, 128), jnp.float32),
        scratch_types=[
            pltpu.VMEM((50, 8, 128), jnp.float32),
            pltpu.VMEM((50, 8, 128), jnp.float32),
            pltpu.SemaphoreType.DMA,
            pltpu.SemaphoreType.DMA,
        ],
        mesh=mesh,
        compiler_params=pltpu.CompilerParams(
            needs_layout_passes=False, use_tc_tiling_on_sc=True),
    )
    def k(u_hbm, uo, ubuf, obuf, sin, sout):
        wid = lax.axis_index("s") * 2 + lax.axis_index("c")
        lanes = lax.iota(jnp.int32, 16)
        rowv = [(16 * b + lanes) >> 4 for b in range(8)]
        colb = [((16 * b + lanes) & 15) * 8 for b in range(8)]

        def src_of(i):
            u = wid * 50 + i
            return u_hbm.at[u >> 2, :, pl.ds((u & 3) * 128, 128)]

        def fire_in(i, _):
            pltpu.async_copy(src_of(i), ubuf.at[i], sin)
            return 0

        def unit(i, _):
            u = wid * 50 + i
            pltpu.make_async_copy(src_of(i), ubuf.at[i], sin).wait()
            for c in range(8):
                for b in range(8):
                    vals = ubuf[i, c, pl.ds(16 * b, 16)]
                    plsc.store_scatter(
                        obuf.at[i], [rowv[b], colb[b] + c], vals)
            pltpu.async_copy(obuf.at[i], uo.at[u], sout)
            return 0

        def drain_out(i, _):
            pltpu.make_async_copy(obuf.at[i], uo.at[wid * 50 + i],
                                  sout).wait()
            return 0

        with jax.named_scope("rp_u"):
            lax.fori_loop(0, 50, fire_in, 0)
            lax.fori_loop(0, 50, unit, 0)
            lax.fori_loop(0, 50, drain_out, 0)

    return k(u_t)


def _sc_gather_features(xT, u_tab, h_t, d_t):
    mesh = plsc.VectorSubcoreMesh(core_axis_name="c", subcore_axis_name="s")

    @functools.partial(
        pl.kernel,
        out_type=jax.ShapeDtypeStruct((NW, 4, 24, 128), jnp.float32),
        scratch_types=[
            pltpu.VMEM((6, BPW), jnp.float32),
            pltpu.VMEM((NCH, 128), jnp.int32),
            pltpu.VMEM((NCH, 128), jnp.int32),
            pltpu.VMEM((NCH, 128), jnp.int32),
            pltpu.VMEM((12, BPW), jnp.float32),
            pltpu.VMEM((4 * BPW, 8), jnp.float32),
            pltpu.VMEM((A_RES, 8, A_RES), jnp.float32),
            pltpu.VMEM((A_RES, 8, A_RES), jnp.float32),
            pltpu.VMEM((4, 24, 128), jnp.float32),
            pltpu.SemaphoreType.DMA,
            pltpu.SemaphoreType.DMA,
        ],
        mesh=mesh,
        compiler_params=_SC_PARAMS,
    )
    def k(x_hbm, u_hbm, h_hbm, d_hbm, out_hbm,
          x_loc, uidx, hidx, didx, wbuf, u_rows, h_loc, d_loc, feat_loc,
          sem, sem2):
        wid = lax.axis_index("s") * 2 + lax.axis_index("c")
        base = wid * BPW
        xcps = [pltpu.async_copy(x_hbm.at[c, pl.ds(base, BPW)],
                                 x_loc.at[c], sem2) for c in range(6)]
        hcp = pltpu.async_copy(h_hbm, h_loc, sem2)
        dcp = pltpu.async_copy(d_hbm, d_loc, sem2)
        for cp in xcps:
            cp.wait()
        lanes = lax.iota(jnp.int32, 16)

        def clamp01(t):
            return jnp.minimum(jnp.maximum(t, 0.0), 1.0)

        def write_idx(buf, corner, qb, rows):
            e = corner * BPW + qb
            buf[e >> 7, pl.ds(e & 127, 16)] = rows

        def idx_u(g, _):
            qb = g * 16
            u = clamp01(x_loc[0, pl.ds(qb, 16)]) * float(U_RES - 1)
            v = clamp01(x_loc[1, pl.ds(qb, 16)]) * float(U_RES - 1)
            x0 = u.astype(jnp.int32)
            y0 = v.astype(jnp.int32)
            fx = u - x0.astype(jnp.float32)
            fy = v - y0.astype(jnp.float32)
            x1 = jnp.minimum(x0 + 1, U_RES - 1)
            y1 = jnp.minimum(y0 + 1, U_RES - 1)
            yr0 = y0 * 512
            yr1 = y1 * 512
            write_idx(uidx, 0, qb, yr0 + x0)
            write_idx(uidx, 1, qb, yr0 + x1)
            write_idx(uidx, 2, qb, yr1 + x0)
            write_idx(uidx, 3, qb, yr1 + x1)
            wbuf[0, pl.ds(qb, 16)] = (1 - fx) * (1 - fy)
            wbuf[1, pl.ds(qb, 16)] = fx * (1 - fy)
            wbuf[2, pl.ds(qb, 16)] = (1 - fx) * fy
            wbuf[3, pl.ds(qb, 16)] = fx * fy
            return 0

        def idx_hd(g, _):
            qb = g * 16

            def wrap_plane(buf, wrow, uc, vc):
                fu = uc - uc.astype(jnp.int32).astype(jnp.float32)
                uw = fu * float(A_RES)
                x0i = uw.astype(jnp.int32)
                ur = uw - x0i.astype(jnp.float32)
                xw0 = jnp.where(x0i >= A_RES, x0i - A_RES, x0i)
                xw1 = jnp.where(xw0 + 1 >= A_RES, xw0 + 1 - A_RES, xw0 + 1)
                vw = clamp01(vc) * float(A_RES - 1)
                yw0 = vw.astype(jnp.int32)
                vr = vw - yw0.astype(jnp.float32)
                yw1 = jnp.minimum(yw0 + 1, A_RES - 1)
                write_idx(buf, 0, qb, yw0 * 512 + xw0)
                write_idx(buf, 1, qb, yw0 * 512 + xw1)
                write_idx(buf, 2, qb, yw1 * 512 + xw0)
                write_idx(buf, 3, qb, yw1 * 512 + xw1)
                wbuf[wrow + 0, pl.ds(qb, 16)] = (1 - ur) * (1 - vr)
                wbuf[wrow + 1, pl.ds(qb, 16)] = ur * (1 - vr)
                wbuf[wrow + 2, pl.ds(qb, 16)] = (1 - ur) * vr
                wbuf[wrow + 3, pl.ds(qb, 16)] = ur * vr

            wrap_plane(hidx, 4, x_loc[3, pl.ds(qb, 16)],
                       x_loc[2, pl.ds(qb, 16)])
            wrap_plane(didx, 8, x_loc[5, pl.ds(qb, 16)],
                       x_loc[4, pl.ds(qb, 16)])
            return 0

        def comp_u(g, _):
            qb = g * 16
            e0 = qb + lanes
            jblk = g >> 3
            off = qb & 127
            acc = [None] * 8
            for corner in range(4):
                w = wbuf[corner, pl.ds(qb, 16)]
                ev = corner * BPW + e0
                for c in range(8):
                    val = plsc.load_gather(
                        u_rows, [ev, jnp.full((16,), c, jnp.int32)])
                    t = w * val
                    acc[c] = t if corner == 0 else acc[c] + t
            for c in range(8):
                feat_loc[jblk, c, pl.ds(off, 16)] = acc[c]
            return 0

        def comp_hd(g, _):
            qb = g * 16
            jblk = g >> 3
            off = qb & 127
            for p, (buf, loc) in enumerate(((hidx, h_loc), (didx, d_loc))):
                acc = [None] * 8
                for corner in range(4):
                    w = wbuf[4 * (p + 1) + corner, pl.ds(qb, 16)]
                    e = corner * BPW + qb
                    ev = buf[e >> 7, pl.ds(e & 127, 16)]
                    yv = ev >> 9
                    xv = ev & 511
                    for c in range(8):
                        val = plsc.load_gather(
                            loc, [yv, jnp.full((16,), c, jnp.int32), xv])
                        t = w * val
                        acc[c] = t if corner == 0 else acc[c] + t
                for c in range(8):
                    feat_loc[jblk, (p + 1) * 8 + c, pl.ds(off, 16)] = acc[c]
            return 0

        with jax.named_scope("g_idxu"):
            lax.fori_loop(0, NG, idx_u, 0)
        with jax.named_scope("g_fire"):
            ucps = [pltpu.async_copy(
                u_hbm.at[uidx.at[j]], u_rows.at[pl.ds(j * 128, 128)], sem)
                for j in range(NCH)]
        with jax.named_scope("g_idxhd"):
            lax.fori_loop(0, NG, idx_hd, 0)
        with jax.named_scope("g_wait_tab"):
            hcp.wait()
            dcp.wait()
        with jax.named_scope("g_redhd"):
            lax.fori_loop(0, NG, comp_hd, 0)
        with jax.named_scope("g_drain"):
            for cp in ucps:
                cp.wait()
        with jax.named_scope("g_redu"):
            lax.fori_loop(0, NG, comp_u, 0)
        with jax.named_scope("g_out"):
            pltpu.sync_copy(feat_loc, out_hbm.at[wid])

    return k(xT, u_tab, h_t, d_t)


def _tc_mlp(feat, W0, W1, W2, W3):
    WB = 8

    def body(f_ref, w0_ref, w1_ref, w2_ref, w3_ref, o_ref):
        w0, w1, w2, w3 = w0_ref[...], w1_ref[...], w2_ref[...], w3_ref[...]
        f = jnp.concatenate(
            [f_ref[wloc, j] for wloc in range(WB) for j in range(4)],
            axis=1)
        h = jnp.maximum(jax.lax.dot(
            w0, f, preferred_element_type=jnp.float32), 0.0)
        h = jnp.maximum(jax.lax.dot(
            w1, h, preferred_element_type=jnp.float32), 0.0)
        h = jnp.maximum(jax.lax.dot(
            w2, h, preferred_element_type=jnp.float32), 0.0)
        o_ref[...] = jax.lax.dot(
            w3, h, preferred_element_type=jnp.float32)

    return pl.pallas_call(
        body,
        grid=(NW // WB,),
        in_specs=[
            pl.BlockSpec((WB, 4, 24, 128), lambda i: (i, 0, 0, 0)),
            pl.BlockSpec((32, 24), lambda i: (0, 0)),
            pl.BlockSpec((32, 32), lambda i: (0, 0)),
            pl.BlockSpec((32, 32), lambda i: (0, 0)),
            pl.BlockSpec((3, 32), lambda i: (0, 0)),
        ],
        out_specs=pl.BlockSpec((3, WB * 4 * 128), lambda i: (0, i)),
        out_shape=jax.ShapeDtypeStruct((3, B), jnp.float32),
    )(feat, W0, W1, W2, W3)


def kernel(x, u_plane, h_plane, d_plane, W0, W1, W2, W3):
    u_t = jnp.transpose(u_plane, (0, 2, 1))
    h_t = jnp.transpose(h_plane, (0, 2, 1))
    d_t = jnp.transpose(d_plane, (0, 2, 1))
    u_tab = _sc_repack(u_t).reshape(400 * 512, 8)
    feat = _sc_gather_features(x.T, u_tab, h_t, d_t)
    out3 = _tc_mlp(feat, W0, W1, W2, W3)
    return out3.T

# --- scband reference (transcript-rebuilt; emitter-appended) ---
"""Pipeline reference for scband-triple-plane-mlp-3143916060686 (READ-ONLY COPY).

The authoritative reference and input builder live on the scoring server;
editing this copy changes nothing except your own understanding.
"""

import jax, jax.numpy as jnp
import numpy as np

U_RES = 400
CH = 8
H_RES = 50
D_RES = 50
ANG_CH = 8
HIDDEN = 32
BATCH = 16384
IN_CH = CH + 2 * ANG_CH


def _bilerp_clamp(tex, uv):
    # Bilinear interpolation without wrapping (U-plane). tex: (H,W,C), uv: (B,2) in [0,1].
    H, W, C = tex.shape
    u = jnp.clip(uv[:, 0], 0.0, 1.0) * (W - 1)
    v = jnp.clip(uv[:, 1], 0.0, 1.0) * (H - 1)
    x0 = jnp.floor(u).astype(jnp.int32)
    x1 = jnp.clip(x0 + 1, 0, W - 1)
    y0 = jnp.floor(v).astype(jnp.int32)
    y1 = jnp.clip(y0 + 1, 0, H - 1)
    ur = (u - x0.astype(jnp.float32))[:, None]
    vr = (v - y0.astype(jnp.float32))[:, None]
    p00 = tex[y0, x0]
    p10 = tex[y0, x1]
    p01 = tex[y1, x0]
    p11 = tex[y1, x1]
    return (1 - ur) * (1 - vr) * p00 + ur * (1 - vr) * p10 + (1 - ur) * vr * p01 + ur * vr * p11


def _bilerp_wrap(tex, uv):
    # Bilinear interpolation with wrap-around on the u axis (H/D angular planes).
    H, W, C = tex.shape
    u = (uv[:, 0] % 1.0) * W
    v = jnp.clip(uv[:, 1], 0.0, 1.0) * (H - 1)
    x0f = jnp.floor(u)
    x0 = x0f.astype(jnp.int32) % W
    x1 = (x0 + 1) % W
    y0 = jnp.floor(v).astype(jnp.int32)
    y1 = jnp.clip(y0 + 1, 0, H - 1)
    ur = (u - x0f)[:, None]
    vr = (v - y0.astype(jnp.float32))[:, None]
    p00 = tex[y0, x0]
    p10 = tex[y0, x1]
    p01 = tex[y1, x0]
    p11 = tex[y1, x1]
    return (1 - ur) * (1 - vr) * p00 + ur * (1 - vr) * p10 + (1 - ur) * vr * p01 + ur * vr * p11


def setup_inputs(seed: int = 0) -> dict:
    key = jax.random.key(seed)
    ks = jax.random.split(key, 9)
    x = jax.random.uniform(ks[0], (BATCH, 6), dtype=jnp.float32)
    u_plane = 0.01 * jax.random.normal(ks[1], (U_RES, U_RES, CH), dtype=jnp.float32)
    h_plane = 0.01 * jax.random.normal(ks[2], (H_RES, H_RES, ANG_CH), dtype=jnp.float32)
    d_plane = 0.01 * jax.random.normal(ks[3], (D_RES, D_RES, ANG_CH), dtype=jnp.float32)
    def lin(k, out_f, in_f):
        b = 1.0 / np.sqrt(in_f)
        return jax.random.uniform(k, (out_f, in_f), minval=-b, maxval=b, dtype=jnp.float32)
    W0 = lin(ks[4], HIDDEN, IN_CH)
    W1 = lin(ks[5], HIDDEN, HIDDEN)
    W2 = lin(ks[6], HIDDEN, HIDDEN)
    W3 = lin(ks[7], 3, HIDDEN)
    return {"x": x, "u_plane": u_plane, "h_plane": h_plane, "d_plane": d_plane,
            "W0": W0, "W1": W1, "W2": W2, "W3": W3}


def reference(x, u_plane, h_plane, d_plane, W0, W1, W2, W3):
    # split + angular coord reorder: H/D planes receive (u=phi, v=theta)
    uv = x[:, 0:2]
    th, ph = x[:, 2], x[:, 3]
    td, pd = x[:, 4], x[:, 5]
    h_uv = jnp.stack((ph, th), axis=1)
    d_uv = jnp.stack((pd, td), axis=1)
    fU = _bilerp_clamp(u_plane, uv)
    fH = _bilerp_wrap(h_plane, h_uv)
    fD = _bilerp_wrap(d_plane, d_uv)
    feat = jnp.concatenate([fU, fH, fD], axis=1)
    # MLP with quant mode 'off' (QLinear == bias-free Linear)
    h = jax.nn.relu(feat @ W0.T)
    h = jax.nn.relu(h @ W1.T)
    h = jax.nn.relu(h @ W2.T)
    return h @ W3.T

if __name__ == "__main__":
    import jax
    _d = setup_inputs()
    print(jax.jit(kernel)(*tuple(_d.values())))

</pallas_src>

<mosaic_0001>
#map = affine_map<(d0, d1) -> (0, 0)>
#map1 = affine_map<(d0, d1) -> (0, 0, 0)>
#map2 = affine_map<(d0, d1) -> (0, 0, 0, 0)>
module attributes {stable_mosaic.version = 14 : i64} {
  func.func @k(%arg0: i32, %arg1: i32, %arg2: memref<6x16384xf32, #tpu.memory_space<hbm>>, %arg3: memref<204800x8xf32, #tpu.memory_space<hbm>>, %arg4: memref<50x8x50xf32, #tpu.memory_space<hbm>>, %arg5: memref<50x8x50xf32, #tpu.memory_space<hbm>>, %arg6: memref<32x4x24x128xf32, #tpu.memory_space<hbm>>, %arg7: memref<6x512xf32, #tpu.memory_space<vmem>>, %arg8: memref<16x128xi32, #tpu.memory_space<vmem>>, %arg9: memref<16x128xi32, #tpu.memory_space<vmem>>, %arg10: memref<16x128xi32, #tpu.memory_space<vmem>>, %arg11: memref<12x512xf32, #tpu.memory_space<vmem>>, %arg12: memref<2048x8xf32, #tpu.memory_space<vmem>>, %arg13: memref<50x8x50xf32, #tpu.memory_space<vmem>>, %arg14: memref<50x8x50xf32, #tpu.memory_space<vmem>>, %arg15: memref<4x24x128xf32, #tpu.memory_space<vmem>>, %arg16: memref<!tpu.dma_semaphore, #tpu.memory_space<semaphore_mem>>, %arg17: memref<!tpu.dma_semaphore, #tpu.memory_space<semaphore_mem>>) attributes {dimension_semantics = [#tpu.dimension_semantics<core_parallel>, #tpu.dimension_semantics<subcore_parallel>], iteration_bounds = array<i64: 2, 16>, scalar_prefetch = 0 : i64, scratch_operands = 11 : i64, tpu.core_type = #tpu.core_type<sc_vector_subcore>, window_params = [{transform_indices = #map}, {transform_indices = #map}, {transform_indices = #map1}, {transform_indices = #map1}, {transform_indices = #map2}]} {
    %mul3A = arith.constant 2 : i32
    %mul3A_0 = arith.muli %arg1, %mul3A : i32
    %add3A = arith.addi %mul3A_0, %arg0 : i32
    %mul3A_1 = arith.constant 512 : i32
    %mul3A_2 = arith.muli %add3A, %mul3A_1 : i32
    %dma_start3A = arith.constant 0 : i32
    %dma_start3A_3 = arith.constant 0 : i32
    %dma_start3A_4 = arith.constant 0 : i32
    %dma_start3A_5 = tpu.memref_slice %arg7[%dma_start3A_3, %dma_start3A_4] : memref<6x512xf32, #tpu.memory_space<vmem>> -> memref<1x512xf32, #tpu.memory_space<vmem>>
    %dma_start3A_6 = tpu.memref_squeeze %dma_start3A_5 : memref<1x512xf32, #tpu.memory_space<vmem>> -> memref<512xf32, #tpu.memory_space<vmem>>
    %dma_start3A_7 = tpu.memref_slice %arg2[%dma_start3A, %mul3A_2] : memref<6x16384xf32, #tpu.memory_space<hbm>> -> memref<1x512xf32, #tpu.memory_space<hbm>>
    %dma_start3A_8 = tpu.memref_squeeze %dma_start3A_7 : memref<1x512xf32, #tpu.memory_space<hbm>> -> memref<512xf32, #tpu.memory_space<hbm>>
    %dma_start3A_9 = arith.constant 0 : i32
    %dma_start3A_10 = tpu.memref_slice %arg7[%dma_start3A_3, %dma_start3A_9] : memref<6x512xf32, #tpu.memory_space<vmem>> -> memref<1x512xf32, #tpu.memory_space<vmem>>
    %dma_start3A_11 = tpu.memref_squeeze %dma_start3A_10 : memref<1x512xf32, #tpu.memory_space<vmem>> -> memref<512xf32, #tpu.memory_space<vmem>>
    %dma_start3A_12 = tpu.memref_slice %arg2[%dma_start3A, %mul3A_2] : memref<6x16384xf32, #tpu.memory_space<hbm>> -> memref<1x512xf32, #tpu.memory_space<hbm>>
    %dma_start3A_13 = tpu.memref_squeeze %dma_start3A_12 : memref<1x512xf32, #tpu.memory_space<hbm>> -> memref<512xf32, #tpu.memory_space<hbm>>
    tpu.enqueue_dma source(%dma_start3A_13 : memref<512xf32, #tpu.memory_space<hbm>>) target(%dma_start3A_11 : memref<512xf32, #tpu.memory_space<vmem>>) target_semaphore(%arg17 : memref<!tpu.dma_semaphore, #tpu.memory_space<semaphore_mem>>)
    %dma_start3A_14 = arith.constant 1 : i32
    %dma_start3A_15 = arith.constant 1 : i32
    %dma_start3A_16 = arith.constant 0 : i32
    %dma_start3A_17 = tpu.memref_slice %arg7[%dma_start3A_15, %dma_start3A_16] : memref<6x512xf32, #tpu.memory_space<vmem>> -> memref<1x512xf32, #tpu.memory_space<vmem>>
    %dma_start3A_18 = tpu.memref_squeeze %dma_start3A_17 : memref<1x512xf32, #tpu.memory_space<vmem>> -> memref<512xf32, #tpu.memory_space<vmem>>
    %dma_start3A_19 = tpu.memref_slice %arg2[%dma_start3A_14, %mul3A_2] : memref<6x16384xf32, #tpu.memory_space<hbm>> -> memref<1x512xf32, #tpu.memory_space<hbm>>
    %dma_start3A_20 = tpu.memref_squeeze %dma_start3A_19 : memref<1x512xf32, #tpu.memory_space<hbm>> -> memref<512xf32, #tpu.memory_space<hbm>>
    %dma_start3A_21 = arith.constant 0 : i32
    %dma_start3A_22 = tpu.memref_slice %arg7[%dma_start3A_15, %dma_start3A_21] : memref<6x512xf32, #tpu.memory_space<vmem>> -> memref<1x512xf32, #tpu.memory_space<vmem>>
    %dma_start3A_23 = tpu.memref_squeeze %dma_start3A_22 : memref<1x512xf32, #tpu.memory_space<vmem>> -> memref<512xf32, #tpu.memory_space<vmem>>
    %dma_start3A_24 = tpu.memref_slice %arg2[%dma_start3A_14, %mul3A_2] : memref<6x16384xf32, #tpu.memory_space<hbm>> -> memref<1x512xf32, #tpu.memory_space<hbm>>
    %dma_start3A_25 = tpu.memref_squeeze %dma_start3A_24 : memref<1x512xf32, #tpu.memory_space<hbm>> -> memref<512xf32, #tpu.memory_space<hbm>>
    tpu.enqueue_dma source(%dma_start3A_25 : memref<512xf32, #tpu.memory_space<hbm>>) target(%dma_start3A_23 : memref<512xf32, #tpu.memory_space<vmem>>) target_semaphore(%arg17 : memref<!tpu.dma_semaphore, #tpu.memory_space<semaphore_mem>>)
    %dma_start3A_26 = arith.constant 2 : i32
    %dma_start3A_27 = arith.constant 2 : i32
    %dma_start3A_28 = arith.constant 0 : i32
    %dma_start3A_29 = tpu.memref_slice %arg7[%dma_start3A_27, %dma_start3A_28] : memref<6x512xf32, #tpu.memory_space<vmem>> -> memref<1x512xf32, #tpu.memory_space<vmem>>
    %dma_start3A_30 = tpu.memref_squeeze %dma_start3A_29 : memref<1x512xf32, #tpu.memory_space<vmem>> -> memref<512xf32, #tpu.memory_space<vmem>>
    %dma_start3A_31 = tpu.memref_slice %arg2[%dma_start3A_26, %mul3A_2] : memref<6x16384xf32, #tpu.memory_space<hbm>> -> memref<1x512xf32, #tpu.memory_space<hbm>>
    %dma_start3A_32 = tpu.memref_squeeze %dma_start3A_31 : memref<1x512xf32, #tpu.memory_space<hbm>> -> memref<512xf32, #tpu.memory_space<hbm>>
    %dma_start3A_33 = arith.constant 0 : i32
    %dma_start3A_34 = tpu.memref_slice %arg7[%dma_start3A_27, %dma_start3A_33] : memref<6x512xf32, #tpu.memory_space<vmem>> -> memref<1x512xf32, #tpu.memory_space<vmem>>
    %dma_start3A_35 = tpu.memref_squeeze %dma_start3A_34 : memref<1x512xf32, #tpu.memory_space<vmem>> -> memref<512xf32, #tpu.memory_space<vmem>>
    %dma_start3A_36 = tpu.memref_slice %arg2[%dma_start3A_26, %mul3A_2] : memref<6x16384xf32, #tpu.memory_space<hbm>> -> memref<1x512xf32, #tpu.memory_space<hbm>>
    %dma_start3A_37 = tpu.memref_squeeze %dma_start3A_36 : memref<1x512xf32, #tpu.memory_space<hbm>> -> memref<512xf32, #tpu.memory_space<hbm>>
    tpu.enqueue_dma source(%dma_start3A_37 : memref<512xf32, #tpu.memory_space<hbm>>) target(%dma_start3A_35 : memref<512xf32, #tpu.memory_space<vmem>>) target_semaphore(%arg17 : memref<!tpu.dma_semaphore, #tpu.memory_space<semaphore_mem>>)
    %dma_start3A_38 = arith.constant 3 : i32
    %dma_start3A_39 = arith.constant 3 : i32
    %dma_start3A_40 = arith.constant 0 : i32
    %dma_start3A_41 = tpu.memref_slice %arg7[%dma_start3A_39, %dma_start3A_40] : memref<6x512xf32, #tpu.memory_space<vmem>> -> memref<1x512xf32, #tpu.memory_space<vmem>>
    %dma_start3A_42 = tpu.memref_squeeze %dma_start3A_41 : memref<1x512xf32, #tpu.memory_space<vmem>> -> memref<512xf32, #tpu.memory_space<vmem>>
    %dma_start3A_43 = tpu.memref_slice %arg2[%dma_start3A_38, %mul3A_2] : memref<6x16384xf32, #tpu.memory_space<hbm>> -> memref<1x512xf32, #tpu.memory_space<hbm>>
    %dma_start3A_44 = tpu.memref_squeeze %dma_start3A_43 : memref<1x512xf32, #tpu.memory_space<hbm>> -> memref<512xf32, #tpu.memory_space<hbm>>
    %dma_start3A_45 = arith.constant 0 : i32
    %dma_start3A_46 = tpu.memref_slice %arg7[%dma_start3A_39, %dma_start3A_45] : memref<6x512xf32, #tpu.memory_space<vmem>> -> memref<1x512xf32, #tpu.memory_space<vmem>>
    %dma_start3A_47 = tpu.memref_squeeze %dma_start3A_46 : memref<1x512xf32, #tpu.memory_space<vmem>> -> memref<512xf32, #tpu.memory_space<vmem>>
    %dma_start3A_48 = tpu.memref_slice %arg2[%dma_start3A_38, %mul3A_2] : memref<6x16384xf32, #tpu.memory_space<hbm>> -> memref<1x512xf32, #tpu.memory_space<hbm>>
    %dma_start3A_49 = tpu.memref_squeeze %dma_start3A_48 : memref<1x512xf32, #tpu.memory_space<hbm>> -> memref<512xf32, #tpu.memory_space<hbm>>
    tpu.enqueue_dma source(%dma_start3A_49 : memref<512xf32, #tpu.memory_space<hbm>>) target(%dma_start3A_47 : memref<512xf32, #tpu.memory_space<vmem>>) target_semaphore(%arg17 : memref<!tpu.dma_semaphore, #tpu.memory_space<semaphore_mem>>)
    %dma_start3A_50 = arith.constant 4 : i32
    %dma_start3A_51 = arith.constant 4 : i32
    %dma_start3A_52 = arith.constant 0 : i32
    %dma_start3A_53 = tpu.memref_slice %arg7[%dma_start3A_51, %dma_start3A_52] : memref<6x512xf32, #tpu.memory_space<vmem>> -> memref<1x512xf32, #tpu.memory_space<vmem>>
    %dma_start3A_54 = tpu.memref_squeeze %dma_start3A_53 : memref<1x512xf32, #tpu.memory_space<vmem>> -> memref<512xf32, #tpu.memory_space<vmem>>
    %dma_start3A_55 = tpu.memref_slice %arg2[%dma_start3A_50, %mul3A_2] : memref<6x16384xf32, #tpu.memory_space<hbm>> -> memref<1x512xf32, #tpu.memory_space<hbm>>
    %dma_start3A_56 = tpu.memref_squeeze %dma_start3A_55 : memref<1x512xf32, #tpu.memory_space<hbm>> -> memref<512xf32, #tpu.memory_space<hbm>>
    %dma_start3A_57 = arith.constant 0 : i32
    %dma_start3A_58 = tpu.memref_slice %arg7[%dma_start3A_51, %dma_start3A_57] : memref<6x512xf32, #tpu.memory_space<vmem>> -> memref<1x512xf32, #tpu.memory_space<vmem>>
    %dma_start3A_59 = tpu.memref_squeeze %dma_start3A_58 : memref<1x512xf32, #tpu.memory_space<vmem>> -> memref<512xf32, #tpu.memory_space<vmem>>
    %dma_start3A_60 = tpu.memref_slice %arg2[%dma_start3A_50, %mul3A_2] : memref<6x16384xf32, #tpu.memory_space<hbm>> -> memref<1x512xf32, #tpu.memory_space<hbm>>
    %dma_start3A_61 = tpu.memref_squeeze %dma_start3A_60 : memref<1x512xf32, #tpu.memory_space<hbm>> -> memref<512xf32, #tpu.memory_space<hbm>>
    tpu.enqueue_dma source(%dma_start3A_61 : memref<512xf32, #tpu.memory_space<hbm>>) target(%dma_start3A_59 : memref<512xf32, #tpu.memory_space<vmem>>) target_semaphore(%arg17 : memref<!tpu.dma_semaphore, #tpu.memory_space<semaphore_mem>>)
    %dma_start3A_62 = arith.constant 5 : i32
    %dma_start3A_63 = arith.constant 5 : i32
    %dma_start3A_64 = arith.constant 0 : i32
    %dma_start3A_65 = tpu.memref_slice %arg7[%dma_start3A_63, %dma_start3A_64] : memref<6x512xf32, #tpu.memory_space<vmem>> -> memref<1x512xf32, #tpu.memory_space<vmem>>
    %dma_start3A_66 = tpu.memref_squeeze %dma_start3A_65 : memref<1x512xf32, #tpu.memory_space<vmem>> -> memref<512xf32, #tpu.memory_space<vmem>>
    %dma_start3A_67 = tpu.memref_slice %arg2[%dma_start3A_62, %mul3A_2] : memref<6x16384xf32, #tpu.memory_space<hbm>> -> memref<1x512xf32, #tpu.memory_space<hbm>>
    %dma_start3A_68 = tpu.memref_squeeze %dma_start3A_67 : memref<1x512xf32, #tpu.memory_space<hbm>> -> memref<512xf32, #tpu.memory_space<hbm>>
    %dma_start3A_69 = arith.constant 0 : i32
    %dma_start3A_70 = tpu.memref_slice %arg7[%dma_start3A_63, %dma_start3A_69] : memref<6x512xf32, #tpu.memory_space<vmem>> -> memref<1x512xf32, #tpu.memory_space<vmem>>
    %dma_start3A_71 = tpu.memref_squeeze %dma_start3A_70 : memref<1x512xf32, #tpu.memory_space<vmem>> -> memref<512xf32, #tpu.memory_space<vmem>>
    %dma_start3A_72 = tpu.memref_slice %arg2[%dma_start3A_62, %mul3A_2] : memref<6x16384xf32, #tpu.memory_space<hbm>> -> memref<1x512xf32, #tpu.memory_space<hbm>>
    %dma_start3A_73 = tpu.memref_squeeze %dma_start3A_72 : memref<1x512xf32, #tpu.memory_space<hbm>> -> memref<512xf32, #tpu.memory_space<hbm>>
    tpu.enqueue_dma source(%dma_start3A_73 : memref<512xf32, #tpu.memory_space<hbm>>) target(%dma_start3A_71 : memref<512xf32, #tpu.memory_space<vmem>>) target_semaphore(%arg17 : memref<!tpu.dma_semaphore, #tpu.memory_space<semaphore_mem>>)
    tpu.enqueue_dma source(%arg4 : memref<50x8x50xf32, #tpu.memory_space<hbm>>) target(%arg13 : memref<50x8x50xf32, #tpu.memory_space<vmem>>) target_semaphore(%arg17 : memref<!tpu.dma_semaphore, #tpu.memory_space<semaphore_mem>>)
    tpu.enqueue_dma source(%arg5 : memref<50x8x50xf32, #tpu.memory_space<hbm>>) target(%arg14 : memref<50x8x50xf32, #tpu.memory_space<vmem>>) target_semaphore(%arg17 : memref<!tpu.dma_semaphore, #tpu.memory_space<semaphore_mem>>)
    %dma_wait3A = arith.constant 0 : i32
    %dma_wait3A_74 = arith.constant 0 : i32
    %dma_wait3A_75 = arith.constant 0 : i32
    %dma_wait3A_76 = tpu.memref_slice %arg7[%dma_wait3A_74, %dma_wait3A_75] : memref<6x512xf32, #tpu.memory_space<vmem>> -> memref<1x512xf32, #tpu.memory_space<vmem>>
    %dma_wait3A_77 = tpu.memref_squeeze %dma_wait3A_76 : memref<1x512xf32, #tpu.memory_space<vmem>> -> memref<512xf32, #tpu.memory_space<vmem>>
    %dma_wait3A_78 = tpu.memref_slice %arg2[%dma_wait3A, %mul3A_2] : memref<6x16384xf32, #tpu.memory_space<hbm>> -> memref<1x512xf32, #tpu.memory_space<hbm>>
    %dma_wait3A_79 = tpu.memref_squeeze %dma_wait3A_78 : memref<1x512xf32, #tpu.memory_space<hbm>> -> memref<512xf32, #tpu.memory_space<hbm>>
    %dma_wait3A_80 = arith.constant 0 : i32
    %dma_wait3A_81 = tpu.memref_slice %arg7[%dma_wait3A_74, %dma_wait3A_80] : memref<6x512xf32, #tpu.memory_space<vmem>> -> memref<1x512xf32, #tpu.memory_space<vmem>>
    %dma_wait3A_82 = tpu.memref_squeeze %dma_wait3A_81 : memref<1x512xf32, #tpu.memory_space<vmem>> -> memref<512xf32, #tpu.memory_space<vmem>>
    %dma_wait3A_83 = tpu.memref_slice %arg2[%dma_wait3A, %mul3A_2] : memref<6x16384xf32, #tpu.memory_space<hbm>> -> memref<1x512xf32, #tpu.memory_space<hbm>>
    %dma_wait3A_84 = tpu.memref_squeeze %dma_wait3A_83 : memref<1x512xf32, #tpu.memory_space<hbm>> -> memref<512xf32, #tpu.memory_space<hbm>>
    tpu.wait_dma2 semaphore(%arg17 : memref<!tpu.dma_semaphore, #tpu.memory_space<semaphore_mem>>) src(%dma_wait3A_84 : memref<512xf32, #tpu.memory_space<hbm>>) dst(%dma_wait3A_82 : memref<512xf32, #tpu.memory_space<vmem>>)
    %dma_wait3A_85 = arith.constant 1 : i32
    %dma_wait3A_86 = arith.constant 1 : i32
    %dma_wait3A_87 = arith.constant 0 : i32
    %dma_wait3A_88 = tpu.memref_slice %arg7[%dma_wait3A_86, %dma_wait3A_87] : memref<6x512xf32, #tpu.memory_space<vmem>> -> memref<1x512xf32, #tpu.memory_space<vmem>>
    %dma_wait3A_89 = tpu.memref_squeeze %dma_wait3A_88 : memref<1x512xf32, #tpu.memory_space<vmem>> -> memref<512xf32, #tpu.memory_space<vmem>>
    %dma_wait3A_90 = tpu.memref_slice %arg2[%dma_wait3A_85, %mul3A_2] : memref<6x16384xf32, #tpu.memory_space<hbm>> -> memref<1x512xf32, #tpu.memory_space<hbm>>
    %dma_wait3A_91 = tpu.memref_squeeze %dma_wait3A_90 : memref<1x512xf32, #tpu.memory_space<hbm>> -> memref<512xf32, #tpu.memory_space<hbm>>
    %dma_wait3A_92 = arith.constant 0 : i32
    %dma_wait3A_93 = tpu.memref_slice %arg7[%dma_wait3A_86, %dma_wait3A_92] : memref<6x512xf32, #tpu.memory_space<vmem>> -> memref<1x512xf32, #tpu.memory_space<vmem>>
    %dma_wait3A_94 = tpu.memref_squeeze %dma_wait3A_93 : memref<1x512xf32, #tpu.memory_space<vmem>> -> memref<512xf32, #tpu.memory_space<vmem>>
    %dma_wait3A_95 = tpu.memref_slice %arg2[%dma_wait3A_85, %mul3A_2] : memref<6x16384xf32, #tpu.memory_space<hbm>> -> memref<1x512xf32, #tpu.memory_space<hbm>>
    %dma_wait3A_96 = tpu.memref_squeeze %dma_wait3A_95 : memref<1x512xf32, #tpu.memory_space<hbm>> -> memref<512xf32, #tpu.memory_space<hbm>>
    tpu.wait_dma2 semaphore(%arg17 : memref<!tpu.dma_semaphore, #tpu.memory_space<semaphore_mem>>) src(%dma_wait3A_96 : memref<512xf32, #tpu.memory_space<hbm>>) dst(%dma_wait3A_94 : memref<512xf32, #tpu.memory_space<vmem>>)
    %dma_wait3A_97 = arith.constant 2 : i32
    %dma_wait3A_98 = arith.constant 2 : i32
    %dma_wait3A_99 = arith.constant 0 : i32
    %dma_wait3A_100 = tpu.memref_slice %arg7[%dma_wait3A_98, %dma_wait3A_99] : memref<6x512xf32, #tpu.memory_space<vmem>> -> memref<1x512xf32, #tpu.memory_space<vmem>>
    %dma_wait3A_101 = tpu.memref_squeeze %dma_wait3A_100 : memref<1x512xf32, #tpu.memory_space<vmem>> -> memref<512xf32, #tpu.memory_space<vmem>>
    %dma_wait3A_102 = tpu.memref_slice %arg2[%dma_wait3A_97, %mul3A_2] : memref<6x16384xf32, #tpu.memory_space<hbm>> -> memref<1x512xf32, #tpu.memory_space<hbm>>
    %dma_wait3A_103 = tpu.memref_squeeze %dma_wait3A_102 : memref<1x512xf32, #tpu.memory_space<hbm>> -> memref<512xf32, #tpu.memory_space<hbm>>
    %dma_wait3A_104 = arith.constant 0 : i32
    %dma_wait3A_105 = tpu.memref_slice %arg7[%dma_wait3A_98, %dma_wait3A_104] : memref<6x512xf32, #tpu.memory_space<vmem>> -> memref<1x512xf32, #tpu.memory_space<vmem>>
    %dma_wait3A_106 = tpu.memref_squeeze %dma_wait3A_105 : memref<1x512xf32, #tpu.memory_space<vmem>> -> memref<512xf32, #tpu.memory_space<vmem>>
    %dma_wait3A_107 = tpu.memref_slice %arg2[%dma_wait3A_97, %mul3A_2] : memref<6x16384xf32, #tpu.memory_space<hbm>> -> memref<1x512xf32, #tpu.memory_space<hbm>>
    %dma_wait3A_108 = tpu.memref_squeeze %dma_wait3A_107 : memref<1x512xf32, #tpu.memory_space<hbm>> -> memref<512xf32, #tpu.memory_space<hbm>>
    tpu.wait_dma2 semaphore(%arg17 : memref<!tpu.dma_semaphore, #tpu.memory_space<semaphore_mem>>) src(%dma_wait3A_108 : memref<512xf32, #tpu.memory_space<hbm>>) dst(%dma_wait3A_106 : memref<512xf32, #tpu.memory_space<vmem>>)
    %dma_wait3A_109 = arith.constant 3 : i32
    %dma_wait3A_110 = arith.constant 3 : i32
    %dma_wait3A_111 = arith.constant 0 : i32
    %dma_wait3A_112 = tpu.memref_slice %arg7[%dma_wait3A_110, %dma_wait3A_111] : memref<6x512xf32, #tpu.memory_space<vmem>> -> memref<1x512xf32, #tpu.memory_space<vmem>>
    %dma_wait3A_113 = tpu.memref_squeeze %dma_wait3A_112 : memref<1x512xf32, #tpu.memory_space<vmem>> -> memref<512xf32, #tpu.memory_space<vmem>>
    %dma_wait3A_114 = tpu.memref_slice %arg2[%dma_wait3A_109, %mul3A_2] : memref<6x16384xf32, #tpu.memory_space<hbm>> -> memref<1x512xf32, #tpu.memory_space<hbm>>
    %dma_wait3A_115 = tpu.memref_squeeze %dma_wait3A_114 : memref<1x512xf32, #tpu.memory_space<hbm>> -> memref<512xf32, #tpu.memory_space<hbm>>
    %dma_wait3A_116 = arith.constant 0 : i32
    %dma_wait3A_117 = tpu.memref_slice %arg7[%dma_wait3A_110, %dma_wait3A_116] : memref<6x512xf32, #tpu.memory_space<vmem>> -> memref<1x512xf32, #tpu.memory_space<vmem>>
    %dma_wait3A_118 = tpu.memref_squeeze %dma_wait3A_117 : memref<1x512xf32, #tpu.memory_space<vmem>> -> memref<512xf32, #tpu.memory_space<vmem>>
    %dma_wait3A_119 = tpu.memref_slice %arg2[%dma_wait3A_109, %mul3A_2] : memref<6x16384xf32, #tpu.memory_space<hbm>> -> memref<1x512xf32, #tpu.memory_space<hbm>>
    %dma_wait3A_120 = tpu.memref_squeeze %dma_wait3A_119 : memref<1x512xf32, #tpu.memory_space<hbm>> -> memref<512xf32, #tpu.memory_space<hbm>>
    tpu.wait_dma2 semaphore(%arg17 : memref<!tpu.dma_semaphore, #tpu.memory_space<semaphore_mem>>) src(%dma_wait3A_120 : memref<512xf32, #tpu.memory_space<hbm>>) dst(%dma_wait3A_118 : memref<512xf32, #tpu.memory_space<vmem>>)
    %dma_wait3A_121 = arith.constant 4 : i32
    %dma_wait3A_122 = arith.constant 4 : i32
    %dma_wait3A_123 = arith.constant 0 : i32
    %dma_wait3A_124 = tpu.memref_slice %arg7[%dma_wait3A_122, %dma_wait3A_123] : memref<6x512xf32, #tpu.memory_space<vmem>> -> memref<1x512xf32, #tpu.memory_space<vmem>>
    %dma_wait3A_125 = tpu.memref_squeeze %dma_wait3A_124 : memref<1x512xf32, #tpu.memory_space<vmem>> -> memref<512xf32, #tpu.memory_space<vmem>>
    %dma_wait3A_126 = tpu.memref_slice %arg2[%dma_wait3A_121, %mul3A_2] : memref<6x16384xf32, #tpu.memory_space<hbm>> -> memref<1x512xf32, #tpu.memory_space<hbm>>
    %dma_wait3A_127 = tpu.memref_squeeze %dma_wait3A_126 : memref<1x512xf32, #tpu.memory_space<hbm>> -> memref<512xf32, #tpu.memory_space<hbm>>
    %dma_wait3A_128 = arith.constant 0 : i32
    %dma_wait3A_129 = tpu.memref_slice %arg7[%dma_wait3A_122, %dma_wait3A_128] : memref<6x512xf32, #tpu.memory_space<vmem>> -> memref<1x512xf32, #tpu.memory_space<vmem>>
    %dma_wait3A_130 = tpu.memref_squeeze %dma_wait3A_129 : memref<1x512xf32, #tpu.memory_space<vmem>> -> memref<512xf32, #tpu.memory_space<vmem>>
    %dma_wait3A_131 = tpu.memref_slice %arg2[%dma_wait3A_121, %mul3A_2] : memref<6x16384xf32, #tpu.memory_space<hbm>> -> memref<1x512xf32, #tpu.memory_space<hbm>>
    %dma_wait3A_132 = tpu.memref_squeeze %dma_wait3A_131 : memref<1x512xf32, #tpu.memory_space<hbm>> -> memref<512xf32, #tpu.memory_space<hbm>>
    tpu.wait_dma2 semaphore(%arg17 : memref<!tpu.dma_semaphore, #tpu.memory_space<semaphore_mem>>) src(%dma_wait3A_132 : memref<512xf32, #tpu.memory_space<hbm>>) dst(%dma_wait3A_130 : memref<512xf32, #tpu.memory_space<vmem>>)
    %dma_wait3A_133 = arith.constant 5 : i32
    %dma_wait3A_134 = arith.constant 5 : i32
    %dma_wait3A_135 = arith.constant 0 : i32
    %dma_wait3A_136 = tpu.memref_slice %arg7[%dma_wait3A_134, %dma_wait3A_135] : memref<6x512xf32, #tpu.memory_space<vmem>> -> memref<1x512xf32, #tpu.memory_space<vmem>>
    %dma_wait3A_137 = tpu.memref_squeeze %dma_wait3A_136 : memref<1x512xf32, #tpu.memory_space<vmem>> -> memref<512xf32, #tpu.memory_space<vmem>>
    %dma_wait3A_138 = tpu.memref_slice %arg2[%dma_wait3A_133, %mul3A_2] : memref<6x16384xf32, #tpu.memory_space<hbm>> -> memref<1x512xf32, #tpu.memory_space<hbm>>
    %dma_wait3A_139 = tpu.memref_squeeze %dma_wait3A_138 : memref<1x512xf32, #tpu.memory_space<hbm>> -> memref<512xf32, #tpu.memory_space<hbm>>
    %dma_wait3A_140 = arith.constant 0 : i32
    %dma_wait3A_141 = tpu.memref_slice %arg7[%dma_wait3A_134, %dma_wait3A_140] : memref<6x512xf32, #tpu.memory_space<vmem>> -> memref<1x512xf32, #tpu.memory_space<vmem>>
    %dma_wait3A_142 = tpu.memref_squeeze %dma_wait3A_141 : memref<1x512xf32, #tpu.memory_space<vmem>> -> memref<512xf32, #tpu.memory_space<vmem>>
    %dma_wait3A_143 = tpu.memref_slice %arg2[%dma_wait3A_133, %mul3A_2] : memref<6x16384xf32, #tpu.memory_space<hbm>> -> memref<1x512xf32, #tpu.memory_space<hbm>>
    %dma_wait3A_144 = tpu.memref_squeeze %dma_wait3A_143 : memref<1x512xf32, #tpu.memory_space<hbm>> -> memref<512xf32, #tpu.memory_space<hbm>>
    tpu.wait_dma2 semaphore(%arg17 : memref<!tpu.dma_semaphore, #tpu.memory_space<semaphore_mem>>) src(%dma_wait3A_144 : memref<512xf32, #tpu.memory_space<hbm>>) dst(%dma_wait3A_142 : memref<512xf32, #tpu.memory_space<vmem>>)
    %iota3A = tpu.iota {dimensions = array<i32: 0>} : vector<16xi32>
    "tpu.trace_start"() <{level = 10 : i32, message = "g_idxu"}> : () -> ()
    %scan3A = arith.constant 0 : i32
    %scan3A_145 = arith.constant 0 : i32
    %scan3A_146 = arith.constant 32 : i32
    %scan3A_147 = arith.addi %scan3A_145, %scan3A_146 : i32
    %scan3A_148 = arith.constant 1 : i32
    %scan3A_149 = scf.for %scan3A_492 = %scan3A_145 to %scan3A_147 step %scan3A_148 iter_args(%scan3A_493 = %scan3A) -> (i32)  : i32 {
      %mul3A_494 = arith.constant 16 : i32
      %mul3A_495 = arith.muli %scan3A_492, %mul3A_494 : i32
      %get3A = arith.constant 0 : i32
      %get3A_496 = arith.index_cast %get3A : i32 to index
      %get3A_497 = arith.index_cast %mul3A_495 : i32 to index
      %get3A_498 = tpu.vector_load %arg7[%get3A_496, %get3A_497] {strides = array<i32>} : memref<6x512xf32, #tpu.memory_space<vmem>>, vector<16xf32>,
      %max3A = arith.constant 0.000000e+00 : f32
      %max3A_499 = vector.broadcast %max3A : f32 to vector<16xf32>
      %max3A_500 = arith.maximumf %get3A_498, %max3A_499 : vector<16xf32>
      %min3A = arith.constant 1.000000e+00 : f32
      %min3A_501 = vector.broadcast %min3A : f32 to vector<16xf32>
      %min3A_502 = arith.minimumf %max3A_500, %min3A_501 : vector<16xf32>
      %mul3A_503 = arith.constant 3.990000e+02 : f32
      %mul3A_504 = vector.broadcast %mul3A_503 : f32 to vector<16xf32>
      %mul3A_505 = arith.mulf %min3A_502, %mul3A_504 : vector<16xf32>
      %get3A_506 = arith.constant 1 : i32
      %get3A_507 = arith.index_cast %get3A_506 : i32 to index
      %get3A_508 = arith.index_cast %mul3A_495 : i32 to index
      %get3A_509 = tpu.vector_load %arg7[%get3A_507, %get3A_508] {strides = array<i32>} : memref<6x512xf32, #tpu.memory_space<vmem>>, vector<16xf32>,
      %max3A_510 = arith.constant 0.000000e+00 : f32
      %max3A_511 = vector.broadcast %max3A_510 : f32 to vector<16xf32>
      %max3A_512 = arith.maximumf %get3A_509, %max3A_511 : vector<16xf32>
      %min3A_513 = arith.constant 1.000000e+00 : f32
      %min3A_514 = vector.broadcast %min3A_513 : f32 to vector<16xf32>
      %min3A_515 = arith.minimumf %max3A_512, %min3A_514 : vector<16xf32>
      %mul3A_516 = arith.constant 3.990000e+02 : f32
      %mul3A_517 = vector.broadcast %mul3A_516 : f32 to vector<16xf32>
      %mul3A_518 = arith.mulf %min3A_515, %mul3A_517 : vector<16xf32>
      %convert_element_type3A = arith.fptosi %mul3A_505 : vector<16xf32> to vector<16xi32>
      %convert_element_type3A_519 = arith.fptosi %mul3A_518 : vector<16xf32> to vector<16xi32>
      %convert_element_type3A_520 = arith.sitofp %convert_element_type3A : vector<16xi32> to vector<16xf32>
      %sub3A = arith.subf %mul3A_505, %convert_element_type3A_520 : vector<16xf32>
      %convert_element_type3A_521 = arith.sitofp %convert_element_type3A_519 : vector<16xi32> to vector<16xf32>
      %sub3A_522 = arith.subf %mul3A_518, %convert_element_type3A_521 : vector<16xf32>
      %add3A_523 = arith.constant 1 : i32
      %add3A_524 = vector.broadcast %add3A_523 : i32 to vector<16xi32>
      %add3A_525 = arith.addi %convert_element_type3A, %add3A_524 : vector<16xi32>
      %min3A_526 = arith.constant 399 : i32
      %min3A_527 = vector.broadcast %min3A_526 : i32 to vector<16xi32>
      %min3A_528 = arith.minsi %add3A_525, %min3A_527 : vector<16xi32>
      %add3A_529 = arith.constant 1 : i32
      %add3A_530 = vector.broadcast %add3A_529 : i32 to vector<16xi32>
      %add3A_531 = arith.addi %convert_element_type3A_519, %add3A_530 : vector<16xi32>
      %min3A_532 = arith.constant 399 : i32
      %min3A_533 = vector.broadcast %min3A_532 : i32 to vector<16xi32>
      %min3A_534 = arith.minsi %add3A_531, %min3A_533 : vector<16xi32>
      %mul3A_535 = arith.constant 512 : i32
      %mul3A_536 = vector.broadcast %mul3A_535 : i32 to vector<16xi32>
      %mul3A_537 = arith.muli %convert_element_type3A_519, %mul3A_536 : vector<16xi32>
      %mul3A_538 = arith.constant 512 : i32
      %mul3A_539 = vector.broadcast %mul3A_538 : i32 to vector<16xi32>
      %mul3A_540 = arith.muli %min3A_534, %mul3A_539 : vector<16xi32>
      %add3A_541 = arith.addi %mul3A_537, %convert_element_type3A : vector<16xi32>
      %add3A_542 = arith.constant 0 : i32
      %add3A_543 = arith.addi %add3A_542, %mul3A_495 : i32
      %shift_right_arithmetic3A = arith.constant 7 : i32
      %shift_right_arithmetic3A_544 = arith.shrsi %add3A_543, %shift_right_arithmetic3A : i32
      %and3A = arith.constant 127 : i32
      %and3A_545 = arith.andi %add3A_543, %and3A : i32
      %swap3A = arith.index_cast %shift_right_arithmetic3A_544 : i32 to index
      %swap3A_546 = arith.index_cast %and3A_545 : i32 to index
      %swap3A_547 = tpu.vector_load %arg8[%swap3A, %swap3A_546] {strides = array<i32>} : memref<16x128xi32, #tpu.memory_space<vmem>>, vector<16xi32>,
      tpu.vector_store %arg8[%swap3A, %swap3A_546], %add3A_541 {strides = array<i32>} : memref<16x128xi32, #tpu.memory_space<vmem>>, vector<16xi32>,
      %add3A_548 = arith.addi %mul3A_537, %min3A_528 : vector<16xi32>
      %add3A_549 = arith.constant 512 : i32
      %add3A_550 = arith.addi %add3A_549, %mul3A_495 : i32
      %shift_right_arithmetic3A_551 = arith.constant 7 : i32
      %shift_right_arithmetic3A_552 = arith.shrsi %add3A_550, %shift_right_arithmetic3A_551 : i32
      %and3A_553 = arith.constant 127 : i32
      %and3A_554 = arith.andi %add3A_550, %and3A_553 : i32
      %swap3A_555 = arith.index_cast %shift_right_arithmetic3A_552 : i32 to index
      %swap3A_556 = arith.index_cast %and3A_554 : i32 to index
      %swap3A_557 = tpu.vector_load %arg8[%swap3A_555, %swap3A_556] {strides = array<i32>} : memref<16x128xi32, #tpu.memory_space<vmem>>, vector<16xi32>,
      tpu.vector_store %arg8[%swap3A_555, %swap3A_556], %add3A_548 {strides = array<i32>} : memref<16x128xi32, #tpu.memory_space<vmem>>, vector<16xi32>,
      %add3A_558 = arith.addi %mul3A_540, %convert_element_type3A : vector<16xi32>
      %add3A_559 = arith.constant 1024 : i32
      %add3A_560 = arith.addi %add3A_559, %mul3A_495 : i32
      %shift_right_arithmetic3A_561 = arith.constant 7 : i32
      %shift_right_arithmetic3A_562 = arith.shrsi %add3A_560, %shift_right_arithmetic3A_561 : i32
      %and3A_563 = arith.constant 127 : i32
      %and3A_564 = arith.andi %add3A_560, %and3A_563 : i32
      %swap3A_565 = arith.index_cast %shift_right_arithmetic3A_562 : i32 to index
      %swap3A_566 = arith.index_cast %and3A_564 : i32 to index
      %swap3A_567 = tpu.vector_load %arg8[%swap3A_565, %swap3A_566] {strides = array<i32>} : memref<16x128xi32, #tpu.memory_space<vmem>>, vector<16xi32>,
      tpu.vector_store %arg8[%swap3A_565, %swap3A_566], %add3A_558 {strides = array<i32>} : memref<16x128xi32, #tpu.memory_space<vmem>>, vector<16xi32>,
      %add3A_568 = arith.addi %mul3A_540, %min3A_528 : vector<16xi32>
      %add3A_569 = arith.constant 1536 : i32
      %add3A_570 = arith.addi %add3A_569, %mul3A_495 : i32
      %shift_right_arithmetic3A_571 = arith.constant 7 : i32
      %shift_right_arithmetic3A_572 = arith.shrsi %add3A_570, %shift_right_arithmetic3A_571 : i32
      %and3A_573 = arith.constant 127 : i32
      %and3A_574 = arith.andi %add3A_570, %and3A_573 : i32
      %swap3A_575 = arith.index_cast %shift_right_arithmetic3A_572 : i32 to index
      %swap3A_576 = arith.index_cast %and3A_574 : i32 to index
      %swap3A_577 = tpu.vector_load %arg8[%swap3A_575, %swap3A_576] {strides = array<i32>} : memref<16x128xi32, #tpu.memory_space<vmem>>, vector<16xi32>,
      tpu.vector_store %arg8[%swap3A_575, %swap3A_576], %add3A_568 {strides = array<i32>} : memref<16x128xi32, #tpu.memory_space<vmem>>, vector<16xi32>,
      %sub3A_578 = arith.constant 1.000000e+00 : f32
      %sub3A_579 = vector.broadcast %sub3A_578 : f32 to vector<16xf32>
      %sub3A_580 = arith.subf %sub3A_579, %sub3A : vector<16xf32>
      %sub3A_581 = arith.constant 1.000000e+00 : f32
      %sub3A_582 = vector.broadcast %sub3A_581 : f32 to vector<16xf32>
      %sub3A_583 = arith.subf %sub3A_582, %sub3A_522 : vector<16xf32>
      %mul3A_584 = arith.mulf %sub3A_580, %sub3A_583 : vector<16xf32>
      %swap3A_585 = arith.constant 0 : i32
      %swap3A_586 = arith.index_cast %swap3A_585 : i32 to index
      %swap3A_587 = arith.index_cast %mul3A_495 : i32 to index
      %swap3A_588 = tpu.vector_load %arg11[%swap3A_586, %swap3A_587] {strides = array<i32>} : memref<12x512xf32, #tpu.memory_space<vmem>>, vector<16xf32>,
      tpu.vector_store %arg11[%swap3A_586, %swap3A_587], %mul3A_584 {strides = array<i32>} : memref<12x512xf32, #tpu.memory_space<vmem>>, vector<16xf32>,
      %sub3A_589 = arith.constant 1.000000e+00 : f32
      %sub3A_590 = vector.broadcast %sub3A_589 : f32 to vector<16xf32>
      %sub3A_591 = arith.subf %sub3A_590, %sub3A_522 : vector<16xf32>
      %mul3A_592 = arith.mulf %sub3A, %sub3A_591 : vector<16xf32>
      %swap3A_593 = arith.constant 1 : i32
      %swap3A_594 = arith.index_cast %swap3A_593 : i32 to index
      %swap3A_595 = arith.index_cast %mul3A_495 : i32 to index
      %swap3A_596 = tpu.vector_load %arg11[%swap3A_594, %swap3A_595] {strides = array<i32>} : memref<12x512xf32, #tpu.memory_space<vmem>>, vector<16xf32>,
      tpu.vector_store %arg11[%swap3A_594, %swap3A_595], %mul3A_592 {strides = array<i32>} : memref<12x512xf32, #tpu.memory_space<vmem>>, vector<16xf32>,
      %sub3A_597 = arith.constant 1.000000e+00 : f32
      %sub3A_598 = vector.broadcast %sub3A_597 : f32 to vector<16xf32>
      %sub3A_599 = arith.subf %sub3A_598, %sub3A : vector<16xf32>
      %mul3A_600 = arith.mulf %sub3A_599, %sub3A_522 : vector<16xf32>
      %swap3A_601 = arith.constant 2 : i32
      %swap3A_602 = arith.index_cast %swap3A_601 : i32 to index
      %swap3A_603 = arith.index_cast %mul3A_495 : i32 to index
      %swap3A_604 = tpu.vector_load %arg11[%swap3A_602, %swap3A_603] {strides = array<i32>} : memref<12x512xf32, #tpu.memory_space<vmem>>, vector<16xf32>,
      tpu.vector_store %arg11[%swap3A_602, %swap3A_603], %mul3A_600 {strides = array<i32>} : memref<12x512xf32, #tpu.memory_space<vmem>>, vector<16xf32>,
      %mul3A_605 = arith.mulf %sub3A, %sub3A_522 : vector<16xf32>
      %swap3A_606 = arith.constant 3 : i32
      %swap3A_607 = arith.index_cast %swap3A_606 : i32 to index
      %swap3A_608 = arith.index_cast %mul3A_495 : i32 to index
      %swap3A_609 = tpu.vector_load %arg11[%swap3A_607, %swap3A_608] {strides = array<i32>} : memref<12x512xf32, #tpu.memory_space<vmem>>, vector<16xf32>,
      tpu.vector_store %arg11[%swap3A_607, %swap3A_608], %mul3A_605 {strides = array<i32>} : memref<12x512xf32, #tpu.memory_space<vmem>>, vector<16xf32>,
      %scan3A_610 = arith.constant 0 : i32
      scf.yield %scan3A_610 : i32
    }
    %scan3A_150 = arith.constant 32 : i32
    %dma_start3A_151 = arith.constant 0 : i32
    "tpu.trace_stop"() : () -> ()
    "tpu.trace_start"() <{level = 10 : i32, message = "g_fire"}> : () -> ()
    %dma_start3A_152 = arith.constant 0 : i32
    %dma_start3A_153 = arith.constant 0 : i32
    %dma_start3A_154 = tpu.memref_slice %arg12[%dma_start3A_152, %dma_start3A_153] : memref<2048x8xf32, #tpu.memory_space<vmem>> -> memref<128x8xf32, #tpu.memory_space<vmem>>
    %dma_start3A_155 = arith.constant 0 : i32
    %dma_start3A_156 = tpu.memref_slice %arg8[%dma_start3A_151, %dma_start3A_155] : memref<16x128xi32, #tpu.memory_space<vmem>> -> memref<1x128xi32, #tpu.memory_space<vmem>>
    %dma_start3A_157 = tpu.memref_squeeze %dma_start3A_156 : memref<1x128xi32, #tpu.memory_space<vmem>> -> memref<128xi32, #tpu.memory_space<vmem>>
    %dma_start3A_158 = arith.constant 0 : i32
    %dma_start3A_159 = arith.constant 0 : i32
    %dma_start3A_160 = tpu.memref_slice %arg3[%dma_start3A_158, %dma_start3A_159] : memref<204800x8xf32, #tpu.memory_space<hbm>> -> memref<204800x8xf32, #tpu.memory_space<hbm>>
    tpu.enqueue_indirect_dma source(%dma_start3A_160 : memref<204800x8xf32, #tpu.memory_space<hbm>>) target(%dma_start3A_154 : memref<128x8xf32, #tpu.memory_space<vmem>>) offsets(%dma_start3A_157 : memref<128xi32, #tpu.memory_space<vmem>>) semaphore(%arg16 : memref<!tpu.dma_semaphore, #tpu.memory_space<semaphore_mem>>)
    %dma_start3A_161 = arith.constant 1 : i32
    %dma_start3A_162 = arith.constant 128 : i32
    %dma_start3A_163 = arith.constant 0 : i32
    %dma_start3A_164 = tpu.memref_slice %arg12[%dma_start3A_162, %dma_start3A_163] : memref<2048x8xf32, #tpu.memory_space<vmem>> -> memref<128x8xf32, #tpu.memory_space<vmem>>
    %dma_start3A_165 = arith.constant 0 : i32
    %dma_start3A_166 = tpu.memref_slice %arg8[%dma_start3A_161, %dma_start3A_165] : memref<16x128xi32, #tpu.memory_space<vmem>> -> memref<1x128xi32, #tpu.memory_space<vmem>>
    %dma_start3A_167 = tpu.memref_squeeze %dma_start3A_166 : memref<1x128xi32, #tpu.memory_space<vmem>> -> memref<128xi32, #tpu.memory_space<vmem>>
    %dma_start3A_168 = arith.constant 0 : i32
    %dma_start3A_169 = arith.constant 0 : i32
    %dma_start3A_170 = tpu.memref_slice %arg3[%dma_start3A_168, %dma_start3A_169] : memref<204800x8xf32, #tpu.memory_space<hbm>> -> memref<204800x8xf32, #tpu.memory_space<hbm>>
    tpu.enqueue_indirect_dma source(%dma_start3A_170 : memref<204800x8xf32, #tpu.memory_space<hbm>>) target(%dma_start3A_164 : memref<128x8xf32, #tpu.memory_space<vmem>>) offsets(%dma_start3A_167 : memref<128xi32, #tpu.memory_space<vmem>>) semaphore(%arg16 : memref<!tpu.dma_semaphore, #tpu.memory_space<semaphore_mem>>)
    %dma_start3A_171 = arith.constant 2 : i32
    %dma_start3A_172 = arith.constant 256 : i32
    %dma_start3A_173 = arith.constant 0 : i32
    %dma_start3A_174 = tpu.memref_slice %arg12[%dma_start3A_172, %dma_start3A_173] : memref<2048x8xf32, #tpu.memory_space<vmem>> -> memref<128x8xf32, #tpu.memory_space<vmem>>
    %dma_start3A_175 = arith.constant 0 : i32
    %dma_start3A_176 = tpu.memref_slice %arg8[%dma_start3A_171, %dma_start3A_175] : memref<16x128xi32, #tpu.memory_space<vmem>> -> memref<1x128xi32, #tpu.memory_space<vmem>>
    %dma_start3A_177 = tpu.memref_squeeze %dma_start3A_176 : memref<1x128xi32, #tpu.memory_space<vmem>> -> memref<128xi32, #tpu.memory_space<vmem>>
    %dma_start3A_178 = arith.constant 0 : i32
    %dma_start3A_179 = arith.constant 0 : i32
    %dma_start3A_180 = tpu.memref_slice %arg3[%dma_start3A_178, %dma_start3A_179] : memref<204800x8xf32, #tpu.memory_space<hbm>> -> memref<204800x8xf32, #tpu.memory_space<hbm>>
    tpu.enqueue_indirect_dma source(%dma_start3A_180 : memref<204800x8xf32, #tpu.memory_space<hbm>>) target(%dma_start3A_174 : memref<128x8xf32, #tpu.memory_space<vmem>>) offsets(%dma_start3A_177 : memref<128xi32, #tpu.memory_space<vmem>>) semaphore(%arg16 : memref<!tpu.dma_semaphore, #tpu.memory_space<semaphore_mem>>)
    %dma_start3A_181 = arith.constant 3 : i32
    %dma_start3A_182 = arith.constant 384 : i32
    %dma_start3A_183 = arith.constant 0 : i32
    %dma_start3A_184 = tpu.memref_slice %arg12[%dma_start3A_182, %dma_start3A_183] : memref<2048x8xf32, #tpu.memory_space<vmem>> -> memref<128x8xf32, #tpu.memory_space<vmem>>
    %dma_start3A_185 = arith.constant 0 : i32
    %dma_start3A_186 = tpu.memref_slice %arg8[%dma_start3A_181, %dma_start3A_185] : memref<16x128xi32, #tpu.memory_space<vmem>> -> memref<1x128xi32, #tpu.memory_space<vmem>>
    %dma_start3A_187 = tpu.memref_squeeze %dma_start3A_186 : memref<1x128xi32, #tpu.memory_space<vmem>> -> memref<128xi32, #tpu.memory_space<vmem>>
    %dma_start3A_188 = arith.constant 0 : i32
    %dma_start3A_189 = arith.constant 0 : i32
    %dma_start3A_190 = tpu.memref_slice %arg3[%dma_start3A_188, %dma_start3A_189] : memref<204800x8xf32, #tpu.memory_space<hbm>> -> memref<204800x8xf32, #tpu.memory_space<hbm>>
    tpu.enqueue_indirect_dma source(%dma_start3A_190 : memref<204800x8xf32, #tpu.memory_space<hbm>>) target(%dma_start3A_184 : memref<128x8xf32, #tpu.memory_space<vmem>>) offsets(%dma_start3A_187 : memref<128xi32, #tpu.memory_space<vmem>>) semaphore(%arg16 : memref<!tpu.dma_semaphore, #tpu.memory_space<semaphore_mem>>)
    %dma_start3A_191 = arith.constant 4 : i32
    %dma_start3A_192 = arith.constant 512 : i32
    %dma_start3A_193 = arith.constant 0 : i32
    %dma_start3A_194 = tpu.memref_slice %arg12[%dma_start3A_192, %dma_start3A_193] : memref<2048x8xf32, #tpu.memory_space<vmem>> -> memref<128x8xf32, #tpu.memory_space<vmem>>
    %dma_start3A_195 = arith.constant 0 : i32
    %dma_start3A_196 = tpu.memref_slice %arg8[%dma_start3A_191, %dma_start3A_195] : memref<16x128xi32, #tpu.memory_space<vmem>> -> memref<1x128xi32, #tpu.memory_space<vmem>>
    %dma_start3A_197 = tpu.memref_squeeze %dma_start3A_196 : memref<1x128xi32, #tpu.memory_space<vmem>> -> memref<128xi32, #tpu.memory_space<vmem>>
    %dma_start3A_198 = arith.constant 0 : i32
    %dma_start3A_199 = arith.constant 0 : i32
    %dma_start3A_200 = tpu.memref_slice %arg3[%dma_start3A_198, %dma_start3A_199] : memref<204800x8xf32, #tpu.memory_space<hbm>> -> memref<204800x8xf32, #tpu.memory_space<hbm>>
    tpu.enqueue_indirect_dma source(%dma_start3A_200 : memref<204800x8xf32, #tpu.memory_space<hbm>>) target(%dma_start3A_194 : memref<128x8xf32, #tpu.memory_space<vmem>>) offsets(%dma_start3A_197 : memref<128xi32, #tpu.memory_space<vmem>>) semaphore(%arg16 : memref<!tpu.dma_semaphore, #tpu.memory_space<semaphore_mem>>)
    %dma_start3A_201 = arith.constant 5 : i32
    %dma_start3A_202 = arith.constant 640 : i32
    %dma_start3A_203 = arith.constant 0 : i32
    %dma_start3A_204 = tpu.memref_slice %arg12[%dma_start3A_202, %dma_start3A_203] : memref<2048x8xf32, #tpu.memory_space<vmem>> -> memref<128x8xf32, #tpu.memory_space<vmem>>
    %dma_start3A_205 = arith.constant 0 : i32
    %dma_start3A_206 = tpu.memref_slice %arg8[%dma_start3A_201, %dma_start3A_205] : memref<16x128xi32, #tpu.memory_space<vmem>> -> memref<1x128xi32, #tpu.memory_space<vmem>>
    %dma_start3A_207 = tpu.memref_squeeze %dma_start3A_206 : memref<1x128xi32, #tpu.memory_space<vmem>> -> memref<128xi32, #tpu.memory_space<vmem>>
    %dma_start3A_208 = arith.constant 0 : i32
    %dma_start3A_209 = arith.constant 0 : i32
    %dma_start3A_210 = tpu.memref_slice %arg3[%dma_start3A_208, %dma_start3A_209] : memref<204800x8xf32, #tpu.memory_space<hbm>> -> memref<204800x8xf32, #tpu.memory_space<hbm>>
    tpu.enqueue_indirect_dma source(%dma_start3A_210 : memref<204800x8xf32, #tpu.memory_space<hbm>>) target(%dma_start3A_204 : memref<128x8xf32, #tpu.memory_space<vmem>>) offsets(%dma_start3A_207 : memref<128xi32, #tpu.memory_space<vmem>>) semaphore(%arg16 : memref<!tpu.dma_semaphore, #tpu.memory_space<semaphore_mem>>)
    %dma_start3A_211 = arith.constant 6 : i32
    %dma_start3A_212 = arith.constant 768 : i32
    %dma_start3A_213 = arith.constant 0 : i32
    %dma_start3A_214 = tpu.memref_slice %arg12[%dma_start3A_212, %dma_start3A_213] : memref<2048x8xf32, #tpu.memory_space<vmem>> -> memref<128x8xf32, #tpu.memory_space<vmem>>
    %dma_start3A_215 = arith.constant 0 : i32
    %dma_start3A_216 = tpu.memref_slice %arg8[%dma_start3A_211, %dma_start3A_215] : memref<16x128xi32, #tpu.memory_space<vmem>> -> memref<1x128xi32, #tpu.memory_space<vmem>>
    %dma_start3A_217 = tpu.memref_squeeze %dma_start3A_216 : memref<1x128xi32, #tpu.memory_space<vmem>> -> memref<128xi32, #tpu.memory_space<vmem>>
    %dma_start3A_218 = arith.constant 0 : i32
    %dma_start3A_219 = arith.constant 0 : i32
    %dma_start3A_220 = tpu.memref_slice %arg3[%dma_start3A_218, %dma_start3A_219] : memref<204800x8xf32, #tpu.memory_space<hbm>> -> memref<204800x8xf32, #tpu.memory_space<hbm>>
    tpu.enqueue_indirect_dma source(%dma_start3A_220 : memref<204800x8xf32, #tpu.memory_space<hbm>>) target(%dma_start3A_214 : memref<128x8xf32, #tpu.memory_space<vmem>>) offsets(%dma_start3A_217 : memref<128xi32, #tpu.memory_space<vmem>>) semaphore(%arg16 : memref<!tpu.dma_semaphore, #tpu.memory_space<semaphore_mem>>)
    %dma_start3A_221 = arith.constant 7 : i32
    %dma_start3A_222 = arith.constant 896 : i32
    %dma_start3A_223 = arith.constant 0 : i32
    %dma_start3A_224 = tpu.memref_slice %arg12[%dma_start3A_222, %dma_start3A_223] : memref<2048x8xf32, #tpu.memory_space<vmem>> -> memref<128x8xf32, #tpu.memory_space<vmem>>
    %dma_start3A_225 = arith.constant 0 : i32
    %dma_start3A_226 = tpu.memref_slice %arg8[%dma_start3A_221, %dma_start3A_225] : memref<16x128xi32, #tpu.memory_space<vmem>> -> memref<1x128xi32, #tpu.memory_space<vmem>>
    %dma_start3A_227 = tpu.memref_squeeze %dma_start3A_226 : memref<1x128xi32, #tpu.memory_space<vmem>> -> memref<128xi32, #tpu.memory_space<vmem>>
    %dma_start3A_228 = arith.constant 0 : i32
    %dma_start3A_229 = arith.constant 0 : i32
    %dma_start3A_230 = tpu.memref_slice %arg3[%dma_start3A_228, %dma_start3A_229] : memref<204800x8xf32, #tpu.memory_space<hbm>> -> memref<204800x8xf32, #tpu.memory_space<hbm>>
    tpu.enqueue_indirect_dma source(%dma_start3A_230 : memref<204800x8xf32, #tpu.memory_space<hbm>>) target(%dma_start3A_224 : memref<128x8xf32, #tpu.memory_space<vmem>>) offsets(%dma_start3A_227 : memref<128xi32, #tpu.memory_space<vmem>>) semaphore(%arg16 : memref<!tpu.dma_semaphore, #tpu.memory_space<semaphore_mem>>)
    %dma_start3A_231 = arith.constant 8 : i32
    %dma_start3A_232 = arith.constant 1024 : i32
    %dma_start3A_233 = arith.constant 0 : i32
    %dma_start3A_234 = tpu.memref_slice %arg12[%dma_start3A_232, %dma_start3A_233] : memref<2048x8xf32, #tpu.memory_space<vmem>> -> memref<128x8xf32, #tpu.memory_space<vmem>>
    %dma_start3A_235 = arith.constant 0 : i32
    %dma_start3A_236 = tpu.memref_slice %arg8[%dma_start3A_231, %dma_start3A_235] : memref<16x128xi32, #tpu.memory_space<vmem>> -> memref<1x128xi32, #tpu.memory_space<vmem>>
    %dma_start3A_237 = tpu.memref_squeeze %dma_start3A_236 : memref<1x128xi32, #tpu.memory_space<vmem>> -> memref<128xi32, #tpu.memory_space<vmem>>
    %dma_start3A_238 = arith.constant 0 : i32
    %dma_start3A_239 = arith.constant 0 : i32
    %dma_start3A_240 = tpu.memref_slice %arg3[%dma_start3A_238, %dma_start3A_239] : memref<204800x8xf32, #tpu.memory_space<hbm>> -> memref<204800x8xf32, #tpu.memory_space<hbm>>
    tpu.enqueue_indirect_dma source(%dma_start3A_240 : memref<204800x8xf32, #tpu.memory_space<hbm>>) target(%dma_start3A_234 : memref<128x8xf32, #tpu.memory_space<vmem>>) offsets(%dma_start3A_237 : memref<128xi32, #tpu.memory_space<vmem>>) semaphore(%arg16 : memref<!tpu.dma_semaphore, #tpu.memory_space<semaphore_mem>>)
    %dma_start3A_241 = arith.constant 9 : i32
    %dma_start3A_242 = arith.constant 1152 : i32
    %dma_start3A_243 = arith.constant 0 : i32
    %dma_start3A_244 = tpu.memref_slice %arg12[%dma_start3A_242, %dma_start3A_243] : memref<2048x8xf32, #tpu.memory_space<vmem>> -> memref<128x8xf32, #tpu.memory_space<vmem>>
    %dma_start3A_245 = arith.constant 0 : i32
    %dma_start3A_246 = tpu.memref_slice %arg8[%dma_start3A_241, %dma_start3A_245] : memref<16x128xi32, #tpu.memory_space<vmem>> -> memref<1x128xi32, #tpu.memory_space<vmem>>
    %dma_start3A_247 = tpu.memref_squeeze %dma_start3A_246 : memref<1x128xi32, #tpu.memory_space<vmem>> -> memref<128xi32, #tpu.memory_space<vmem>>
    %dma_start3A_248 = arith.constant 0 : i32
    %dma_start3A_249 = arith.constant 0 : i32
    %dma_start3A_250 = tpu.memref_slice %arg3[%dma_start3A_248, %dma_start3A_249] : memref<204800x8xf32, #tpu.memory_space<hbm>> -> memref<204800x8xf32, #tpu.memory_space<hbm>>
    tpu.enqueue_indirect_dma source(%dma_start3A_250 : memref<204800x8xf32, #tpu.memory_space<hbm>>) target(%dma_start3A_244 : memref<128x8xf32, #tpu.memory_space<vmem>>) offsets(%dma_start3A_247 : memref<128xi32, #tpu.memory_space<vmem>>) semaphore(%arg16 : memref<!tpu.dma_semaphore, #tpu.memory_space<semaphore_mem>>)
    %dma_start3A_251 = arith.constant 10 : i32
    %dma_start3A_252 = arith.constant 1280 : i32
    %dma_start3A_253 = arith.constant 0 : i32
    %dma_start3A_254 = tpu.memref_slice %arg12[%dma_start3A_252, %dma_start3A_253] : memref<2048x8xf32, #tpu.memory_space<vmem>> -> memref<128x8xf32, #tpu.memory_space<vmem>>
    %dma_start3A_255 = arith.constant 0 : i32
    %dma_start3A_256 = tpu.memref_slice %arg8[%dma_start3A_251, %dma_start3A_255] : memref<16x128xi32, #tpu.memory_space<vmem>> -> memref<1x128xi32, #tpu.memory_space<vmem>>
    %dma_start3A_257 = tpu.memref_squeeze %dma_start3A_256 : memref<1x128xi32, #tpu.memory_space<vmem>> -> memref<128xi32, #tpu.memory_space<vmem>>
    %dma_start3A_258 = arith.constant 0 : i32
    %dma_start3A_259 = arith.constant 0 : i32
    %dma_start3A_260 = tpu.memref_slice %arg3[%dma_start3A_258, %dma_start3A_259] : memref<204800x8xf32, #tpu.memory_space<hbm>> -> memref<204800x8xf32, #tpu.memory_space<hbm>>
    tpu.enqueue_indirect_dma source(%dma_start3A_260 : memref<204800x8xf32, #tpu.memory_space<hbm>>) target(%dma_start3A_254 : memref<128x8xf32, #tpu.memory_space<vmem>>) offsets(%dma_start3A_257 : memref<128xi32, #tpu.memory_space<vmem>>) semaphore(%arg16 : memref<!tpu.dma_semaphore, #tpu.memory_space<semaphore_mem>>)
    %dma_start3A_261 = arith.constant 11 : i32
    %dma_start3A_262 = arith.constant 1408 : i32
    %dma_start3A_263 = arith.constant 0 : i32
    %dma_start3A_264 = tpu.memref_slice %arg12[%dma_start3A_262, %dma_start3A_263] : memref<2048x8xf32, #tpu.memory_space<vmem>> -> memref<128x8xf32, #tpu.memory_space<vmem>>
    %dma_start3A_265 = arith.constant 0 : i32
    %dma_start3A_266 = tpu.memref_slice %arg8[%dma_start3A_261, %dma_start3A_265] : memref<16x128xi32, #tpu.memory_space<vmem>> -> memref<1x128xi32, #tpu.memory_space<vmem>>
    %dma_start3A_267 = tpu.memref_squeeze %dma_start3A_266 : memref<1x128xi32, #tpu.memory_space<vmem>> -> memref<128xi32, #tpu.memory_space<vmem>>
    %dma_start3A_268 = arith.constant 0 : i32
    %dma_start3A_269 = arith.constant 0 : i32
    %dma_start3A_270 = tpu.memref_slice %arg3[%dma_start3A_268, %dma_start3A_269] : memref<204800x8xf32, #tpu.memory_space<hbm>> -> memref<204800x8xf32, #tpu.memory_space<hbm>>
    tpu.enqueue_indirect_dma source(%dma_start3A_270 : memref<204800x8xf32, #tpu.memory_space<hbm>>) target(%dma_start3A_264 : memref<128x8xf32, #tpu.memory_space<vmem>>) offsets(%dma_start3A_267 : memref<128xi32, #tpu.memory_space<vmem>>) semaphore(%arg16 : memref<!tpu.dma_semaphore, #tpu.memory_space<semaphore_mem>>)
    %dma_start3A_271 = arith.constant 12 : i32
    %dma_start3A_272 = arith.constant 1536 : i32
    %dma_start3A_273 = arith.constant 0 : i32
    %dma_start3A_274 = tpu.memref_slice %arg12[%dma_start3A_272, %dma_start3A_273] : memref<2048x8xf32, #tpu.memory_space<vmem>> -> memref<128x8xf32, #tpu.memory_space<vmem>>
    %dma_start3A_275 = arith.constant 0 : i32
    %dma_start3A_276 = tpu.memref_slice %arg8[%dma_start3A_271, %dma_start3A_275] : memref<16x128xi32, #tpu.memory_space<vmem>> -> memref<1x128xi32, #tpu.memory_space<vmem>>
    %dma_start3A_277 = tpu.memref_squeeze %dma_start3A_276 : memref<1x128xi32, #tpu.memory_space<vmem>> -> memref<128xi32, #tpu.memory_space<vmem>>
    %dma_start3A_278 = arith.constant 0 : i32
    %dma_start3A_279 = arith.constant 0 : i32
    %dma_start3A_280 = tpu.memref_slice %arg3[%dma_start3A_278, %dma_start3A_279] : memref<204800x8xf32, #tpu.memory_space<hbm>> -> memref<204800x8xf32, #tpu.memory_space<hbm>>
    tpu.enqueue_indirect_dma source(%dma_start3A_280 : memref<204800x8xf32, #tpu.memory_space<hbm>>) target(%dma_start3A_274 : memref<128x8xf32, #tpu.memory_space<vmem>>) offsets(%dma_start3A_277 : memref<128xi32, #tpu.memory_space<vmem>>) semaphore(%arg16 : memref<!tpu.dma_semaphore, #tpu.memory_space<semaphore_mem>>)
    %dma_start3A_281 = arith.constant 13 : i32
    %dma_start3A_282 = arith.constant 1664 : i32
    %dma_start3A_283 = arith.constant 0 : i32
    %dma_start3A_284 = tpu.memref_slice %arg12[%dma_start3A_282, %dma_start3A_283] : memref<2048x8xf32, #tpu.memory_space<vmem>> -> memref<128x8xf32, #tpu.memory_space<vmem>>
    %dma_start3A_285 = arith.constant 0 : i32
    %dma_start3A_286 = tpu.memref_slice %arg8[%dma_start3A_281, %dma_start3A_285] : memref<16x128xi32, #tpu.memory_space<vmem>> -> memref<1x128xi32, #tpu.memory_space<vmem>>
    %dma_start3A_287 = tpu.memref_squeeze %dma_start3A_286 : memref<1x128xi32, #tpu.memory_space<vmem>> -> memref<128xi32, #tpu.memory_space<vmem>>
    %dma_start3A_288 = arith.constant 0 : i32
    %dma_start3A_289 = arith.constant 0 : i32
    %dma_start3A_290 = tpu.memref_slice %arg3[%dma_start3A_288, %dma_start3A_289] : memref<204800x8xf32, #tpu.memory_space<hbm>> -> memref<204800x8xf32, #tpu.memory_space<hbm>>
    tpu.enqueue_indirect_dma source(%dma_start3A_290 : memref<204800x8xf32, #tpu.memory_space<hbm>>) target(%dma_start3A_284 : memref<128x8xf32, #tpu.memory_space<vmem>>) offsets(%dma_start3A_287 : memref<128xi32, #tpu.memory_space<vmem>>) semaphore(%arg16 : memref<!tpu.dma_semaphore, #tpu.memory_space<semaphore_mem>>)
    %dma_start3A_291 = arith.constant 14 : i32
    %dma_start3A_292 = arith.constant 1792 : i32
    %dma_start3A_293 = arith.constant 0 : i32
    %dma_start3A_294 = tpu.memref_slice %arg12[%dma_start3A_292, %dma_start3A_293] : memref<2048x8xf32, #tpu.memory_space<vmem>> -> memref<128x8xf32, #tpu.memory_space<vmem>>
    %dma_start3A_295 = arith.constant 0 : i32
    %dma_start3A_296 = tpu.memref_slice %arg8[%dma_start3A_291, %dma_start3A_295] : memref<16x128xi32, #tpu.memory_space<vmem>> -> memref<1x128xi32, #tpu.memory_space<vmem>>
    %dma_start3A_297 = tpu.memref_squeeze %dma_start3A_296 : memref<1x128xi32, #tpu.memory_space<vmem>> -> memref<128xi32, #tpu.memory_space<vmem>>
    %dma_start3A_298 = arith.constant 0 : i32
    %dma_start3A_299 = arith.constant 0 : i32
    %dma_start3A_300 = tpu.memref_slice %arg3[%dma_start3A_298, %dma_start3A_299] : memref<204800x8xf32, #tpu.memory_space<hbm>> -> memref<204800x8xf32, #tpu.memory_space<hbm>>
    tpu.enqueue_indirect_dma source(%dma_start3A_300 : memref<204800x8xf32, #tpu.memory_space<hbm>>) target(%dma_start3A_294 : memref<128x8xf32, #tpu.memory_space<vmem>>) offsets(%dma_start3A_297 : memref<128xi32, #tpu.memory_space<vmem>>) semaphore(%arg16 : memref<!tpu.dma_semaphore, #tpu.memory_space<semaphore_mem>>)
    %dma_start3A_301 = arith.constant 15 : i32
    %dma_start3A_302 = arith.constant 1920 : i32
    %dma_start3A_303 = arith.constant 0 : i32
    %dma_start3A_304 = tpu.memref_slice %arg12[%dma_start3A_302, %dma_start3A_303] : memref<2048x8xf32, #tpu.memory_space<vmem>> -> memref<128x8xf32, #tpu.memory_space<vmem>>
    %dma_start3A_305 = arith.constant 0 : i32
    %dma_start3A_306 = tpu.memref_slice %arg8[%dma_start3A_301, %dma_start3A_305] : memref<16x128xi32, #tpu.memory_space<vmem>> -> memref<1x128xi32, #tpu.memory_space<vmem>>
    %dma_start3A_307 = tpu.memref_squeeze %dma_start3A_306 : memref<1x128xi32, #tpu.memory_space<vmem>> -> memref<128xi32, #tpu.memory_space<vmem>>
    %dma_start3A_308 = arith.constant 0 : i32
    %dma_start3A_309 = arith.constant 0 : i32
    %dma_start3A_310 = tpu.memref_slice %arg3[%dma_start3A_308, %dma_start3A_309] : memref<204800x8xf32, #tpu.memory_space<hbm>> -> memref<204800x8xf32, #tpu.memory_space<hbm>>
    tpu.enqueue_indirect_dma source(%dma_start3A_310 : memref<204800x8xf32, #tpu.memory_space<hbm>>) target(%dma_start3A_304 : memref<128x8xf32, #tpu.memory_space<vmem>>) offsets(%dma_start3A_307 : memref<128xi32, #tpu.memory_space<vmem>>) semaphore(%arg16 : memref<!tpu.dma_semaphore, #tpu.memory_space<semaphore_mem>>)
    "tpu.trace_stop"() : () -> ()
    "tpu.trace_start"() <{level = 10 : i32, message = "g_idxhd"}> : () -> ()
    %scan3A_311 = arith.constant 0 : i32
    %scan3A_312 = arith.constant 0 : i32
    %scan3A_313 = arith.constant 32 : i32
    %scan3A_314 = arith.addi %scan3A_312, %scan3A_313 : i32
    %scan3A_315 = arith.constant 1 : i32
    %scan3A_316 = scf.for %scan3A_492 = %scan3A_312 to %scan3A_314 step %scan3A_315 iter_args(%scan3A_493 = %scan3A_311) -> (i32)  : i32 {
      %mul3A_494 = arith.constant 16 : i32
      %mul3A_495 = arith.muli %scan3A_492, %mul3A_494 : i32
      %get3A = arith.constant 3 : i32
      %get3A_496 = arith.index_cast %get3A : i32 to index
      %get3A_497 = arith.index_cast %mul3A_495 : i32 to index
      %get3A_498 = tpu.vector_load %arg7[%get3A_496, %get3A_497] {strides = array<i32>} : memref<6x512xf32, #tpu.memory_space<vmem>>, vector<16xf32>,
      %get3A_499 = arith.constant 2 : i32
      %get3A_500 = arith.index_cast %get3A_499 : i32 to index
      %get3A_501 = arith.index_cast %mul3A_495 : i32 to index
      %get3A_502 = tpu.vector_load %arg7[%get3A_500, %get3A_501] {strides = array<i32>} : memref<6x512xf32, #tpu.memory_space<vmem>>, vector<16xf32>,
      %convert_element_type3A = arith.fptosi %get3A_498 : vector<16xf32> to vector<16xi32>
      %convert_element_type3A_503 = arith.sitofp %convert_element_type3A : vector<16xi32> to vector<16xf32>
      %sub3A = arith.subf %get3A_498, %convert_element_type3A_503 : vector<16xf32>
      %mul3A_504 = arith.constant 5.000000e+01 : f32
      %mul3A_505 = vector.broadcast %mul3A_504 : f32 to vector<16xf32>
      %mul3A_506 = arith.mulf %sub3A, %mul3A_505 : vector<16xf32>
      %convert_element_type3A_507 = arith.fptosi %mul3A_506 : vector<16xf32> to vector<16xi32>
      %convert_element_type3A_508 = arith.sitofp %convert_element_type3A_507 : vector<16xi32> to vector<16xf32>
      %sub3A_509 = arith.subf %mul3A_506, %convert_element_type3A_508 : vector<16xf32>
      %ge3A = arith.constant 50 : i32
      %ge3A_510 = vector.broadcast %ge3A : i32 to vector<16xi32>
      %ge3A_511 = arith.cmpi sge, %convert_element_type3A_507, %ge3A_510 : vector<16xi32>
      %sub3A_512 = arith.constant 50 : i32
      %sub3A_513 = vector.broadcast %sub3A_512 : i32 to vector<16xi32>
      %sub3A_514 = arith.subi %convert_element_type3A_507, %sub3A_513 : vector<16xi32>
      %select_n3A = arith.select %ge3A_511, %sub3A_514, %convert_element_type3A_507 : vector<16xi1>, vector<16xi32>
      %add3A_515 = arith.constant 1 : i32
      %add3A_516 = vector.broadcast %add3A_515 : i32 to vector<16xi32>
      %add3A_517 = arith.addi %select_n3A, %add3A_516 : vector<16xi32>
      %ge3A_518 = arith.constant 50 : i32
      %ge3A_519 = vector.broadcast %ge3A_518 : i32 to vector<16xi32>
      %ge3A_520 = arith.cmpi sge, %add3A_517, %ge3A_519 : vector<16xi32>
      %add3A_521 = arith.constant 1 : i32
      %add3A_522 = vector.broadcast %add3A_521 : i32 to vector<16xi32>
      %add3A_523 = arith.addi %select_n3A, %add3A_522 : vector<16xi32>
      %sub3A_524 = arith.constant 50 : i32
      %sub3A_525 = vector.broadcast %sub3A_524 : i32 to vector<16xi32>
      %sub3A_526 = arith.subi %add3A_523, %sub3A_525 : vector<16xi32>
      %add3A_527 = arith.constant 1 : i32
      %add3A_528 = vector.broadcast %add3A_527 : i32 to vector<16xi32>
      %add3A_529 = arith.addi %select_n3A, %add3A_528 : vector<16xi32>
      %select_n3A_530 = arith.select %ge3A_520, %sub3A_526, %add3A_529 : vector<16xi1>, vector<16xi32>
      %max3A = arith.constant 0.000000e+00 : f32
      %max3A_531 = vector.broadcast %max3A : f32 to vector<16xf32>
      %max3A_532 = arith.maximumf %get3A_502, %max3A_531 : vector<16xf32>
      %min3A = arith.constant 1.000000e+00 : f32
      %min3A_533 = vector.broadcast %min3A : f32 to vector<16xf32>
      %min3A_534 = arith.minimumf %max3A_532, %min3A_533 : vector<16xf32>
      %mul3A_535 = arith.constant 4.900000e+01 : f32
      %mul3A_536 = vector.broadcast %mul3A_535 : f32 to vector<16xf32>
      %mul3A_537 = arith.mulf %min3A_534, %mul3A_536 : vector<16xf32>
      %convert_element_type3A_538 = arith.fptosi %mul3A_537 : vector<16xf32> to vector<16xi32>
      %convert_element_type3A_539 = arith.sitofp %convert_element_type3A_538 : vector<16xi32> to vector<16xf32>
      %sub3A_540 = arith.subf %mul3A_537, %convert_element_type3A_539 : vector<16xf32>
      %add3A_541 = arith.constant 1 : i32
      %add3A_542 = vector.broadcast %add3A_541 : i32 to vector<16xi32>
      %add3A_543 = arith.addi %convert_element_type3A_538, %add3A_542 : vector<16xi32>
      %min3A_544 = arith.constant 49 : i32
      %min3A_545 = vector.broadcast %min3A_544 : i32 to vector<16xi32>
      %min3A_546 = arith.minsi %add3A_543, %min3A_545 : vector<16xi32>
      %mul3A_547 = arith.constant 512 : i32
      %mul3A_548 = vector.broadcast %mul3A_547 : i32 to vector<16xi32>
      %mul3A_549 = arith.muli %convert_element_type3A_538, %mul3A_548 : vector<16xi32>
      %add3A_550 = arith.addi %mul3A_549, %select_n3A : vector<16xi32>
      %add3A_551 = arith.constant 0 : i32
      %add3A_552 = arith.addi %add3A_551, %mul3A_495 : i32
      %shift_right_arithmetic3A = arith.constant 7 : i32
      %shift_right_arithmetic3A_553 = arith.shrsi %add3A_552, %shift_right_arithmetic3A : i32
      %and3A = arith.constant 127 : i32
      %and3A_554 = arith.andi %add3A_552, %and3A : i32
      %swap3A = arith.index_cast %shift_right_arithmetic3A_553 : i32 to index
      %swap3A_555 = arith.index_cast %and3A_554 : i32 to index
      %swap3A_556 = tpu.vector_load %arg9[%swap3A, %swap3A_555] {strides = array<i32>} : memref<16x128xi32, #tpu.memory_space<vmem>>, vector<16xi32>,
      tpu.vector_store %arg9[%swap3A, %swap3A_555], %add3A_550 {strides = array<i32>} : memref<16x128xi32, #tpu.memory_space<vmem>>, vector<16xi32>,
      %mul3A_557 = arith.constant 512 : i32
      %mul3A_558 = vector.broadcast %mul3A_557 : i32 to vector<16xi32>
      %mul3A_559 = arith.muli %convert_element_type3A_538, %mul3A_558 : vector<16xi32>
      %add3A_560 = arith.addi %mul3A_559, %select_n3A_530 : vector<16xi32>
      %add3A_561 = arith.constant 512 : i32
      %add3A_562 = arith.addi %add3A_561, %mul3A_495 : i32
      %shift_right_arithmetic3A_563 = arith.constant 7 : i32
      %shift_right_arithmetic3A_564 = arith.shrsi %add3A_562, %shift_right_arithmetic3A_563 : i32
      %and3A_565 = arith.constant 127 : i32
      %and3A_566 = arith.andi %add3A_562, %and3A_565 : i32
      %swap3A_567 = arith.index_cast %shift_right_arithmetic3A_564 : i32 to index
      %swap3A_568 = arith.index_cast %and3A_566 : i32 to index
      %swap3A_569 = tpu.vector_load %arg9[%swap3A_567, %swap3A_568] {strides = array<i32>} : memref<16x128xi32, #tpu.memory_space<vmem>>, vector<16xi32>,
      tpu.vector_store %arg9[%swap3A_567, %swap3A_568], %add3A_560 {strides = array<i32>} : memref<16x128xi32, #tpu.memory_space<vmem>>, vector<16xi32>,
      %mul3A_570 = arith.constant 512 : i32
      %mul3A_571 = vector.broadcast %mul3A_570 : i32 to vector<16xi32>
      %mul3A_572 = arith.muli %min3A_546, %mul3A_571 : vector<16xi32>
      %add3A_573 = arith.addi %mul3A_572, %select_n3A : vector<16xi32>
      %add3A_574 = arith.constant 1024 : i32
      %add3A_575 = arith.addi %add3A_574, %mul3A_495 : i32
      %shift_right_arithmetic3A_576 = arith.constant 7 : i32
      %shift_right_arithmetic3A_577 = arith.shrsi %add3A_575, %shift_right_arithmetic3A_576 : i32
      %and3A_578 = arith.constant 127 : i32
      %and3A_579 = arith.andi %add3A_575, %and3A_578 : i32
      %swap3A_580 = arith.index_cast %shift_right_arithmetic3A_577 : i32 to index
      %swap3A_581 = arith.index_cast %and3A_579 : i32 to index
      %swap3A_582 = tpu.vector_load %arg9[%swap3A_580, %swap3A_581] {strides = array<i32>} : memref<16x128xi32, #tpu.memory_space<vmem>>, vector<16xi32>,
      tpu.vector_store %arg9[%swap3A_580, %swap3A_581], %add3A_573 {strides = array<i32>} : memref<16x128xi32, #tpu.memory_space<vmem>>, vector<16xi32>,
      %mul3A_583 = arith.constant 512 : i32
      %mul3A_584 = vector.broadcast %mul3A_583 : i32 to vector<16xi32>
      %mul3A_585 = arith.muli %min3A_546, %mul3A_584 : vector<16xi32>
      %add3A_586 = arith.addi %mul3A_585, %select_n3A_530 : vector<16xi32>
      %add3A_587 = arith.constant 1536 : i32
      %add3A_588 = arith.addi %add3A_587, %mul3A_495 : i32
      %shift_right_arithmetic3A_589 = arith.constant 7 : i32
      %shift_right_arithmetic3A_590 = arith.shrsi %add3A_588, %shift_right_arithmetic3A_589 : i32
      %and3A_591 = arith.constant 127 : i32
      %and3A_592 = arith.andi %add3A_588, %and3A_591 : i32
      %swap3A_593 = arith.index_cast %shift_right_arithmetic3A_590 : i32 to index
      %swap3A_594 = arith.index_cast %and3A_592 : i32 to index
      %swap3A_595 = tpu.vector_load %arg9[%swap3A_593, %swap3A_594] {strides = array<i32>} : memref<16x128xi32, #tpu.memory_space<vmem>>, vector<16xi32>,
      tpu.vector_store %arg9[%swap3A_593, %swap3A_594], %add3A_586 {strides = array<i32>} : memref<16x128xi32, #tpu.memory_space<vmem>>, vector<16xi32>,
      %sub3A_596 = arith.constant 1.000000e+00 : f32
      %sub3A_597 = vector.broadcast %sub3A_596 : f32 to vector<16xf32>
      %sub3A_598 = arith.subf %sub3A_597, %sub3A_509 : vector<16xf32>
      %sub3A_599 = arith.constant 1.000000e+00 : f32
      %sub3A_600 = vector.broadcast %sub3A_599 : f32 to vector<16xf32>
      %sub3A_601 = arith.subf %sub3A_600, %sub3A_540 : vector<16xf32>
      %mul3A_602 = arith.mulf %sub3A_598, %sub3A_601 : vector<16xf32>
      %swap3A_603 = arith.constant 4 : i32
      %swap3A_604 = arith.index_cast %swap3A_603 : i32 to index
      %swap3A_605 = arith.index_cast %mul3A_495 : i32 to index
      %swap3A_606 = tpu.vector_load %arg11[%swap3A_604, %swap3A_605] {strides = array<i32>} : memref<12x512xf32, #tpu.memory_space<vmem>>, vector<16xf32>,
      tpu.vector_store %arg11[%swap3A_604, %swap3A_605], %mul3A_602 {strides = array<i32>} : memref<12x512xf32, #tpu.memory_space<vmem>>, vector<16xf32>,
      %sub3A_607 = arith.constant 1.000000e+00 : f32
      %sub3A_608 = vector.broadcast %sub3A_607 : f32 to vector<16xf32>
      %sub3A_609 = arith.subf %sub3A_608, %sub3A_540 : vector<16xf32>
      %mul3A_610 = arith.mulf %sub3A_509, %sub3A_609 : vector<16xf32>
      %swap3A_611 = arith.constant 5 : i32
      %swap3A_612 = arith.index_cast %swap3A_611 : i32 to index
      %swap3A_613 = arith.index_cast %mul3A_495 : i32 to index
      %swap3A_614 = tpu.vector_load %arg11[%swap3A_612, %swap3A_613] {strides = array<i32>} : memref<12x512xf32, #tpu.memory_space<vmem>>, vector<16xf32>,
      tpu.vector_store %arg11[%swap3A_612, %swap3A_613], %mul3A_610 {strides = array<i32>} : memref<12x512xf32, #tpu.memory_space<vmem>>, vector<16xf32>,
      %sub3A_615 = arith.constant 1.000000e+00 : f32
      %sub3A_616 = vector.broadcast %sub3A_615 : f32 to vector<16xf32>
      %sub3A_617 = arith.subf %sub3A_616, %sub3A_509 : vector<16xf32>
      %mul3A_618 = arith.mulf %sub3A_617, %sub3A_540 : vector<16xf32>
      %swap3A_619 = arith.constant 6 : i32
      %swap3A_620 = arith.index_cast %swap3A_619 : i32 to index
      %swap3A_621 = arith.index_cast %mul3A_495 : i32 to index
      %swap3A_622 = tpu.vector_load %arg11[%swap3A_620, %swap3A_621] {strides = array<i32>} : memref<12x512xf32, #tpu.memory_space<vmem>>, vector<16xf32>,
      tpu.vector_store %arg11[%swap3A_620, %swap3A_621], %mul3A_618 {strides = array<i32>} : memref<12x512xf32, #tpu.memory_space<vmem>>, vector<16xf32>,
      %mul3A_623 = arith.mulf %sub3A_509, %sub3A_540 : vector<16xf32>
      %swap3A_624 = arith.constant 7 : i32
      %swap3A_625 = arith.index_cast %swap3A_624 : i32 to index
      %swap3A_626 = arith.index_cast %mul3A_495 : i32 to index
      %swap3A_627 = tpu.vector_load %arg11[%swap3A_625, %swap3A_626] {strides = array<i32>} : memref<12x512xf32, #tpu.memory_space<vmem>>, vector<16xf32>,
      tpu.vector_store %arg11[%swap3A_625, %swap3A_626], %mul3A_623 {strides = array<i32>} : memref<12x512xf32, #tpu.memory_space<vmem>>, vector<16xf32>,
      %get3A_628 = arith.constant 5 : i32
      %get3A_629 = arith.index_cast %get3A_628 : i32 to index
      %get3A_630 = arith.index_cast %mul3A_495 : i32 to index
      %get3A_631 = tpu.vector_load %arg7[%get3A_629, %get3A_630] {strides = array<i32>} : memref<6x512xf32, #tpu.memory_space<vmem>>, vector<16xf32>,
      %get3A_632 = arith.constant 4 : i32
      %get3A_633 = arith.index_cast %get3A_632 : i32 to index
      %get3A_634 = arith.index_cast %mul3A_495 : i32 to index
      %get3A_635 = tpu.vector_load %arg7[%get3A_633, %get3A_634] {strides = array<i32>} : memref<6x512xf32, #tpu.memory_space<vmem>>, vector<16xf32>,
      %convert_element_type3A_636 = arith.fptosi %get3A_631 : vector<16xf32> to vector<16xi32>
      %convert_element_type3A_637 = arith.sitofp %convert_element_type3A_636 : vector<16xi32> to vector<16xf32>
      %sub3A_638 = arith.subf %get3A_631, %convert_element_type3A_637 : vector<16xf32>
      %mul3A_639 = arith.constant 5.000000e+01 : f32
      %mul3A_640 = vector.broadcast %mul3A_639 : f32 to vector<16xf32>
      %mul3A_641 = arith.mulf %sub3A_638, %mul3A_640 : vector<16xf32>
      %convert_element_type3A_642 = arith.fptosi %mul3A_641 : vector<16xf32> to vector<16xi32>
      %convert_element_type3A_643 = arith.sitofp %convert_element_type3A_642 : vector<16xi32> to vector<16xf32>
      %sub3A_644 = arith.subf %mul3A_641, %convert_element_type3A_643 : vector<16xf32>
      %ge3A_645 = arith.constant 50 : i32
      %ge3A_646 = vector.broadcast %ge3A_645 : i32 to vector<16xi32>
      %ge3A_647 = arith.cmpi sge, %convert_element_type3A_642, %ge3A_646 : vector<16xi32>
      %sub3A_648 = arith.constant 50 : i32
      %sub3A_649 = vector.broadcast %sub3A_648 : i32 to vector<16xi32>
      %sub3A_650 = arith.subi %convert_element_type3A_642, %sub3A_649 : vector<16xi32>
      %select_n3A_651 = arith.select %ge3A_647, %sub3A_650, %convert_element_type3A_642 : vector<16xi1>, vector<16xi32>
      %add3A_652 = arith.constant 1 : i32
      %add3A_653 = vector.broadcast %add3A_652 : i32 to vector<16xi32>
      %add3A_654 = arith.addi %select_n3A_651, %add3A_653 : vector<16xi32>
      %ge3A_655 = arith.constant 50 : i32
      %ge3A_656 = vector.broadcast %ge3A_655 : i32 to vector<16xi32>
      %ge3A_657 = arith.cmpi sge, %add3A_654, %ge3A_656 : vector<16xi32>
      %add3A_658 = arith.constant 1 : i32
      %add3A_659 = vector.broadcast %add3A_658 : i32 to vector<16xi32>
      %add3A_660 = arith.addi %select_n3A_651, %add3A_659 : vector<16xi32>
      %sub3A_661 = arith.constant 50 : i32
      %sub3A_662 = vector.broadcast %sub3A_661 : i32 to vector<16xi32>
      %sub3A_663 = arith.subi %add3A_660, %sub3A_662 : vector<16xi32>
      %add3A_664 = arith.constant 1 : i32
      %add3A_665 = vector.broadcast %add3A_664 : i32 to vector<16xi32>
      %add3A_666 = arith.addi %select_n3A_651, %add3A_665 : vector<16xi32>
      %select_n3A_667 = arith.select %ge3A_657, %sub3A_663, %add3A_666 : vector<16xi1>, vector<16xi32>
      %max3A_668 = arith.constant 0.000000e+00 : f32
      %max3A_669 = vector.broadcast %max3A_668 : f32 to vector<16xf32>
      %max3A_670 = arith.maximumf %get3A_635, %max3A_669 : vector<16xf32>
      %min3A_671 = arith.constant 1.000000e+00 : f32
      %min3A_672 = vector.broadcast %min3A_671 : f32 to vector<16xf32>
      %min3A_673 = arith.minimumf %max3A_670, %min3A_672 : vector<16xf32>
      %mul3A_674 = arith.constant 4.900000e+01 : f32
      %mul3A_675 = vector.broadcast %mul3A_674 : f32 to vector<16xf32>
      %mul3A_676 = arith.mulf %min3A_673, %mul3A_675 : vector<16xf32>
      %convert_element_type3A_677 = arith.fptosi %mul3A_676 : vector<16xf32> to vector<16xi32>
      %convert_element_type3A_678 = arith.sitofp %convert_element_type3A_677 : vector<16xi32> to vector<16xf32>
      %sub3A_679 = arith.subf %mul3A_676, %convert_element_type3A_678 : vector<16xf32>
      %add3A_680 = arith.constant 1 : i32
      %add3A_681 = vector.broadcast %add3A_680 : i32 to vector<16xi32>
      %add3A_682 = arith.addi %convert_element_type3A_677, %add3A_681 : vector<16xi32>
      %min3A_683 = arith.constant 49 : i32
      %min3A_684 = vector.broadcast %min3A_683 : i32 to vector<16xi32>
      %min3A_685 = arith.minsi %add3A_682, %min3A_684 : vector<16xi32>
      %mul3A_686 = arith.constant 512 : i32
      %mul3A_687 = vector.broadcast %mul3A_686 : i32 to vector<16xi32>
      %mul3A_688 = arith.muli %convert_element_type3A_677, %mul3A_687 : vector<16xi32>
      %add3A_689 = arith.addi %mul3A_688, %select_n3A_651 : vector<16xi32>
      %add3A_690 = arith.constant 0 : i32
      %add3A_691 = arith.addi %add3A_690, %mul3A_495 : i32
      %shift_right_arithmetic3A_692 = arith.constant 7 : i32
      %shift_right_arithmetic3A_693 = arith.shrsi %add3A_691, %shift_right_arithmetic3A_692 : i32
      %and3A_694 = arith.constant 127 : i32
      %and3A_695 = arith.andi %add3A_691, %and3A_694 : i32
      %swap3A_696 = arith.index_cast %shift_right_arithmetic3A_693 : i32 to index
      %swap3A_697 = arith.index_cast %and3A_695 : i32 to index
      %swap3A_698 = tpu.vector_load %arg10[%swap3A_696, %swap3A_697] {strides = array<i32>} : memref<16x128xi32, #tpu.memory_space<vmem>>, vector<16xi32>,
      tpu.vector_store %arg10[%swap3A_696, %swap3A_697], %add3A_689 {strides = array<i32>} : memref<16x128xi32, #tpu.memory_space<vmem>>, vector<16xi32>,
      %mul3A_699 = arith.constant 512 : i32
      %mul3A_700 = vector.broadcast %mul3A_699 : i32 to vector<16xi32>
      %mul3A_701 = arith.muli %convert_element_type3A_677, %mul3A_700 : vector<16xi32>
      %add3A_702 = arith.addi %mul3A_701, %select_n3A_667 : vector<16xi32>
      %add3A_703 = arith.constant 512 : i32
      %add3A_704 = arith.addi %add3A_703, %mul3A_495 : i32
      %shift_right_arithmetic3A_705 = arith.constant 7 : i32
      %shift_right_arithmetic3A_706 = arith.shrsi %add3A_704, %shift_right_arithmetic3A_705 : i32
      %and3A_707 = arith.constant 127 : i32
      %and3A_708 = arith.andi %add3A_704, %and3A_707 : i32
      %swap3A_709 = arith.index_cast %shift_right_arithmetic3A_706 : i32 to index
      %swap3A_710 = arith.index_cast %and3A_708 : i32 to index
      %swap3A_711 = tpu.vector_load %arg10[%swap3A_709, %swap3A_710] {strides = array<i32>} : memref<16x128xi32, #tpu.memory_space<vmem>>, vector<16xi32>,
      tpu.vector_store %arg10[%swap3A_709, %swap3A_710], %add3A_702 {strides = array<i32>} : memref<16x128xi32, #tpu.memory_space<vmem>>, vector<16xi32>,
      %mul3A_712 = arith.constant 512 : i32
      %mul3A_713 = vector.broadcast %mul3A_712 : i32 to vector<16xi32>
      %mul3A_714 = arith.muli %min3A_685, %mul3A_713 : vector<16xi32>
      %add3A_715 = arith.addi %mul3A_714, %select_n3A_651 : vector<16xi32>
      %add3A_716 = arith.constant 1024 : i32
      %add3A_717 = arith.addi %add3A_716, %mul3A_495 : i32
      %shift_right_arithmetic3A_718 = arith.constant 7 : i32
      %shift_right_arithmetic3A_719 = arith.shrsi %add3A_717, %shift_right_arithmetic3A_718 : i32
      %and3A_720 = arith.constant 127 : i32
      %and3A_721 = arith.andi %add3A_717, %and3A_720 : i32
      %swap3A_722 = arith.index_cast %shift_right_arithmetic3A_719 : i32 to index
      %swap3A_723 = arith.index_cast %and3A_721 : i32 to index
      %swap3A_724 = tpu.vector_load %arg10[%swap3A_722, %swap3A_723] {strides = array<i32>} : memref<16x128xi32, #tpu.memory_space<vmem>>, vector<16xi32>,
      tpu.vector_store %arg10[%swap3A_722, %swap3A_723], %add3A_715 {strides = array<i32>} : memref<16x128xi32, #tpu.memory_space<vmem>>, vector<16xi32>,
      %mul3A_725 = arith.constant 512 : i32
      %mul3A_726 = vector.broadcast %mul3A_725 : i32 to vector<16xi32>
      %mul3A_727 = arith.muli %min3A_685, %mul3A_726 : vector<16xi32>
      %add3A_728 = arith.addi %mul3A_727, %select_n3A_667 : vector<16xi32>
      %add3A_729 = arith.constant 1536 : i32
      %add3A_730 = arith.addi %add3A_729, %mul3A_495 : i32
      %shift_right_arithmetic3A_731 = arith.constant 7 : i32
      %shift_right_arithmetic3A_732 = arith.shrsi %add3A_730, %shift_right_arithmetic3A_731 : i32
      %and3A_733 = arith.constant 127 : i32
      %and3A_734 = arith.andi %add3A_730, %and3A_733 : i32
      %swap3A_735 = arith.index_cast %shift_right_arithmetic3A_732 : i32 to index
      %swap3A_736 = arith.index_cast %and3A_734 : i32 to index
      %swap3A_737 = tpu.vector_load %arg10[%swap3A_735, %swap3A_736] {strides = array<i32>} : memref<16x128xi32, #tpu.memory_space<vmem>>, vector<16xi32>,
      tpu.vector_store %arg10[%swap3A_735, %swap3A_736], %add3A_728 {strides = array<i32>} : memref<16x128xi32, #tpu.memory_space<vmem>>, vector<16xi32>,
      %sub3A_738 = arith.constant 1.000000e+00 : f32
      %sub3A_739 = vector.broadcast %sub3A_738 : f32 to vector<16xf32>
      %sub3A_740 = arith.subf %sub3A_739, %sub3A_644 : vector<16xf32>
      %sub3A_741 = arith.constant 1.000000e+00 : f32
      %sub3A_742 = vector.broadcast %sub3A_741 : f32 to vector<16xf32>
      %sub3A_743 = arith.subf %sub3A_742, %sub3A_679 : vector<16xf32>
      %mul3A_744 = arith.mulf %sub3A_740, %sub3A_743 : vector<16xf32>
      %swap3A_745 = arith.constant 8 : i32
      %swap3A_746 = arith.index_cast %swap3A_745 : i32 to index
      %swap3A_747 = arith.index_cast %mul3A_495 : i32 to index
      %swap3A_748 = tpu.vector_load %arg11[%swap3A_746, %swap3A_747] {strides = array<i32>} : memref<12x512xf32, #tpu.memory_space<vmem>>, vector<16xf32>,
      tpu.vector_store %arg11[%swap3A_746, %swap3A_747], %mul3A_744 {strides = array<i32>} : memref<12x512xf32, #tpu.memory_space<vmem>>, vector<16xf32>,
      %sub3A_749 = arith.constant 1.000000e+00 : f32
      %sub3A_750 = vector.broadcast %sub3A_749 : f32 to vector<16xf32>
      %sub3A_751 = arith.subf %sub3A_750, %sub3A_679 : vector<16xf32>
      %mul3A_752 = arith.mulf %sub3A_644, %sub3A_751 : vector<16xf32>
      %swap3A_753 = arith.constant 9 : i32
      %swap3A_754 = arith.index_cast %swap3A_753 : i32 to index
      %swap3A_755 = arith.index_cast %mul3A_495 : i32 to index
      %swap3A_756 = tpu.vector_load %arg11[%swap3A_754, %swap3A_755] {strides = array<i32>} : memref<12x512xf32, #tpu.memory_space<vmem>>, vector<16xf32>,
      tpu.vector_store %arg11[%swap3A_754, %swap3A_755], %mul3A_752 {strides = array<i32>} : memref<12x512xf32, #tpu.memory_space<vmem>>, vector<16xf32>,
      %sub3A_757 = arith.constant 1.000000e+00 : f32
      %sub3A_758 = vector.broadcast %sub3A_757 : f32 to vector<16xf32>
      %sub3A_759 = arith.subf %sub3A_758, %sub3A_644 : vector<16xf32>
      %mul3A_760 = arith.mulf %sub3A_759, %sub3A_679 : vector<16xf32>
      %swap3A_761 = arith.constant 10 : i32
      %swap3A_762 = arith.index_cast %swap3A_761 : i32 to index
      %swap3A_763 = arith.index_cast %mul3A_495 : i32 to index
      %swap3A_764 = tpu.vector_load %arg11[%swap3A_762, %swap3A_763] {strides = array<i32>} : memref<12x512xf32, #tpu.memory_space<vmem>>, vector<16xf32>,
      tpu.vector_store %arg11[%swap3A_762, %swap3A_763], %mul3A_760 {strides = array<i32>} : memref<12x512xf32, #tpu.memory_space<vmem>>, vector<16xf32>,
      %mul3A_765 = arith.mulf %sub3A_644, %sub3A_679 : vector<16xf32>
      %swap3A_766 = arith.constant 11 : i32
      %swap3A_767 = arith.index_cast %swap3A_766 : i32 to index
      %swap3A_768 = arith.index_cast %mul3A_495 : i32 to index
      %swap3A_769 = tpu.vector_load %arg11[%swap3A_767, %swap3A_768] {strides = array<i32>} : memref<12x512xf32, #tpu.memory_space<vmem>>, vector<16xf32>,
      tpu.vector_store %arg11[%swap3A_767, %swap3A_768], %mul3A_765 {strides = array<i32>} : memref<12x512xf32, #tpu.memory_space<vmem>>, vector<16xf32>,
      %scan3A_770 = arith.constant 0 : i32
      scf.yield %scan3A_770 : i32
    }
    %scan3A_317 = arith.constant 32 : i32
    "tpu.trace_stop"() : () -> ()
    "tpu.trace_start"() <{level = 10 : i32, message = "g_wait_tab"}> : () -> ()
    tpu.wait_dma2 semaphore(%arg17 : memref<!tpu.dma_semaphore, #tpu.memory_space<semaphore_mem>>) src(%arg4 : memref<50x8x50xf32, #tpu.memory_space<hbm>>) dst(%arg13 : memref<50x8x50xf32, #tpu.memory_space<vmem>>)
    tpu.wait_dma2 semaphore(%arg17 : memref<!tpu.dma_semaphore, #tpu.memory_space<semaphore_mem>>) src(%arg5 : memref<50x8x50xf32, #tpu.memory_space<hbm>>) dst(%arg14 : memref<50x8x50xf32, #tpu.memory_space<vmem>>)
    "tpu.trace_stop"() : () -> ()
    "tpu.trace_start"() <{level = 10 : i32, message = "g_redhd"}> : () -> ()
    %scan3A_318 = arith.constant 0 : i32
    %scan3A_319 = arith.constant 0 : i32
    %scan3A_320 = arith.constant 32 : i32
    %scan3A_321 = arith.addi %scan3A_319, %scan3A_320 : i32
    %scan3A_322 = arith.constant 1 : i32
    %scan3A_323 = scf.for %scan3A_492 = %scan3A_319 to %scan3A_321 step %scan3A_322 iter_args(%scan3A_493 = %scan3A_318) -> (i32)  : i32 {
      %mul3A_494 = arith.constant 16 : i32
      %mul3A_495 = arith.muli %scan3A_492, %mul3A_494 : i32
      %shift_right_arithmetic3A = arith.constant 3 : i32
      %shift_right_arithmetic3A_496 = arith.shrsi %scan3A_492, %shift_right_arithmetic3A : i32
      %and3A = arith.constant 127 : i32
      %and3A_497 = arith.andi %mul3A_495, %and3A : i32
      %get3A = arith.constant 4 : i32
      %get3A_498 = arith.index_cast %get3A : i32 to index
      %get3A_499 = arith.index_cast %mul3A_495 : i32 to index
      %get3A_500 = tpu.vector_load %arg11[%get3A_498, %get3A_499] {strides = array<i32>} : memref<12x512xf32, #tpu.memory_space<vmem>>, vector<16xf32>,
      %add3A_501 = arith.constant 0 : i32
      %add3A_502 = arith.addi %add3A_501, %mul3A_495 : i32
      %shift_right_arithmetic3A_503 = arith.constant 7 : i32
      %shift_right_arithmetic3A_504 = arith.shrsi %add3A_502, %shift_right_arithmetic3A_503 : i32
      %and3A_505 = arith.constant 127 : i32
      %and3A_506 = arith.andi %add3A_502, %and3A_505 : i32
      %get3A_507 = arith.index_cast %shift_right_arithmetic3A_504 : i32 to index
      %get3A_508 = arith.index_cast %and3A_506 : i32 to index
      %get3A_509 = tpu.vector_load %arg9[%get3A_507, %get3A_508] {strides = array<i32>} : memref<16x128xi32, #tpu.memory_space<vmem>>, vector<16xi32>,
      %shift_right_arithmetic3A_510 = arith.constant 9 : i32
      %shift_right_arithmetic3A_511 = vector.broadcast %shift_right_arithmetic3A_510 : i32 to vector<16xi32>
      %shift_right_arithmetic3A_512 = arith.shrsi %get3A_509, %shift_right_arithmetic3A_511 : vector<16xi32>
      %and3A_513 = arith.constant 511 : i32
      %and3A_514 = vector.broadcast %and3A_513 : i32 to vector<16xi32>
      %and3A_515 = arith.andi %get3A_509, %and3A_514 : vector<16xi32>
      %broadcast_in_dim3A = arith.constant 0 : i32
      %broadcast_in_dim3A_516 = vector.broadcast %broadcast_in_dim3A : i32 to vector<16xi32>
      %gather3A = tpu.vector_load_idx %arg13[%shift_right_arithmetic3A_512, %broadcast_in_dim3A_516, %and3A_515] : memref<50x8x50xf32, #tpu.memory_space<vmem>>[vector<16xi32>, vector<16xi32>, vector<16xi32>], vector<16xf32>,
      %mul3A_517 = arith.mulf %get3A_500, %gather3A : vector<16xf32>
      %broadcast_in_dim3A_518 = arith.constant 1 : i32
      %broadcast_in_dim3A_519 = vector.broadcast %broadcast_in_dim3A_518 : i32 to vector<16xi32>
      %gather3A_520 = tpu.vector_load_idx %arg13[%shift_right_arithmetic3A_512, %broadcast_in_dim3A_519, %and3A_515] : memref<50x8x50xf32, #tpu.memory_space<vmem>>[vector<16xi32>, vector<16xi32>, vector<16xi32>], vector<16xf32>,
      %mul3A_521 = arith.mulf %get3A_500, %gather3A_520 : vector<16xf32>
      %broadcast_in_dim3A_522 = arith.constant 2 : i32
      %broadcast_in_dim3A_523 = vector.broadcast %broadcast_in_dim3A_522 : i32 to vector<16xi32>
      %gather3A_524 = tpu.vector_load_idx %arg13[%shift_right_arithmetic3A_512, %broadcast_in_dim3A_523, %and3A_515] : memref<50x8x50xf32, #tpu.memory_space<vmem>>[vector<16xi32>, vector<16xi32>, vector<16xi32>], vector<16xf32>,
      %mul3A_525 = arith.mulf %get3A_500, %gather3A_524 : vector<16xf32>
      %broadcast_in_dim3A_526 = arith.constant 3 : i32
      %broadcast_in_dim3A_527 = vector.broadcast %broadcast_in_dim3A_526 : i32 to vector<16xi32>
      %gather3A_528 = tpu.vector_load_idx %arg13[%shift_right_arithmetic3A_512, %broadcast_in_dim3A_527, %and3A_515] : memref<50x8x50xf32, #tpu.memory_space<vmem>>[vector<16xi32>, vector<16xi32>, vector<16xi32>], vector<16xf32>,
      %mul3A_529 = arith.mulf %get3A_500, %gather3A_528 : vector<16xf32>
      %broadcast_in_dim3A_530 = arith.constant 4 : i32
      %broadcast_in_dim3A_531 = vector.broadcast %broadcast_in_dim3A_530 : i32 to vector<16xi32>
      %gather3A_532 = tpu.vector_load_idx %arg13[%shift_right_arithmetic3A_512, %broadcast_in_dim3A_531, %and3A_515] : memref<50x8x50xf32, #tpu.memory_space<vmem>>[vector<16xi32>, vector<16xi32>, vector<16xi32>], vector<16xf32>,
      %mul3A_533 = arith.mulf %get3A_500, %gather3A_532 : vector<16xf32>
      %broadcast_in_dim3A_534 = arith.constant 5 : i32
      %broadcast_in_dim3A_535 = vector.broadcast %broadcast_in_dim3A_534 : i32 to vector<16xi32>
      %gather3A_536 = tpu.vector_load_idx %arg13[%shift_right_arithmetic3A_512, %broadcast_in_dim3A_535, %and3A_515] : memref<50x8x50xf32, #tpu.memory_space<vmem>>[vector<16xi32>, vector<16xi32>, vector<16xi32>], vector<16xf32>,
      %mul3A_537 = arith.mulf %get3A_500, %gather3A_536 : vector<16xf32>
      %broadcast_in_dim3A_538 = arith.constant 6 : i32
      %broadcast_in_dim3A_539 = vector.broadcast %broadcast_in_dim3A_538 : i32 to vector<16xi32>
      %gather3A_540 = tpu.vector_load_idx %arg13[%shift_right_arithmetic3A_512, %broadcast_in_dim3A_539, %and3A_515] : memref<50x8x50xf32, #tpu.memory_space<vmem>>[vector<16xi32>, vector<16xi32>, vector<16xi32>], vector<16xf32>,
      %mul3A_541 = arith.mulf %get3A_500, %gather3A_540 : vector<16xf32>
      %broadcast_in_dim3A_542 = arith.constant 7 : i32
      %broadcast_in_dim3A_543 = vector.broadcast %broadcast_in_dim3A_542 : i32 to vector<16xi32>
      %gather3A_544 = tpu.vector_load_idx %arg13[%shift_right_arithmetic3A_512, %broadcast_in_dim3A_543, %and3A_515] : memref<50x8x50xf32, #tpu.memory_space<vmem>>[vector<16xi32>, vector<16xi32>, vector<16xi32>], vector<16xf32>,
      %mul3A_545 = arith.mulf %get3A_500, %gather3A_544 : vector<16xf32>
      %get3A_546 = arith.constant 5 : i32
      %get3A_547 = arith.index_cast %get3A_546 : i32 to index
      %get3A_548 = arith.index_cast %mul3A_495 : i32 to index
      %get3A_549 = tpu.vector_load %arg11[%get3A_547, %get3A_548] {strides = array<i32>} : memref<12x512xf32, #tpu.memory_space<vmem>>, vector<16xf32>,
      %add3A_550 = arith.constant 512 : i32
      %add3A_551 = arith.addi %add3A_550, %mul3A_495 : i32
      %shift_right_arithmetic3A_552 = arith.constant 7 : i32
      %shift_right_arithmetic3A_553 = arith.shrsi %add3A_551, %shift_right_arithmetic3A_552 : i32
      %and3A_554 = arith.constant 127 : i32
      %and3A_555 = arith.andi %add3A_551, %and3A_554 : i32
      %get3A_556 = arith.index_cast %shift_right_arithmetic3A_553 : i32 to index
      %get3A_557 = arith.index_cast %and3A_555 : i32 to index
      %get3A_558 = tpu.vector_load %arg9[%get3A_556, %get3A_557] {strides = array<i32>} : memref<16x128xi32, #tpu.memory_space<vmem>>, vector<16xi32>,
      %shift_right_arithmetic3A_559 = arith.constant 9 : i32
      %shift_right_arithmetic3A_560 = vector.broadcast %shift_right_arithmetic3A_559 : i32 to vector<16xi32>
      %shift_right_arithmetic3A_561 = arith.shrsi %get3A_558, %shift_right_arithmetic3A_560 : vector<16xi32>
      %and3A_562 = arith.constant 511 : i32
      %and3A_563 = vector.broadcast %and3A_562 : i32 to vector<16xi32>
      %and3A_564 = arith.andi %get3A_558, %and3A_563 : vector<16xi32>
      %broadcast_in_dim3A_565 = arith.constant 0 : i32
      %broadcast_in_dim3A_566 = vector.broadcast %broadcast_in_dim3A_565 : i32 to vector<16xi32>
      %gather3A_567 = tpu.vector_load_idx %arg13[%shift_right_arithmetic3A_561, %broadcast_in_dim3A_566, %and3A_564] : memref<50x8x50xf32, #tpu.memory_space<vmem>>[vector<16xi32>, vector<16xi32>, vector<16xi32>], vector<16xf32>,
      %mul3A_568 = arith.mulf %get3A_549, %gather3A_567 : vector<16xf32>
      %add3A_569 = arith.addf %mul3A_517, %mul3A_568 : vector<16xf32>
      %broadcast_in_dim3A_570 = arith.constant 1 : i32
      %broadcast_in_dim3A_571 = vector.broadcast %broadcast_in_dim3A_570 : i32 to vector<16xi32>
      %gather3A_572 = tpu.vector_load_idx %arg13[%shift_right_arithmetic3A_561, %broadcast_in_dim3A_571, %and3A_564] : memref<50x8x50xf32, #tpu.memory_space<vmem>>[vector<16xi32>, vector<16xi32>, vector<16xi32>], vector<16xf32>,
      %mul3A_573 = arith.mulf %get3A_549, %gather3A_572 : vector<16xf32>
      %add3A_574 = arith.addf %mul3A_521, %mul3A_573 : vector<16xf32>
      %broadcast_in_dim3A_575 = arith.constant 2 : i32
      %broadcast_in_dim3A_576 = vector.broadcast %broadcast_in_dim3A_575 : i32 to vector<16xi32>
      %gather3A_577 = tpu.vector_load_idx %arg13[%shift_right_arithmetic3A_561, %broadcast_in_dim3A_576, %and3A_564] : memref<50x8x50xf32, #tpu.memory_space<vmem>>[vector<16xi32>, vector<16xi32>, vector<16xi32>], vector<16xf32>,
      %mul3A_578 = arith.mulf %get3A_549, %gather3A_577 : vector<16xf32>
      %add3A_579 = arith.addf %mul3A_525, %mul3A_578 : vector<16xf32>
      %broadcast_in_dim3A_580 = arith.constant 3 : i32
      %broadcast_in_dim3A_581 = vector.broadcast %broadcast_in_dim3A_580 : i32 to vector<16xi32>
      %gather3A_582 = tpu.vector_load_idx %arg13[%shift_right_arithmetic3A_561, %broadcast_in_dim3A_581, %and3A_564] : memref<50x8x50xf32, #tpu.memory_space<vmem>>[vector<16xi32>, vector<16xi32>, vector<16xi32>], vector<16xf32>,
      %mul3A_583 = arith.mulf %get3A_549, %gather3A_582 : vector<16xf32>
      %add3A_584 = arith.addf %mul3A_529, %mul3A_583 : vector<16xf32>
      %broadcast_in_dim3A_585 = arith.constant 4 : i32
      %broadcast_in_dim3A_586 = vector.broadcast %broadcast_in_dim3A_585 : i32 to vector<16xi32>
      %gather3A_587 = tpu.vector_load_idx %arg13[%shift_right_arithmetic3A_561, %broadcast_in_dim3A_586, %and3A_564] : memref<50x8x50xf32, #tpu.memory_space<vmem>>[vector<16xi32>, vector<16xi32>, vector<16xi32>], vector<16xf32>,
      %mul3A_588 = arith.mulf %get3A_549, %gather3A_587 : vector<16xf32>
      %add3A_589 = arith.addf %mul3A_533, %mul3A_588 : vector<16xf32>
      %broadcast_in_dim3A_590 = arith.constant 5 : i32
      %broadcast_in_dim3A_591 = vector.broadcast %broadcast_in_dim3A_590 : i32 to vector<16xi32>
      %gather3A_592 = tpu.vector_load_idx %arg13[%shift_right_arithmetic3A_561, %broadcast_in_dim3A_591, %and3A_564] : memref<50x8x50xf32, #tpu.memory_space<vmem>>[vector<16xi32>, vector<16xi32>, vector<16xi32>], vector<16xf32>,
      %mul3A_593 = arith.mulf %get3A_549, %gather3A_592 : vector<16xf32>
      %add3A_594 = arith.addf %mul3A_537, %mul3A_593 : vector<16xf32>
      %broadcast_in_dim3A_595 = arith.constant 6 : i32
      %broadcast_in_dim3A_596 = vector.broadcast %broadcast_in_dim3A_595 : i32 to vector<16xi32>
      %gather3A_597 = tpu.vector_load_idx %arg13[%shift_right_arithmetic3A_561, %broadcast_in_dim3A_596, %and3A_564] : memref<50x8x50xf32, #tpu.memory_space<vmem>>[vector<16xi32>, vector<16xi32>, vector<16xi32>], vector<16xf32>,
      %mul3A_598 = arith.mulf %get3A_549, %gather3A_597 : vector<16xf32>
      %add3A_599 = arith.addf %mul3A_541, %mul3A_598 : vector<16xf32>
      %broadcast_in_dim3A_600 = arith.constant 7 : i32
      %broadcast_in_dim3A_601 = vector.broadcast %broadcast_in_dim3A_600 : i32 to vector<16xi32>
      %gather3A_602 = tpu.vector_load_idx %arg13[%shift_right_arithmetic3A_561, %broadcast_in_dim3A_601, %and3A_564] : memref<50x8x50xf32, #tpu.memory_space<vmem>>[vector<16xi32>, vector<16xi32>, vector<16xi32>], vector<16xf32>,
      %mul3A_603 = arith.mulf %get3A_549, %gather3A_602 : vector<16xf32>
      %add3A_604 = arith.addf %mul3A_545, %mul3A_603 : vector<16xf32>
      %get3A_605 = arith.constant 6 : i32
      %get3A_606 = arith.index_cast %get3A_605 : i32 to index
      %get3A_607 = arith.index_cast %mul3A_495 : i32 to index
      %get3A_608 = tpu.vector_load %arg11[%get3A_606, %get3A_607] {strides = array<i32>} : memref<12x512xf32, #tpu.memory_space<vmem>>, vector<16xf32>,
      %add3A_609 = arith.constant 1024 : i32
      %add3A_610 = arith.addi %add3A_609, %mul3A_495 : i32
      %shift_right_arithmetic3A_611 = arith.constant 7 : i32
      %shift_right_arithmetic3A_612 = arith.shrsi %add3A_610, %shift_right_arithmetic3A_611 : i32
      %and3A_613 = arith.constant 127 : i32
      %and3A_614 = arith.andi %add3A_610, %and3A_613 : i32
      %get3A_615 = arith.index_cast %shift_right_arithmetic3A_612 : i32 to index
      %get3A_616 = arith.index_cast %and3A_614 : i32 to index
      %get3A_617 = tpu.vector_load %arg9[%get3A_615, %get3A_616] {strides = array<i32>} : memref<16x128xi32, #tpu.memory_space<vmem>>, vector<16xi32>,
      %shift_right_arithmetic3A_618 = arith.constant 9 : i32
      %shift_right_arithmetic3A_619 = vector.broadcast %shift_right_arithmetic3A_618 : i32 to vector<16xi32>
      %shift_right_arithmetic3A_620 = arith.shrsi %get3A_617, %shift_right_arithmetic3A_619 : vector<16xi32>
      %and3A_621 = arith.constant 511 : i32
      %and3A_622 = vector.broadcast %and3A_621 : i32 to vector<16xi32>
      %and3A_623 = arith.andi %get3A_617, %and3A_622 : vector<16xi32>
      %broadcast_in_dim3A_624 = arith.constant 0 : i32
      %broadcast_in_dim3A_625 = vector.broadcast %broadcast_in_dim3A_624 : i32 to vector<16xi32>
      %gather3A_626 = tpu.vector_load_idx %arg13[%shift_right_arithmetic3A_620, %broadcast_in_dim3A_625, %and3A_623] : memref<50x8x50xf32, #tpu.memory_space<vmem>>[vector<16xi32>, vector<16xi32>, vector<16xi32>], vector<16xf32>,
      %mul3A_627 = arith.mulf %get3A_608, %gather3A_626 : vector<16xf32>
      %add3A_628 = arith.addf %add3A_569, %mul3A_627 : vector<16xf32>
      %broadcast_in_dim3A_629 = arith.constant 1 : i32
      %broadcast_in_dim3A_630 = vector.broadcast %broadcast_in_dim3A_629 : i32 to vector<16xi32>
      %gather3A_631 = tpu.vector_load_idx %arg13[%shift_right_arithmetic3A_620, %broadcast_in_dim3A_630, %and3A_623] : memref<50x8x50xf32, #tpu.memory_space<vmem>>[vector<16xi32>, vector<16xi32>, vector<16xi32>], vector<16xf32>,
      %mul3A_632 = arith.mulf %get3A_608, %gather3A_631 : vector<16xf32>
      %add3A_633 = arith.addf %add3A_574, %mul3A_632 : vector<16xf32>
      %broadcast_in_dim3A_634 = arith.constant 2 : i32
      %broadcast_in_dim3A_635 = vector.broadcast %broadcast_in_dim3A_634 : i32 to vector<16xi32>
      %gather3A_636 = tpu.vector_load_idx %arg13[%shift_right_arithmetic3A_620, %broadcast_in_dim3A_635, %and3A_623] : memref<50x8x50xf32, #tpu.memory_space<vmem>>[vector<16xi32>, vector<16xi32>, vector<16xi32>], vector<16xf32>,
      %mul3A_637 = arith.mulf %get3A_608, %gather3A_636 : vector<16xf32>
      %add3A_638 = arith.addf %add3A_579, %mul3A_637 : vector<16xf32>
      %broadcast_in_dim3A_639 = arith.constant 3 : i32
      %broadcast_in_dim3A_640 = vector.broadcast %broadcast_in_dim3A_639 : i32 to vector<16xi32>
      %gather3A_641 = tpu.vector_load_idx %arg13[%shift_right_arithmetic3A_620, %broadcast_in_dim3A_640, %and3A_623] : memref<50x8x50xf32, #tpu.memory_space<vmem>>[vector<16xi32>, vector<16xi32>, vector<16xi32>], vector<16xf32>,
      %mul3A_642 = arith.mulf %get3A_608, %gather3A_641 : vector<16xf32>
      %add3A_643 = arith.addf %add3A_584, %mul3A_642 : vector<16xf32>
      %broadcast_in_dim3A_644 = arith.constant 4 : i32
      %broadcast_in_dim3A_645 = vector.broadcast %broadcast_in_dim3A_644 : i32 to vector<16xi32>
      %gather3A_646 = tpu.vector_load_idx %arg13[%shift_right_arithmetic3A_620, %broadcast_in_dim3A_645, %and3A_623] : memref<50x8x50xf32, #tpu.memory_space<vmem>>[vector<16xi32>, vector<16xi32>, vector<16xi32>], vector<16xf32>,
      %mul3A_647 = arith.mulf %get3A_608, %gather3A_646 : vector<16xf32>
      %add3A_648 = arith.addf %add3A_589, %mul3A_647 : vector<16xf32>
      %broadcast_in_dim3A_649 = arith.constant 5 : i32
      %broadcast_in_dim3A_650 = vector.broadcast %broadcast_in_dim3A_649 : i32 to vector<16xi32>
      %gather3A_651 = tpu.vector_load_idx %arg13[%shift_right_arithmetic3A_620, %broadcast_in_dim3A_650, %and3A_623] : memref<50x8x50xf32, #tpu.memory_space<vmem>>[vector<16xi32>, vector<16xi32>, vector<16xi32>], vector<16xf32>,
      %mul3A_652 = arith.mulf %get3A_608, %gather3A_651 : vector<16xf32>
      %add3A_653 = arith.addf %add3A_594, %mul3A_652 : vector<16xf32>
      %broadcast_in_dim3A_654 = arith.constant 6 : i32
      %broadcast_in_dim3A_655 = vector.broadcast %broadcast_in_dim3A_654 : i32 to vector<16xi32>
      %gather3A_656 = tpu.vector_load_idx %arg13[%shift_right_arithmetic3A_620, %broadcast_in_dim3A_655, %and3A_623] : memref<50x8x50xf32, #tpu.memory_space<vmem>>[vector<16xi32>, vector<16xi32>, vector<16xi32>], vector<16xf32>,
      %mul3A_657 = arith.mulf %get3A_608, %gather3A_656 : vector<16xf32>
      %add3A_658 = arith.addf %add3A_599, %mul3A_657 : vector<16xf32>
      %broadcast_in_dim3A_659 = arith.constant 7 : i32
      %broadcast_in_dim3A_660 = vector.broadcast %broadcast_in_dim3A_659 : i32 to vector<16xi32>
      %gather3A_661 = tpu.vector_load_idx %arg13[%shift_right_arithmetic3A_620, %broadcast_in_dim3A_660, %and3A_623] : memref<50x8x50xf32, #tpu.memory_space<vmem>>[vector<16xi32>, vector<16xi32>, vector<16xi32>], vector<16xf32>,
      %mul3A_662 = arith.mulf %get3A_608, %gather3A_661 : vector<16xf32>
      %add3A_663 = arith.addf %add3A_604, %mul3A_662 : vector<16xf32>
      %get3A_664 = arith.constant 7 : i32
      %get3A_665 = arith.index_cast %get3A_664 : i32 to index
      %get3A_666 = arith.index_cast %mul3A_495 : i32 to index
      %get3A_667 = tpu.vector_load %arg11[%get3A_665, %get3A_666] {strides = array<i32>} : memref<12x512xf32, #tpu.memory_space<vmem>>, vector<16xf32>,
      %add3A_668 = arith.constant 1536 : i32
      %add3A_669 = arith.addi %add3A_668, %mul3A_495 : i32
      %shift_right_arithmetic3A_670 = arith.constant 7 : i32
      %shift_right_arithmetic3A_671 = arith.shrsi %add3A_669, %shift_right_arithmetic3A_670 : i32
      %and3A_672 = arith.constant 127 : i32
      %and3A_673 = arith.andi %add3A_669, %and3A_672 : i32
      %get3A_674 = arith.index_cast %shift_right_arithmetic3A_671 : i32 to index
      %get3A_675 = arith.index_cast %and3A_673 : i32 to index
      %get3A_676 = tpu.vector_load %arg9[%get3A_674, %get3A_675] {strides = array<i32>} : memref<16x128xi32, #tpu.memory_space<vmem>>, vector<16xi32>,
      %shift_right_arithmetic3A_677 = arith.constant 9 : i32
      %shift_right_arithmetic3A_678 = vector.broadcast %shift_right_arithmetic3A_677 : i32 to vector<16xi32>
      %shift_right_arithmetic3A_679 = arith.shrsi %get3A_676, %shift_right_arithmetic3A_678 : vector<16xi32>
      %and3A_680 = arith.constant 511 : i32
      %and3A_681 = vector.broadcast %and3A_680 : i32 to vector<16xi32>
      %and3A_682 = arith.andi %get3A_676, %and3A_681 : vector<16xi32>
      %broadcast_in_dim3A_683 = arith.constant 0 : i32
      %broadcast_in_dim3A_684 = vector.broadcast %broadcast_in_dim3A_683 : i32 to vector<16xi32>
      %gather3A_685 = tpu.vector_load_idx %arg13[%shift_right_arithmetic3A_679, %broadcast_in_dim3A_684, %and3A_682] : memref<50x8x50xf32, #tpu.memory_space<vmem>>[vector<16xi32>, vector<16xi32>, vector<16xi32>], vector<16xf32>,
      %mul3A_686 = arith.mulf %get3A_667, %gather3A_685 : vector<16xf32>
      %add3A_687 = arith.addf %add3A_628, %mul3A_686 : vector<16xf32>
      %broadcast_in_dim3A_688 = arith.constant 1 : i32
      %broadcast_in_dim3A_689 = vector.broadcast %broadcast_in_dim3A_688 : i32 to vector<16xi32>
      %gather3A_690 = tpu.vector_load_idx %arg13[%shift_right_arithmetic3A_679, %broadcast_in_dim3A_689, %and3A_682] : memref<50x8x50xf32, #tpu.memory_space<vmem>>[vector<16xi32>, vector<16xi32>, vector<16xi32>], vector<16xf32>,
      %mul3A_691 = arith.mulf %get3A_667, %gather3A_690 : vector<16xf32>
      %add3A_692 = arith.addf %add3A_633, %mul3A_691 : vector<16xf32>
      %broadcast_in_dim3A_693 = arith.constant 2 : i32
      %broadcast_in_dim3A_694 = vector.broadcast %broadcast_in_dim3A_693 : i32 to vector<16xi32>
      %gather3A_695 = tpu.vector_load_idx %arg13[%shift_right_arithmetic3A_679, %broadcast_in_dim3A_694, %and3A_682] : memref<50x8x50xf32, #tpu.memory_space<vmem>>[vector<16xi32>, vector<16xi32>, vector<16xi32>], vector<16xf32>,
      %mul3A_696 = arith.mulf %get3A_667, %gather3A_695 : vector<16xf32>
      %add3A_697 = arith.addf %add3A_638, %mul3A_696 : vector<16xf32>
      %broadcast_in_dim3A_698 = arith.constant 3 : i32
      %broadcast_in_dim3A_699 = vector.broadcast %broadcast_in_dim3A_698 : i32 to vector<16xi32>
      %gather3A_700 = tpu.vector_load_idx %arg13[%shift_right_arithmetic3A_679, %broadcast_in_dim3A_699, %and3A_682] : memref<50x8x50xf32, #tpu.memory_space<vmem>>[vector<16xi32>, vector<16xi32>, vector<16xi32>], vector<16xf32>,
      %mul3A_701 = arith.mulf %get3A_667, %gather3A_700 : vector<16xf32>
      %add3A_702 = arith.addf %add3A_643, %mul3A_701 : vector<16xf32>
      %broadcast_in_dim3A_703 = arith.constant 4 : i32
      %broadcast_in_dim3A_704 = vector.broadcast %broadcast_in_dim3A_703 : i32 to vector<16xi32>
      %gather3A_705 = tpu.vector_load_idx %arg13[%shift_right_arithmetic3A_679, %broadcast_in_dim3A_704, %and3A_682] : memref<50x8x50xf32, #tpu.memory_space<vmem>>[vector<16xi32>, vector<16xi32>, vector<16xi32>], vector<16xf32>,
      %mul3A_706 = arith.mulf %get3A_667, %gather3A_705 : vector<16xf32>
      %add3A_707 = arith.addf %add3A_648, %mul3A_706 : vector<16xf32>
      %broadcast_in_dim3A_708 = arith.constant 5 : i32
      %broadcast_in_dim3A_709 = vector.broadcast %broadcast_in_dim3A_708 : i32 to vector<16xi32>
      %gather3A_710 = tpu.vector_load_idx %arg13[%shift_right_arithmetic3A_679, %broadcast_in_dim3A_709, %and3A_682] : memref<50x8x50xf32, #tpu.memory_space<vmem>>[vector<16xi32>, vector<16xi32>, vector<16xi32>], vector<16xf32>,
      %mul3A_711 = arith.mulf %get3A_667, %gather3A_710 : vector<16xf32>
      %add3A_712 = arith.addf %add3A_653, %mul3A_711 : vector<16xf32>
      %broadcast_in_dim3A_713 = arith.constant 6 : i32
      %broadcast_in_dim3A_714 = vector.broadcast %broadcast_in_dim3A_713 : i32 to vector<16xi32>
      %gather3A_715 = tpu.vector_load_idx %arg13[%shift_right_arithmetic3A_679, %broadcast_in_dim3A_714, %and3A_682] : memref<50x8x50xf32, #tpu.memory_space<vmem>>[vector<16xi32>, vector<16xi32>, vector<16xi32>], vector<16xf32>,
      %mul3A_716 = arith.mulf %get3A_667, %gather3A_715 : vector<16xf32>
      %add3A_717 = arith.addf %add3A_658, %mul3A_716 : vector<16xf32>
      %broadcast_in_dim3A_718 = arith.constant 7 : i32
      %broadcast_in_dim3A_719 = vector.broadcast %broadcast_in_dim3A_718 : i32 to vector<16xi32>
      %gather3A_720 = tpu.vector_load_idx %arg13[%shift_right_arithmetic3A_679, %broadcast_in_dim3A_719, %and3A_682] : memref<50x8x50xf32, #tpu.memory_space<vmem>>[vector<16xi32>, vector<16xi32>, vector<16xi32>], vector<16xf32>,
      %mul3A_721 = arith.mulf %get3A_667, %gather3A_720 : vector<16xf32>
      %add3A_722 = arith.addf %add3A_663, %mul3A_721 : vector<16xf32>
      %swap3A = arith.constant 8 : i32
      %swap3A_723 = arith.index_cast %shift_right_arithmetic3A_496 : i32 to index
      %swap3A_724 = arith.index_cast %swap3A : i32 to index
      %swap3A_725 = arith.index_cast %and3A_497 : i32 to index
      %swap3A_726 = tpu.vector_load %arg15[%swap3A_723, %swap3A_724, %swap3A_725] {strides = array<i32>} : memref<4x24x128xf32, #tpu.memory_space<vmem>>, vector<16xf32>,
      tpu.vector_store %arg15[%swap3A_723, %swap3A_724, %swap3A_725], %add3A_687 {strides = array<i32>} : memref<4x24x128xf32, #tpu.memory_space<vmem>>, vector<16xf32>,
      %swap3A_727 = arith.constant 9 : i32
      %swap3A_728 = arith.index_cast %shift_right_arithmetic3A_496 : i32 to index
      %swap3A_729 = arith.index_cast %swap3A_727 : i32 to index
      %swap3A_730 = arith.index_cast %and3A_497 : i32 to index
      %swap3A_731 = tpu.vector_load %arg15[%swap3A_728, %swap3A_729, %swap3A_730] {strides = array<i32>} : memref<4x24x128xf32, #tpu.memory_space<vmem>>, vector<16xf32>,
      tpu.vector_store %arg15[%swap3A_728, %swap3A_729, %swap3A_730], %add3A_692 {strides = array<i32>} : memref<4x24x128xf32, #tpu.memory_space<vmem>>, vector<16xf32>,
      %swap3A_732 = arith.constant 10 : i32
      %swap3A_733 = arith.index_cast %shift_right_arithmetic3A_496 : i32 to index
      %swap3A_734 = arith.index_cast %swap3A_732 : i32 to index
      %swap3A_735 = arith.index_cast %and3A_497 : i32 to index
      %swap3A_736 = tpu.vector_load %arg15[%swap3A_733, %swap3A_734, %swap3A_735] {strides = array<i32>} : memref<4x24x128xf32, #tpu.memory_space<vmem>>, vector<16xf32>,
      tpu.vector_store %arg15[%swap3A_733, %swap3A_734, %swap3A_735], %add3A_697 {strides = array<i32>} : memref<4x24x128xf32, #tpu.memory_space<vmem>>, vector<16xf32>,
      %swap3A_737 = arith.constant 11 : i32
      %swap3A_738 = arith.index_cast %shift_right_arithmetic3A_496 : i32 to index
      %swap3A_739 = arith.index_cast %swap3A_737 : i32 to index
      %swap3A_740 = arith.index_cast %and3A_497 : i32 to index
      %swap3A_741 = tpu.vector_load %arg15[%swap3A_738, %swap3A_739, %swap3A_740] {strides = array<i32>} : memref<4x24x128xf32, #tpu.memory_space<vmem>>, vector<16xf32>,
      tpu.vector_store %arg15[%swap3A_738, %swap3A_739, %swap3A_740], %add3A_702 {strides = array<i32>} : memref<4x24x128xf32, #tpu.memory_space<vmem>>, vector<16xf32>,
      %swap3A_742 = arith.constant 12 : i32
      %swap3A_743 = arith.index_cast %shift_right_arithmetic3A_496 : i32 to index
      %swap3A_744 = arith.index_cast %swap3A_742 : i32 to index
      %swap3A_745 = arith.index_cast %and3A_497 : i32 to index
      %swap3A_746 = tpu.vector_load %arg15[%swap3A_743, %swap3A_744, %swap3A_745] {strides = array<i32>} : memref<4x24x128xf32, #tpu.memory_space<vmem>>, vector<16xf32>,
      tpu.vector_store %arg15[%swap3A_743, %swap3A_744, %swap3A_745], %add3A_707 {strides = array<i32>} : memref<4x24x128xf32, #tpu.memory_space<vmem>>, vector<16xf32>,
      %swap3A_747 = arith.constant 13 : i32
      %swap3A_748 = arith.index_cast %shift_right_arithmetic3A_496 : i32 to index
      %swap3A_749 = arith.index_cast %swap3A_747 : i32 to index
      %swap3A_750 = arith.index_cast %and3A_497 : i32 to index
      %swap3A_751 = tpu.vector_load %arg15[%swap3A_748, %swap3A_749, %swap3A_750] {strides = array<i32>} : memref<4x24x128xf32, #tpu.memory_space<vmem>>, vector<16xf32>,
      tpu.vector_store %arg15[%swap3A_748, %swap3A_749, %swap3A_750], %add3A_712 {strides = array<i32>} : memref<4x24x128xf32, #tpu.memory_space<vmem>>, vector<16xf32>,
      %swap3A_752 = arith.constant 14 : i32
      %swap3A_753 = arith.index_cast %shift_right_arithmetic3A_496 : i32 to index
      %swap3A_754 = arith.index_cast %swap3A_752 : i32 to index
      %swap3A_755 = arith.index_cast %and3A_497 : i32 to index
      %swap3A_756 = tpu.vector_load %arg15[%swap3A_753, %swap3A_754, %swap3A_755] {strides = array<i32>} : memref<4x24x128xf32, #tpu.memory_space<vmem>>, vector<16xf32>,
      tpu.vector_store %arg15[%swap3A_753, %swap3A_754, %swap3A_755], %add3A_717 {strides = array<i32>} : memref<4x24x128xf32, #tpu.memory_space<vmem>>, vector<16xf32>,
      %swap3A_757 = arith.constant 15 : i32
      %swap3A_758 = arith.index_cast %shift_right_arithmetic3A_496 : i32 to index
      %swap3A_759 = arith.index_cast %swap3A_757 : i32 to index
      %swap3A_760 = arith.index_cast %and3A_497 : i32 to index
      %swap3A_761 = tpu.vector_load %arg15[%swap3A_758, %swap3A_759, %swap3A_760] {strides = array<i32>} : memref<4x24x128xf32, #tpu.memory_space<vmem>>, vector<16xf32>,
      tpu.vector_store %arg15[%swap3A_758, %swap3A_759, %swap3A_760], %add3A_722 {strides = array<i32>} : memref<4x24x128xf32, #tpu.memory_space<vmem>>, vector<16xf32>,
      %get3A_762 = arith.constant 8 : i32
      %get3A_763 = arith.index_cast %get3A_762 : i32 to index
      %get3A_764 = arith.index_cast %mul3A_495 : i32 to index
      %get3A_765 = tpu.vector_load %arg11[%get3A_763, %get3A_764] {strides = array<i32>} : memref<12x512xf32, #tpu.memory_space<vmem>>, vector<16xf32>,
      %add3A_766 = arith.constant 0 : i32
      %add3A_767 = arith.addi %add3A_766, %mul3A_495 : i32
      %shift_right_arithmetic3A_768 = arith.constant 7 : i32
      %shift_right_arithmetic3A_769 = arith.shrsi %add3A_767, %shift_right_arithmetic3A_768 : i32
      %and3A_770 = arith.constant 127 : i32
      %and3A_771 = arith.andi %add3A_767, %and3A_770 : i32
      %get3A_772 = arith.index_cast %shift_right_arithmetic3A_769 : i32 to index
      %get3A_773 = arith.index_cast %and3A_771 : i32 to index
      %get3A_774 = tpu.vector_load %arg10[%get3A_772, %get3A_773] {strides = array<i32>} : memref<16x128xi32, #tpu.memory_space<vmem>>, vector<16xi32>,
      %shift_right_arithmetic3A_775 = arith.constant 9 : i32
      %shift_right_arithmetic3A_776 = vector.broadcast %shift_right_arithmetic3A_775 : i32 to vector<16xi32>
      %shift_right_arithmetic3A_777 = arith.shrsi %get3A_774, %shift_right_arithmetic3A_776 : vector<16xi32>
      %and3A_778 = arith.constant 511 : i32
      %and3A_779 = vector.broadcast %and3A_778 : i32 to vector<16xi32>
      %and3A_780 = arith.andi %get3A_774, %and3A_779 : vector<16xi32>
      %broadcast_in_dim3A_781 = arith.constant 0 : i32
      %broadcast_in_dim3A_782 = vector.broadcast %broadcast_in_dim3A_781 : i32 to vector<16xi32>
      %gather3A_783 = tpu.vector_load_idx %arg14[%shift_right_arithmetic3A_777, %broadcast_in_dim3A_782, %and3A_780] : memref<50x8x50xf32, #tpu.memory_space<vmem>>[vector<16xi32>, vector<16xi32>, vector<16xi32>], vector<16xf32>,
      %mul3A_784 = arith.mulf %get3A_765, %gather3A_783 : vector<16xf32>
      %broadcast_in_dim3A_785 = arith.constant 1 : i32
      %broadcast_in_dim3A_786 = vector.broadcast %broadcast_in_dim3A_785 : i32 to vector<16xi32>
      %gather3A_787 = tpu.vector_load_idx %arg14[%shift_right_arithmetic3A_777, %broadcast_in_dim3A_786, %and3A_780] : memref<50x8x50xf32, #tpu.memory_space<vmem>>[vector<16xi32>, vector<16xi32>, vector<16xi32>], vector<16xf32>,
      %mul3A_788 = arith.mulf %get3A_765, %gather3A_787 : vector<16xf32>
      %broadcast_in_dim3A_789 = arith.constant 2 : i32
      %broadcast_in_dim3A_790 = vector.broadcast %broadcast_in_dim3A_789 : i32 to vector<16xi32>
      %gather3A_791 = tpu.vector_load_idx %arg14[%shift_right_arithmetic3A_777, %broadcast_in_dim3A_790, %and3A_780] : memref<50x8x50xf32, #tpu.memory_space<vmem>>[vector<16xi32>, vector<16xi32>, vector<16xi32>], vector<16xf32>,
      %mul3A_792 = arith.mulf %get3A_765, %gather3A_791 : vector<16xf32>
      %broadcast_in_dim3A_793 = arith.constant 3 : i32
      %broadcast_in_dim3A_794 = vector.broadcast %broadcast_in_dim3A_793 : i32 to vector<16xi32>
      %gather3A_795 = tpu.vector_load_idx %arg14[%shift_right_arithmetic3A_777, %broadcast_in_dim3A_794, %and3A_780] : memref<50x8x50xf32, #tpu.memory_space<vmem>>[vector<16xi32>, vector<16xi32>, vector<16xi32>], vector<16xf32>,
      %mul3A_796 = arith.mulf %get3A_765, %gather3A_795 : vector<16xf32>
      %broadcast_in_dim3A_797 = arith.constant 4 : i32
      %broadcast_in_dim3A_798 = vector.broadcast %broadcast_in_dim3A_797 : i32 to vector<16xi32>
      %gather3A_799 = tpu.vector_load_idx %arg14[%shift_right_arithmetic3A_777, %broadcast_in_dim3A_798, %and3A_780] : memref<50x8x50xf32, #tpu.memory_space<vmem>>[vector<16xi32>, vector<16xi32>, vector<16xi32>], vector<16xf32>,
      %mul3A_800 = arith.mulf %get3A_765, %gather3A_799 : vector<16xf32>
      %broadcast_in_dim3A_801 = arith.constant 5 : i32
      %broadcast_in_dim3A_802 = vector.broadcast %broadcast_in_dim3A_801 : i32 to vector<16xi32>
      %gather3A_803 = tpu.vector_load_idx %arg14[%shift_right_arithmetic3A_777, %broadcast_in_dim3A_802, %and3A_780] : memref<50x8x50xf32, #tpu.memory_space<vmem>>[vector<16xi32>, vector<16xi32>, vector<16xi32>], vector<16xf32>,
      %mul3A_804 = arith.mulf %get3A_765, %gather3A_803 : vector<16xf32>
      %broadcast_in_dim3A_805 = arith.constant 6 : i32
      %broadcast_in_dim3A_806 = vector.broadcast %broadcast_in_dim3A_805 : i32 to vector<16xi32>
      %gather3A_807 = tpu.vector_load_idx %arg14[%shift_right_arithmetic3A_777, %broadcast_in_dim3A_806, %and3A_780] : memref<50x8x50xf32, #tpu.memory_space<vmem>>[vector<16xi32>, vector<16xi32>, vector<16xi32>], vector<16xf32>,
      %mul3A_808 = arith.mulf %get3A_765, %gather3A_807 : vector<16xf32>
      %broadcast_in_dim3A_809 = arith.constant 7 : i32
      %broadcast_in_dim3A_810 = vector.broadcast %broadcast_in_dim3A_809 : i32 to vector<16xi32>
      %gather3A_811 = tpu.vector_load_idx %arg14[%shift_right_arithmetic3A_777, %broadcast_in_dim3A_810, %and3A_780] : memref<50x8x50xf32, #tpu.memory_space<vmem>>[vector<16xi32>, vector<16xi32>, vector<16xi32>], vector<16xf32>,
      %mul3A_812 = arith.mulf %get3A_765, %gather3A_811 : vector<16xf32>
      %get3A_813 = arith.constant 9 : i32
      %get3A_814 = arith.index_cast %get3A_813 : i32 to index
      %get3A_815 = arith.index_cast %mul3A_495 : i32 to index
      %get3A_816 = tpu.vector_load %arg11[%get3A_814, %get3A_815] {strides = array<i32>} : memref<12x512xf32, #tpu.memory_space<vmem>>, vector<16xf32>,
      %add3A_817 = arith.constant 512 : i32
      %add3A_818 = arith.addi %add3A_817, %mul3A_495 : i32
      %shift_right_arithmetic3A_819 = arith.constant 7 : i32
      %shift_right_arithmetic3A_820 = arith.shrsi %add3A_818, %shift_right_arithmetic3A_819 : i32
      %and3A_821 = arith.constant 127 : i32
      %and3A_822 = arith.andi %add3A_818, %and3A_821 : i32
      %get3A_823 = arith.index_cast %shift_right_arithmetic3A_820 : i32 to index
      %get3A_824 = arith.index_cast %and3A_822 : i32 to index
      %get3A_825 = tpu.vector_load %arg10[%get3A_823, %get3A_824] {strides = array<i32>} : memref<16x128xi32, #tpu.memory_space<vmem>>, vector<16xi32>,
      %shift_right_arithmetic3A_826 = arith.constant 9 : i32
      %shift_right_arithmetic3A_827 = vector.broadcast %shift_right_arithmetic3A_826 : i32 to vector<16xi32>
      %shift_right_arithmetic3A_828 = arith.shrsi %get3A_825, %shift_right_arithmetic3A_827 : vector<16xi32>
      %and3A_829 = arith.constant 511 : i32
      %and3A_830 = vector.broadcast %and3A_829 : i32 to vector<16xi32>
      %and3A_831 = arith.andi %get3A_825, %and3A_830 : vector<16xi32>
      %broadcast_in_dim3A_832 = arith.constant 0 : i32
      %broadcast_in_dim3A_833 = vector.broadcast %broadcast_in_dim3A_832 : i32 to vector<16xi32>
      %gather3A_834 = tpu.vector_load_idx %arg14[%shift_right_arithmetic3A_828, %broadcast_in_dim3A_833, %and3A_831] : memref<50x8x50xf32, #tpu.memory_space<vmem>>[vector<16xi32>, vector<16xi32>, vector<16xi32>], vector<16xf32>,
      %mul3A_835 = arith.mulf %get3A_816, %gather3A_834 : vector<16xf32>
      %add3A_836 = arith.addf %mul3A_784, %mul3A_835 : vector<16xf32>
      %broadcast_in_dim3A_837 = arith.constant 1 : i32
      %broadcast_in_dim3A_838 = vector.broadcast %broadcast_in_dim3A_837 : i32 to vector<16xi32>
      %gather3A_839 = tpu.vector_load_idx %arg14[%shift_right_arithmetic3A_828, %broadcast_in_dim3A_838, %and3A_831] : memref<50x8x50xf32, #tpu.memory_space<vmem>>[vector<16xi32>, vector<16xi32>, vector<16xi32>], vector<16xf32>,
      %mul3A_840 = arith.mulf %get3A_816, %gather3A_839 : vector<16xf32>
      %add3A_841 = arith.addf %mul3A_788, %mul3A_840 : vector<16xf32>
      %broadcast_in_dim3A_842 = arith.constant 2 : i32
      %broadcast_in_dim3A_843 = vector.broadcast %broadcast_in_dim3A_842 : i32 to vector<16xi32>
      %gather3A_844 = tpu.vector_load_idx %arg14[%shift_right_arithmetic3A_828, %broadcast_in_dim3A_843, %and3A_831] : memref<50x8x50xf32, #tpu.memory_space<vmem>>[vector<16xi32>, vector<16xi32>, vector<16xi32>], vector<16xf32>,
      %mul3A_845 = arith.mulf %get3A_816, %gather3A_844 : vector<16xf32>
      %add3A_846 = arith.addf %mul3A_792, %mul3A_845 : vector<16xf32>
      %broadcast_in_dim3A_847 = arith.constant 3 : i32
      %broadcast_in_dim3A_848 = vector.broadcast %broadcast_in_dim3A_847 : i32 to vector<16xi32>
      %gather3A_849 = tpu.vector_load_idx %arg14[%shift_right_arithmetic3A_828, %broadcast_in_dim3A_848, %and3A_831] : memref<50x8x50xf32, #tpu.memory_space<vmem>>[vector<16xi32>, vector<16xi32>, vector<16xi32>], vector<16xf32>,
      %mul3A_850 = arith.mulf %get3A_816, %gather3A_849 : vector<16xf32>
      %add3A_851 = arith.addf %mul3A_796, %mul3A_850 : vector<16xf32>
      %broadcast_in_dim3A_852 = arith.constant 4 : i32
      %broadcast_in_dim3A_853 = vector.broadcast %broadcast_in_dim3A_852 : i32 to vector<16xi32>
      %gather3A_854 = tpu.vector_load_idx %arg14[%shift_right_arithmetic3A_828, %broadcast_in_dim3A_853, %and3A_831] : memref<50x8x50xf32, #tpu.memory_space<vmem>>[vector<16xi32>, vector<16xi32>, vector<16xi32>], vector<16xf32>,
      %mul3A_855 = arith.mulf %get3A_816, %gather3A_854 : vector<16xf32>
      %add3A_856 = arith.addf %mul3A_800, %mul3A_855 : vector<16xf32>
      %broadcast_in_dim3A_857 = arith.constant 5 : i32
      %broadcast_in_dim3A_858 = vector.broadcast %broadcast_in_dim3A_857 : i32 to vector<16xi32>
      %gather3A_859 = tpu.vector_load_idx %arg14[%shift_right_arithmetic3A_828, %broadcast_in_dim3A_858, %and3A_831] : memref<50x8x50xf32, #tpu.memory_space<vmem>>[vector<16xi32>, vector<16xi32>, vector<16xi32>], vector<16xf32>,
      %mul3A_860 = arith.mulf %get3A_816, %gather3A_859 : vector<16xf32>
      %add3A_861 = arith.addf %mul3A_804, %mul3A_860 : vector<16xf32>
      %broadcast_in_dim3A_862 = arith.constant 6 : i32
      %broadcast_in_dim3A_863 = vector.broadcast %broadcast_in_dim3A_862 : i32 to vector<16xi32>
      %gather3A_864 = tpu.vector_load_idx %arg14[%shift_right_arithmetic3A_828, %broadcast_in_dim3A_863, %and3A_831] : memref<50x8x50xf32, #tpu.memory_space<vmem>>[vector<16xi32>, vector<16xi32>, vector<16xi32>], vector<16xf32>,
      %mul3A_865 = arith.mulf %get3A_816, %gather3A_864 : vector<16xf32>
      %add3A_866 = arith.addf %mul3A_808, %mul3A_865 : vector<16xf32>
      %broadcast_in_dim3A_867 = arith.constant 7 : i32
      %broadcast_in_dim3A_868 = vector.broadcast %broadcast_in_dim3A_867 : i32 to vector<16xi32>
      %gather3A_869 = tpu.vector_load_idx %arg14[%shift_right_arithmetic3A_828, %broadcast_in_dim3A_868, %and3A_831] : memref<50x8x50xf32, #tpu.memory_space<vmem>>[vector<16xi32>, vector<16xi32>, vector<16xi32>], vector<16xf32>,
      %mul3A_870 = arith.mulf %get3A_816, %gather3A_869 : vector<16xf32>
      %add3A_871 = arith.addf %mul3A_812, %mul3A_870 : vector<16xf32>
      %get3A_872 = arith.constant 10 : i32
      %get3A_873 = arith.index_cast %get3A_872 : i32 to index
      %get3A_874 = arith.index_cast %mul3A_495 : i32 to index
      %get3A_875 = tpu.vector_load %arg11[%get3A_873, %get3A_874] {strides = array<i32>} : memref<12x512xf32, #tpu.memory_space<vmem>>, vector<16xf32>,
      %add3A_876 = arith.constant 1024 : i32
      %add3A_877 = arith.addi %add3A_876, %mul3A_495 : i32
      %shift_right_arithmetic3A_878 = arith.constant 7 : i32
      %shift_right_arithmetic3A_879 = arith.shrsi %add3A_877, %shift_right_arithmetic3A_878 : i32
      %and3A_880 = arith.constant 127 : i32
      %and3A_881 = arith.andi %add3A_877, %and3A_880 : i32
      %get3A_882 = arith.index_cast %shift_right_arithmetic3A_879 : i32 to index
      %get3A_883 = arith.index_cast %and3A_881 : i32 to index
      %get3A_884 = tpu.vector_load %arg10[%get3A_882, %get3A_883] {strides = array<i32>} : memref<16x128xi32, #tpu.memory_space<vmem>>, vector<16xi32>,
      %shift_right_arithmetic3A_885 = arith.constant 9 : i32
      %shift_right_arithmetic3A_886 = vector.broadcast %shift_right_arithmetic3A_885 : i32 to vector<16xi32>
      %shift_right_arithmetic3A_887 = arith.shrsi %get3A_884, %shift_right_arithmetic3A_886 : vector<16xi32>
      %and3A_888 = arith.constant 511 : i32
      %and3A_889 = vector.broadcast %and3A_888 : i32 to vector<16xi32>
      %and3A_890 = arith.andi %get3A_884, %and3A_889 : vector<16xi32>
      %broadcast_in_dim3A_891 = arith.constant 0 : i32
      %broadcast_in_dim3A_892 = vector.broadcast %broadcast_in_dim3A_891 : i32 to vector<16xi32>
      %gather3A_893 = tpu.vector_load_idx %arg14[%shift_right_arithmetic3A_887, %broadcast_in_dim3A_892, %and3A_890] : memref<50x8x50xf32, #tpu.memory_space<vmem>>[vector<16xi32>, vector<16xi32>, vector<16xi32>], vector<16xf32>,
      %mul3A_894 = arith.mulf %get3A_875, %gather3A_893 : vector<16xf32>
      %add3A_895 = arith.addf %add3A_836, %mul3A_894 : vector<16xf32>
      %broadcast_in_dim3A_896 = arith.constant 1 : i32
      %broadcast_in_dim3A_897 = vector.broadcast %broadcast_in_dim3A_896 : i32 to vector<16xi32>
      %gather3A_898 = tpu.vector_load_idx %arg14[%shift_right_arithmetic3A_887, %broadcast_in_dim3A_897, %and3A_890] : memref<50x8x50xf32, #tpu.memory_space<vmem>>[vector<16xi32>, vector<16xi32>, vector<16xi32>], vector<16xf32>,
      %mul3A_899 = arith.mulf %get3A_875, %gather3A_898 : vector<16xf32>
      %add3A_900 = arith.addf %add3A_841, %mul3A_899 : vector<16xf32>
      %broadcast_in_dim3A_901 = arith.constant 2 : i32
      %broadcast_in_dim3A_902 = vector.broadcast %broadcast_in_dim3A_901 : i32 to vector<16xi32>
      %gather3A_903 = tpu.vector_load_idx %arg14[%shift_right_arithmetic3A_887, %broadcast_in_dim3A_902, %and3A_890] : memref<50x8x50xf32, #tpu.memory_space<vmem>>[vector<16xi32>, vector<16xi32>, vector<16xi32>], vector<16xf32>,
      %mul3A_904 = arith.mulf %get3A_875, %gather3A_903 : vector<16xf32>
      %add3A_905 = arith.addf %add3A_846, %mul3A_904 : vector<16xf32>
      %broadcast_in_dim3A_906 = arith.constant 3 : i32
      %broadcast_in_dim3A_907 = vector.broadcast %broadcast_in_dim3A_906 : i32 to vector<16xi32>
      %gather3A_908 = tpu.vector_load_idx %arg14[%shift_right_arithmetic3A_887, %broadcast_in_dim3A_907, %and3A_890] : memref<50x8x50xf32, #tpu.memory_space<vmem>>[vector<16xi32>, vector<16xi32>, vector<16xi32>], vector<16xf32>,
      %mul3A_909 = arith.mulf %get3A_875, %gather3A_908 : vector<16xf32>
      %add3A_910 = arith.addf %add3A_851, %mul3A_909 : vector<16xf32>
      %broadcast_in_dim3A_911 = arith.constant 4 : i32
      %broadcast_in_dim3A_912 = vector.broadcast %broadcast_in_dim3A_911 : i32 to vector<16xi32>
      %gather3A_913 = tpu.vector_load_idx %arg14[%shift_right_arithmetic3A_887, %broadcast_in_dim3A_912, %and3A_890] : memref<50x8x50xf32, #tpu.memory_space<vmem>>[vector<16xi32>, vector<16xi32>, vector<16xi32>], vector<16xf32>,
      %mul3A_914 = arith.mulf %get3A_875, %gather3A_913 : vector<16xf32>
      %add3A_915 = arith.addf %add3A_856, %mul3A_914 : vector<16xf32>
      %broadcast_in_dim3A_916 = arith.constant 5 : i32
      %broadcast_in_dim3A_917 = vector.broadcast %broadcast_in_dim3A_916 : i32 to vector<16xi32>
      %gather3A_918 = tpu.vector_load_idx %arg14[%shift_right_arithmetic3A_887, %broadcast_in_dim3A_917, %and3A_890] : memref<50x8x50xf32, #tpu.memory_space<vmem>>[vector<16xi32>, vector<16xi32>, vector<16xi32>], vector<16xf32>,
      %mul3A_919 = arith.mulf %get3A_875, %gather3A_918 : vector<16xf32>
      %add3A_920 = arith.addf %add3A_861, %mul3A_919 : vector<16xf32>
      %broadcast_in_dim3A_921 = arith.constant 6 : i32
      %broadcast_in_dim3A_922 = vector.broadcast %broadcast_in_dim3A_921 : i32 to vector<16xi32>
      %gather3A_923 = tpu.vector_load_idx %arg14[%shift_right_arithmetic3A_887, %broadcast_in_dim3A_922, %and3A_890] : memref<50x8x50xf32, #tpu.memory_space<vmem>>[vector<16xi32>, vector<16xi32>, vector<16xi32>], vector<16xf32>,
      %mul3A_924 = arith.mulf %get3A_875, %gather3A_923 : vector<16xf32>
      %add3A_925 = arith.addf %add3A_866, %mul3A_924 : vector<16xf32>
      %broadcast_in_dim3A_926 = arith.constant 7 : i32
      %broadcast_in_dim3A_927 = vector.broadcast %broadcast_in_dim3A_926 : i32 to vector<16xi32>
      %gather3A_928 = tpu.vector_load_idx %arg14[%shift_right_arithmetic3A_887, %broadcast_in_dim3A_927, %and3A_890] : memref<50x8x50xf32, #tpu.memory_space<vmem>>[vector<16xi32>, vector<16xi32>, vector<16xi32>], vector<16xf32>,
      %mul3A_929 = arith.mulf %get3A_875, %gather3A_928 : vector<16xf32>
      %add3A_930 = arith.addf %add3A_871, %mul3A_929 : vector<16xf32>
      %get3A_931 = arith.constant 11 : i32
      %get3A_932 = arith.index_cast %get3A_931 : i32 to index
      %get3A_933 = arith.index_cast %mul3A_495 : i32 to index
      %get3A_934 = tpu.vector_load %arg11[%get3A_932, %get3A_933] {strides = array<i32>} : memref<12x512xf32, #tpu.memory_space<vmem>>, vector<16xf32>,
      %add3A_935 = arith.constant 1536 : i32
      %add3A_936 = arith.addi %add3A_935, %mul3A_495 : i32
      %shift_right_arithmetic3A_937 = arith.constant 7 : i32
      %shift_right_arithmetic3A_938 = arith.shrsi %add3A_936, %shift_right_arithmetic3A_937 : i32
      %and3A_939 = arith.constant 127 : i32
      %and3A_940 = arith.andi %add3A_936, %and3A_939 : i32
      %get3A_941 = arith.index_cast %shift_right_arithmetic3A_938 : i32 to index
      %get3A_942 = arith.index_cast %and3A_940 : i32 to index
      %get3A_943 = tpu.vector_load %arg10[%get3A_941, %get3A_942] {strides = array<i32>} : memref<16x128xi32, #tpu.memory_space<vmem>>, vector<16xi32>,
      %shift_right_arithmetic3A_944 = arith.constant 9 : i32
      %shift_right_arithmetic3A_945 = vector.broadcast %shift_right_arithmetic3A_944 : i32 to vector<16xi32>
      %shift_right_arithmetic3A_946 = arith.shrsi %get3A_943, %shift_right_arithmetic3A_945 : vector<16xi32>
      %and3A_947 = arith.constant 511 : i32
      %and3A_948 = vector.broadcast %and3A_947 : i32 to vector<16xi32>
      %and3A_949 = arith.andi %get3A_943, %and3A_948 : vector<16xi32>
      %broadcast_in_dim3A_950 = arith.constant 0 : i32
      %broadcast_in_dim3A_951 = vector.broadcast %broadcast_in_dim3A_950 : i32 to vector<16xi32>
      %gather3A_952 = tpu.vector_load_idx %arg14[%shift_right_arithmetic3A_946, %broadcast_in_dim3A_951, %and3A_949] : memref<50x8x50xf32, #tpu.memory_space<vmem>>[vector<16xi32>, vector<16xi32>, vector<16xi32>], vector<16xf32>,
      %mul3A_953 = arith.mulf %get3A_934, %gather3A_952 : vector<16xf32>
      %add3A_954 = arith.addf %add3A_895, %mul3A_953 : vector<16xf32>
      %broadcast_in_dim3A_955 = arith.constant 1 : i32
      %broadcast_in_dim3A_956 = vector.broadcast %broadcast_in_dim3A_955 : i32 to vector<16xi32>
      %gather3A_957 = tpu.vector_load_idx %arg14[%shift_right_arithmetic3A_946, %broadcast_in_dim3A_956, %and3A_949] : memref<50x8x50xf32, #tpu.memory_space<vmem>>[vector<16xi32>, vector<16xi32>, vector<16xi32>], vector<16xf32>,
      %mul3A_958 = arith.mulf %get3A_934, %gather3A_957 : vector<16xf32>
      %add3A_959 = arith.addf %add3A_900, %mul3A_958 : vector<16xf32>
      %broadcast_in_dim3A_960 = arith.constant 2 : i32
      %broadcast_in_dim3A_961 = vector.broadcast %broadcast_in_dim3A_960 : i32 to vector<16xi32>
      %gather3A_962 = tpu.vector_load_idx %arg14[%shift_right_arithmetic3A_946, %broadcast_in_dim3A_961, %and3A_949] : memref<50x8x50xf32, #tpu.memory_space<vmem>>[vector<16xi32>, vector<16xi32>, vector<16xi32>], vector<16xf32>,
      %mul3A_963 = arith.mulf %get3A_934, %gather3A_962 : vector<16xf32>
      %add3A_964 = arith.addf %add3A_905, %mul3A_963 : vector<16xf32>
      %broadcast_in_dim3A_965 = arith.constant 3 : i32
      %broadcast_in_dim3A_966 = vector.broadcast %broadcast_in_dim3A_965 : i32 to vector<16xi32>
      %gather3A_967 = tpu.vector_load_idx %arg14[%shift_right_arithmetic3A_946, %broadcast_in_dim3A_966, %and3A_949] : memref<50x8x50xf32, #tpu.memory_space<vmem>>[vector<16xi32>, vector<16xi32>, vector<16xi32>], vector<16xf32>,
      %mul3A_968 = arith.mulf %get3A_934, %gather3A_967 : vector<16xf32>
      %add3A_969 = arith.addf %add3A_910, %mul3A_968 : vector<16xf32>
      %broadcast_in_dim3A_970 = arith.constant 4 : i32
      %broadcast_in_dim3A_971 = vector.broadcast %broadcast_in_dim3A_970 : i32 to vector<16xi32>
      %gather3A_972 = tpu.vector_load_idx %arg14[%shift_right_arithmetic3A_946, %broadcast_in_dim3A_971, %and3A_949] : memref<50x8x50xf32, #tpu.memory_space<vmem>>[vector<16xi32>, vector<16xi32>, vector<16xi32>], vector<16xf32>,
      %mul3A_973 = arith.mulf %get3A_934, %gather3A_972 : vector<16xf32>
      %add3A_974 = arith.addf %add3A_915, %mul3A_973 : vector<16xf32>
      %broadcast_in_dim3A_975 = arith.constant 5 : i32
      %broadcast_in_dim3A_976 = vector.broadcast %broadcast_in_dim3A_975 : i32 to vector<16xi32>
      %gather3A_977 = tpu.vector_load_idx %arg14[%shift_right_arithmetic3A_946, %broadcast_in_dim3A_976, %and3A_949] : memref<50x8x50xf32, #tpu.memory_space<vmem>>[vector<16xi32>, vector<16xi32>, vector<16xi32>], vector<16xf32>,
      %mul3A_978 = arith.mulf %get3A_934, %gather3A_977 : vector<16xf32>
      %add3A_979 = arith.addf %add3A_920, %mul3A_978 : vector<16xf32>
      %broadcast_in_dim3A_980 = arith.constant 6 : i32
      %broadcast_in_dim3A_981 = vector.broadcast %broadcast_in_dim3A_980 : i32 to vector<16xi32>
      %gather3A_982 = tpu.vector_load_idx %arg14[%shift_right_arithmetic3A_946, %broadcast_in_dim3A_981, %and3A_949] : memref<50x8x50xf32, #tpu.memory_space<vmem>>[vector<16xi32>, vector<16xi32>, vector<16xi32>], vector<16xf32>,
      %mul3A_983 = arith.mulf %get3A_934, %gather3A_982 : vector<16xf32>
      %add3A_984 = arith.addf %add3A_925, %mul3A_983 : vector<16xf32>
      %broadcast_in_dim3A_985 = arith.constant 7 : i32
      %broadcast_in_dim3A_986 = vector.broadcast %broadcast_in_dim3A_985 : i32 to vector<16xi32>
      %gather3A_987 = tpu.vector_load_idx %arg14[%shift_right_arithmetic3A_946, %broadcast_in_dim3A_986, %and3A_949] : memref<50x8x50xf32, #tpu.memory_space<vmem>>[vector<16xi32>, vector<16xi32>, vector<16xi32>], vector<16xf32>,
      %mul3A_988 = arith.mulf %get3A_934, %gather3A_987 : vector<16xf32>
      %add3A_989 = arith.addf %add3A_930, %mul3A_988 : vector<16xf32>
      %swap3A_990 = arith.constant 16 : i32
      %swap3A_991 = arith.index_cast %shift_right_arithmetic3A_496 : i32 to index
      %swap3A_992 = arith.index_cast %swap3A_990 : i32 to index
      %swap3A_993 = arith.index_cast %and3A_497 : i32 to index
      %swap3A_994 = tpu.vector_load %arg15[%swap3A_991, %swap3A_992, %swap3A_993] {strides = array<i32>} : memref<4x24x128xf32, #tpu.memory_space<vmem>>, vector<16xf32>,
      tpu.vector_store %arg15[%swap3A_991, %swap3A_992, %swap3A_993], %add3A_954 {strides = array<i32>} : memref<4x24x128xf32, #tpu.memory_space<vmem>>, vector<16xf32>,
      %swap3A_995 = arith.constant 17 : i32
      %swap3A_996 = arith.index_cast %shift_right_arithmetic3A_496 : i32 to index
      %swap3A_997 = arith.index_cast %swap3A_995 : i32 to index
      %swap3A_998 = arith.index_cast %and3A_497 : i32 to index
      %swap3A_999 = tpu.vector_load %arg15[%swap3A_996, %swap3A_997, %swap3A_998] {strides = array<i32>} : memref<4x24x128xf32, #tpu.memory_space<vmem>>, vector<16xf32>,
      tpu.vector_store %arg15[%swap3A_996, %swap3A_997, %swap3A_998], %add3A_959 {strides = array<i32>} : memref<4x24x128xf32, #tpu.memory_space<vmem>>, vector<16xf32>,
      %swap3A_1000 = arith.constant 18 : i32
      %swap3A_1001 = arith.index_cast %shift_right_arithmetic3A_496 : i32 to index
      %swap3A_1002 = arith.index_cast %swap3A_1000 : i32 to index
      %swap3A_1003 = arith.index_cast %and3A_497 : i32 to index
      %swap3A_1004 = tpu.vector_load %arg15[%swap3A_1001, %swap3A_1002, %swap3A_1003] {strides = array<i32>} : memref<4x24x128xf32, #tpu.memory_space<vmem>>, vector<16xf32>,
      tpu.vector_store %arg15[%swap3A_1001, %swap3A_1002, %swap3A_1003], %add3A_964 {strides = array<i32>} : memref<4x24x128xf32, #tpu.memory_space<vmem>>, vector<16xf32>,
      %swap3A_1005 = arith.constant 19 : i32
      %swap3A_1006 = arith.index_cast %shift_right_arithmetic3A_496 : i32 to index
      %swap3A_1007 = arith.index_cast %swap3A_1005 : i32 to index
      %swap3A_1008 = arith.index_cast %and3A_497 : i32 to index
      %swap3A_1009 = tpu.vector_load %arg15[%swap3A_1006, %swap3A_1007, %swap3A_1008] {strides = array<i32>} : memref<4x24x128xf32, #tpu.memory_space<vmem>>, vector<16xf32>,
      tpu.vector_store %arg15[%swap3A_1006, %swap3A_1007, %swap3A_1008], %add3A_969 {strides = array<i32>} : memref<4x24x128xf32, #tpu.memory_space<vmem>>, vector<16xf32>,
      %swap3A_1010 = arith.constant 20 : i32
      %swap3A_1011 = arith.index_cast %shift_right_arithmetic3A_496 : i32 to index
      %swap3A_1012 = arith.index_cast %swap3A_1010 : i32 to index
      %swap3A_1013 = arith.index_cast %and3A_497 : i32 to index
      %swap3A_1014 = tpu.vector_load %arg15[%swap3A_1011, %swap3A_1012, %swap3A_1013] {strides = array<i32>} : memref<4x24x128xf32, #tpu.memory_space<vmem>>, vector<16xf32>,
      tpu.vector_store %arg15[%swap3A_1011, %swap3A_1012, %swap3A_1013], %add3A_974 {strides = array<i32>} : memref<4x24x128xf32, #tpu.memory_space<vmem>>, vector<16xf32>,
      %swap3A_1015 = arith.constant 21 : i32
      %swap3A_1016 = arith.index_cast %shift_right_arithmetic3A_496 : i32 to index
      %swap3A_1017 = arith.index_cast %swap3A_1015 : i32 to index
      %swap3A_1018 = arith.index_cast %and3A_497 : i32 to index
      %swap3A_1019 = tpu.vector_load %arg15[%swap3A_1016, %swap3A_1017, %swap3A_1018] {strides = array<i32>} : memref<4x24x128xf32, #tpu.memory_space<vmem>>, vector<16xf32>,
      tpu.vector_store %arg15[%swap3A_1016, %swap3A_1017, %swap3A_1018], %add3A_979 {strides = array<i32>} : memref<4x24x128xf32, #tpu.memory_space<vmem>>, vector<16xf32>,
      %swap3A_1020 = arith.constant 22 : i32
      %swap3A_1021 = arith.index_cast %shift_right_arithmetic3A_496 : i32 to index
      %swap3A_1022 = arith.index_cast %swap3A_1020 : i32 to index
      %swap3A_1023 = arith.index_cast %and3A_497 : i32 to index
      %swap3A_1024 = tpu.vector_load %arg15[%swap3A_1021, %swap3A_1022, %swap3A_1023] {strides = array<i32>} : memref<4x24x128xf32, #tpu.memory_space<vmem>>, vector<16xf32>,
      tpu.vector_store %arg15[%swap3A_1021, %swap3A_1022, %swap3A_1023], %add3A_984 {strides = array<i32>} : memref<4x24x128xf32, #tpu.memory_space<vmem>>, vector<16xf32>,
      %swap3A_1025 = arith.constant 23 : i32
      %swap3A_1026 = arith.index_cast %shift_right_arithmetic3A_496 : i32 to index
      %swap3A_1027 = arith.index_cast %swap3A_1025 : i32 to index
      %swap3A_1028 = arith.index_cast %and3A_497 : i32 to index
      %swap3A_1029 = tpu.vector_load %arg15[%swap3A_1026, %swap3A_1027, %swap3A_1028] {strides = array<i32>} : memref<4x24x128xf32, #tpu.memory_space<vmem>>, vector<16xf32>,
      tpu.vector_store %arg15[%swap3A_1026, %swap3A_1027, %swap3A_1028], %add3A_989 {strides = array<i32>} : memref<4x24x128xf32, #tpu.memory_space<vmem>>, vector<16xf32>,
      %scan3A_1030 = arith.constant 0 : i32
      scf.yield %scan3A_1030 : i32
    }
    %scan3A_324 = arith.constant 32 : i32
    %dma_wait3A_325 = arith.constant 0 : i32
    "tpu.trace_stop"() : () -> ()
    "tpu.trace_start"() <{level = 10 : i32, message = "g_drain"}> : () -> ()
    %dma_wait3A_326 = arith.constant 0 : i32
    %dma_wait3A_327 = arith.constant 0 : i32
    %dma_wait3A_328 = tpu.memref_slice %arg12[%dma_wait3A_326, %dma_wait3A_327] : memref<2048x8xf32, #tpu.memory_space<vmem>> -> memref<128x8xf32, #tpu.memory_space<vmem>>
    %dma_wait3A_329 = arith.constant 0 : i32
    %dma_wait3A_330 = tpu.memref_slice %arg8[%dma_wait3A_325, %dma_wait3A_329] : memref<16x128xi32, #tpu.memory_space<vmem>> -> memref<1x128xi32, #tpu.memory_space<vmem>>
    %dma_wait3A_331 = tpu.memref_squeeze %dma_wait3A_330 : memref<1x128xi32, #tpu.memory_space<vmem>> -> memref<128xi32, #tpu.memory_space<vmem>>
    %dma_wait3A_332 = arith.constant 0 : i32
    %dma_wait3A_333 = arith.constant 0 : i32
    %dma_wait3A_334 = tpu.memref_slice %arg3[%dma_wait3A_332, %dma_wait3A_333] : memref<204800x8xf32, #tpu.memory_space<hbm>> -> memref<204800x8xf32, #tpu.memory_space<hbm>>
    tpu.wait_indirect_dma semaphore(%arg16 : memref<!tpu.dma_semaphore, #tpu.memory_space<semaphore_mem>>) src(%dma_wait3A_334 : memref<204800x8xf32, #tpu.memory_space<hbm>>) dst(%dma_wait3A_328 : memref<128x8xf32, #tpu.memory_space<vmem>>)
    %dma_wait3A_335 = arith.constant 1 : i32
    %dma_wait3A_336 = arith.constant 128 : i32
    %dma_wait3A_337 = arith.constant 0 : i32
    %dma_wait3A_338 = tpu.memref_slice %arg12[%dma_wait3A_336, %dma_wait3A_337] : memref<2048x8xf32, #tpu.memory_space<vmem>> -> memref<128x8xf32, #tpu.memory_space<vmem>>
    %dma_wait3A_339 = arith.constant 0 : i32
    %dma_wait3A_340 = tpu.memref_slice %arg8[%dma_wait3A_335, %dma_wait3A_339] : memref<16x128xi32, #tpu.memory_space<vmem>> -> memref<1x128xi32, #tpu.memory_space<vmem>>
    %dma_wait3A_341 = tpu.memref_squeeze %dma_wait3A_340 : memref<1x128xi32, #tpu.memory_space<vmem>> -> memref<128xi32, #tpu.memory_space<vmem>>
    %dma_wait3A_342 = arith.constant 0 : i32
    %dma_wait3A_343 = arith.constant 0 : i32
    %dma_wait3A_344 = tpu.memref_slice %arg3[%dma_wait3A_342, %dma_wait3A_343] : memref<204800x8xf32, #tpu.memory_space<hbm>> -> memref<204800x8xf32, #tpu.memory_space<hbm>>
    tpu.wait_indirect_dma semaphore(%arg16 : memref<!tpu.dma_semaphore, #tpu.memory_space<semaphore_mem>>) src(%dma_wait3A_344 : memref<204800x8xf32, #tpu.memory_space<hbm>>) dst(%dma_wait3A_338 : memref<128x8xf32, #tpu.memory_space<vmem>>)
    %dma_wait3A_345 = arith.constant 2 : i32
    %dma_wait3A_346 = arith.constant 256 : i32
    %dma_wait3A_347 = arith.constant 0 : i32
    %dma_wait3A_348 = tpu.memref_slice %arg12[%dma_wait3A_346, %dma_wait3A_347] : memref<2048x8xf32, #tpu.memory_space<vmem>> -> memref<128x8xf32, #tpu.memory_space<vmem>>
    %dma_wait3A_349 = arith.constant 0 : i32
    %dma_wait3A_350 = tpu.memref_slice %arg8[%dma_wait3A_345, %dma_wait3A_349] : memref<16x128xi32, #tpu.memory_space<vmem>> -> memref<1x128xi32, #tpu.memory_space<vmem>>
    %dma_wait3A_351 = tpu.memref_squeeze %dma_wait3A_350 : memref<1x128xi32, #tpu.memory_space<vmem>> -> memref<128xi32, #tpu.memory_space<vmem>>
    %dma_wait3A_352 = arith.constant 0 : i32
    %dma_wait3A_353 = arith.constant 0 : i32
    %dma_wait3A_354 = tpu.memref_slice %arg3[%dma_wait3A_352, %dma_wait3A_353] : memref<204800x8xf32, #tpu.memory_space<hbm>> -> memref<204800x8xf32, #tpu.memory_space<hbm>>
    tpu.wait_indirect_dma semaphore(%arg16 : memref<!tpu.dma_semaphore, #tpu.memory_space<semaphore_mem>>) src(%dma_wait3A_354 : memref<204800x8xf32, #tpu.memory_space<hbm>>) dst(%dma_wait3A_348 : memref<128x8xf32, #tpu.memory_space<vmem>>)
    %dma_wait3A_355 = arith.constant 3 : i32
    %dma_wait3A_356 = arith.constant 384 : i32
    %dma_wait3A_357 = arith.constant 0 : i32
    %dma_wait3A_358 = tpu.memref_slice %arg12[%dma_wait3A_356, %dma_wait3A_357] : memref<2048x8xf32, #tpu.memory_space<vmem>> -> memref<128x8xf32, #tpu.memory_space<vmem>>
    %dma_wait3A_359 = arith.constant 0 : i32
    %dma_wait3A_360 = tpu.memref_slice %arg8[%dma_wait3A_355, %dma_wait3A_359] : memref<16x128xi32, #tpu.memory_space<vmem>> -> memref<1x128xi32, #tpu.memory_space<vmem>>
    %dma_wait3A_361 = tpu.memref_squeeze %dma_wait3A_360 : memref<1x128xi32, #tpu.memory_space<vmem>> -> memref<128xi32, #tpu.memory_space<vmem>>
    %dma_wait3A_362 = arith.constant 0 : i32
    %dma_wait3A_363 = arith.constant 0 : i32
    %dma_wait3A_364 = tpu.memref_slice %arg3[%dma_wait3A_362, %dma_wait3A_363] : memref<204800x8xf32, #tpu.memory_space<hbm>> -> memref<204800x8xf32, #tpu.memory_space<hbm>>
    tpu.wait_indirect_dma semaphore(%arg16 : memref<!tpu.dma_semaphore, #tpu.memory_space<semaphore_mem>>) src(%dma_wait3A_364 : memref<204800x8xf32, #tpu.memory_space<hbm>>) dst(%dma_wait3A_358 : memref<128x8xf32, #tpu.memory_space<vmem>>)
    %dma_wait3A_365 = arith.constant 4 : i32
    %dma_wait3A_366 = arith.constant 512 : i32
    %dma_wait3A_367 = arith.constant 0 : i32
    %dma_wait3A_368 = tpu.memref_slice %arg12[%dma_wait3A_366, %dma_wait3A_367] : memref<2048x8xf32, #tpu.memory_space<vmem>> -> memref<128x8xf32, #tpu.memory_space<vmem>>
    %dma_wait3A_369 = arith.constant 0 : i32
    %dma_wait3A_370 = tpu.memref_slice %arg8[%dma_wait3A_365, %dma_wait3A_369] : memref<16x128xi32, #tpu.memory_space<vmem>> -> memref<1x128xi32, #tpu.memory_space<vmem>>
    %dma_wait3A_371 = tpu.memref_squeeze %dma_wait3A_370 : memref<1x128xi32, #tpu.memory_space<vmem>> -> memref<128xi32, #tpu.memory_space<vmem>>
    %dma_wait3A_372 = arith.constant 0 : i32
    %dma_wait3A_373 = arith.constant 0 : i32
    %dma_wait3A_374 = tpu.memref_slice %arg3[%dma_wait3A_372, %dma_wait3A_373] : memref<204800x8xf32, #tpu.memory_space<hbm>> -> memref<204800x8xf32, #tpu.memory_space<hbm>>
    tpu.wait_indirect_dma semaphore(%arg16 : memref<!tpu.dma_semaphore, #tpu.memory_space<semaphore_mem>>) src(%dma_wait3A_374 : memref<204800x8xf32, #tpu.memory_space<hbm>>) dst(%dma_wait3A_368 : memref<128x8xf32, #tpu.memory_space<vmem>>)
    %dma_wait3A_375 = arith.constant 5 : i32
    %dma_wait3A_376 = arith.constant 640 : i32
    %dma_wait3A_377 = arith.constant 0 : i32
    %dma_wait3A_378 = tpu.memref_slice %arg12[%dma_wait3A_376, %dma_wait3A_377] : memref<2048x8xf32, #tpu.memory_space<vmem>> -> memref<128x8xf32, #tpu.memory_space<vmem>>
    %dma_wait3A_379 = arith.constant 0 : i32
    %dma_wait3A_380 = tpu.memref_slice %arg8[%dma_wait3A_375, %dma_wait3A_379] : memref<16x128xi32, #tpu.memory_space<vmem>> -> memref<1x128xi32, #tpu.memory_space<vmem>>
    %dma_wait3A_381 = tpu.memref_squeeze %dma_wait3A_380 : memref<1x128xi32, #tpu.memory_space<vmem>> -> memref<128xi32, #tpu.memory_space<vmem>>
    %dma_wait3A_382 = arith.constant 0 : i32
    %dma_wait3A_383 = arith.constant 0 : i32
    %dma_wait3A_384 = tpu.memref_slice %arg3[%dma_wait3A_382, %dma_wait3A_383] : memref<204800x8xf32, #tpu.memory_space<hbm>> -> memref<204800x8xf32, #tpu.memory_space<hbm>>
    tpu.wait_indirect_dma semaphore(%arg16 : memref<!tpu.dma_semaphore, #tpu.memory_space<semaphore_mem>>) src(%dma_wait3A_384 : memref<204800x8xf32, #tpu.memory_space<hbm>>) dst(%dma_wait3A_378 : memref<128x8xf32, #tpu.memory_space<vmem>>)
    %dma_wait3A_385 = arith.constant 6 : i32
    %dma_wait3A_386 = arith.constant 768 : i32
    %dma_wait3A_387 = arith.constant 0 : i32
    %dma_wait3A_388 = tpu.memref_slice %arg12[%dma_wait3A_386, %dma_wait3A_387] : memref<2048x8xf32, #tpu.memory_space<vmem>> -> memref<128x8xf32, #tpu.memory_space<vmem>>
    %dma_wait3A_389 = arith.constant 0 : i32
    %dma_wait3A_390 = tpu.memref_slice %arg8[%dma_wait3A_385, %dma_wait3A_389] : memref<16x128xi32, #tpu.memory_space<vmem>> -> memref<1x128xi32, #tpu.memory_space<vmem>>
    %dma_wait3A_391 = tpu.memref_squeeze %dma_wait3A_390 : memref<1x128xi32, #tpu.memory_space<vmem>> -> memref<128xi32, #tpu.memory_space<vmem>>
    %dma_wait3A_392 = arith.constant 0 : i32
    %dma_wait3A_393 = arith.constant 0 : i32
    %dma_wait3A_394 = tpu.memref_slice %arg3[%dma_wait3A_392, %dma_wait3A_393] : memref<204800x8xf32, #tpu.memory_space<hbm>> -> memref<204800x8xf32, #tpu.memory_space<hbm>>
    tpu.wait_indirect_dma semaphore(%arg16 : memref<!tpu.dma_semaphore, #tpu.memory_space<semaphore_mem>>) src(%dma_wait3A_394 : memref<204800x8xf32, #tpu.memory_space<hbm>>) dst(%dma_wait3A_388 : memref<128x8xf32, #tpu.memory_space<vmem>>)
    %dma_wait3A_395 = arith.constant 7 : i32
    %dma_wait3A_396 = arith.constant 896 : i32
    %dma_wait3A_397 = arith.constant 0 : i32
    %dma_wait3A_398 = tpu.memref_slice %arg12[%dma_wait3A_396, %dma_wait3A_397] : memref<2048x8xf32, #tpu.memory_space<vmem>> -> memref<128x8xf32, #tpu.memory_space<vmem>>
    %dma_wait3A_399 = arith.constant 0 : i32
    %dma_wait3A_400 = tpu.memref_slice %arg8[%dma_wait3A_395, %dma_wait3A_399] : memref<16x128xi32, #tpu.memory_space<vmem>> -> memref<1x128xi32, #tpu.memory_space<vmem>>
    %dma_wait3A_401 = tpu.memref_squeeze %dma_wait3A_400 : memref<1x128xi32, #tpu.memory_space<vmem>> -> memref<128xi32, #tpu.memory_space<vmem>>
    %dma_wait3A_402 = arith.constant 0 : i32
    %dma_wait3A_403 = arith.constant 0 : i32
    %dma_wait3A_404 = tpu.memref_slice %arg3[%dma_wait3A_402, %dma_wait3A_403] : memref<204800x8xf32, #tpu.memory_space<hbm>> -> memref<204800x8xf32, #tpu.memory_space<hbm>>
    tpu.wait_indirect_dma semaphore(%arg16 : memref<!tpu.dma_semaphore, #tpu.memory_space<semaphore_mem>>) src(%dma_wait3A_404 : memref<204800x8xf32, #tpu.memory_space<hbm>>) dst(%dma_wait3A_398 : memref<128x8xf32, #tpu.memory_space<vmem>>)
    %dma_wait3A_405 = arith.constant 8 : i32
    %dma_wait3A_406 = arith.constant 1024 : i32
    %dma_wait3A_407 = arith.constant 0 : i32
    %dma_wait3A_408 = tpu.memref_slice %arg12[%dma_wait3A_406, %dma_wait3A_407] : memref<2048x8xf32, #tpu.memory_space<vmem>> -> memref<128x8xf32, #tpu.memory_space<vmem>>
    %dma_wait3A_409 = arith.constant 0 : i32
    %dma_wait3A_410 = tpu.memref_slice %arg8[%dma_wait3A_405, %dma_wait3A_409] : memref<16x128xi32, #tpu.memory_space<vmem>> -> memref<1x128xi32, #tpu.memory_space<vmem>>
    %dma_wait3A_411 = tpu.memref_squeeze %dma_wait3A_410 : memref<1x128xi32, #tpu.memory_space<vmem>> -> memref<128xi32, #tpu.memory_space<vmem>>
    %dma_wait3A_412 = arith.constant 0 : i32
    %dma_wait3A_413 = arith.constant 0 : i32
    %dma_wait3A_414 = tpu.memref_slice %arg3[%dma_wait3A_412, %dma_wait3A_413] : memref<204800x8xf32, #tpu.memory_space<hbm>> -> memref<204800x8xf32, #tpu.memory_space<hbm>>
    tpu.wait_indirect_dma semaphore(%arg16 : memref<!tpu.dma_semaphore, #tpu.memory_space<semaphore_mem>>) src(%dma_wait3A_414 : memref<204800x8xf32, #tpu.memory_space<hbm>>) dst(%dma_wait3A_408 : memref<128x8xf32, #tpu.memory_space<vmem>>)
    %dma_wait3A_415 = arith.constant 9 : i32
    %dma_wait3A_416 = arith.constant 1152 : i32
    %dma_wait3A_417 = arith.constant 0 : i32
    %dma_wait3A_418 = tpu.memref_slice %arg12[%dma_wait3A_416, %dma_wait3A_417] : memref<2048x8xf32, #tpu.memory_space<vmem>> -> memref<128x8xf32, #tpu.memory_space<vmem>>
    %dma_wait3A_419 = arith.constant 0 : i32
    %dma_wait3A_420 = tpu.memref_slice %arg8[%dma_wait3A_415, %dma_wait3A_419] : memref<16x128xi32, #tpu.memory_space<vmem>> -> memref<1x128xi32, #tpu.memory_space<vmem>>
    %dma_wait3A_421 = tpu.memref_squeeze %dma_wait3A_420 : memref<1x128xi32, #tpu.memory_space<vmem>> -> memref<128xi32, #tpu.memory_space<vmem>>
    %dma_wait3A_422 = arith.constant 0 : i32
    %dma_wait3A_423 = arith.constant 0 : i32
    %dma_wait3A_424 = tpu.memref_slice %arg3[%dma_wait3A_422, %dma_wait3A_423] : memref<204800x8xf32, #tpu.memory_space<hbm>> -> memref<204800x8xf32, #tpu.memory_space<hbm>>
    tpu.wait_indirect_dma semaphore(%arg16 : memref<!tpu.dma_semaphore, #tpu.memory_space<semaphore_mem>>) src(%dma_wait3A_424 : memref<204800x8xf32, #tpu.memory_space<hbm>>) dst(%dma_wait3A_418 : memref<128x8xf32, #tpu.memory_space<vmem>>)
    %dma_wait3A_425 = arith.constant 10 : i32
    %dma_wait3A_426 = arith.constant 1280 : i32
    %dma_wait3A_427 = arith.constant 0 : i32
    %dma_wait3A_428 = tpu.memref_slice %arg12[%dma_wait3A_426, %dma_wait3A_427] : memref<2048x8xf32, #tpu.memory_space<vmem>> -> memref<128x8xf32, #tpu.memory_space<vmem>>
    %dma_wait3A_429 = arith.constant 0 : i32
    %dma_wait3A_430 = tpu.memref_slice %arg8[%dma_wait3A_425, %dma_wait3A_429] : memref<16x128xi32, #tpu.memory_space<vmem>> -> memref<1x128xi32, #tpu.memory_space<vmem>>
    %dma_wait3A_431 = tpu.memref_squeeze %dma_wait3A_430 : memref<1x128xi32, #tpu.memory_space<vmem>> -> memref<128xi32, #tpu.memory_space<vmem>>
    %dma_wait3A_432 = arith.constant 0 : i32
    %dma_wait3A_433 = arith.constant 0 : i32
    %dma_wait3A_434 = tpu.memref_slice %arg3[%dma_wait3A_432, %dma_wait3A_433] : memref<204800x8xf32, #tpu.memory_space<hbm>> -> memref<204800x8xf32, #tpu.memory_space<hbm>>
    tpu.wait_indirect_dma semaphore(%arg16 : memref<!tpu.dma_semaphore, #tpu.memory_space<semaphore_mem>>) src(%dma_wait3A_434 : memref<204800x8xf32, #tpu.memory_space<hbm>>) dst(%dma_wait3A_428 : memref<128x8xf32, #tpu.memory_space<vmem>>)
    %dma_wait3A_435 = arith.constant 11 : i32
    %dma_wait3A_436 = arith.constant 1408 : i32
    %dma_wait3A_437 = arith.constant 0 : i32
    %dma_wait3A_438 = tpu.memref_slice %arg12[%dma_wait3A_436, %dma_wait3A_437] : memref<2048x8xf32, #tpu.memory_space<vmem>> -> memref<128x8xf32, #tpu.memory_space<vmem>>
    %dma_wait3A_439 = arith.constant 0 : i32
    %dma_wait3A_440 = tpu.memref_slice %arg8[%dma_wait3A_435, %dma_wait3A_439] : memref<16x128xi32, #tpu.memory_space<vmem>> -> memref<1x128xi32, #tpu.memory_space<vmem>>
    %dma_wait3A_441 = tpu.memref_squeeze %dma_wait3A_440 : memref<1x128xi32, #tpu.memory_space<vmem>> -> memref<128xi32, #tpu.memory_space<vmem>>
    %dma_wait3A_442 = arith.constant 0 : i32
    %dma_wait3A_443 = arith.constant 0 : i32
    %dma_wait3A_444 = tpu.memref_slice %arg3[%dma_wait3A_442, %dma_wait3A_443] : memref<204800x8xf32, #tpu.memory_space<hbm>> -> memref<204800x8xf32, #tpu.memory_space<hbm>>
    tpu.wait_indirect_dma semaphore(%arg16 : memref<!tpu.dma_semaphore, #tpu.memory_space<semaphore_mem>>) src(%dma_wait3A_444 : memref<204800x8xf32, #tpu.memory_space<hbm>>) dst(%dma_wait3A_438 : memref<128x8xf32, #tpu.memory_space<vmem>>)
    %dma_wait3A_445 = arith.constant 12 : i32
    %dma_wait3A_446 = arith.constant 1536 : i32
    %dma_wait3A_447 = arith.constant 0 : i32
    %dma_wait3A_448 = tpu.memref_slice %arg12[%dma_wait3A_446, %dma_wait3A_447] : memref<2048x8xf32, #tpu.memory_space<vmem>> -> memref<128x8xf32, #tpu.memory_space<vmem>>
    %dma_wait3A_449 = arith.constant 0 : i32
    %dma_wait3A_450 = tpu.memref_slice %arg8[%dma_wait3A_445, %dma_wait3A_449] : memref<16x128xi32, #tpu.memory_space<vmem>> -> memref<1x128xi32, #tpu.memory_space<vmem>>
    %dma_wait3A_451 = tpu.memref_squeeze %dma_wait3A_450 : memref<1x128xi32, #tpu.memory_space<vmem>> -> memref<128xi32, #tpu.memory_space<vmem>>
    %dma_wait3A_452 = arith.constant 0 : i32
    %dma_wait3A_453 = arith.constant 0 : i32
    %dma_wait3A_454 = tpu.memref_slice %arg3[%dma_wait3A_452, %dma_wait3A_453] : memref<204800x8xf32, #tpu.memory_space<hbm>> -> memref<204800x8xf32, #tpu.memory_space<hbm>>
    tpu.wait_indirect_dma semaphore(%arg16 : memref<!tpu.dma_semaphore, #tpu.memory_space<semaphore_mem>>) src(%dma_wait3A_454 : memref<204800x8xf32, #tpu.memory_space<hbm>>) dst(%dma_wait3A_448 : memref<128x8xf32, #tpu.memory_space<vmem>>)
    %dma_wait3A_455 = arith.constant 13 : i32
    %dma_wait3A_456 = arith.constant 1664 : i32
    %dma_wait3A_457 = arith.constant 0 : i32
    %dma_wait3A_458 = tpu.memref_slice %arg12[%dma_wait3A_456, %dma_wait3A_457] : memref<2048x8xf32, #tpu.memory_space<vmem>> -> memref<128x8xf32, #tpu.memory_space<vmem>>
    %dma_wait3A_459 = arith.constant 0 : i32
    %dma_wait3A_460 = tpu.memref_slice %arg8[%dma_wait3A_455, %dma_wait3A_459] : memref<16x128xi32, #tpu.memory_space<vmem>> -> memref<1x128xi32, #tpu.memory_space<vmem>>
    %dma_wait3A_461 = tpu.memref_squeeze %dma_wait3A_460 : memref<1x128xi32, #tpu.memory_space<vmem>> -> memref<128xi32, #tpu.memory_space<vmem>>
    %dma_wait3A_462 = arith.constant 0 : i32
    %dma_wait3A_463 = arith.constant 0 : i32
    %dma_wait3A_464 = tpu.memref_slice %arg3[%dma_wait3A_462, %dma_wait3A_463] : memref<204800x8xf32, #tpu.memory_space<hbm>> -> memref<204800x8xf32, #tpu.memory_space<hbm>>
    tpu.wait_indirect_dma semaphore(%arg16 : memref<!tpu.dma_semaphore, #tpu.memory_space<semaphore_mem>>) src(%dma_wait3A_464 : memref<204800x8xf32, #tpu.memory_space<hbm>>) dst(%dma_wait3A_458 : memref<128x8xf32, #tpu.memory_space<vmem>>)
    %dma_wait3A_465 = arith.constant 14 : i32
    %dma_wait3A_466 = arith.constant 1792 : i32
    %dma_wait3A_467 = arith.constant 0 : i32
    %dma_wait3A_468 = tpu.memref_slice %arg12[%dma_wait3A_466, %dma_wait3A_467] : memref<2048x8xf32, #tpu.memory_space<vmem>> -> memref<128x8xf32, #tpu.memory_space<vmem>>
    %dma_wait3A_469 = arith.constant 0 : i32
    %dma_wait3A_470 = tpu.memref_slice %arg8[%dma_wait3A_465, %dma_wait3A_469] : memref<16x128xi32, #tpu.memory_space<vmem>> -> memref<1x128xi32, #tpu.memory_space<vmem>>
    %dma_wait3A_471 = tpu.memref_squeeze %dma_wait3A_470 : memref<1x128xi32, #tpu.memory_space<vmem>> -> memref<128xi32, #tpu.memory_space<vmem>>
    %dma_wait3A_472 = arith.constant 0 : i32
    %dma_wait3A_473 = arith.constant 0 : i32
    %dma_wait3A_474 = tpu.memref_slice %arg3[%dma_wait3A_472, %dma_wait3A_473] : memref<204800x8xf32, #tpu.memory_space<hbm>> -> memref<204800x8xf32, #tpu.memory_space<hbm>>
    tpu.wait_indirect_dma semaphore(%arg16 : memref<!tpu.dma_semaphore, #tpu.memory_space<semaphore_mem>>) src(%dma_wait3A_474 : memref<204800x8xf32, #tpu.memory_space<hbm>>) dst(%dma_wait3A_468 : memref<128x8xf32, #tpu.memory_space<vmem>>)
    %dma_wait3A_475 = arith.constant 15 : i32
    %dma_wait3A_476 = arith.constant 1920 : i32
    %dma_wait3A_477 = arith.constant 0 : i32
    %dma_wait3A_478 = tpu.memref_slice %arg12[%dma_wait3A_476, %dma_wait3A_477] : memref<2048x8xf32, #tpu.memory_space<vmem>> -> memref<128x8xf32, #tpu.memory_space<vmem>>
    %dma_wait3A_479 = arith.constant 0 : i32
    %dma_wait3A_480 = tpu.memref_slice %arg8[%dma_wait3A_475, %dma_wait3A_479] : memref<16x128xi32, #tpu.memory_space<vmem>> -> memref<1x128xi32, #tpu.memory_space<vmem>>
    %dma_wait3A_481 = tpu.memref_squeeze %dma_wait3A_480 : memref<1x128xi32, #tpu.memory_space<vmem>> -> memref<128xi32, #tpu.memory_space<vmem>>
    %dma_wait3A_482 = arith.constant 0 : i32
    %dma_wait3A_483 = arith.constant 0 : i32
    %dma_wait3A_484 = tpu.memref_slice %arg3[%dma_wait3A_482, %dma_wait3A_483] : memref<204800x8xf32, #tpu.memory_space<hbm>> -> memref<204800x8xf32, #tpu.memory_space<hbm>>
    tpu.wait_indirect_dma semaphore(%arg16 : memref<!tpu.dma_semaphore, #tpu.memory_space<semaphore_mem>>) src(%dma_wait3A_484 : memref<204800x8xf32, #tpu.memory_space<hbm>>) dst(%dma_wait3A_478 : memref<128x8xf32, #tpu.memory_space<vmem>>)
    "tpu.trace_stop"() : () -> ()
    "tpu.trace_start"() <{level = 10 : i32, message = "g_redu"}> : () -> ()
    %scan3A_485 = arith.constant 0 : i32
    %scan3A_486 = arith.constant 0 : i32
    %scan3A_487 = arith.constant 32 : i32
    %scan3A_488 = arith.addi %scan3A_486, %scan3A_487 : i32
    %scan3A_489 = arith.constant 1 : i32
    %scan3A_490 = scf.for %scan3A_492 = %scan3A_486 to %scan3A_488 step %scan3A_489 iter_args(%scan3A_493 = %scan3A_485) -> (i32)  : i32 {
      %mul3A_494 = arith.constant 16 : i32
      %mul3A_495 = arith.muli %scan3A_492, %mul3A_494 : i32
      %add3A_496 = vector.broadcast %mul3A_495 : i32 to vector<16xi32>
      %add3A_497 = arith.addi %add3A_496, %iota3A : vector<16xi32>
      %shift_right_arithmetic3A = arith.constant 3 : i32
      %shift_right_arithmetic3A_498 = arith.shrsi %scan3A_492, %shift_right_arithmetic3A : i32
      %and3A = arith.constant 127 : i32
      %and3A_499 = arith.andi %mul3A_495, %and3A : i32
      %get3A = arith.constant 0 : i32
      %get3A_500 = arith.index_cast %get3A : i32 to index
      %get3A_501 = arith.index_cast %mul3A_495 : i32 to index
      %get3A_502 = tpu.vector_load %arg11[%get3A_500, %get3A_501] {strides = array<i32>} : memref<12x512xf32, #tpu.memory_space<vmem>>, vector<16xf32>,
      %add3A_503 = arith.constant 0 : i32
      %add3A_504 = vector.broadcast %add3A_503 : i32 to vector<16xi32>
      %add3A_505 = arith.addi %add3A_504, %add3A_497 : vector<16xi32>
      %broadcast_in_dim3A = arith.constant 0 : i32
      %broadcast_in_dim3A_506 = vector.broadcast %broadcast_in_dim3A : i32 to vector<16xi32>
      %gather3A = tpu.vector_load_idx %arg12[%add3A_505, %broadcast_in_dim3A_506] : memref<2048x8xf32, #tpu.memory_space<vmem>>[vector<16xi32>, vector<16xi32>], vector<16xf32>,
      %mul3A_507 = arith.mulf %get3A_502, %gather3A : vector<16xf32>
      %broadcast_in_dim3A_508 = arith.constant 1 : i32
      %broadcast_in_dim3A_509 = vector.broadcast %broadcast_in_dim3A_508 : i32 to vector<16xi32>
      %gather3A_510 = tpu.vector_load_idx %arg12[%add3A_505, %broadcast_in_dim3A_509] : memref<2048x8xf32, #tpu.memory_space<vmem>>[vector<16xi32>, vector<16xi32>], vector<16xf32>,
      %mul3A_511 = arith.mulf %get3A_502, %gather3A_510 : vector<16xf32>
      %broadcast_in_dim3A_512 = arith.constant 2 : i32
      %broadcast_in_dim3A_513 = vector.broadcast %broadcast_in_dim3A_512 : i32 to vector<16xi32>
      %gather3A_514 = tpu.vector_load_idx %arg12[%add3A_505, %broadcast_in_dim3A_513] : memref<2048x8xf32, #tpu.memory_space<vmem>>[vector<16xi32>, vector<16xi32>], vector<16xf32>,
      %mul3A_515 = arith.mulf %get3A_502, %gather3A_514 : vector<16xf32>
      %broadcast_in_dim3A_516 = arith.constant 3 : i32
      %broadcast_in_dim3A_517 = vector.broadcast %broadcast_in_dim3A_516 : i32 to vector<16xi32>
      %gather3A_518 = tpu.vector_load_idx %arg12[%add3A_505, %broadcast_in_dim3A_517] : memref<2048x8xf32, #tpu.memory_space<vmem>>[vector<16xi32>, vector<16xi32>], vector<16xf32>,
      %mul3A_519 = arith.mulf %get3A_502, %gather3A_518 : vector<16xf32>
      %broadcast_in_dim3A_520 = arith.constant 4 : i32
      %broadcast_in_dim3A_521 = vector.broadcast %broadcast_in_dim3A_520 : i32 to vector<16xi32>
      %gather3A_522 = tpu.vector_load_idx %arg12[%add3A_505, %broadcast_in_dim3A_521] : memref<2048x8xf32, #tpu.memory_space<vmem>>[vector<16xi32>, vector<16xi32>], vector<16xf32>,
      %mul3A_523 = arith.mulf %get3A_502, %gather3A_522 : vector<16xf32>
      %broadcast_in_dim3A_524 = arith.constant 5 : i32
      %broadcast_in_dim3A_525 = vector.broadcast %broadcast_in_dim3A_524 : i32 to vector<16xi32>
      %gather3A_526 = tpu.vector_load_idx %arg12[%add3A_505, %broadcast_in_dim3A_525] : memref<2048x8xf32, #tpu.memory_space<vmem>>[vector<16xi32>, vector<16xi32>], vector<16xf32>,
      %mul3A_527 = arith.mulf %get3A_502, %gather3A_526 : vector<16xf32>
      %broadcast_in_dim3A_528 = arith.constant 6 : i32
      %broadcast_in_dim3A_529 = vector.broadcast %broadcast_in_dim3A_528 : i32 to vector<16xi32>
      %gather3A_530 = tpu.vector_load_idx %arg12[%add3A_505, %broadcast_in_dim3A_529] : memref<2048x8xf32, #tpu.memory_space<vmem>>[vector<16xi32>, vector<16xi32>], vector<16xf32>,
      %mul3A_531 = arith.mulf %get3A_502, %gather3A_530 : vector<16xf32>
      %broadcast_in_dim3A_532 = arith.constant 7 : i32
      %broadcast_in_dim3A_533 = vector.broadcast %broadcast_in_dim3A_532 : i32 to vector<16xi32>
      %gather3A_534 = tpu.vector_load_idx %arg12[%add3A_505, %broadcast_in_dim3A_533] : memref<2048x8xf32, #tpu.memory_space<vmem>>[vector<16xi32>, vector<16xi32>], vector<16xf32>,
      %mul3A_535 = arith.mulf %get3A_502, %gather3A_534 : vector<16xf32>
      %get3A_536 = arith.constant 1 : i32
      %get3A_537 = arith.index_cast %get3A_536 : i32 to index
      %get3A_538 = arith.index_cast %mul3A_495 : i32 to index
      %get3A_539 = tpu.vector_load %arg11[%get3A_537, %get3A_538] {strides = array<i32>} : memref<12x512xf32, #tpu.memory_space<vmem>>, vector<16xf32>,
      %add3A_540 = arith.constant 512 : i32
      %add3A_541 = vector.broadcast %add3A_540 : i32 to vector<16xi32>
      %add3A_542 = arith.addi %add3A_541, %add3A_497 : vector<16xi32>
      %broadcast_in_dim3A_543 = arith.constant 0 : i32
      %broadcast_in_dim3A_544 = vector.broadcast %broadcast_in_dim3A_543 : i32 to vector<16xi32>
      %gather3A_545 = tpu.vector_load_idx %arg12[%add3A_542, %broadcast_in_dim3A_544] : memref<2048x8xf32, #tpu.memory_space<vmem>>[vector<16xi32>, vector<16xi32>], vector<16xf32>,
      %mul3A_546 = arith.mulf %get3A_539, %gather3A_545 : vector<16xf32>
      %add3A_547 = arith.addf %mul3A_507, %mul3A_546 : vector<16xf32>
      %broadcast_in_dim3A_548 = arith.constant 1 : i32
      %broadcast_in_dim3A_549 = vector.broadcast %broadcast_in_dim3A_548 : i32 to vector<16xi32>
      %gather3A_550 = tpu.vector_load_idx %arg12[%add3A_542, %broadcast_in_dim3A_549] : memref<2048x8xf32, #tpu.memory_space<vmem>>[vector<16xi32>, vector<16xi32>], vector<16xf32>,
      %mul3A_551 = arith.mulf %get3A_539, %gather3A_550 : vector<16xf32>
      %add3A_552 = arith.addf %mul3A_511, %mul3A_551 : vector<16xf32>
      %broadcast_in_dim3A_553 = arith.constant 2 : i32
      %broadcast_in_dim3A_554 = vector.broadcast %broadcast_in_dim3A_553 : i32 to vector<16xi32>
      %gather3A_555 = tpu.vector_load_idx %arg12[%add3A_542, %broadcast_in_dim3A_554] : memref<2048x8xf32, #tpu.memory_space<vmem>>[vector<16xi32>, vector<16xi32>], vector<16xf32>,
      %mul3A_556 = arith.mulf %get3A_539, %gather3A_555 : vector<16xf32>
      %add3A_557 = arith.addf %mul3A_515, %mul3A_556 : vector<16xf32>
      %broadcast_in_dim3A_558 = arith.constant 3 : i32
      %broadcast_in_dim3A_559 = vector.broadcast %broadcast_in_dim3A_558 : i32 to vector<16xi32>
      %gather3A_560 = tpu.vector_load_idx %arg12[%add3A_542, %broadcast_in_dim3A_559] : memref<2048x8xf32, #tpu.memory_space<vmem>>[vector<16xi32>, vector<16xi32>], vector<16xf32>,
      %mul3A_561 = arith.mulf %get3A_539, %gather3A_560 : vector<16xf32>
      %add3A_562 = arith.addf %mul3A_519, %mul3A_561 : vector<16xf32>
      %broadcast_in_dim3A_563 = arith.constant 4 : i32
      %broadcast_in_dim3A_564 = vector.broadcast %broadcast_in_dim3A_563 : i32 to vector<16xi32>
      %gather3A_565 = tpu.vector_load_idx %arg12[%add3A_542, %broadcast_in_dim3A_564] : memref<2048x8xf32, #tpu.memory_space<vmem>>[vector<16xi32>, vector<16xi32>], vector<16xf32>,
      %mul3A_566 = arith.mulf %get3A_539, %gather3A_565 : vector<16xf32>
      %add3A_567 = arith.addf %mul3A_523, %mul3A_566 : vector<16xf32>
      %broadcast_in_dim3A_568 = arith.constant 5 : i32
      %broadcast_in_dim3A_569 = vector.broadcast %broadcast_in_dim3A_568 : i32 to vector<16xi32>
      %gather3A_570 = tpu.vector_load_idx %arg12[%add3A_542, %broadcast_in_dim3A_569] : memref<2048x8xf32, #tpu.memory_space<vmem>>[vector<16xi32>, vector<16xi32>], vector<16xf32>,
      %mul3A_571 = arith.mulf %get3A_539, %gather3A_570 : vector<16xf32>
      %add3A_572 = arith.addf %mul3A_527, %mul3A_571 : vector<16xf32>
      %broadcast_in_dim3A_573 = arith.constant 6 : i32
      %broadcast_in_dim3A_574 = vector.broadcast %broadcast_in_dim3A_573 : i32 to vector<16xi32>
      %gather3A_575 = tpu.vector_load_idx %arg12[%add3A_542, %broadcast_in_dim3A_574] : memref<2048x8xf32, #tpu.memory_space<vmem>>[vector<16xi32>, vector<16xi32>], vector<16xf32>,
      %mul3A_576 = arith.mulf %get3A_539, %gather3A_575 : vector<16xf32>
      %add3A_577 = arith.addf %mul3A_531, %mul3A_576 : vector<16xf32>
      %broadcast_in_dim3A_578 = arith.constant 7 : i32
      %broadcast_in_dim3A_579 = vector.broadcast %broadcast_in_dim3A_578 : i32 to vector<16xi32>
      %gather3A_580 = tpu.vector_load_idx %arg12[%add3A_542, %broadcast_in_dim3A_579] : memref<2048x8xf32, #tpu.memory_space<vmem>>[vector<16xi32>, vector<16xi32>], vector<16xf32>,
      %mul3A_581 = arith.mulf %get3A_539, %gather3A_580 : vector<16xf32>
      %add3A_582 = arith.addf %mul3A_535, %mul3A_581 : vector<16xf32>
      %get3A_583 = arith.constant 2 : i32
      %get3A_584 = arith.index_cast %get3A_583 : i32 to index
      %get3A_585 = arith.index_cast %mul3A_495 : i32 to index
      %get3A_586 = tpu.vector_load %arg11[%get3A_584, %get3A_585] {strides = array<i32>} : memref<12x512xf32, #tpu.memory_space<vmem>>, vector<16xf32>,
      %add3A_587 = arith.constant 1024 : i32
      %add3A_588 = vector.broadcast %add3A_587 : i32 to vector<16xi32>
      %add3A_589 = arith.addi %add3A_588, %add3A_497 : vector<16xi32>
      %broadcast_in_dim3A_590 = arith.constant 0 : i32
      %broadcast_in_dim3A_591 = vector.broadcast %broadcast_in_dim3A_590 : i32 to vector<16xi32>
      %gather3A_592 = tpu.vector_load_idx %arg12[%add3A_589, %broadcast_in_dim3A_591] : memref<2048x8xf32, #tpu.memory_space<vmem>>[vector<16xi32>, vector<16xi32>], vector<16xf32>,
      %mul3A_593 = arith.mulf %get3A_586, %gather3A_592 : vector<16xf32>
      %add3A_594 = arith.addf %add3A_547, %mul3A_593 : vector<16xf32>
      %broadcast_in_dim3A_595 = arith.constant 1 : i32
      %broadcast_in_dim3A_596 = vector.broadcast %broadcast_in_dim3A_595 : i32 to vector<16xi32>
      %gather3A_597 = tpu.vector_load_idx %arg12[%add3A_589, %broadcast_in_dim3A_596] : memref<2048x8xf32, #tpu.memory_space<vmem>>[vector<16xi32>, vector<16xi32>], vector<16xf32>,
      %mul3A_598 = arith.mulf %get3A_586, %gather3A_597 : vector<16xf32>
      %add3A_599 = arith.addf %add3A_552, %mul3A_598 : vector<16xf32>
      %broadcast_in_dim3A_600 = arith.constant 2 : i32
      %broadcast_in_dim3A_601 = vector.broadcast %broadcast_in_dim3A_600 : i32 to vector<16xi32>
      %gather3A_602 = tpu.vector_load_idx %arg12[%add3A_589, %broadcast_in_dim3A_601] : memref<2048x8xf32, #tpu.memory_space<vmem>>[vector<16xi32>, vector<16xi32>], vector<16xf32>,
      %mul3A_603 = arith.mulf %get3A_586, %gather3A_602 : vector<16xf32>
      %add3A_604 = arith.addf %add3A_557, %mul3A_603 : vector<16xf32>
      %broadcast_in_dim3A_605 = arith.constant 3 : i32
      %broadcast_in_dim3A_606 = vector.broadcast %broadcast_in_dim3A_605 : i32 to vector<16xi32>
      %gather3A_607 = tpu.vector_load_idx %arg12[%add3A_589, %broadcast_in_dim3A_606] : memref<2048x8xf32, #tpu.memory_space<vmem>>[vector<16xi32>, vector<16xi32>], vector<16xf32>,
      %mul3A_608 = arith.mulf %get3A_586, %gather3A_607 : vector<16xf32>
      %add3A_609 = arith.addf %add3A_562, %mul3A_608 : vector<16xf32>
      %broadcast_in_dim3A_610 = arith.constant 4 : i32
      %broadcast_in_dim3A_611 = vector.broadcast %broadcast_in_dim3A_610 : i32 to vector<16xi32>
      %gather3A_612 = tpu.vector_load_idx %arg12[%add3A_589, %broadcast_in_dim3A_611] : memref<2048x8xf32, #tpu.memory_space<vmem>>[vector<16xi32>, vector<16xi32>], vector<16xf32>,
      %mul3A_613 = arith.mulf %get3A_586, %gather3A_612 : vector<16xf32>
      %add3A_614 = arith.addf %add3A_567, %mul3A_613 : vector<16xf32>
      %broadcast_in_dim3A_615 = arith.constant 5 : i32
      %broadcast_in_dim3A_616 = vector.broadcast %broadcast_in_dim3A_615 : i32 to vector<16xi32>
      %gather3A_617 = tpu.vector_load_idx %arg12[%add3A_589, %broadcast_in_dim3A_616] : memref<2048x8xf32, #tpu.memory_space<vmem>>[vector<16xi32>, vector<16xi32>], vector<16xf32>,
      %mul3A_618 = arith.mulf %get3A_586, %gather3A_617 : vector<16xf32>
      %add3A_619 = arith.addf %add3A_572, %mul3A_618 : vector<16xf32>
      %broadcast_in_dim3A_620 = arith.constant 6 : i32
      %broadcast_in_dim3A_621 = vector.broadcast %broadcast_in_dim3A_620 : i32 to vector<16xi32>
      %gather3A_622 = tpu.vector_load_idx %arg12[%add3A_589, %broadcast_in_dim3A_621] : memref<2048x8xf32, #tpu.memory_space<vmem>>[vector<16xi32>, vector<16xi32>], vector<16xf32>,
      %mul3A_623 = arith.mulf %get3A_586, %gather3A_622 : vector<16xf32>
      %add3A_624 = arith.addf %add3A_577, %mul3A_623 : vector<16xf32>
      %broadcast_in_dim3A_625 = arith.constant 7 : i32
      %broadcast_in_dim3A_626 = vector.broadcast %broadcast_in_dim3A_625 : i32 to vector<16xi32>
      %gather3A_627 = tpu.vector_load_idx %arg12[%add3A_589, %broadcast_in_dim3A_626] : memref<2048x8xf32, #tpu.memory_space<vmem>>[vector<16xi32>, vector<16xi32>], vector<16xf32>,
      %mul3A_628 = arith.mulf %get3A_586, %gather3A_627 : vector<16xf32>
      %add3A_629 = arith.addf %add3A_582, %mul3A_628 : vector<16xf32>
      %get3A_630 = arith.constant 3 : i32
      %get3A_631 = arith.index_cast %get3A_630 : i32 to index
      %get3A_632 = arith.index_cast %mul3A_495 : i32 to index
      %get3A_633 = tpu.vector_load %arg11[%get3A_631, %get3A_632] {strides = array<i32>} : memref<12x512xf32, #tpu.memory_space<vmem>>, vector<16xf32>,
      %add3A_634 = arith.constant 1536 : i32
      %add3A_635 = vector.broadcast %add3A_634 : i32 to vector<16xi32>
      %add3A_636 = arith.addi %add3A_635, %add3A_497 : vector<16xi32>
      %broadcast_in_dim3A_637 = arith.constant 0 : i32
      %broadcast_in_dim3A_638 = vector.broadcast %broadcast_in_dim3A_637 : i32 to vector<16xi32>
      %gather3A_639 = tpu.vector_load_idx %arg12[%add3A_636, %broadcast_in_dim3A_638] : memref<2048x8xf32, #tpu.memory_space<vmem>>[vector<16xi32>, vector<16xi32>], vector<16xf32>,
      %mul3A_640 = arith.mulf %get3A_633, %gather3A_639 : vector<16xf32>
      %add3A_641 = arith.addf %add3A_594, %mul3A_640 : vector<16xf32>
      %broadcast_in_dim3A_642 = arith.constant 1 : i32
      %broadcast_in_dim3A_643 = vector.broadcast %broadcast_in_dim3A_642 : i32 to vector<16xi32>
      %gather3A_644 = tpu.vector_load_idx %arg12[%add3A_636, %broadcast_in_dim3A_643] : memref<2048x8xf32, #tpu.memory_space<vmem>>[vector<16xi32>, vector<16xi32>], vector<16xf32>,
      %mul3A_645 = arith.mulf %get3A_633, %gather3A_644 : vector<16xf32>
      %add3A_646 = arith.addf %add3A_599, %mul3A_645 : vector<16xf32>
      %broadcast_in_dim3A_647 = arith.constant 2 : i32
      %broadcast_in_dim3A_648 = vector.broadcast %broadcast_in_dim3A_647 : i32 to vector<16xi32>
      %gather3A_649 = tpu.vector_load_idx %arg12[%add3A_636, %broadcast_in_dim3A_648] : memref<2048x8xf32, #tpu.memory_space<vmem>>[vector<16xi32>, vector<16xi32>], vector<16xf32>,
      %mul3A_650 = arith.mulf %get3A_633, %gather3A_649 : vector<16xf32>
      %add3A_651 = arith.addf %add3A_604, %mul3A_650 : vector<16xf32>
      %broadcast_in_dim3A_652 = arith.constant 3 : i32
      %broadcast_in_dim3A_653 = vector.broadcast %broadcast_in_dim3A_652 : i32 to vector<16xi32>
      %gather3A_654 = tpu.vector_load_idx %arg12[%add3A_636, %broadcast_in_dim3A_653] : memref<2048x8xf32, #tpu.memory_space<vmem>>[vector<16xi32>, vector<16xi32>], vector<16xf32>,
      %mul3A_655 = arith.mulf %get3A_633, %gather3A_654 : vector<16xf32>
      %add3A_656 = arith.addf %add3A_609, %mul3A_655 : vector<16xf32>
      %broadcast_in_dim3A_657 = arith.constant 4 : i32
      %broadcast_in_dim3A_658 = vector.broadcast %broadcast_in_dim3A_657 : i32 to vector<16xi32>
      %gather3A_659 = tpu.vector_load_idx %arg12[%add3A_636, %broadcast_in_dim3A_658] : memref<2048x8xf32, #tpu.memory_space<vmem>>[vector<16xi32>, vector<16xi32>], vector<16xf32>,
      %mul3A_660 = arith.mulf %get3A_633, %gather3A_659 : vector<16xf32>
      %add3A_661 = arith.addf %add3A_614, %mul3A_660 : vector<16xf32>
      %broadcast_in_dim3A_662 = arith.constant 5 : i32
      %broadcast_in_dim3A_663 = vector.broadcast %broadcast_in_dim3A_662 : i32 to vector<16xi32>
      %gather3A_664 = tpu.vector_load_idx %arg12[%add3A_636, %broadcast_in_dim3A_663] : memref<2048x8xf32, #tpu.memory_space<vmem>>[vector<16xi32>, vector<16xi32>], vector<16xf32>,
      %mul3A_665 = arith.mulf %get3A_633, %gather3A_664 : vector<16xf32>
      %add3A_666 = arith.addf %add3A_619, %mul3A_665 : vector<16xf32>
      %broadcast_in_dim3A_667 = arith.constant 6 : i32
      %broadcast_in_dim3A_668 = vector.broadcast %broadcast_in_dim3A_667 : i32 to vector<16xi32>
      %gather3A_669 = tpu.vector_load_idx %arg12[%add3A_636, %broadcast_in_dim3A_668] : memref<2048x8xf32, #tpu.memory_space<vmem>>[vector<16xi32>, vector<16xi32>], vector<16xf32>,
      %mul3A_670 = arith.mulf %get3A_633, %gather3A_669 : vector<16xf32>
      %add3A_671 = arith.addf %add3A_624, %mul3A_670 : vector<16xf32>
      %broadcast_in_dim3A_672 = arith.constant 7 : i32
      %broadcast_in_dim3A_673 = vector.broadcast %broadcast_in_dim3A_672 : i32 to vector<16xi32>
      %gather3A_674 = tpu.vector_load_idx %arg12[%add3A_636, %broadcast_in_dim3A_673] : memref<2048x8xf32, #tpu.memory_space<vmem>>[vector<16xi32>, vector<16xi32>], vector<16xf32>,
      %mul3A_675 = arith.mulf %get3A_633, %gather3A_674 : vector<16xf32>
      %add3A_676 = arith.addf %add3A_629, %mul3A_675 : vector<16xf32>
      %swap3A = arith.constant 0 : i32
      %swap3A_677 = arith.index_cast %shift_right_arithmetic3A_498 : i32 to index
      %swap3A_678 = arith.index_cast %swap3A : i32 to index
      %swap3A_679 = arith.index_cast %and3A_499 : i32 to index
      %swap3A_680 = tpu.vector_load %arg15[%swap3A_677, %swap3A_678, %swap3A_679] {strides = array<i32>} : memref<4x24x128xf32, #tpu.memory_space<vmem>>, vector<16xf32>,
      tpu.vector_store %arg15[%swap3A_677, %swap3A_678, %swap3A_679], %add3A_641 {strides = array<i32>} : memref<4x24x128xf32, #tpu.memory_space<vmem>>, vector<16xf32>,
      %swap3A_681 = arith.constant 1 : i32
      %swap3A_682 = arith.index_cast %shift_right_arithmetic3A_498 : i32 to index
      %swap3A_683 = arith.index_cast %swap3A_681 : i32 to index
      %swap3A_684 = arith.index_cast %and3A_499 : i32 to index
      %swap3A_685 = tpu.vector_load %arg15[%swap3A_682, %swap3A_683, %swap3A_684] {strides = array<i32>} : memref<4x24x128xf32, #tpu.memory_space<vmem>>, vector<16xf32>,
      tpu.vector_store %arg15[%swap3A_682, %swap3A_683, %swap3A_684], %add3A_646 {strides = array<i32>} : memref<4x24x128xf32, #tpu.memory_space<vmem>>, vector<16xf32>,
      %swap3A_686 = arith.constant 2 : i32
      %swap3A_687 = arith.index_cast %shift_right_arithmetic3A_498 : i32 to index
      %swap3A_688 = arith.index_cast %swap3A_686 : i32 to index
      %swap3A_689 = arith.index_cast %and3A_499 : i32 to index
      %swap3A_690 = tpu.vector_load %arg15[%swap3A_687, %swap3A_688, %swap3A_689] {strides = array<i32>} : memref<4x24x128xf32, #tpu.memory_space<vmem>>, vector<16xf32>,
      tpu.vector_store %arg15[%swap3A_687, %swap3A_688, %swap3A_689], %add3A_651 {strides = array<i32>} : memref<4x24x128xf32, #tpu.memory_space<vmem>>, vector<16xf32>,
      %swap3A_691 = arith.constant 3 : i32
      %swap3A_692 = arith.index_cast %shift_right_arithmetic3A_498 : i32 to index
      %swap3A_693 = arith.index_cast %swap3A_691 : i32 to index
      %swap3A_694 = arith.index_cast %and3A_499 : i32 to index
      %swap3A_695 = tpu.vector_load %arg15[%swap3A_692, %swap3A_693, %swap3A_694] {strides = array<i32>} : memref<4x24x128xf32, #tpu.memory_space<vmem>>, vector<16xf32>,
      tpu.vector_store %arg15[%swap3A_692, %swap3A_693, %swap3A_694], %add3A_656 {strides = array<i32>} : memref<4x24x128xf32, #tpu.memory_space<vmem>>, vector<16xf32>,
      %swap3A_696 = arith.constant 4 : i32
      %swap3A_697 = arith.index_cast %shift_right_arithmetic3A_498 : i32 to index
      %swap3A_698 = arith.index_cast %swap3A_696 : i32 to index
      %swap3A_699 = arith.index_cast %and3A_499 : i32 to index
      %swap3A_700 = tpu.vector_load %arg15[%swap3A_697, %swap3A_698, %swap3A_699] {strides = array<i32>} : memref<4x24x128xf32, #tpu.memory_space<vmem>>, vector<16xf32>,
      tpu.vector_store %arg15[%swap3A_697, %swap3A_698, %swap3A_699], %add3A_661 {strides = array<i32>} : memref<4x24x128xf32, #tpu.memory_space<vmem>>, vector<16xf32>,
      %swap3A_701 = arith.constant 5 : i32
      %swap3A_702 = arith.index_cast %shift_right_arithmetic3A_498 : i32 to index
      %swap3A_703 = arith.index_cast %swap3A_701 : i32 to index
      %swap3A_704 = arith.index_cast %and3A_499 : i32 to index
      %swap3A_705 = tpu.vector_load %arg15[%swap3A_702, %swap3A_703, %swap3A_704] {strides = array<i32>} : memref<4x24x128xf32, #tpu.memory_space<vmem>>, vector<16xf32>,
      tpu.vector_store %arg15[%swap3A_702, %swap3A_703, %swap3A_704], %add3A_666 {strides = array<i32>} : memref<4x24x128xf32, #tpu.memory_space<vmem>>, vector<16xf32>,
      %swap3A_706 = arith.constant 6 : i32
      %swap3A_707 = arith.index_cast %shift_right_arithmetic3A_498 : i32 to index
      %swap3A_708 = arith.index_cast %swap3A_706 : i32 to index
      %swap3A_709 = arith.index_cast %and3A_499 : i32 to index
      %swap3A_710 = tpu.vector_load %arg15[%swap3A_707, %swap3A_708, %swap3A_709] {strides = array<i32>} : memref<4x24x128xf32, #tpu.memory_space<vmem>>, vector<16xf32>,
      tpu.vector_store %arg15[%swap3A_707, %swap3A_708, %swap3A_709], %add3A_671 {strides = array<i32>} : memref<4x24x128xf32, #tpu.memory_space<vmem>>, vector<16xf32>,
      %swap3A_711 = arith.constant 7 : i32
      %swap3A_712 = arith.index_cast %shift_right_arithmetic3A_498 : i32 to index
      %swap3A_713 = arith.index_cast %swap3A_711 : i32 to index
      %swap3A_714 = arith.index_cast %and3A_499 : i32 to index
      %swap3A_715 = tpu.vector_load %arg15[%swap3A_712, %swap3A_713, %swap3A_714] {strides = array<i32>} : memref<4x24x128xf32, #tpu.memory_space<vmem>>, vector<16xf32>,
      tpu.vector_store %arg15[%swap3A_712, %swap3A_713, %swap3A_714], %add3A_676 {strides = array<i32>} : memref<4x24x128xf32, #tpu.memory_space<vmem>>, vector<16xf32>,
      %scan3A_716 = arith.constant 0 : i32
      scf.yield %scan3A_716 : i32
    }
    %scan3A_491 = arith.constant 32 : i32
    "tpu.trace_stop"() : () -> ()
    "tpu.trace_start"() <{level = 10 : i32, message = "g_out"}> : () -> ()
    "tpu.region"() ({
      %run_scoped3A = tpu.sem_alloc : memref<!tpu.dma_semaphore, #tpu.memory_space<semaphore_mem>>
      %dma_start3A_492 = arith.constant 0 : i32
      %dma_start3A_493 = arith.constant 0 : i32
      %dma_start3A_494 = arith.constant 0 : i32
      %dma_start3A_495 = tpu.memref_slice %arg6[%add3A, %dma_start3A_492, %dma_start3A_493, %dma_start3A_494] : memref<32x4x24x128xf32, #tpu.memory_space<hbm>> -> memref<1x4x24x128xf32, #tpu.memory_space<hbm>>
      %dma_start3A_496 = tpu.memref_squeeze %dma_start3A_495 : memref<1x4x24x128xf32, #tpu.memory_space<hbm>> -> memref<4x24x128xf32, #tpu.memory_space<hbm>>
      %dma_start3A_497 = arith.constant 0 : i32
      %dma_start3A_498 = arith.constant 0 : i32
      %dma_start3A_499 = arith.constant 0 : i32
      %dma_start3A_500 = tpu.memref_slice %arg6[%add3A, %dma_start3A_497, %dma_start3A_498, %dma_start3A_499] : memref<32x4x24x128xf32, #tpu.memory_space<hbm>> -> memref<1x4x24x128xf32, #tpu.memory_space<hbm>>
      %dma_start3A_501 = tpu.memref_squeeze %dma_start3A_500 : memref<1x4x24x128xf32, #tpu.memory_space<hbm>> -> memref<4x24x128xf32, #tpu.memory_space<hbm>>
      tpu.enqueue_dma source(%arg15 : memref<4x24x128xf32, #tpu.memory_space<vmem>>) target(%dma_start3A_501 : memref<4x24x128xf32, #tpu.memory_space<hbm>>) target_semaphore(%run_scoped3A : memref<!tpu.dma_semaphore, #tpu.memory_space<semaphore_mem>>)
      %dma_wait3A_502 = arith.constant 0 : i32
      %dma_wait3A_503 = arith.constant 0 : i32
      %dma_wait3A_504 = arith.constant 0 : i32
      %dma_wait3A_505 = tpu.memref_slice %arg6[%add3A, %dma_wait3A_502, %dma_wait3A_503, %dma_wait3A_504] : memref<32x4x24x128xf32, #tpu.memory_space<hbm>> -> memref<1x4x24x128xf32, #tpu.memory_space<hbm>>
      %dma_wait3A_506 = tpu.memref_squeeze %dma_wait3A_505 : memref<1x4x24x128xf32, #tpu.memory_space<hbm>> -> memref<4x24x128xf32, #tpu.memory_space<hbm>>
      %dma_wait3A_507 = arith.constant 0 : i32
      %dma_wait3A_508 = arith.constant 0 : i32
      %dma_wait3A_509 = arith.constant 0 : i32
      %dma_wait3A_510 = tpu.memref_slice %arg6[%add3A, %dma_wait3A_507, %dma_wait3A_508, %dma_wait3A_509] : memref<32x4x24x128xf32, #tpu.memory_space<hbm>> -> memref<1x4x24x128xf32, #tpu.memory_space<hbm>>
      %dma_wait3A_511 = tpu.memref_squeeze %dma_wait3A_510 : memref<1x4x24x128xf32, #tpu.memory_space<hbm>> -> memref<4x24x128xf32, #tpu.memory_space<hbm>>
      tpu.wait_dma2 semaphore(%run_scoped3A : memref<!tpu.dma_semaphore, #tpu.memory_space<semaphore_mem>>) src(%arg15 : memref<4x24x128xf32, #tpu.memory_space<vmem>>) dst(%dma_wait3A_511 : memref<4x24x128xf32, #tpu.memory_space<hbm>>)
      tpu.yield
    }) : () -> ()
    "tpu.trace_stop"() : () -> ()
    return
  }
}

#map = affine_map<(d0, d1) -> (0, 0, 0)>
module attributes {stable_mosaic.version = 14 : i64} {
  func.func @k(%arg0: i32, %arg1: i32, %arg2: memref<400x8x400xf32, #tpu.memory_space<hbm>>, %arg3: memref<1600x8x128xf32, #tpu.memory_space<hbm>>, %arg4: memref<50x8x128xf32, #tpu.memory_space<vmem>>, %arg5: memref<50x8x128xf32, #tpu.memory_space<vmem>>, %arg6: memref<!tpu.dma_semaphore, #tpu.memory_space<semaphore_mem>>, %arg7: memref<!tpu.dma_semaphore, #tpu.memory_space<semaphore_mem>>) attributes {dimension_semantics = [#tpu.dimension_semantics<core_parallel>, #tpu.dimension_semantics<subcore_parallel>], iteration_bounds = array<i64: 2, 16>, scalar_prefetch = 0 : i64, scratch_operands = 4 : i64, tpu.core_type = #tpu.core_type<sc_vector_subcore>, window_params = [{transform_indices = #map}, {transform_indices = #map}]} {
    %mul3A = arith.constant 2 : i32
    %mul3A_0 = arith.muli %arg1, %mul3A : i32
    %add3A = arith.addi %mul3A_0, %arg0 : i32
    %iota3A = tpu.iota {dimensions = array<i32: 0>} : vector<16xi32>
    %add3A_1 = arith.constant 0 : i32
    %add3A_2 = vector.broadcast %add3A_1 : i32 to vector<16xi32>
    %add3A_3 = arith.addi %add3A_2, %iota3A : vector<16xi32>
    %shift_right_arithmetic3A = arith.constant 4 : i32
    %shift_right_arithmetic3A_4 = vector.broadcast %shift_right_arithmetic3A : i32 to vector<16xi32>
    %shift_right_arithmetic3A_5 = arith.shrsi %add3A_3, %shift_right_arithmetic3A_4 : vector<16xi32>
    %add3A_6 = arith.constant 16 : i32
    %add3A_7 = vector.broadcast %add3A_6 : i32 to vector<16xi32>
    %add3A_8 = arith.addi %add3A_7, %iota3A : vector<16xi32>
    %shift_right_arithmetic3A_9 = arith.constant 4 : i32
    %shift_right_arithmetic3A_10 = vector.broadcast %shift_right_arithmetic3A_9 : i32 to vector<16xi32>
    %shift_right_arithmetic3A_11 = arith.shrsi %add3A_8, %shift_right_arithmetic3A_10 : vector<16xi32>
    %add3A_12 = arith.constant 32 : i32
    %add3A_13 = vector.broadcast %add3A_12 : i32 to vector<16xi32>
    %add3A_14 = arith.addi %add3A_13, %iota3A : vector<16xi32>
    %shift_right_arithmetic3A_15 = arith.constant 4 : i32
    %shift_right_arithmetic3A_16 = vector.broadcast %shift_right_arithmetic3A_15 : i32 to vector<16xi32>
    %shift_right_arithmetic3A_17 = arith.shrsi %add3A_14, %shift_right_arithmetic3A_16 : vector<16xi32>
    %add3A_18 = arith.constant 48 : i32
    %add3A_19 = vector.broadcast %add3A_18 : i32 to vector<16xi32>
    %add3A_20 = arith.addi %add3A_19, %iota3A : vector<16xi32>
    %shift_right_arithmetic3A_21 = arith.constant 4 : i32
    %shift_right_arithmetic3A_22 = vector.broadcast %shift_right_arithmetic3A_21 : i32 to vector<16xi32>
    %shift_right_arithmetic3A_23 = arith.shrsi %add3A_20, %shift_right_arithmetic3A_22 : vector<16xi32>
    %add3A_24 = arith.constant 64 : i32
    %add3A_25 = vector.broadcast %add3A_24 : i32 to vector<16xi32>
    %add3A_26 = arith.addi %add3A_25, %iota3A : vector<16xi32>
    %shift_right_arithmetic3A_27 = arith.constant 4 : i32
    %shift_right_arithmetic3A_28 = vector.broadcast %shift_right_arithmetic3A_27 : i32 to vector<16xi32>
    %shift_right_arithmetic3A_29 = arith.shrsi %add3A_26, %shift_right_arithmetic3A_28 : vector<16xi32>
    %add3A_30 = arith.constant 80 : i32
    %add3A_31 = vector.broadcast %add3A_30 : i32 to vector<16xi32>
    %add3A_32 = arith.addi %add3A_31, %iota3A : vector<16xi32>
    %shift_right_arithmetic3A_33 = arith.constant 4 : i32
    %shift_right_arithmetic3A_34 = vector.broadcast %shift_right_arithmetic3A_33 : i32 to vector<16xi32>
    %shift_right_arithmetic3A_35 = arith.shrsi %add3A_32, %shift_right_arithmetic3A_34 : vector<16xi32>
    %add3A_36 = arith.constant 96 : i32
    %add3A_37 = vector.broadcast %add3A_36 : i32 to vector<16xi32>
    %add3A_38 = arith.addi %add3A_37, %iota3A : vector<16xi32>
    %shift_right_arithmetic3A_39 = arith.constant 4 : i32
    %shift_right_arithmetic3A_40 = vector.broadcast %shift_right_arithmetic3A_39 : i32 to vector<16xi32>
    %shift_right_arithmetic3A_41 = arith.shrsi %add3A_38, %shift_right_arithmetic3A_40 : vector<16xi32>
    %add3A_42 = arith.constant 112 : i32
    %add3A_43 = vector.broadcast %add3A_42 : i32 to vector<16xi32>
    %add3A_44 = arith.addi %add3A_43, %iota3A : vector<16xi32>
    %shift_right_arithmetic3A_45 = arith.constant 4 : i32
    %shift_right_arithmetic3A_46 = vector.broadcast %shift_right_arithmetic3A_45 : i32 to vector<16xi32>
    %shift_right_arithmetic3A_47 = arith.shrsi %add3A_44, %shift_right_arithmetic3A_46 : vector<16xi32>
    %add3A_48 = arith.constant 0 : i32
    %add3A_49 = vector.broadcast %add3A_48 : i32 to vector<16xi32>
    %add3A_50 = arith.addi %add3A_49, %iota3A : vector<16xi32>
    %and3A = arith.constant 15 : i32
    %and3A_51 = vector.broadcast %and3A : i32 to vector<16xi32>
    %and3A_52 = arith.andi %add3A_50, %and3A_51 : vector<16xi32>
    %mul3A_53 = arith.constant 8 : i32
    %mul3A_54 = vector.broadcast %mul3A_53 : i32 to vector<16xi32>
    %mul3A_55 = arith.muli %and3A_52, %mul3A_54 : vector<16xi32>
    %add3A_56 = arith.constant 16 : i32
    %add3A_57 = vector.broadcast %add3A_56 : i32 to vector<16xi32>
    %add3A_58 = arith.addi %add3A_57, %iota3A : vector<16xi32>
    %and3A_59 = arith.constant 15 : i32
    %and3A_60 = vector.broadcast %and3A_59 : i32 to vector<16xi32>
    %and3A_61 = arith.andi %add3A_58, %and3A_60 : vector<16xi32>
    %mul3A_62 = arith.constant 8 : i32
    %mul3A_63 = vector.broadcast %mul3A_62 : i32 to vector<16xi32>
    %mul3A_64 = arith.muli %and3A_61, %mul3A_63 : vector<16xi32>
    %add3A_65 = arith.constant 32 : i32
    %add3A_66 = vector.broadcast %add3A_65 : i32 to vector<16xi32>
    %add3A_67 = arith.addi %add3A_66, %iota3A : vector<16xi32>
    %and3A_68 = arith.constant 15 : i32
    %and3A_69 = vector.broadcast %and3A_68 : i32 to vector<16xi32>
    %and3A_70 = arith.andi %add3A_67, %and3A_69 : vector<16xi32>
    %mul3A_71 = arith.constant 8 : i32
    %mul3A_72 = vector.broadcast %mul3A_71 : i32 to vector<16xi32>
    %mul3A_73 = arith.muli %and3A_70, %mul3A_72 : vector<16xi32>
    %add3A_74 = arith.constant 48 : i32
    %add3A_75 = vector.broadcast %add3A_74 : i32 to vector<16xi32>
    %add3A_76 = arith.addi %add3A_75, %iota3A : vector<16xi32>
    %and3A_77 = arith.constant 15 : i32
    %and3A_78 = vector.broadcast %and3A_77 : i32 to vector<16xi32>
    %and3A_79 = arith.andi %add3A_76, %and3A_78 : vector<16xi32>
    %mul3A_80 = arith.constant 8 : i32
    %mul3A_81 = vector.broadcast %mul3A_80 : i32 to vector<16xi32>
    %mul3A_82 = arith.muli %and3A_79, %mul3A_81 : vector<16xi32>
    %add3A_83 = arith.constant 64 : i32
    %add3A_84 = vector.broadcast %add3A_83 : i32 to vector<16xi32>
    %add3A_85 = arith.addi %add3A_84, %iota3A : vector<16xi32>
    %and3A_86 = arith.constant 15 : i32
    %and3A_87 = vector.broadcast %and3A_86 : i32 to vector<16xi32>
    %and3A_88 = arith.andi %add3A_85, %and3A_87 : vector<16xi32>
    %mul3A_89 = arith.constant 8 : i32
    %mul3A_90 = vector.broadcast %mul3A_89 : i32 to vector<16xi32>
    %mul3A_91 = arith.muli %and3A_88, %mul3A_90 : vector<16xi32>
    %add3A_92 = arith.constant 80 : i32
    %add3A_93 = vector.broadcast %add3A_92 : i32 to vector<16xi32>
    %add3A_94 = arith.addi %add3A_93, %iota3A : vector<16xi32>
    %and3A_95 = arith.constant 15 : i32
    %and3A_96 = vector.broadcast %and3A_95 : i32 to vector<16xi32>
    %and3A_97 = arith.andi %add3A_94, %and3A_96 : vector<16xi32>
    %mul3A_98 = arith.constant 8 : i32
    %mul3A_99 = vector.broadcast %mul3A_98 : i32 to vector<16xi32>
    %mul3A_100 = arith.muli %and3A_97, %mul3A_99 : vector<16xi32>
    %add3A_101 = arith.constant 96 : i32
    %add3A_102 = vector.broadcast %add3A_101 : i32 to vector<16xi32>
    %add3A_103 = arith.addi %add3A_102, %iota3A : vector<16xi32>
    %and3A_104 = arith.constant 15 : i32
    %and3A_105 = vector.broadcast %and3A_104 : i32 to vector<16xi32>
    %and3A_106 = arith.andi %add3A_103, %and3A_105 : vector<16xi32>
    %mul3A_107 = arith.constant 8 : i32
    %mul3A_108 = vector.broadcast %mul3A_107 : i32 to vector<16xi32>
    %mul3A_109 = arith.muli %and3A_106, %mul3A_108 : vector<16xi32>
    %add3A_110 = arith.constant 112 : i32
    %add3A_111 = vector.broadcast %add3A_110 : i32 to vector<16xi32>
    %add3A_112 = arith.addi %add3A_111, %iota3A : vector<16xi32>
    %and3A_113 = arith.constant 15 : i32
    %and3A_114 = vector.broadcast %and3A_113 : i32 to vector<16xi32>
    %and3A_115 = arith.andi %add3A_112, %and3A_114 : vector<16xi32>
    %mul3A_116 = arith.constant 8 : i32
    %mul3A_117 = vector.broadcast %mul3A_116 : i32 to vector<16xi32>
    %mul3A_118 = arith.muli %and3A_115, %mul3A_117 : vector<16xi32>
    "tpu.trace_start"() <{level = 10 : i32, message = "rp_u"}> : () -> ()
    %scan3A = arith.constant 0 : i32
    %scan3A_119 = arith.constant 0 : i32
    %scan3A_120 = arith.constant 50 : i32
    %scan3A_121 = arith.addi %scan3A_119, %scan3A_120 : i32
    %scan3A_122 = arith.constant 1 : i32
    %scan3A_123 = scf.for %scan3A_139 = %scan3A_119 to %scan3A_121 step %scan3A_122 iter_args(%scan3A_140 = %scan3A) -> (i32)  : i32 {
      %mul3A_141 = arith.constant 50 : i32
      %mul3A_142 = arith.muli %add3A, %mul3A_141 : i32
      %add3A_143 = arith.addi %mul3A_142, %scan3A_139 : i32
      %shift_right_arithmetic3A_144 = arith.constant 2 : i32
      %shift_right_arithmetic3A_145 = arith.shrsi %add3A_143, %shift_right_arithmetic3A_144 : i32
      %and3A_146 = arith.constant 3 : i32
      %and3A_147 = arith.andi %add3A_143, %and3A_146 : i32
      %mul3A_148 = arith.constant 128 : i32
      %mul3A_149 = arith.muli %and3A_147, %mul3A_148 : i32
      %dma_start3A = arith.constant 0 : i32
      %dma_start3A_150 = arith.constant 0 : i32
      %dma_start3A_151 = tpu.memref_slice %arg4[%scan3A_139, %dma_start3A, %dma_start3A_150] : memref<50x8x128xf32, #tpu.memory_space<vmem>> -> memref<1x8x128xf32, #tpu.memory_space<vmem>>
      %dma_start3A_152 = tpu.memref_squeeze %dma_start3A_151 : memref<1x8x128xf32, #tpu.memory_space<vmem>> -> memref<8x128xf32, #tpu.memory_space<vmem>>
      %dma_start3A_153 = arith.constant 0 : i32
      %dma_start3A_154 = tpu.memref_slice %arg2[%shift_right_arithmetic3A_145, %dma_start3A_153, %mul3A_149] : memref<400x8x400xf32, #tpu.memory_space<hbm>> -> memref<1x8x128xf32, #tpu.memory_space<hbm>>
      %dma_start3A_155 = tpu.memref_squeeze %dma_start3A_154 : memref<1x8x128xf32, #tpu.memory_space<hbm>> -> memref<8x128xf32, #tpu.memory_space<hbm>>
      %dma_start3A_156 = arith.constant 0 : i32
      %dma_start3A_157 = arith.constant 0 : i32
      %dma_start3A_158 = tpu.memref_slice %arg4[%scan3A_139, %dma_start3A_156, %dma_start3A_157] : memref<50x8x128xf32, #tpu.memory_space<vmem>> -> memref<1x8x128xf32, #tpu.memory_space<vmem>>
      %dma_start3A_159 = tpu.memref_squeeze %dma_start3A_158 : memref<1x8x128xf32, #tpu.memory_space<vmem>> -> memref<8x128xf32, #tpu.memory_space<vmem>>
      %dma_start3A_160 = arith.constant 0 : i32
      %dma_start3A_161 = tpu.memref_slice %arg2[%shift_right_arithmetic3A_145, %dma_start3A_160, %mul3A_149] : memref<400x8x400xf32, #tpu.memory_space<hbm>> -> memref<1x8x128xf32, #tpu.memory_space<hbm>>
      %dma_start3A_162 = tpu.memref_squeeze %dma_start3A_161 : memref<1x8x128xf32, #tpu.memory_space<hbm>> -> memref<8x128xf32, #tpu.memory_space<hbm>>
      tpu.enqueue_dma source(%dma_start3A_162 : memref<8x128xf32, #tpu.memory_space<hbm>>) target(%dma_start3A_159 : memref<8x128xf32, #tpu.memory_space<vmem>>) target_semaphore(%arg6 : memref<!tpu.dma_semaphore, #tpu.memory_space<semaphore_mem>>)
      %scan3A_163 = arith.constant 0 : i32
      scf.yield %scan3A_163 : i32
    }
    %scan3A_124 = arith.constant 50 : i32
    %scan3A_125 = arith.constant 0 : i32
    %scan3A_126 = arith.constant 0 : i32
    %scan3A_127 = arith.constant 50 : i32
    %scan3A_128 = arith.addi %scan3A_126, %scan3A_127 : i32
    %scan3A_129 = arith.constant 1 : i32
    %scan3A_130 = scf.for %scan3A_139 = %scan3A_126 to %scan3A_128 step %scan3A_129 iter_args(%scan3A_140 = %scan3A_125) -> (i32)  : i32 {
      %mul3A_141 = arith.constant 50 : i32
      %mul3A_142 = arith.muli %add3A, %mul3A_141 : i32
      %add3A_143 = arith.addi %mul3A_142, %scan3A_139 : i32
      %mul3A_144 = arith.constant 50 : i32
      %mul3A_145 = arith.muli %add3A, %mul3A_144 : i32
      %add3A_146 = arith.addi %mul3A_145, %scan3A_139 : i32
      %shift_right_arithmetic3A_147 = arith.constant 2 : i32
      %shift_right_arithmetic3A_148 = arith.shrsi %add3A_146, %shift_right_arithmetic3A_147 : i32
      %and3A_149 = arith.constant 3 : i32
      %and3A_150 = arith.andi %add3A_146, %and3A_149 : i32
      %mul3A_151 = arith.constant 128 : i32
      %mul3A_152 = arith.muli %and3A_150, %mul3A_151 : i32
      %dma_wait3A = arith.constant 0 : i32
      %dma_wait3A_153 = arith.constant 0 : i32
      %dma_wait3A_154 = tpu.memref_slice %arg4[%scan3A_139, %dma_wait3A, %dma_wait3A_153] : memref<50x8x128xf32, #tpu.memory_space<vmem>> -> memref<1x8x128xf32, #tpu.memory_space<vmem>>
      %dma_wait3A_155 = tpu.memref_squeeze %dma_wait3A_154 : memref<1x8x128xf32, #tpu.memory_space<vmem>> -> memref<8x128xf32, #tpu.memory_space<vmem>>
      %dma_wait3A_156 = arith.constant 0 : i32
      %dma_wait3A_157 = tpu.memref_slice %arg2[%shift_right_arithmetic3A_148, %dma_wait3A_156, %mul3A_152] : memref<400x8x400xf32, #tpu.memory_space<hbm>> -> memref<1x8x128xf32, #tpu.memory_space<hbm>>
      %dma_wait3A_158 = tpu.memref_squeeze %dma_wait3A_157 : memref<1x8x128xf32, #tpu.memory_space<hbm>> -> memref<8x128xf32, #tpu.memory_space<hbm>>
      %dma_wait3A_159 = arith.constant 0 : i32
      %dma_wait3A_160 = arith.constant 0 : i32
      %dma_wait3A_161 = tpu.memref_slice %arg4[%scan3A_139, %dma_wait3A_159, %dma_wait3A_160] : memref<50x8x128xf32, #tpu.memory_space<vmem>> -> memref<1x8x128xf32, #tpu.memory_space<vmem>>
      %dma_wait3A_162 = tpu.memref_squeeze %dma_wait3A_161 : memref<1x8x128xf32, #tpu.memory_space<vmem>> -> memref<8x128xf32, #tpu.memory_space<vmem>>
      %dma_wait3A_163 = arith.constant 0 : i32
      %dma_wait3A_164 = tpu.memref_slice %arg2[%shift_right_arithmetic3A_148, %dma_wait3A_163, %mul3A_152] : memref<400x8x400xf32, #tpu.memory_space<hbm>> -> memref<1x8x128xf32, #tpu.memory_space<hbm>>
      %dma_wait3A_165 = tpu.memref_squeeze %dma_wait3A_164 : memref<1x8x128xf32, #tpu.memory_space<hbm>> -> memref<8x128xf32, #tpu.memory_space<hbm>>
      tpu.wait_dma2 semaphore(%arg6 : memref<!tpu.dma_semaphore, #tpu.memory_space<semaphore_mem>>) src(%dma_wait3A_165 : memref<8x128xf32, #tpu.memory_space<hbm>>) dst(%dma_wait3A_162 : memref<8x128xf32, #tpu.memory_space<vmem>>)
      %get3A = arith.constant 0 : i32
      %get3A_166 = arith.index_cast %scan3A_139 : i32 to index
      %get3A_167 = arith.index_cast %get3A : i32 to index
      %get3A_168 = arith.constant 0 : index
      %get3A_169 = tpu.vector_load %arg4[%get3A_166, %get3A_167, %get3A_168] {strides = array<i32>} : memref<50x8x128xf32, #tpu.memory_space<vmem>>, vector<16xf32>,
      %add3A_170 = arith.constant 0 : i32
      %add3A_171 = vector.broadcast %add3A_170 : i32 to vector<16xi32>
      %add3A_172 = arith.addi %mul3A_55, %add3A_171 : vector<16xi32>
      %scatter3A = arith.constant 0 : i32
      %scatter3A_173 = arith.constant 0 : i32
      %scatter3A_174 = tpu.memref_slice %arg5[%scan3A_139, %scatter3A, %scatter3A_173] : memref<50x8x128xf32, #tpu.memory_space<vmem>> -> memref<1x8x128xf32, #tpu.memory_space<vmem>>
      %scatter3A_175 = tpu.memref_squeeze %scatter3A_174 : memref<1x8x128xf32, #tpu.memory_space<vmem>> -> memref<8x128xf32, #tpu.memory_space<vmem>>
      tpu.vector_store_idx %scatter3A_175[%shift_right_arithmetic3A_5, %add3A_172], %get3A_169 : memref<8x128xf32, #tpu.memory_space<vmem>>[vector<16xi32>, vector<16xi32>], vector<16xf32>,
      %get3A_176 = arith.constant 0 : i32
      %get3A_177 = arith.index_cast %scan3A_139 : i32 to index
      %get3A_178 = arith.index_cast %get3A_176 : i32 to index
      %get3A_179 = arith.constant 16 : index
      %get3A_180 = tpu.vector_load %arg4[%get3A_177, %get3A_178, %get3A_179] {strides = array<i32>} : memref<50x8x128xf32, #tpu.memory_space<vmem>>, vector<16xf32>,
      %add3A_181 = arith.constant 0 : i32
      %add3A_182 = vector.broadcast %add3A_181 : i32 to vector<16xi32>
      %add3A_183 = arith.addi %mul3A_64, %add3A_182 : vector<16xi32>
      %scatter3A_184 = arith.constant 0 : i32
      %scatter3A_185 = arith.constant 0 : i32
      %scatter3A_186 = tpu.memref_slice %arg5[%scan3A_139, %scatter3A_184, %scatter3A_185] : memref<50x8x128xf32, #tpu.memory_space<vmem>> -> memref<1x8x128xf32, #tpu.memory_space<vmem>>
      %scatter3A_187 = tpu.memref_squeeze %scatter3A_186 : memref<1x8x128xf32, #tpu.memory_space<vmem>> -> memref<8x128xf32, #tpu.memory_space<vmem>>
      tpu.vector_store_idx %scatter3A_187[%shift_right_arithmetic3A_11, %add3A_183], %get3A_180 : memref<8x128xf32, #tpu.memory_space<vmem>>[vector<16xi32>, vector<16xi32>], vector<16xf32>,
      %get3A_188 = arith.constant 0 : i32
      %get3A_189 = arith.index_cast %scan3A_139 : i32 to index
      %get3A_190 = arith.index_cast %get3A_188 : i32 to index
      %get3A_191 = arith.constant 32 : index
      %get3A_192 = tpu.vector_load %arg4[%get3A_189, %get3A_190, %get3A_191] {strides = array<i32>} : memref<50x8x128xf32, #tpu.memory_space<vmem>>, vector<16xf32>,
      %add3A_193 = arith.constant 0 : i32
      %add3A_194 = vector.broadcast %add3A_193 : i32 to vector<16xi32>
      %add3A_195 = arith.addi %mul3A_73, %add3A_194 : vector<16xi32>
      %scatter3A_196 = arith.constant 0 : i32
      %scatter3A_197 = arith.constant 0 : i32
      %scatter3A_198 = tpu.memref_slice %arg5[%scan3A_139, %scatter3A_196, %scatter3A_197] : memref<50x8x128xf32, #tpu.memory_space<vmem>> -> memref<1x8x128xf32, #tpu.memory_space<vmem>>
      %scatter3A_199 = tpu.memref_squeeze %scatter3A_198 : memref<1x8x128xf32, #tpu.memory_space<vmem>> -> memref<8x128xf32, #tpu.memory_space<vmem>>
      tpu.vector_store_idx %scatter3A_199[%shift_right_arithmetic3A_17, %add3A_195], %get3A_192 : memref<8x128xf32, #tpu.memory_space<vmem>>[vector<16xi32>, vector<16xi32>], vector<16xf32>,
      %get3A_200 = arith.constant 0 : i32
      %get3A_201 = arith.index_cast %scan3A_139 : i32 to index
      %get3A_202 = arith.index_cast %get3A_200 : i32 to index
      %get3A_203 = arith.constant 48 : index
      %get3A_204 = tpu.vector_load %arg4[%get3A_201, %get3A_202, %get3A_203] {strides = array<i32>} : memref<50x8x128xf32, #tpu.memory_space<vmem>>, vector<16xf32>,
      %add3A_205 = arith.constant 0 : i32
      %add3A_206 = vector.broadcast %add3A_205 : i32 to vector<16xi32>
      %add3A_207 = arith.addi %mul3A_82, %add3A_206 : vector<16xi32>
      %scatter3A_208 = arith.constant 0 : i32
      %scatter3A_209 = arith.constant 0 : i32
      %scatter3A_210 = tpu.memref_slice %arg5[%scan3A_139, %scatter3A_208, %scatter3A_209] : memref<50x8x128xf32, #tpu.memory_space<vmem>> -> memref<1x8x128xf32, #tpu.memory_space<vmem>>
      %scatter3A_211 = tpu.memref_squeeze %scatter3A_210 : memref<1x8x128xf32, #tpu.memory_space<vmem>> -> memref<8x128xf32, #tpu.memory_space<vmem>>
      tpu.vector_store_idx %scatter3A_211[%shift_right_arithmetic3A_23, %add3A_207], %get3A_204 : memref<8x128xf32, #tpu.memory_space<vmem>>[vector<16xi32>, vector<16xi32>], vector<16xf32>,
      %get3A_212 = arith.constant 0 : i32
      %get3A_213 = arith.index_cast %scan3A_139 : i32 to index
      %get3A_214 = arith.index_cast %get3A_212 : i32 to index
      %get3A_215 = arith.constant 64 : index
      %get3A_216 = tpu.vector_load %arg4[%get3A_213, %get3A_214, %get3A_215] {strides = array<i32>} : memref<50x8x128xf32, #tpu.memory_space<vmem>>, vector<16xf32>,
      %add3A_217 = arith.constant 0 : i32
      %add3A_218 = vector.broadcast %add3A_217 : i32 to vector<16xi32>
      %add3A_219 = arith.addi %mul3A_91, %add3A_218 : vector<16xi32>
      %scatter3A_220 = arith.constant 0 : i32
      %scatter3A_221 = arith.constant 0 : i32
      %scatter3A_222 = tpu.memref_slice %arg5[%scan3A_139, %scatter3A_220, %scatter3A_221] : memref<50x8x128xf32, #tpu.memory_space<vmem>> -> memref<1x8x128xf32, #tpu.memory_space<vmem>>
      %scatter3A_223 = tpu.memref_squeeze %scatter3A_222 : memref<1x8x128xf32, #tpu.memory_space<vmem>> -> memref<8x128xf32, #tpu.memory_space<vmem>>
      tpu.vector_store_idx %scatter3A_223[%shift_right_arithmetic3A_29, %add3A_219], %get3A_216 : memref<8x128xf32, #tpu.memory_space<vmem>>[vector<16xi32>, vector<16xi32>], vector<16xf32>,
      %get3A_224 = arith.constant 0 : i32
      %get3A_225 = arith.index_cast %scan3A_139 : i32 to index
      %get3A_226 = arith.index_cast %get3A_224 : i32 to index
      %get3A_227 = arith.constant 80 : index
      %get3A_228 = tpu.vector_load %arg4[%get3A_225, %get3A_226, %get3A_227] {strides = array<i32>} : memref<50x8x128xf32, #tpu.memory_space<vmem>>, vector<16xf32>,
      %add3A_229 = arith.constant 0 : i32
      %add3A_230 = vector.broadcast %add3A_229 : i32 to vector<16xi32>
      %add3A_231 = arith.addi %mul3A_100, %add3A_230 : vector<16xi32>
      %scatter3A_232 = arith.constant 0 : i32
      %scatter3A_233 = arith.constant 0 : i32
      %scatter3A_234 = tpu.memref_slice %arg5[%scan3A_139, %scatter3A_232, %scatter3A_233] : memref<50x8x128xf32, #tpu.memory_space<vmem>> -> memref<1x8x128xf32, #tpu.memory_space<vmem>>
      %scatter3A_235 = tpu.memref_squeeze %scatter3A_234 : memref<1x8x128xf32, #tpu.memory_space<vmem>> -> memref<8x128xf32, #tpu.memory_space<vmem>>
      tpu.vector_store_idx %scatter3A_235[%shift_right_arithmetic3A_35, %add3A_231], %get3A_228 : memref<8x128xf32, #tpu.memory_space<vmem>>[vector<16xi32>, vector<16xi32>], vector<16xf32>,
      %get3A_236 = arith.constant 0 : i32
      %get3A_237 = arith.index_cast %scan3A_139 : i32 to index
      %get3A_238 = arith.index_cast %get3A_236 : i32 to index
      %get3A_239 = arith.constant 96 : index
      %get3A_240 = tpu.vector_load %arg4[%get3A_237, %get3A_238, %get3A_239] {strides = array<i32>} : memref<50x8x128xf32, #tpu.memory_space<vmem>>, vector<16xf32>,
      %add3A_241 = arith.constant 0 : i32
      %add3A_242 = vector.broadcast %add3A_241 : i32 to vector<16xi32>
      %add3A_243 = arith.addi %mul3A_109, %add3A_242 : vector<16xi32>
      %scatter3A_244 = arith.constant 0 : i32
      %scatter3A_245 = arith.constant 0 : i32
      %scatter3A_246 = tpu.memref_slice %arg5[%scan3A_139, %scatter3A_244, %scatter3A_245] : memref<50x8x128xf32, #tpu.memory_space<vmem>> -> memref<1x8x128xf32, #tpu.memory_space<vmem>>
      %scatter3A_247 = tpu.memref_squeeze %scatter3A_246 : memref<1x8x128xf32, #tpu.memory_space<vmem>> -> memref<8x128xf32, #tpu.memory_space<vmem>>
      tpu.vector_store_idx %scatter3A_247[%shift_right_arithmetic3A_41, %add3A_243], %get3A_240 : memref<8x128xf32, #tpu.memory_space<vmem>>[vector<16xi32>, vector<16xi32>], vector<16xf32>,
      %get3A_248 = arith.constant 0 : i32
      %get3A_249 = arith.index_cast %scan3A_139 : i32 to index
      %get3A_250 = arith.index_cast %get3A_248 : i32 to index
      %get3A_251 = arith.constant 112 : index
      %get3A_252 = tpu.vector_load %arg4[%get3A_249, %get3A_250, %get3A_251] {strides = array<i32>} : memref<50x8x128xf32, #tpu.memory_space<vmem>>, vector<16xf32>,
      %add3A_253 = arith.constant 0 : i32
      %add3A_254 = vector.broadcast %add3A_253 : i32 to vector<16xi32>
      %add3A_255 = arith.addi %mul3A_118, %add3A_254 : vector<16xi32>
      %scatter3A_256 = arith.constant 0 : i32
      %scatter3A_257 = arith.constant 0 : i32
      %scatter3A_258 = tpu.memref_slice %arg5[%scan3A_139, %scatter3A_256, %scatter3A_257] : memref<50x8x128xf32, #tpu.memory_space<vmem>> -> memref<1x8x128xf32, #tpu.memory_space<vmem>>
      %scatter3A_259 = tpu.memref_squeeze %scatter3A_258 : memref<1x8x128xf32, #tpu.memory_space<vmem>> -> memref<8x128xf32, #tpu.memory_space<vmem>>
      tpu.vector_store_idx %scatter3A_259[%shift_right_arithmetic3A_47, %add3A_255], %get3A_252 : memref<8x128xf32, #tpu.memory_space<vmem>>[vector<16xi32>, vector<16xi32>], vector<16xf32>,
      %get3A_260 = arith.constant 1 : i32
      %get3A_261 = arith.index_cast %scan3A_139 : i32 to index
      %get3A_262 = arith.index_cast %get3A_260 : i32 to index
      %get3A_263 = arith.constant 0 : index
      %get3A_264 = tpu.vector_load %arg4[%get3A_261, %get3A_262, %get3A_263] {strides = array<i32>} : memref<50x8x128xf32, #tpu.memory_space<vmem>>, vector<16xf32>,
      %add3A_265 = arith.constant 1 : i32
      %add3A_266 = vector.broadcast %add3A_265 : i32 to vector<16xi32>
      %add3A_267 = arith.addi %mul3A_55, %add3A_266 : vector<16xi32>
      %scatter3A_268 = arith.constant 0 : i32
      %scatter3A_269 = arith.constant 0 : i32
      %scatter3A_270 = tpu.memref_slice %arg5[%scan3A_139, %scatter3A_268, %scatter3A_269] : memref<50x8x128xf32, #tpu.memory_space<vmem>> -> memref<1x8x128xf32, #tpu.memory_space<vmem>>
      %scatter3A_271 = tpu.memref_squeeze %scatter3A_270 : memref<1x8x128xf32, #tpu.memory_space<vmem>> -> memref<8x128xf32, #tpu.memory_space<vmem>>
      tpu.vector_store_idx %scatter3A_271[%shift_right_arithmetic3A_5, %add3A_267], %get3A_264 : memref<8x128xf32, #tpu.memory_space<vmem>>[vector<16xi32>, vector<16xi32>], vector<16xf32>,
      %get3A_272 = arith.constant 1 : i32
      %get3A_273 = arith.index_cast %scan3A_139 : i32 to index
      %get3A_274 = arith.index_cast %get3A_272 : i32 to index
      %get3A_275 = arith.constant 16 : index
      %get3A_276 = tpu.vector_load %arg4[%get3A_273, %get3A_274, %get3A_275] {strides = array<i32>} : memref<50x8x128xf32, #tpu.memory_space<vmem>>, vector<16xf32>,
      %add3A_277 = arith.constant 1 : i32
      %add3A_278 = vector.broadcast %add3A_277 : i32 to vector<16xi32>
      %add3A_279 = arith.addi %mul3A_64, %add3A_278 : vector<16xi32>
      %scatter3A_280 = arith.constant 0 : i32
      %scatter3A_281 = arith.constant 0 : i32
      %scatter3A_282 = tpu.memref_slice %arg5[%scan3A_139, %scatter3A_280, %scatter3A_281] : memref<50x8x128xf32, #tpu.memory_space<vmem>> -> memref<1x8x128xf32, #tpu.memory_space<vmem>>
      %scatter3A_283 = tpu.memref_squeeze %scatter3A_282 : memref<1x8x128xf32, #tpu.memory_space<vmem>> -> memref<8x128xf32, #tpu.memory_space<vmem>>
      tpu.vector_store_idx %scatter3A_283[%shift_right_arithmetic3A_11, %add3A_279], %get3A_276 : memref<8x128xf32, #tpu.memory_space<vmem>>[vector<16xi32>, vector<16xi32>], vector<16xf32>,
      %get3A_284 = arith.constant 1 : i32
      %get3A_285 = arith.index_cast %scan3A_139 : i32 to index
      %get3A_286 = arith.index_cast %get3A_284 : i32 to index
      %get3A_287 = arith.constant 32 : index
      %get3A_288 = tpu.vector_load %arg4[%get3A_285, %get3A_286, %get3A_287] {strides = array<i32>} : memref<50x8x128xf32, #tpu.memory_space<vmem>>, vector<16xf32>,
      %add3A_289 = arith.constant 1 : i32
      %add3A_290 = vector.broadcast %add3A_289 : i32 to vector<16xi32>
      %add3A_291 = arith.addi %mul3A_73, %add3A_290 : vector<16xi32>
      %scatter3A_292 = arith.constant 0 : i32
      %scatter3A_293 = arith.constant 0 : i32
      %scatter3A_294 = tpu.memref_slice %arg5[%scan3A_139, %scatter3A_292, %scatter3A_293] : memref<50x8x128xf32, #tpu.memory_space<vmem>> -> memref<1x8x128xf32, #tpu.memory_space<vmem>>
      %scatter3A_295 = tpu.memref_squeeze %scatter3A_294 : memref<1x8x128xf32, #tpu.memory_space<vmem>> -> memref<8x128xf32, #tpu.memory_space<vmem>>
      tpu.vector_store_idx %scatter3A_295[%shift_right_arithmetic3A_17, %add3A_291], %get3A_288 : memref<8x128xf32, #tpu.memory_space<vmem>>[vector<16xi32>, vector<16xi32>], vector<16xf32>,
      %get3A_296 = arith.constant 1 : i32
      %get3A_297 = arith.index_cast %scan3A_139 : i32 to index
      %get3A_298 = arith.index_cast %get3A_296 : i32 to index
      %get3A_299 = arith.constant 48 : index
      %get3A_300 = tpu.vector_load %arg4[%get3A_297, %get3A_298, %get3A_299] {strides = array<i32>} : memref<50x8x128xf32, #tpu.memory_space<vmem>>, vector<16xf32>,
      %add3A_301 = arith.constant 1 : i32
      %add3A_302 = vector.broadcast %add3A_301 : i32 to vector<16xi32>
      %add3A_303 = arith.addi %mul3A_82, %add3A_302 : vector<16xi32>
      %scatter3A_304 = arith.constant 0 : i32
      %scatter3A_305 = arith.constant 0 : i32
      %scatter3A_306 = tpu.memref_slice %arg5[%scan3A_139, %scatter3A_304, %scatter3A_305] : memref<50x8x128xf32, #tpu.memory_space<vmem>> -> memref<1x8x128xf32, #tpu.memory_space<vmem>>
      %scatter3A_307 = tpu.memref_squeeze %scatter3A_306 : memref<1x8x128xf32, #tpu.memory_space<vmem>> -> memref<8x128xf32, #tpu.memory_space<vmem>>
      tpu.vector_store_idx %scatter3A_307[%shift_right_arithmetic3A_23, %add3A_303], %get3A_300 : memref<8x128xf32, #tpu.memory_space<vmem>>[vector<16xi32>, vector<16xi32>], vector<16xf32>,
      %get3A_308 = arith.constant 1 : i32
      %get3A_309 = arith.index_cast %scan3A_139 : i32 to index
      %get3A_310 = arith.index_cast %get3A_308 : i32 to index
      %get3A_311 = arith.constant 64 : index
      %get3A_312 = tpu.vector_load %arg4[%get3A_309, %get3A_310, %get3A_311] {strides = array<i32>} : memref<50x8x128xf32, #tpu.memory_space<vmem>>, vector<16xf32>,
      %add3A_313 = arith.constant 1 : i32
      %add3A_314 = vector.broadcast %add3A_313 : i32 to vector<16xi32>
      %add3A_315 = arith.addi %mul3A_91, %add3A_314 : vector<16xi32>
      %scatter3A_316 = arith.constant 0 : i32
      %scatter3A_317 = arith.constant 0 : i32
      %scatter3A_318 = tpu.memref_slice %arg5[%scan3A_139, %scatter3A_316, %scatter3A_317] : memref<50x8x128xf32, #tpu.memory_space<vmem>> -> memref<1x8x128xf32, #tpu.memory_space<vmem>>
      %scatter3A_319 = tpu.memref_squeeze %scatter3A_318 : memref<1x8x128xf32, #tpu.memory_space<vmem>> -> memref<8x128xf32, #tpu.memory_space<vmem>>
      tpu.vector_store_idx %scatter3A_319[%shift_right_arithmetic3A_29, %add3A_315], %get3A_312 : memref<8x128xf32, #tpu.memory_space<vmem>>[vector<16xi32>, vector<16xi32>], vector<16xf32>,
      %get3A_320 = arith.constant 1 : i32
      %get3A_321 = arith.index_cast %scan3A_139 : i32 to index
      %get3A_322 = arith.index_cast %get3A_320 : i32 to index
      %get3A_323 = arith.constant 80 : index
      %get3A_324 = tpu.vector_load %arg4[%get3A_321, %get3A_322, %get3A_323] {strides = array<i32>} : memref<50x8x128xf32, #tpu.memory_space<vmem>>, vector<16xf32>,
      %add3A_325 = arith.constant 1 : i32
      %add3A_326 = vector.broadcast %add3A_325 : i32 to vector<16xi32>
      %add3A_327 = arith.addi %mul3A_100, %add3A_326 : vector<16xi32>
      %scatter3A_328 = arith.constant 0 : i32
      %scatter3A_329 = arith.constant 0 : i32
      %scatter3A_330 = tpu.memref_slice %arg5[%scan3A_139, %scatter3A_328, %scatter3A_329] : memref<50x8x128xf32, #tpu.memory_space<vmem>> -> memref<1x8x128xf32, #tpu.memory_space<vmem>>
      %scatter3A_331 = tpu.memref_squeeze %scatter3A_330 : memref<1x8x128xf32, #tpu.memory_space<vmem>> -> memref<8x128xf32, #tpu.memory_space<vmem>>
      tpu.vector_store_idx %scatter3A_331[%shift_right_arithmetic3A_35, %add3A_327], %get3A_324 : memref<8x128xf32, #tpu.memory_space<vmem>>[vector<16xi32>, vector<16xi32>], vector<16xf32>,
      %get3A_332 = arith.constant 1 : i32
      %get3A_333 = arith.index_cast %scan3A_139 : i32 to index
      %get3A_334 = arith.index_cast %get3A_332 : i32 to index
      %get3A_335 = arith.constant 96 : index
      %get3A_336 = tpu.vector_load %arg4[%get3A_333, %get3A_334, %get3A_335] {strides = array<i32>} : memref<50x8x128xf32, #tpu.memory_space<vmem>>, vector<16xf32>,
      %add3A_337 = arith.constant 1 : i32
      %add3A_338 = vector.broadcast %add3A_337 : i32 to vector<16xi32>
      %add3A_339 = arith.addi %mul3A_109, %add3A_338 : vector<16xi32>
      %scatter3A_340 = arith.constant 0 : i32
      %scatter3A_341 = arith.constant 0 : i32
      %scatter3A_342 = tpu.memref_slice %arg5[%scan3A_139, %scatter3A_340, %scatter3A_341] : memref<50x8x128xf32, #tpu.memory_space<vmem>> -> memref<1x8x128xf32, #tpu.memory_space<vmem>>
      %scatter3A_343 = tpu.memref_squeeze %scatter3A_342 : memref<1x8x128xf32, #tpu.memory_space<vmem>> -> memref<8x128xf32, #tpu.memory_space<vmem>>
      tpu.vector_store_idx %scatter3A_343[%shift_right_arithmetic3A_41, %add3A_339], %get3A_336 : memref<8x128xf32, #tpu.memory_space<vmem>>[vector<16xi32>, vector<16xi32>], vector<16xf32>,
      %get3A_344 = arith.constant 1 : i32
      %get3A_345 = arith.index_cast %scan3A_139 : i32 to index
      %get3A_346 = arith.index_cast %get3A_344 : i32 to index
      %get3A_347 = arith.constant 112 : index
      %get3A_348 = tpu.vector_load %arg4[%get3A_345, %get3A_346, %get3A_347] {strides = array<i32>} : memref<50x8x128xf32, #tpu.memory_space<vmem>>, vector<16xf32>,
      %add3A_349 = arith.constant 1 : i32
      %add3A_350 = vector.broadcast %add3A_349 : i32 to vector<16xi32>
      %add3A_351 = arith.addi %mul3A_118, %add3A_350 : vector<16xi32>
      %scatter3A_352 = arith.constant 0 : i32
      %scatter3A_353 = arith.constant 0 : i32
      %scatter3A_354 = tpu.memref_slice %arg5[%scan3A_139, %scatter3A_352, %scatter3A_353] : memref<50x8x128xf32, #tpu.memory_space<vmem>> -> memref<1x8x128xf32, #tpu.memory_space<vmem>>
      %scatter3A_355 = tpu.memref_squeeze %scatter3A_354 : memref<1x8x128xf32, #tpu.memory_space<vmem>> -> memref<8x128xf32, #tpu.memory_space<vmem>>
      tpu.vector_store_idx %scatter3A_355[%shift_right_arithmetic3A_47, %add3A_351], %get3A_348 : memref<8x128xf32, #tpu.memory_space<vmem>>[vector<16xi32>, vector<16xi32>], vector<16xf32>,
      %get3A_356 = arith.constant 2 : i32
      %get3A_357 = arith.index_cast %scan3A_139 : i32 to index
      %get3A_358 = arith.index_cast %get3A_356 : i32 to index
      %get3A_359 = arith.constant 0 : index
      %get3A_360 = tpu.vector_load %arg4[%get3A_357, %get3A_358, %get3A_359] {strides = array<i32>} : memref<50x8x128xf32, #tpu.memory_space<vmem>>, vector<16xf32>,
      %add3A_361 = arith.constant 2 : i32
      %add3A_362 = vector.broadcast %add3A_361 : i32 to vector<16xi32>
      %add3A_363 = arith.addi %mul3A_55, %add3A_362 : vector<16xi32>
      %scatter3A_364 = arith.constant 0 : i32
      %scatter3A_365 = arith.constant 0 : i32
      %scatter3A_366 = tpu.memref_slice %arg5[%scan3A_139, %scatter3A_364, %scatter3A_365] : memref<50x8x128xf32, #tpu.memory_space<vmem>> -> memref<1x8x128xf32, #tpu.memory_space<vmem>>
      %scatter3A_367 = tpu.memref_squeeze %scatter3A_366 : memref<1x8x128xf32, #tpu.memory_space<vmem>> -> memref<8x128xf32, #tpu.memory_space<vmem>>
      tpu.vector_store_idx %scatter3A_367[%shift_right_arithmetic3A_5, %add3A_363], %get3A_360 : memref<8x128xf32, #tpu.memory_space<vmem>>[vector<16xi32>, vector<16xi32>], vector<16xf32>,
      %get3A_368 = arith.constant 2 : i32
      %get3A_369 = arith.index_cast %scan3A_139 : i32 to index
      %get3A_370 = arith.index_cast %get3A_368 : i32 to index
      %get3A_371 = arith.constant 16 : index
      %get3A_372 = tpu.vector_load %arg4[%get3A_369, %get3A_370, %get3A_371] {strides = array<i32>} : memref<50x8x128xf32, #tpu.memory_space<vmem>>, vector<16xf32>,
      %add3A_373 = arith.constant 2 : i32
      %add3A_374 = vector.broadcast %add3A_373 : i32 to vector<16xi32>
      %add3A_375 = arith.addi %mul3A_64, %add3A_374 : vector<16xi32>
      %scatter3A_376 = arith.constant 0 : i32
      %scatter3A_377 = arith.constant 0 : i32
      %scatter3A_378 = tpu.memref_slice %arg5[%scan3A_139, %scatter3A_376, %scatter3A_377] : memref<50x8x128xf32, #tpu.memory_space<vmem>> -> memref<1x8x128xf32, #tpu.memory_space<vmem>>
      %scatter3A_379 = tpu.memref_squeeze %scatter3A_378 : memref<1x8x128xf32, #tpu.memory_space<vmem>> -> memref<8x128xf32, #tpu.memory_space<vmem>>
      tpu.vector_store_idx %scatter3A_379[%shift_right_arithmetic3A_11, %add3A_375], %get3A_372 : memref<8x128xf32, #tpu.memory_space<vmem>>[vector<16xi32>, vector<16xi32>], vector<16xf32>,
      %get3A_380 = arith.constant 2 : i32
      %get3A_381 = arith.index_cast %scan3A_139 : i32 to index
      %get3A_382 = arith.index_cast %get3A_380 : i32 to index
      %get3A_383 = arith.constant 32 : index
      %get3A_384 = tpu.vector_load %arg4[%get3A_381, %get3A_382, %get3A_383] {strides = array<i32>} : memref<50x8x128xf32, #tpu.memory_space<vmem>>, vector<16xf32>,
      %add3A_385 = arith.constant 2 : i32
      %add3A_386 = vector.broadcast %add3A_385 : i32 to vector<16xi32>
      %add3A_387 = arith.addi %mul3A_73, %add3A_386 : vector<16xi32>
      %scatter3A_388 = arith.constant 0 : i32
      %scatter3A_389 = arith.constant 0 : i32
      %scatter3A_390 = tpu.memref_slice %arg5[%scan3A_139, %scatter3A_388, %scatter3A_389] : memref<50x8x128xf32, #tpu.memory_space<vmem>> -> memref<1x8x128xf32, #tpu.memory_space<vmem>>
      %scatter3A_391 = tpu.memref_squeeze %scatter3A_390 : memref<1x8x128xf32, #tpu.memory_space<vmem>> -> memref<8x128xf32, #tpu.memory_space<vmem>>
      tpu.vector_store_idx %scatter3A_391[%shift_right_arithmetic3A_17, %add3A_387], %get3A_384 : memref<8x128xf32, #tpu.memory_space<vmem>>[vector<16xi32>, vector<16xi32>], vector<16xf32>,
      %get3A_392 = arith.constant 2 : i32
      %get3A_393 = arith.index_cast %scan3A_139 : i32 to index
      %get3A_394 = arith.index_cast %get3A_392 : i32 to index
      %get3A_395 = arith.constant 48 : index
      %get3A_396 = tpu.vector_load %arg4[%get3A_393, %get3A_394, %get3A_395] {strides = array<i32>} : memref<50x8x128xf32, #tpu.memory_space<vmem>>, vector<16xf32>,
      %add3A_397 = arith.constant 2 : i32
      %add3A_398 = vector.broadcast %add3A_397 : i32 to vector<16xi32>
      %add3A_399 = arith.addi %mul3A_82, %add3A_398 : vector<16xi32>
      %scatter3A_400 = arith.constant 0 : i32
      %scatter3A_401 = arith.constant 0 : i32
      %scatter3A_402 = tpu.memref_slice %arg5[%scan3A_139, %scatter3A_400, %scatter3A_401] : memref<50x8x128xf32, #tpu.memory_space<vmem>> -> memref<1x8x128xf32, #tpu.memory_space<vmem>>
      %scatter3A_403 = tpu.memref_squeeze %scatter3A_402 : memref<1x8x128xf32, #tpu.memory_space<vmem>> -> memref<8x128xf32, #tpu.memory_space<vmem>>
      tpu.vector_store_idx %scatter3A_403[%shift_right_arithmetic3A_23, %add3A_399], %get3A_396 : memref<8x128xf32, #tpu.memory_space<vmem>>[vector<16xi32>, vector<16xi32>], vector<16xf32>,
      %get3A_404 = arith.constant 2 : i32
      %get3A_405 = arith.index_cast %scan3A_139 : i32 to index
      %get3A_406 = arith.index_cast %get3A_404 : i32 to index
      %get3A_407 = arith.constant 64 : index
      %get3A_408 = tpu.vector_load %arg4[%get3A_405, %get3A_406, %get3A_407] {strides = array<i32>} : memref<50x8x128xf32, #tpu.memory_space<vmem>>, vector<16xf32>,
      %add3A_409 = arith.constant 2 : i32
      %add3A_410 = vector.broadcast %add3A_409 : i32 to vector<16xi32>
      %add3A_411 = arith.addi %mul3A_91, %add3A_410 : vector<16xi32>
      %scatter3A_412 = arith.constant 0 : i32
      %scatter3A_413 = arith.constant 0 : i32
      %scatter3A_414 = tpu.memref_slice %arg5[%scan3A_139, %scatter3A_412, %scatter3A_413] : memref<50x8x128xf32, #tpu.memory_space<vmem>> -> memref<1x8x128xf32, #tpu.memory_space<vmem>>
      %scatter3A_415 = tpu.memref_squeeze %scatter3A_414 : memref<1x8x128xf32, #tpu.memory_space<vmem>> -> memref<8x128xf32, #tpu.memory_space<vmem>>
      tpu.vector_store_idx %scatter3A_415[%shift_right_arithmetic3A_29, %add3A_411], %get3A_408 : memref<8x128xf32, #tpu.memory_space<vmem>>[vector<16xi32>, vector<16xi32>], vector<16xf32>,
      %get3A_416 = arith.constant 2 : i32
      %get3A_417 = arith.index_cast %scan3A_139 : i32 to index
      %get3A_418 = arith.index_cast %get3A_416 : i32 to index
      %get3A_419 = arith.constant 80 : index
      %get3A_420 = tpu.vector_load %arg4[%get3A_417, %get3A_418, %get3A_419] {strides = array<i32>} : memref<50x8x128xf32, #tpu.memory_space<vmem>>, vector<16xf32>,
      %add3A_421 = arith.constant 2 : i32
      %add3A_422 = vector.broadcast %add3A_421 : i32 to vector<16xi32>
      %add3A_423 = arith.addi %mul3A_100, %add3A_422 : vector<16xi32>
      %scatter3A_424 = arith.constant 0 : i32
      %scatter3A_425 = arith.constant 0 : i32
      %scatter3A_426 = tpu.memref_slice %arg5[%scan3A_139, %scatter3A_424, %scatter3A_425] : memref<50x8x128xf32, #tpu.memory_space<vmem>> -> memref<1x8x128xf32, #tpu.memory_space<vmem>>
      %scatter3A_427 = tpu.memref_squeeze %scatter3A_426 : memref<1x8x128xf32, #tpu.memory_space<vmem>> -> memref<8x128xf32, #tpu.memory_space<vmem>>
      tpu.vector_store_idx %scatter3A_427[%shift_right_arithmetic3A_35, %add3A_423], %get3A_420 : memref<8x128xf32, #tpu.memory_space<vmem>>[vector<16xi32>, vector<16xi32>], vector<16xf32>,
      %get3A_428 = arith.constant 2 : i32
      %get3A_429 = arith.index_cast %scan3A_139 : i32 to index
      %get3A_430 = arith.index_cast %get3A_428 : i32 to index
      %get3A_431 = arith.constant 96 : index
      %get3A_432 = tpu.vector_load %arg4[%get3A_429, %get3A_430, %get3A_431] {strides = array<i32>} : memref<50x8x128xf32, #tpu.memory_space<vmem>>, vector<16xf32>,
      %add3A_433 = arith.constant 2 : i32
      %add3A_434 = vector.broadcast %add3A_433 : i32 to vector<16xi32>
      %add3A_435 = arith.addi %mul3A_109, %add3A_434 : vector<16xi32>
      %scatter3A_436 = arith.constant 0 : i32
      %scatter3A_437 = arith.constant 0 : i32
      %scatter3A_438 = tpu.memref_slice %arg5[%scan3A_139, %scatter3A_436, %scatter3A_437] : memref<50x8x128xf32, #tpu.memory_space<vmem>> -> memref<1x8x128xf32, #tpu.memory_space<vmem>>
      %scatter3A_439 = tpu.memref_squeeze %scatter3A_438 : memref<1x8x128xf32, #tpu.memory_space<vmem>> -> memref<8x128xf32, #tpu.memory_space<vmem>>
      tpu.vector_store_idx %scatter3A_439[%shift_right_arithmetic3A_41, %add3A_435], %get3A_432 : memref<8x128xf32, #tpu.memory_space<vmem>>[vector<16xi32>, vector<16xi32>], vector<16xf32>,
      %get3A_440 = arith.constant 2 : i32
      %get3A_441 = arith.index_cast %scan3A_139 : i32 to index
      %get3A_442 = arith.index_cast %get3A_440 : i32 to index
      %get3A_443 = arith.constant 112 : index
      %get3A_444 = tpu.vector_load %arg4[%get3A_441, %get3A_442, %get3A_443] {strides = array<i32>} : memref<50x8x128xf32, #tpu.memory_space<vmem>>, vector<16xf32>,
      %add3A_445 = arith.constant 2 : i32
      %add3A_446 = vector.broadcast %add3A_445 : i32 to vector<16xi32>
      %add3A_447 = arith.addi %mul3A_118, %add3A_446 : vector<16xi32>
      %scatter3A_448 = arith.constant 0 : i32
      %scatter3A_449 = arith.constant 0 : i32
      %scatter3A_450 = tpu.memref_slice %arg5[%scan3A_139, %scatter3A_448, %scatter3A_449] : memref<50x8x128xf32, #tpu.memory_space<vmem>> -> memref<1x8x128xf32, #tpu.memory_space<vmem>>
      %scatter3A_451 = tpu.memref_squeeze %scatter3A_450 : memref<1x8x128xf32, #tpu.memory_space<vmem>> -> memref<8x128xf32, #tpu.memory_space<vmem>>
      tpu.vector_store_idx %scatter3A_451[%shift_right_arithmetic3A_47, %add3A_447], %get3A_444 : memref<8x128xf32, #tpu.memory_space<vmem>>[vector<16xi32>, vector<16xi32>], vector<16xf32>,
      %get3A_452 = arith.constant 3 : i32
      %get3A_453 = arith.index_cast %scan3A_139 : i32 to index
      %get3A_454 = arith.index_cast %get3A_452 : i32 to index
      %get3A_455 = arith.constant 0 : index
      %get3A_456 = tpu.vector_load %arg4[%get3A_453, %get3A_454, %get3A_455] {strides = array<i32>} : memref<50x8x128xf32, #tpu.memory_space<vmem>>, vector<16xf32>,
      %add3A_457 = arith.constant 3 : i32
      %add3A_458 = vector.broadcast %add3A_457 : i32 to vector<16xi32>
      %add3A_459 = arith.addi %mul3A_55, %add3A_458 : vector<16xi32>
      %scatter3A_460 = arith.constant 0 : i32
      %scatter3A_461 = arith.constant 0 : i32
      %scatter3A_462 = tpu.memref_slice %arg5[%scan3A_139, %scatter3A_460, %scatter3A_461] : memref<50x8x128xf32, #tpu.memory_space<vmem>> -> memref<1x8x128xf32, #tpu.memory_space<vmem>>
      %scatter3A_463 = tpu.memref_squeeze %scatter3A_462 : memref<1x8x128xf32, #tpu.memory_space<vmem>> -> memref<8x128xf32, #tpu.memory_space<vmem>>
      tpu.vector_store_idx %scatter3A_463[%shift_right_arithmetic3A_5, %add3A_459], %get3A_456 : memref<8x128xf32, #tpu.memory_space<vmem>>[vector<16xi32>, vector<16xi32>], vector<16xf32>,
      %get3A_464 = arith.constant 3 : i32
      %get3A_465 = arith.index_cast %scan3A_139 : i32 to index
      %get3A_466 = arith.index_cast %get3A_464 : i32 to index
      %get3A_467 = arith.constant 16 : index
      %get3A_468 = tpu.vector_load %arg4[%get3A_465, %get3A_466, %get3A_467] {strides = array<i32>} : memref<50x8x128xf32, #tpu.memory_space<vmem>>, vector<16xf32>,
      %add3A_469 = arith.constant 3 : i32
      %add3A_470 = vector.broadcast %add3A_469 : i32 to vector<16xi32>
      %add3A_471 = arith.addi %mul3A_64, %add3A_470 : vector<16xi32>
      %scatter3A_472 = arith.constant 0 : i32
      %scatter3A_473 = arith.constant 0 : i32
      %scatter3A_474 = tpu.memref_slice %arg5[%scan3A_139, %scatter3A_472, %scatter3A_473] : memref<50x8x128xf32, #tpu.memory_space<vmem>> -> memref<1x8x128xf32, #tpu.memory_space<vmem>>
      %scatter3A_475 = tpu.memref_squeeze %scatter3A_474 : memref<1x8x128xf32, #tpu.memory_space<vmem>> -> memref<8x128xf32, #tpu.memory_space<vmem>>
      tpu.vector_store_idx %scatter3A_475[%shift_right_arithmetic3A_11, %add3A_471], %get3A_468 : memref<8x128xf32, #tpu.memory_space<vmem>>[vector<16xi32>, vector<16xi32>], vector<16xf32>,
      %get3A_476 = arith.constant 3 : i32
      %get3A_477 = arith.index_cast %scan3A_139 : i32 to index
      %get3A_478 = arith.index_cast %get3A_476 : i32 to index
      %get3A_479 = arith.constant 32 : index
      %get3A_480 = tpu.vector_load %arg4[%get3A_477, %get3A_478, %get3A_479] {strides = array<i32>} : memref<50x8x128xf32, #tpu.memory_space<vmem>>, vector<16xf32>,
      %add3A_481 = arith.constant 3 : i32
      %add3A_482 = vector.broadcast %add3A_481 : i32 to vector<16xi32>
      %add3A_483 = arith.addi %mul3A_73, %add3A_482 : vector<16xi32>
      %scatter3A_484 = arith.constant 0 : i32
      %scatter3A_485 = arith.constant 0 : i32
      %scatter3A_486 = tpu.memref_slice %arg5[%scan3A_139, %scatter3A_484, %scatter3A_485] : memref<50x8x128xf32, #tpu.memory_space<vmem>> -> memref<1x8x128xf32, #tpu.memory_space<vmem>>
      %scatter3A_487 = tpu.memref_squeeze %scatter3A_486 : memref<1x8x128xf32, #tpu.memory_space<vmem>> -> memref<8x128xf32, #tpu.memory_space<vmem>>
      tpu.vector_store_idx %scatter3A_487[%shift_right_arithmetic3A_17, %add3A_483], %get3A_480 : memref<8x128xf32, #tpu.memory_space<vmem>>[vector<16xi32>, vector<16xi32>], vector<16xf32>,
      %get3A_488 = arith.constant 3 : i32
      %get3A_489 = arith.index_cast %scan3A_139 : i32 to index
      %get3A_490 = arith.index_cast %get3A_488 : i32 to index
      %get3A_491 = arith.constant 48 : index
      %get3A_492 = tpu.vector_load %arg4[%get3A_489, %get3A_490, %get3A_491] {strides = array<i32>} : memref<50x8x128xf32, #tpu.memory_space<vmem>>, vector<16xf32>,
      %add3A_493 = arith.constant 3 : i32
      %add3A_494 = vector.broadcast %add3A_493 : i32 to vector<16xi32>
      %add3A_495 = arith.addi %mul3A_82, %add3A_494 : vector<16xi32>
      %scatter3A_496 = arith.constant 0 : i32
      %scatter3A_497 = arith.constant 0 : i32
      %scatter3A_498 = tpu.memref_slice %arg5[%scan3A_139, %scatter3A_496, %scatter3A_497] : memref<50x8x128xf32, #tpu.memory_space<vmem>> -> memref<1x8x128xf32, #tpu.memory_space<vmem>>
      %scatter3A_499 = tpu.memref_squeeze %scatter3A_498 : memref<1x8x128xf32, #tpu.memory_space<vmem>> -> memref<8x128xf32, #tpu.memory_space<vmem>>
      tpu.vector_store_idx %scatter3A_499[%shift_right_arithmetic3A_23, %add3A_495], %get3A_492 : memref<8x128xf32, #tpu.memory_space<vmem>>[vector<16xi32>, vector<16xi32>], vector<16xf32>,
      %get3A_500 = arith.constant 3 : i32
      %get3A_501 = arith.index_cast %scan3A_139 : i32 to index
      %get3A_502 = arith.index_cast %get3A_500 : i32 to index
      %get3A_503 = arith.constant 64 : index
      %get3A_504 = tpu.vector_load %arg4[%get3A_501, %get3A_502, %get3A_503] {strides = array<i32>} : memref<50x8x128xf32, #tpu.memory_space<vmem>>, vector<16xf32>,
      %add3A_505 = arith.constant 3 : i32
      %add3A_506 = vector.broadcast %add3A_505 : i32 to vector<16xi32>
      %add3A_507 = arith.addi %mul3A_91, %add3A_506 : vector<16xi32>
      %scatter3A_508 = arith.constant 0 : i32
      %scatter3A_509 = arith.constant 0 : i32
      %scatter3A_510 = tpu.memref_slice %arg5[%scan3A_139, %scatter3A_508, %scatter3A_509] : memref<50x8x128xf32, #tpu.memory_space<vmem>> -> memref<1x8x128xf32, #tpu.memory_space<vmem>>
      %scatter3A_511 = tpu.memref_squeeze %scatter3A_510 : memref<1x8x128xf32, #tpu.memory_space<vmem>> -> memref<8x128xf32, #tpu.memory_space<vmem>>
      tpu.vector_store_idx %scatter3A_511[%shift_right_arithmetic3A_29, %add3A_507], %get3A_504 : memref<8x128xf32, #tpu.memory_space<vmem>>[vector<16xi32>, vector<16xi32>], vector<16xf32>,
      %get3A_512 = arith.constant 3 : i32
      %get3A_513 = arith.index_cast %scan3A_139 : i32 to index
      %get3A_514 = arith.index_cast %get3A_512 : i32 to index
      %get3A_515 = arith.constant 80 : index
      %get3A_516 = tpu.vector_load %arg4[%get3A_513, %get3A_514, %get3A_515] {strides = array<i32>} : memref<50x8x128xf32, #tpu.memory_space<vmem>>, vector<16xf32>,
      %add3A_517 = arith.constant 3 : i32
      %add3A_518 = vector.broadcast %add3A_517 : i32 to vector<16xi32>
      %add3A_519 = arith.addi %mul3A_100, %add3A_518 : vector<16xi32>
      %scatter3A_520 = arith.constant 0 : i32
      %scatter3A_521 = arith.constant 0 : i32
      %scatter3A_522 = tpu.memref_slice %arg5[%scan3A_139, %scatter3A_520, %scatter3A_521] : memref<50x8x128xf32, #tpu.memory_space<vmem>> -> memref<1x8x128xf32, #tpu.memory_space<vmem>>
      %scatter3A_523 = tpu.memref_squeeze %scatter3A_522 : memref<1x8x128xf32, #tpu.memory_space<vmem>> -> memref<8x128xf32, #tpu.memory_space<vmem>>
      tpu.vector_store_idx %scatter3A_523[%shift_right_arithmetic3A_35, %add3A_519], %get3A_516 : memref<8x128xf32, #tpu.memory_space<vmem>>[vector<16xi32>, vector<16xi32>], vector<16xf32>,
      %get3A_524 = arith.constant 3 : i32
      %get3A_525 = arith.index_cast %scan3A_139 : i32 to index
      %get3A_526 = arith.index_cast %get3A_524 : i32 to index
      %get3A_527 = arith.constant 96 : index
      %get3A_528 = tpu.vector_load %arg4[%get3A_525, %get3A_526, %get3A_527] {strides = array<i32>} : memref<50x8x128xf32, #tpu.memory_space<vmem>>, vector<16xf32>,
      %add3A_529 = arith.constant 3 : i32
      %add3A_530 = vector.broadcast %add3A_529 : i32 to vector<16xi32>
      %add3A_531 = arith.addi %mul3A_109, %add3A_530 : vector<16xi32>
      %scatter3A_532 = arith.constant 0 : i32
      %scatter3A_533 = arith.constant 0 : i32
      %scatter3A_534 = tpu.memref_slice %arg5[%scan3A_139, %scatter3A_532, %scatter3A_533] : memref<50x8x128xf32, #tpu.memory_space<vmem>> -> memref<1x8x128xf32, #tpu.memory_space<vmem>>
      %scatter3A_535 = tpu.memref_squeeze %scatter3A_534 : memref<1x8x128xf32, #tpu.memory_space<vmem>> -> memref<8x128xf32, #tpu.memory_space<vmem>>
      tpu.vector_store_idx %scatter3A_535[%shift_right_arithmetic3A_41, %add3A_531], %get3A_528 : memref<8x128xf32, #tpu.memory_space<vmem>>[vector<16xi32>, vector<16xi32>], vector<16xf32>,
      %get3A_536 = arith.constant 3 : i32
      %get3A_537 = arith.index_cast %scan3A_139 : i32 to index
      %get3A_538 = arith.index_cast %get3A_536 : i32 to index
      %get3A_539 = arith.constant 112 : index
      %get3A_540 = tpu.vector_load %arg4[%get3A_537, %get3A_538, %get3A_539] {strides = array<i32>} : memref<50x8x128xf32, #tpu.memory_space<vmem>>, vector<16xf32>,
      %add3A_541 = arith.constant 3 : i32
      %add3A_542 = vector.broadcast %add3A_541 : i32 to vector<16xi32>
      %add3A_543 = arith.addi %mul3A_118, %add3A_542 : vector<16xi32>
      %scatter3A_544 = arith.constant 0 : i32
      %scatter3A_545 = arith.constant 0 : i32
      %scatter3A_546 = tpu.memref_slice %arg5[%scan3A_139, %scatter3A_544, %scatter3A_545] : memref<50x8x128xf32, #tpu.memory_space<vmem>> -> memref<1x8x128xf32, #tpu.memory_space<vmem>>
      %scatter3A_547 = tpu.memref_squeeze %scatter3A_546 : memref<1x8x128xf32, #tpu.memory_space<vmem>> -> memref<8x128xf32, #tpu.memory_space<vmem>>
      tpu.vector_store_idx %scatter3A_547[%shift_right_arithmetic3A_47, %add3A_543], %get3A_540 : memref<8x128xf32, #tpu.memory_space<vmem>>[vector<16xi32>, vector<16xi32>], vector<16xf32>,
      %get3A_548 = arith.constant 4 : i32
      %get3A_549 = arith.index_cast %scan3A_139 : i32 to index
      %get3A_550 = arith.index_cast %get3A_548 : i32 to index
      %get3A_551 = arith.constant 0 : index
      %get3A_552 = tpu.vector_load %arg4[%get3A_549, %get3A_550, %get3A_551] {strides = array<i32>} : memref<50x8x128xf32, #tpu.memory_space<vmem>>, vector<16xf32>,
      %add3A_553 = arith.constant 4 : i32
      %add3A_554 = vector.broadcast %add3A_553 : i32 to vector<16xi32>
      %add3A_555 = arith.addi %mul3A_55, %add3A_554 : vector<16xi32>
      %scatter3A_556 = arith.constant 0 : i32
      %scatter3A_557 = arith.constant 0 : i32
      %scatter3A_558 = tpu.memref_slice %arg5[%scan3A_139, %scatter3A_556, %scatter3A_557] : memref<50x8x128xf32, #tpu.memory_space<vmem>> -> memref<1x8x128xf32, #tpu.memory_space<vmem>>
      %scatter3A_559 = tpu.memref_squeeze %scatter3A_558 : memref<1x8x128xf32, #tpu.memory_space<vmem>> -> memref<8x128xf32, #tpu.memory_space<vmem>>
      tpu.vector_store_idx %scatter3A_559[%shift_right_arithmetic3A_5, %add3A_555], %get3A_552 : memref<8x128xf32, #tpu.memory_space<vmem>>[vector<16xi32>, vector<16xi32>], vector<16xf32>,
      %get3A_560 = arith.constant 4 : i32
      %get3A_561 = arith.index_cast %scan3A_139 : i32 to index
      %get3A_562 = arith.index_cast %get3A_560 : i32 to index
      %get3A_563 = arith.constant 16 : index
      %get3A_564 = tpu.vector_load %arg4[%get3A_561, %get3A_562, %get3A_563] {strides = array<i32>} : memref<50x8x128xf32, #tpu.memory_space<vmem>>, vector<16xf32>,
      %add3A_565 = arith.constant 4 : i32
      %add3A_566 = vector.broadcast %add3A_565 : i32 to vector<16xi32>
      %add3A_567 = arith.addi %mul3A_64, %add3A_566 : vector<16xi32>
      %scatter3A_568 = arith.constant 0 : i32
      %scatter3A_569 = arith.constant 0 : i32
      %scatter3A_570 = tpu.memref_slice %arg5[%scan3A_139, %scatter3A_568, %scatter3A_569] : memref<50x8x128xf32, #tpu.memory_space<vmem>> -> memref<1x8x128xf32, #tpu.memory_space<vmem>>
      %scatter3A_571 = tpu.memref_squeeze %scatter3A_570 : memref<1x8x128xf32, #tpu.memory_space<vmem>> -> memref<8x128xf32, #tpu.memory_space<vmem>>
      tpu.vector_store_idx %scatter3A_571[%shift_right_arithmetic3A_11, %add3A_567], %get3A_564 : memref<8x128xf32, #tpu.memory_space<vmem>>[vector<16xi32>, vector<16xi32>], vector<16xf32>,
      %get3A_572 = arith.constant 4 : i32
      %get3A_573 = arith.index_cast %scan3A_139 : i32 to index
      %get3A_574 = arith.index_cast %get3A_572 : i32 to index
      %get3A_575 = arith.constant 32 : index
      %get3A_576 = tpu.vector_load %arg4[%get3A_573, %get3A_574, %get3A_575] {strides = array<i32>} : memref<50x8x128xf32, #tpu.memory_space<vmem>>, vector<16xf32>,
      %add3A_577 = arith.constant 4 : i32
      %add3A_578 = vector.broadcast %add3A_577 : i32 to vector<16xi32>
      %add3A_579 = arith.addi %mul3A_73, %add3A_578 : vector<16xi32>
      %scatter3A_580 = arith.constant 0 : i32
      %scatter3A_581 = arith.constant 0 : i32
      %scatter3A_582 = tpu.memref_slice %arg5[%scan3A_139, %scatter3A_580, %scatter3A_581] : memref<50x8x128xf32, #tpu.memory_space<vmem>> -> memref<1x8x128xf32, #tpu.memory_space<vmem>>
      %scatter3A_583 = tpu.memref_squeeze %scatter3A_582 : memref<1x8x128xf32, #tpu.memory_space<vmem>> -> memref<8x128xf32, #tpu.memory_space<vmem>>
      tpu.vector_store_idx %scatter3A_583[%shift_right_arithmetic3A_17, %add3A_579], %get3A_576 : memref<8x128xf32, #tpu.memory_space<vmem>>[vector<16xi32>, vector<16xi32>], vector<16xf32>,
      %get3A_584 = arith.constant 4 : i32
      %get3A_585 = arith.index_cast %scan3A_139 : i32 to index
      %get3A_586 = arith.index_cast %get3A_584 : i32 to index
      %get3A_587 = arith.constant 48 : index
      %get3A_588 = tpu.vector_load %arg4[%get3A_585, %get3A_586, %get3A_587] {strides = array<i32>} : memref<50x8x128xf32, #tpu.memory_space<vmem>>, vector<16xf32>,
      %add3A_589 = arith.constant 4 : i32
      %add3A_590 = vector.broadcast %add3A_589 : i32 to vector<16xi32>
      %add3A_591 = arith.addi %mul3A_82, %add3A_590 : vector<16xi32>
      %scatter3A_592 = arith.constant 0 : i32
      %scatter3A_593 = arith.constant 0 : i32
      %scatter3A_594 = tpu.memref_slice %arg5[%scan3A_139, %scatter3A_592, %scatter3A_593] : memref<50x8x128xf32, #tpu.memory_space<vmem>> -> memref<1x8x128xf32, #tpu.memory_space<vmem>>
      %scatter3A_595 = tpu.memref_squeeze %scatter3A_594 : memref<1x8x128xf32, #tpu.memory_space<vmem>> -> memref<8x128xf32, #tpu.memory_space<vmem>>
      tpu.vector_store_idx %scatter3A_595[%shift_right_arithmetic3A_23, %add3A_591], %get3A_588 : memref<8x128xf32, #tpu.memory_space<vmem>>[vector<16xi32>, vector<16xi32>], vector<16xf32>,
      %get3A_596 = arith.constant 4 : i32
      %get3A_597 = arith.index_cast %scan3A_139 : i32 to index
      %get3A_598 = arith.index_cast %get3A_596 : i32 to index
      %get3A_599 = arith.constant 64 : index
      %get3A_600 = tpu.vector_load %arg4[%get3A_597, %get3A_598, %get3A_599] {strides = array<i32>} : memref<50x8x128xf32, #tpu.memory_space<vmem>>, vector<16xf32>,
      %add3A_601 = arith.constant 4 : i32
      %add3A_602 = vector.broadcast %add3A_601 : i32 to vector<16xi32>
      %add3A_603 = arith.addi %mul3A_91, %add3A_602 : vector<16xi32>
      %scatter3A_604 = arith.constant 0 : i32
      %scatter3A_605 = arith.constant 0 : i32
      %scatter3A_606 = tpu.memref_slice %arg5[%scan3A_139, %scatter3A_604, %scatter3A_605] : memref<50x8x128xf32, #tpu.memory_space<vmem>> -> memref<1x8x128xf32, #tpu.memory_space<vmem>>
      %scatter3A_607 = tpu.memref_squeeze %scatter3A_606 : memref<1x8x128xf32, #tpu.memory_space<vmem>> -> memref<8x128xf32, #tpu.memory_space<vmem>>
      tpu.vector_store_idx %scatter3A_607[%shift_right_arithmetic3A_29, %add3A_603], %get3A_600 : memref<8x128xf32, #tpu.memory_space<vmem>>[vector<16xi32>, vector<16xi32>], vector<16xf32>,
      %get3A_608 = arith.constant 4 : i32
      %get3A_609 = arith.index_cast %scan3A_139 : i32 to index
      %get3A_610 = arith.index_cast %get3A_608 : i32 to index
      %get3A_611 = arith.constant 80 : index
      %get3A_612 = tpu.vector_load %arg4[%get3A_609, %get3A_610, %get3A_611] {strides = array<i32>} : memref<50x8x128xf32, #tpu.memory_space<vmem>>, vector<16xf32>,
      %add3A_613 = arith.constant 4 : i32
      %add3A_614 = vector.broadcast %add3A_613 : i32 to vector<16xi32>
      %add3A_615 = arith.addi %mul3A_100, %add3A_614 : vector<16xi32>
      %scatter3A_616 = arith.constant 0 : i32
      %scatter3A_617 = arith.constant 0 : i32
      %scatter3A_618 = tpu.memref_slice %arg5[%scan3A_139, %scatter3A_616, %scatter3A_617] : memref<50x8x128xf32, #tpu.memory_space<vmem>> -> memref<1x8x128xf32, #tpu.memory_space<vmem>>
      %scatter3A_619 = tpu.memref_squeeze %scatter3A_618 : memref<1x8x128xf32, #tpu.memory_space<vmem>> -> memref<8x128xf32, #tpu.memory_space<vmem>>
      tpu.vector_store_idx %scatter3A_619[%shift_right_arithmetic3A_35, %add3A_615], %get3A_612 : memref<8x128xf32, #tpu.memory_space<vmem>>[vector<16xi32>, vector<16xi32>], vector<16xf32>,
      %get3A_620 = arith.constant 4 : i32
      %get3A_621 = arith.index_cast %scan3A_139 : i32 to index
      %get3A_622 = arith.index_cast %get3A_620 : i32 to index
      %get3A_623 = arith.constant 96 : index
      %get3A_624 = tpu.vector_load %arg4[%get3A_621, %get3A_622, %get3A_623] {strides = array<i32>} : memref<50x8x128xf32, #tpu.memory_space<vmem>>, vector<16xf32>,
      %add3A_625 = arith.constant 4 : i32
      %add3A_626 = vector.broadcast %add3A_625 : i32 to vector<16xi32>
      %add3A_627 = arith.addi %mul3A_109, %add3A_626 : vector<16xi32>
      %scatter3A_628 = arith.constant 0 : i32
      %scatter3A_629 = arith.constant 0 : i32
      %scatter3A_630 = tpu.memref_slice %arg5[%scan3A_139, %scatter3A_628, %scatter3A_629] : memref<50x8x128xf32, #tpu.memory_space<vmem>> -> memref<1x8x128xf32, #tpu.memory_space<vmem>>
      %scatter3A_631 = tpu.memref_squeeze %scatter3A_630 : memref<1x8x128xf32, #tpu.memory_space<vmem>> -> memref<8x128xf32, #tpu.memory_space<vmem>>
      tpu.vector_store_idx %scatter3A_631[%shift_right_arithmetic3A_41, %add3A_627], %get3A_624 : memref<8x128xf32, #tpu.memory_space<vmem>>[vector<16xi32>, vector<16xi32>], vector<16xf32>,
      %get3A_632 = arith.constant 4 : i32
      %get3A_633 = arith.index_cast %scan3A_139 : i32 to index
      %get3A_634 = arith.index_cast %get3A_632 : i32 to index
      %get3A_635 = arith.constant 112 : index
      %get3A_636 = tpu.vector_load %arg4[%get3A_633, %get3A_634, %get3A_635] {strides = array<i32>} : memref<50x8x128xf32, #tpu.memory_space<vmem>>, vector<16xf32>,
      %add3A_637 = arith.constant 4 : i32
      %add3A_638 = vector.broadcast %add3A_637 : i32 to vector<16xi32>
      %add3A_639 = arith.addi %mul3A_118, %add3A_638 : vector<16xi32>
      %scatter3A_640 = arith.constant 0 : i32
      %scatter3A_641 = arith.constant 0 : i32
      %scatter3A_642 = tpu.memref_slice %arg5[%scan3A_139, %scatter3A_640, %scatter3A_641] : memref<50x8x128xf32, #tpu.memory_space<vmem>> -> memref<1x8x128xf32, #tpu.memory_space<vmem>>
      %scatter3A_643 = tpu.memref_squeeze %scatter3A_642 : memref<1x8x128xf32, #tpu.memory_space<vmem>> -> memref<8x128xf32, #tpu.memory_space<vmem>>
      tpu.vector_store_idx %scatter3A_643[%shift_right_arithmetic3A_47, %add3A_639], %get3A_636 : memref<8x128xf32, #tpu.memory_space<vmem>>[vector<16xi32>, vector<16xi32>], vector<16xf32>,
      %get3A_644 = arith.constant 5 : i32
      %get3A_645 = arith.index_cast %scan3A_139 : i32 to index
      %get3A_646 = arith.index_cast %get3A_644 : i32 to index
      %get3A_647 = arith.constant 0 : index
      %get3A_648 = tpu.vector_load %arg4[%get3A_645, %get3A_646, %get3A_647] {strides = array<i32>} : memref<50x8x128xf32, #tpu.memory_space<vmem>>, vector<16xf32>,
      %add3A_649 = arith.constant 5 : i32
      %add3A_650 = vector.broadcast %add3A_649 : i32 to vector<16xi32>
      %add3A_651 = arith.addi %mul3A_55, %add3A_650 : vector<16xi32>
      %scatter3A_652 = arith.constant 0 : i32
      %scatter3A_653 = arith.constant 0 : i32
      %scatter3A_654 = tpu.memref_slice %arg5[%scan3A_139, %scatter3A_652, %scatter3A_653] : memref<50x8x128xf32, #tpu.memory_space<vmem>> -> memref<1x8x128xf32, #tpu.memory_space<vmem>>
      %scatter3A_655 = tpu.memref_squeeze %scatter3A_654 : memref<1x8x128xf32, #tpu.memory_space<vmem>> -> memref<8x128xf32, #tpu.memory_space<vmem>>
      tpu.vector_store_idx %scatter3A_655[%shift_right_arithmetic3A_5, %add3A_651], %get3A_648 : memref<8x128xf32, #tpu.memory_space<vmem>>[vector<16xi32>, vector<16xi32>], vector<16xf32>,
      %get3A_656 = arith.constant 5 : i32
      %get3A_657 = arith.index_cast %scan3A_139 : i32 to index
      %get3A_658 = arith.index_cast %get3A_656 : i32 to index
      %get3A_659 = arith.constant 16 : index
      %get3A_660 = tpu.vector_load %arg4[%get3A_657, %get3A_658, %get3A_659] {strides = array<i32>} : memref<50x8x128xf32, #tpu.memory_space<vmem>>, vector<16xf32>,
      %add3A_661 = arith.constant 5 : i32
      %add3A_662 = vector.broadcast %add3A_661 : i32 to vector<16xi32>
      %add3A_663 = arith.addi %mul3A_64, %add3A_662 : vector<16xi32>
      %scatter3A_664 = arith.constant 0 : i32
      %scatter3A_665 = arith.constant 0 : i32
      %scatter3A_666 = tpu.memref_slice %arg5[%scan3A_139, %scatter3A_664, %scatter3A_665] : memref<50x8x128xf32, #tpu.memory_space<vmem>> -> memref<1x8x128xf32, #tpu.memory_space<vmem>>
      %scatter3A_667 = tpu.memref_squeeze %scatter3A_666 : memref<1x8x128xf32, #tpu.memory_space<vmem>> -> memref<8x128xf32, #tpu.memory_space<vmem>>
      tpu.vector_store_idx %scatter3A_667[%shift_right_arithmetic3A_11, %add3A_663], %get3A_660 : memref<8x128xf32, #tpu.memory_space<vmem>>[vector<16xi32>, vector<16xi32>], vector<16xf32>,
      %get3A_668 = arith.constant 5 : i32
      %get3A_669 = arith.index_cast %scan3A_139 : i32 to index
      %get3A_670 = arith.index_cast %get3A_668 : i32 to index
      %get3A_671 = arith.constant 32 : index
      %get3A_672 = tpu.vector_load %arg4[%get3A_669, %get3A_670, %get3A_671] {strides = array<i32>} : memref<50x8x128xf32, #tpu.memory_space<vmem>>, vector<16xf32>,
      %add3A_673 = arith.constant 5 : i32
      %add3A_674 = vector.broadcast %add3A_673 : i32 to vector<16xi32>
      %add3A_675 = arith.addi %mul3A_73, %add3A_674 : vector<16xi32>
      %scatter3A_676 = arith.constant 0 : i32
      %scatter3A_677 = arith.constant 0 : i32
      %scatter3A_678 = tpu.memref_slice %arg5[%scan3A_139, %scatter3A_676, %scatter3A_677] : memref<50x8x128xf32, #tpu.memory_space<vmem>> -> memref<1x8x128xf32, #tpu.memory_space<vmem>>
      %scatter3A_679 = tpu.memref_squeeze %scatter3A_678 : memref<1x8x128xf32, #tpu.memory_space<vmem>> -> memref<8x128xf32, #tpu.memory_space<vmem>>
      tpu.vector_store_idx %scatter3A_679[%shift_right_arithmetic3A_17, %add3A_675], %get3A_672 : memref<8x128xf32, #tpu.memory_space<vmem>>[vector<16xi32>, vector<16xi32>], vector<16xf32>,
      %get3A_680 = arith.constant 5 : i32
      %get3A_681 = arith.index_cast %scan3A_139 : i32 to index
      %get3A_682 = arith.index_cast %get3A_680 : i32 to index
      %get3A_683 = arith.constant 48 : index
      %get3A_684 = tpu.vector_load %arg4[%get3A_681, %get3A_682, %get3A_683] {strides = array<i32>} : memref<50x8x128xf32, #tpu.memory_space<vmem>>, vector<16xf32>,
      %add3A_685 = arith.constant 5 : i32
      %add3A_686 = vector.broadcast %add3A_685 : i32 to vector<16xi32>
      %add3A_687 = arith.addi %mul3A_82, %add3A_686 : vector<16xi32>
      %scatter3A_688 = arith.constant 0 : i32
      %scatter3A_689 = arith.constant 0 : i32
      %scatter3A_690 = tpu.memref_slice %arg5[%scan3A_139, %scatter3A_688, %scatter3A_689] : memref<50x8x128xf32, #tpu.memory_space<vmem>> -> memref<1x8x128xf32, #tpu.memory_space<vmem>>
      %scatter3A_691 = tpu.memref_squeeze %scatter3A_690 : memref<1x8x128xf32, #tpu.memory_space<vmem>> -> memref<8x128xf32, #tpu.memory_space<vmem>>
      tpu.vector_store_idx %scatter3A_691[%shift_right_arithmetic3A_23, %add3A_687], %get3A_684 : memref<8x128xf32, #tpu.memory_space<vmem>>[vector<16xi32>, vector<16xi32>], vector<16xf32>,
      %get3A_692 = arith.constant 5 : i32
      %get3A_693 = arith.index_cast %scan3A_139 : i32 to index
      %get3A_694 = arith.index_cast %get3A_692 : i32 to index
      %get3A_695 = arith.constant 64 : index
      %get3A_696 = tpu.vector_load %arg4[%get3A_693, %get3A_694, %get3A_695] {strides = array<i32>} : memref<50x8x128xf32, #tpu.memory_space<vmem>>, vector<16xf32>,
      %add3A_697 = arith.constant 5 : i32
      %add3A_698 = vector.broadcast %add3A_697 : i32 to vector<16xi32>
      %add3A_699 = arith.addi %mul3A_91, %add3A_698 : vector<16xi32>
      %scatter3A_700 = arith.constant 0 : i32
      %scatter3A_701 = arith.constant 0 : i32
      %scatter3A_702 = tpu.memref_slice %arg5[%scan3A_139, %scatter3A_700, %scatter3A_701] : memref<50x8x128xf32, #tpu.memory_space<vmem>> -> memref<1x8x128xf32, #tpu.memory_space<vmem>>
      %scatter3A_703 = tpu.memref_squeeze %scatter3A_702 : memref<1x8x128xf32, #tpu.memory_space<vmem>> -> memref<8x128xf32, #tpu.memory_space<vmem>>
      tpu.vector_store_idx %scatter3A_703[%shift_right_arithmetic3A_29, %add3A_699], %get3A_696 : memref<8x128xf32, #tpu.memory_space<vmem>>[vector<16xi32>, vector<16xi32>], vector<16xf32>,
      %get3A_704 = arith.constant 5 : i32
      %get3A_705 = arith.index_cast %scan3A_139 : i32 to index
      %get3A_706 = arith.index_cast %get3A_704 : i32 to index
      %get3A_707 = arith.constant 80 : index
      %get3A_708 = tpu.vector_load %arg4[%get3A_705, %get3A_706, %get3A_707] {strides = array<i32>} : memref<50x8x128xf32, #tpu.memory_space<vmem>>, vector<16xf32>,
      %add3A_709 = arith.constant 5 : i32
      %add3A_710 = vector.broadcast %add3A_709 : i32 to vector<16xi32>
      %add3A_711 = arith.addi %mul3A_100, %add3A_710 : vector<16xi32>
      %scatter3A_712 = arith.constant 0 : i32
      %scatter3A_713 = arith.constant 0 : i32
      %scatter3A_714 = tpu.memref_slice %arg5[%scan3A_139, %scatter3A_712, %scatter3A_713] : memref<50x8x128xf32, #tpu.memory_space<vmem>> -> memref<1x8x128xf32, #tpu.memory_space<vmem>>
      %scatter3A_715 = tpu.memref_squeeze %scatter3A_714 : memref<1x8x128xf32, #tpu.memory_space<vmem>> -> memref<8x128xf32, #tpu.memory_space<vmem>>
      tpu.vector_store_idx %scatter3A_715[%shift_right_arithmetic3A_35, %add3A_711], %get3A_708 : memref<8x128xf32, #tpu.memory_space<vmem>>[vector<16xi32>, vector<16xi32>], vector<16xf32>,
      %get3A_716 = arith.constant 5 : i32
      %get3A_717 = arith.index_cast %scan3A_139 : i32 to index
      %get3A_718 = arith.index_cast %get3A_716 : i32 to index
      %get3A_719 = arith.constant 96 : index
      %get3A_720 = tpu.vector_load %arg4[%get3A_717, %get3A_718, %get3A_719] {strides = array<i32>} : memref<50x8x128xf32, #tpu.memory_space<vmem>>, vector<16xf32>,
      %add3A_721 = arith.constant 5 : i32
      %add3A_722 = vector.broadcast %add3A_721 : i32 to vector<16xi32>
      %add3A_723 = arith.addi %mul3A_109, %add3A_722 : vector<16xi32>
      %scatter3A_724 = arith.constant 0 : i32
      %scatter3A_725 = arith.constant 0 : i32
      %scatter3A_726 = tpu.memref_slice %arg5[%scan3A_139, %scatter3A_724, %scatter3A_725] : memref<50x8x128xf32, #tpu.memory_space<vmem>> -> memref<1x8x128xf32, #tpu.memory_space<vmem>>
      %scatter3A_727 = tpu.memref_squeeze %scatter3A_726 : memref<1x8x128xf32, #tpu.memory_space<vmem>> -> memref<8x128xf32, #tpu.memory_space<vmem>>
      tpu.vector_store_idx %scatter3A_727[%shift_right_arithmetic3A_41, %add3A_723], %get3A_720 : memref<8x128xf32, #tpu.memory_space<vmem>>[vector<16xi32>, vector<16xi32>], vector<16xf32>,
      %get3A_728 = arith.constant 5 : i32
      %get3A_729 = arith.index_cast %scan3A_139 : i32 to index
      %get3A_730 = arith.index_cast %get3A_728 : i32 to index
      %get3A_731 = arith.constant 112 : index
      %get3A_732 = tpu.vector_load %arg4[%get3A_729, %get3A_730, %get3A_731] {strides = array<i32>} : memref<50x8x128xf32, #tpu.memory_space<vmem>>, vector<16xf32>,
      %add3A_733 = arith.constant 5 : i32
      %add3A_734 = vector.broadcast %add3A_733 : i32 to vector<16xi32>
      %add3A_735 = arith.addi %mul3A_118, %add3A_734 : vector<16xi32>
      %scatter3A_736 = arith.constant 0 : i32
      %scatter3A_737 = arith.constant 0 : i32
      %scatter3A_738 = tpu.memref_slice %arg5[%scan3A_139, %scatter3A_736, %scatter3A_737] : memref<50x8x128xf32, #tpu.memory_space<vmem>> -> memref<1x8x128xf32, #tpu.memory_space<vmem>>
      %scatter3A_739 = tpu.memref_squeeze %scatter3A_738 : memref<1x8x128xf32, #tpu.memory_space<vmem>> -> memref<8x128xf32, #tpu.memory_space<vmem>>
      tpu.vector_store_idx %scatter3A_739[%shift_right_arithmetic3A_47, %add3A_735], %get3A_732 : memref<8x128xf32, #tpu.memory_space<vmem>>[vector<16xi32>, vector<16xi32>], vector<16xf32>,
      %get3A_740 = arith.constant 6 : i32
      %get3A_741 = arith.index_cast %scan3A_139 : i32 to index
      %get3A_742 = arith.index_cast %get3A_740 : i32 to index
      %get3A_743 = arith.constant 0 : index
      %get3A_744 = tpu.vector_load %arg4[%get3A_741, %get3A_742, %get3A_743] {strides = array<i32>} : memref<50x8x128xf32, #tpu.memory_space<vmem>>, vector<16xf32>,
      %add3A_745 = arith.constant 6 : i32
      %add3A_746 = vector.broadcast %add3A_745 : i32 to vector<16xi32>
      %add3A_747 = arith.addi %mul3A_55, %add3A_746 : vector<16xi32>
      %scatter3A_748 = arith.constant 0 : i32
      %scatter3A_749 = arith.constant 0 : i32
      %scatter3A_750 = tpu.memref_slice %arg5[%scan3A_139, %scatter3A_748, %scatter3A_749] : memref<50x8x128xf32, #tpu.memory_space<vmem>> -> memref<1x8x128xf32, #tpu.memory_space<vmem>>
      %scatter3A_751 = tpu.memref_squeeze %scatter3A_750 : memref<1x8x128xf32, #tpu.memory_space<vmem>> -> memref<8x128xf32, #tpu.memory_space<vmem>>
      tpu.vector_store_idx %scatter3A_751[%shift_right_arithmetic3A_5, %add3A_747], %get3A_744 : memref<8x128xf32, #tpu.memory_space<vmem>>[vector<16xi32>, vector<16xi32>], vector<16xf32>,
      %get3A_752 = arith.constant 6 : i32
      %get3A_753 = arith.index_cast %scan3A_139 : i32 to index
      %get3A_754 = arith.index_cast %get3A_752 : i32 to index
      %get3A_755 = arith.constant 16 : index
      %get3A_756 = tpu.vector_load %arg4[%get3A_753, %get3A_754, %get3A_755] {strides = array<i32>} : memref<50x8x128xf32, #tpu.memory_space<vmem>>, vector<16xf32>,
      %add3A_757 = arith.constant 6 : i32
      %add3A_758 = vector.broadcast %add3A_757 : i32 to vector<16xi32>
      %add3A_759 = arith.addi %mul3A_64, %add3A_758 : vector<16xi32>
      %scatter3A_760 = arith.constant 0 : i32
      %scatter3A_761 = arith.constant 0 : i32
      %scatter3A_762 = tpu.memref_slice %arg5[%scan3A_139, %scatter3A_760, %scatter3A_761] : memref<50x8x128xf32, #tpu.memory_space<vmem>> -> memref<1x8x128xf32, #tpu.memory_space<vmem>>
      %scatter3A_763 = tpu.memref_squeeze %scatter3A_762 : memref<1x8x128xf32, #tpu.memory_space<vmem>> -> memref<8x128xf32, #tpu.memory_space<vmem>>
      tpu.vector_store_idx %scatter3A_763[%shift_right_arithmetic3A_11, %add3A_759], %get3A_756 : memref<8x128xf32, #tpu.memory_space<vmem>>[vector<16xi32>, vector<16xi32>], vector<16xf32>,
      %get3A_764 = arith.constant 6 : i32
      %get3A_765 = arith.index_cast %scan3A_139 : i32 to index
      %get3A_766 = arith.index_cast %get3A_764 : i32 to index
      %get3A_767 = arith.constant 32 : index
      %get3A_768 = tpu.vector_load %arg4[%get3A_765, %get3A_766, %get3A_767] {strides = array<i32>} : memref<50x8x128xf32, #tpu.memory_space<vmem>>, vector<16xf32>,
      %add3A_769 = arith.constant 6 : i32
      %add3A_770 = vector.broadcast %add3A_769 : i32 to vector<16xi32>
      %add3A_771 = arith.addi %mul3A_73, %add3A_770 : vector<16xi32>
      %scatter3A_772 = arith.constant 0 : i32
      %scatter3A_773 = arith.constant 0 : i32
      %scatter3A_774 = tpu.memref_slice %arg5[%scan3A_139, %scatter3A_772, %scatter3A_773] : memref<50x8x128xf32, #tpu.memory_space<vmem>> -> memref<1x8x128xf32, #tpu.memory_space<vmem>>
      %scatter3A_775 = tpu.memref_squeeze %scatter3A_774 : memref<1x8x128xf32, #tpu.memory_space<vmem>> -> memref<8x128xf32, #tpu.memory_space<vmem>>
      tpu.vector_store_idx %scatter3A_775[%shift_right_arithmetic3A_17, %add3A_771], %get3A_768 : memref<8x128xf32, #tpu.memory_space<vmem>>[vector<16xi32>, vector<16xi32>], vector<16xf32>,
      %get3A_776 = arith.constant 6 : i32
      %get3A_777 = arith.index_cast %scan3A_139 : i32 to index
      %get3A_778 = arith.index_cast %get3A_776 : i32 to index
      %get3A_779 = arith.constant 48 : index
      %get3A_780 = tpu.vector_load %arg4[%get3A_777, %get3A_778, %get3A_779] {strides = array<i32>} : memref<50x8x128xf32, #tpu.memory_space<vmem>>, vector<16xf32>,
      %add3A_781 = arith.constant 6 : i32
      %add3A_782 = vector.broadcast %add3A_781 : i32 to vector<16xi32>
      %add3A_783 = arith.addi %mul3A_82, %add3A_782 : vector<16xi32>
      %scatter3A_784 = arith.constant 0 : i32
      %scatter3A_785 = arith.constant 0 : i32
      %scatter3A_786 = tpu.memref_slice %arg5[%scan3A_139, %scatter3A_784, %scatter3A_785] : memref<50x8x128xf32, #tpu.memory_space<vmem>> -> memref<1x8x128xf32, #tpu.memory_space<vmem>>
      %scatter3A_787 = tpu.memref_squeeze %scatter3A_786 : memref<1x8x128xf32, #tpu.memory_space<vmem>> -> memref<8x128xf32, #tpu.memory_space<vmem>>
      tpu.vector_store_idx %scatter3A_787[%shift_right_arithmetic3A_23, %add3A_783], %get3A_780 : memref<8x128xf32, #tpu.memory_space<vmem>>[vector<16xi32>, vector<16xi32>], vector<16xf32>,
      %get3A_788 = arith.constant 6 : i32
      %get3A_789 = arith.index_cast %scan3A_139 : i32 to index
      %get3A_790 = arith.index_cast %get3A_788 : i32 to index
      %get3A_791 = arith.constant 64 : index
      %get3A_792 = tpu.vector_load %arg4[%get3A_789, %get3A_790, %get3A_791] {strides = array<i32>} : memref<50x8x128xf32, #tpu.memory_space<vmem>>, vector<16xf32>,
      %add3A_793 = arith.constant 6 : i32
      %add3A_794 = vector.broadcast %add3A_793 : i32 to vector<16xi32>
      %add3A_795 = arith.addi %mul3A_91, %add3A_794 : vector<16xi32>
      %scatter3A_796 = arith.constant 0 : i32
      %scatter3A_797 = arith.constant 0 : i32
      %scatter3A_798 = tpu.memref_slice %arg5[%scan3A_139, %scatter3A_796, %scatter3A_797] : memref<50x8x128xf32, #tpu.memory_space<vmem>> -> memref<1x8x128xf32, #tpu.memory_space<vmem>>
      %scatter3A_799 = tpu.memref_squeeze %scatter3A_798 : memref<1x8x128xf32, #tpu.memory_space<vmem>> -> memref<8x128xf32, #tpu.memory_space<vmem>>
      tpu.vector_store_idx %scatter3A_799[%shift_right_arithmetic3A_29, %add3A_795], %get3A_792 : memref<8x128xf32, #tpu.memory_space<vmem>>[vector<16xi32>, vector<16xi32>], vector<16xf32>,
      %get3A_800 = arith.constant 6 : i32
      %get3A_801 = arith.index_cast %scan3A_139 : i32 to index
      %get3A_802 = arith.index_cast %get3A_800 : i32 to index
      %get3A_803 = arith.constant 80 : index
      %get3A_804 = tpu.vector_load %arg4[%get3A_801, %get3A_802, %get3A_803] {strides = array<i32>} : memref<50x8x128xf32, #tpu.memory_space<vmem>>, vector<16xf32>,
      %add3A_805 = arith.constant 6 : i32
      %add3A_806 = vector.broadcast %add3A_805 : i32 to vector<16xi32>
      %add3A_807 = arith.addi %mul3A_100, %add3A_806 : vector<16xi32>
      %scatter3A_808 = arith.constant 0 : i32
      %scatter3A_809 = arith.constant 0 : i32
      %scatter3A_810 = tpu.memref_slice %arg5[%scan3A_139, %scatter3A_808, %scatter3A_809] : memref<50x8x128xf32, #tpu.memory_space<vmem>> -> memref<1x8x128xf32, #tpu.memory_space<vmem>>
      %scatter3A_811 = tpu.memref_squeeze %scatter3A_810 : memref<1x8x128xf32, #tpu.memory_space<vmem>> -> memref<8x128xf32, #tpu.memory_space<vmem>>
      tpu.vector_store_idx %scatter3A_811[%shift_right_arithmetic3A_35, %add3A_807], %get3A_804 : memref<8x128xf32, #tpu.memory_space<vmem>>[vector<16xi32>, vector<16xi32>], vector<16xf32>,
      %get3A_812 = arith.constant 6 : i32
      %get3A_813 = arith.index_cast %scan3A_139 : i32 to index
      %get3A_814 = arith.index_cast %get3A_812 : i32 to index
      %get3A_815 = arith.constant 96 : index
      %get3A_816 = tpu.vector_load %arg4[%get3A_813, %get3A_814, %get3A_815] {strides = array<i32>} : memref<50x8x128xf32, #tpu.memory_space<vmem>>, vector<16xf32>,
      %add3A_817 = arith.constant 6 : i32
      %add3A_818 = vector.broadcast %add3A_817 : i32 to vector<16xi32>
      %add3A_819 = arith.addi %mul3A_109, %add3A_818 : vector<16xi32>
      %scatter3A_820 = arith.constant 0 : i32
      %scatter3A_821 = arith.constant 0 : i32
      %scatter3A_822 = tpu.memref_slice %arg5[%scan3A_139, %scatter3A_820, %scatter3A_821] : memref<50x8x128xf32, #tpu.memory_space<vmem>> -> memref<1x8x128xf32, #tpu.memory_space<vmem>>
      %scatter3A_823 = tpu.memref_squeeze %scatter3A_822 : memref<1x8x128xf32, #tpu.memory_space<vmem>> -> memref<8x128xf32, #tpu.memory_space<vmem>>
      tpu.vector_store_idx %scatter3A_823[%shift_right_arithmetic3A_41, %add3A_819], %get3A_816 : memref<8x128xf32, #tpu.memory_space<vmem>>[vector<16xi32>, vector<16xi32>], vector<16xf32>,
      %get3A_824 = arith.constant 6 : i32
      %get3A_825 = arith.index_cast %scan3A_139 : i32 to index
      %get3A_826 = arith.index_cast %get3A_824 : i32 to index
      %get3A_827 = arith.constant 112 : index
      %get3A_828 = tpu.vector_load %arg4[%get3A_825, %get3A_826, %get3A_827] {strides = array<i32>} : memref<50x8x128xf32, #tpu.memory_space<vmem>>, vector<16xf32>,
      %add3A_829 = arith.constant 6 : i32
      %add3A_830 = vector.broadcast %add3A_829 : i32 to vector<16xi32>
      %add3A_831 = arith.addi %mul3A_118, %add3A_830 : vector<16xi32>
      %scatter3A_832 = arith.constant 0 : i32
      %scatter3A_833 = arith.constant 0 : i32
      %scatter3A_834 = tpu.memref_slice %arg5[%scan3A_139, %scatter3A_832, %scatter3A_833] : memref<50x8x128xf32, #tpu.memory_space<vmem>> -> memref<1x8x128xf32, #tpu.memory_space<vmem>>
      %scatter3A_835 = tpu.memref_squeeze %scatter3A_834 : memref<1x8x128xf32, #tpu.memory_space<vmem>> -> memref<8x128xf32, #tpu.memory_space<vmem>>
      tpu.vector_store_idx %scatter3A_835[%shift_right_arithmetic3A_47, %add3A_831], %get3A_828 : memref<8x128xf32, #tpu.memory_space<vmem>>[vector<16xi32>, vector<16xi32>], vector<16xf32>,
      %get3A_836 = arith.constant 7 : i32
      %get3A_837 = arith.index_cast %scan3A_139 : i32 to index
      %get3A_838 = arith.index_cast %get3A_836 : i32 to index
      %get3A_839 = arith.constant 0 : index
      %get3A_840 = tpu.vector_load %arg4[%get3A_837, %get3A_838, %get3A_839] {strides = array<i32>} : memref<50x8x128xf32, #tpu.memory_space<vmem>>, vector<16xf32>,
      %add3A_841 = arith.constant 7 : i32
      %add3A_842 = vector.broadcast %add3A_841 : i32 to vector<16xi32>
      %add3A_843 = arith.addi %mul3A_55, %add3A_842 : vector<16xi32>
      %scatter3A_844 = arith.constant 0 : i32
      %scatter3A_845 = arith.constant 0 : i32
      %scatter3A_846 = tpu.memref_slice %arg5[%scan3A_139, %scatter3A_844, %scatter3A_845] : memref<50x8x128xf32, #tpu.memory_space<vmem>> -> memref<1x8x128xf32, #tpu.memory_space<vmem>>
      %scatter3A_847 = tpu.memref_squeeze %scatter3A_846 : memref<1x8x128xf32, #tpu.memory_space<vmem>> -> memref<8x128xf32, #tpu.memory_space<vmem>>
      tpu.vector_store_idx %scatter3A_847[%shift_right_arithmetic3A_5, %add3A_843], %get3A_840 : memref<8x128xf32, #tpu.memory_space<vmem>>[vector<16xi32>, vector<16xi32>], vector<16xf32>,
      %get3A_848 = arith.constant 7 : i32
      %get3A_849 = arith.index_cast %scan3A_139 : i32 to index
      %get3A_850 = arith.index_cast %get3A_848 : i32 to index
      %get3A_851 = arith.constant 16 : index
      %get3A_852 = tpu.vector_load %arg4[%get3A_849, %get3A_850, %get3A_851] {strides = array<i32>} : memref<50x8x128xf32, #tpu.memory_space<vmem>>, vector<16xf32>,
      %add3A_853 = arith.constant 7 : i32
      %add3A_854 = vector.broadcast %add3A_853 : i32 to vector<16xi32>
      %add3A_855 = arith.addi %mul3A_64, %add3A_854 : vector<16xi32>
      %scatter3A_856 = arith.constant 0 : i32
      %scatter3A_857 = arith.constant 0 : i32
      %scatter3A_858 = tpu.memref_slice %arg5[%scan3A_139, %scatter3A_856, %scatter3A_857] : memref<50x8x128xf32, #tpu.memory_space<vmem>> -> memref<1x8x128xf32, #tpu.memory_space<vmem>>
      %scatter3A_859 = tpu.memref_squeeze %scatter3A_858 : memref<1x8x128xf32, #tpu.memory_space<vmem>> -> memref<8x128xf32, #tpu.memory_space<vmem>>
      tpu.vector_store_idx %scatter3A_859[%shift_right_arithmetic3A_11, %add3A_855], %get3A_852 : memref<8x128xf32, #tpu.memory_space<vmem>>[vector<16xi32>, vector<16xi32>], vector<16xf32>,
      %get3A_860 = arith.constant 7 : i32
      %get3A_861 = arith.index_cast %scan3A_139 : i32 to index
      %get3A_862 = arith.index_cast %get3A_860 : i32 to index
      %get3A_863 = arith.constant 32 : index
      %get3A_864 = tpu.vector_load %arg4[%get3A_861, %get3A_862, %get3A_863] {strides = array<i32>} : memref<50x8x128xf32, #tpu.memory_space<vmem>>, vector<16xf32>,
      %add3A_865 = arith.constant 7 : i32
      %add3A_866 = vector.broadcast %add3A_865 : i32 to vector<16xi32>
      %add3A_867 = arith.addi %mul3A_73, %add3A_866 : vector<16xi32>
      %scatter3A_868 = arith.constant 0 : i32
      %scatter3A_869 = arith.constant 0 : i32
      %scatter3A_870 = tpu.memref_slice %arg5[%scan3A_139, %scatter3A_868, %scatter3A_869] : memref<50x8x128xf32, #tpu.memory_space<vmem>> -> memref<1x8x128xf32, #tpu.memory_space<vmem>>
      %scatter3A_871 = tpu.memref_squeeze %scatter3A_870 : memref<1x8x128xf32, #tpu.memory_space<vmem>> -> memref<8x128xf32, #tpu.memory_space<vmem>>
      tpu.vector_store_idx %scatter3A_871[%shift_right_arithmetic3A_17, %add3A_867], %get3A_864 : memref<8x128xf32, #tpu.memory_space<vmem>>[vector<16xi32>, vector<16xi32>], vector<16xf32>,
      %get3A_872 = arith.constant 7 : i32
      %get3A_873 = arith.index_cast %scan3A_139 : i32 to index
      %get3A_874 = arith.index_cast %get3A_872 : i32 to index
      %get3A_875 = arith.constant 48 : index
      %get3A_876 = tpu.vector_load %arg4[%get3A_873, %get3A_874, %get3A_875] {strides = array<i32>} : memref<50x8x128xf32, #tpu.memory_space<vmem>>, vector<16xf32>,
      %add3A_877 = arith.constant 7 : i32
      %add3A_878 = vector.broadcast %add3A_877 : i32 to vector<16xi32>
      %add3A_879 = arith.addi %mul3A_82, %add3A_878 : vector<16xi32>
      %scatter3A_880 = arith.constant 0 : i32
      %scatter3A_881 = arith.constant 0 : i32
      %scatter3A_882 = tpu.memref_slice %arg5[%scan3A_139, %scatter3A_880, %scatter3A_881] : memref<50x8x128xf32, #tpu.memory_space<vmem>> -> memref<1x8x128xf32, #tpu.memory_space<vmem>>
      %scatter3A_883 = tpu.memref_squeeze %scatter3A_882 : memref<1x8x128xf32, #tpu.memory_space<vmem>> -> memref<8x128xf32, #tpu.memory_space<vmem>>
      tpu.vector_store_idx %scatter3A_883[%shift_right_arithmetic3A_23, %add3A_879], %get3A_876 : memref<8x128xf32, #tpu.memory_space<vmem>>[vector<16xi32>, vector<16xi32>], vector<16xf32>,
      %get3A_884 = arith.constant 7 : i32
      %get3A_885 = arith.index_cast %scan3A_139 : i32 to index
      %get3A_886 = arith.index_cast %get3A_884 : i32 to index
      %get3A_887 = arith.constant 64 : index
      %get3A_888 = tpu.vector_load %arg4[%get3A_885, %get3A_886, %get3A_887] {strides = array<i32>} : memref<50x8x128xf32, #tpu.memory_space<vmem>>, vector<16xf32>,
      %add3A_889 = arith.constant 7 : i32
      %add3A_890 = vector.broadcast %add3A_889 : i32 to vector<16xi32>
      %add3A_891 = arith.addi %mul3A_91, %add3A_890 : vector<16xi32>
      %scatter3A_892 = arith.constant 0 : i32
      %scatter3A_893 = arith.constant 0 : i32
      %scatter3A_894 = tpu.memref_slice %arg5[%scan3A_139, %scatter3A_892, %scatter3A_893] : memref<50x8x128xf32, #tpu.memory_space<vmem>> -> memref<1x8x128xf32, #tpu.memory_space<vmem>>
      %scatter3A_895 = tpu.memref_squeeze %scatter3A_894 : memref<1x8x128xf32, #tpu.memory_space<vmem>> -> memref<8x128xf32, #tpu.memory_space<vmem>>
      tpu.vector_store_idx %scatter3A_895[%shift_right_arithmetic3A_29, %add3A_891], %get3A_888 : memref<8x128xf32, #tpu.memory_space<vmem>>[vector<16xi32>, vector<16xi32>], vector<16xf32>,
      %get3A_896 = arith.constant 7 : i32
      %get3A_897 = arith.index_cast %scan3A_139 : i32 to index
      %get3A_898 = arith.index_cast %get3A_896 : i32 to index
      %get3A_899 = arith.constant 80 : index
      %get3A_900 = tpu.vector_load %arg4[%get3A_897, %get3A_898, %get3A_899] {strides = array<i32>} : memref<50x8x128xf32, #tpu.memory_space<vmem>>, vector<16xf32>,
      %add3A_901 = arith.constant 7 : i32
      %add3A_902 = vector.broadcast %add3A_901 : i32 to vector<16xi32>
      %add3A_903 = arith.addi %mul3A_100, %add3A_902 : vector<16xi32>
      %scatter3A_904 = arith.constant 0 : i32
      %scatter3A_905 = arith.constant 0 : i32
      %scatter3A_906 = tpu.memref_slice %arg5[%scan3A_139, %scatter3A_904, %scatter3A_905] : memref<50x8x128xf32, #tpu.memory_space<vmem>> -> memref<1x8x128xf32, #tpu.memory_space<vmem>>
      %scatter3A_907 = tpu.memref_squeeze %scatter3A_906 : memref<1x8x128xf32, #tpu.memory_space<vmem>> -> memref<8x128xf32, #tpu.memory_space<vmem>>
      tpu.vector_store_idx %scatter3A_907[%shift_right_arithmetic3A_35, %add3A_903], %get3A_900 : memref<8x128xf32, #tpu.memory_space<vmem>>[vector<16xi32>, vector<16xi32>], vector<16xf32>,
      %get3A_908 = arith.constant 7 : i32
      %get3A_909 = arith.index_cast %scan3A_139 : i32 to index
      %get3A_910 = arith.index_cast %get3A_908 : i32 to index
      %get3A_911 = arith.constant 96 : index
      %get3A_912 = tpu.vector_load %arg4[%get3A_909, %get3A_910, %get3A_911] {strides = array<i32>} : memref<50x8x128xf32, #tpu.memory_space<vmem>>, vector<16xf32>,
      %add3A_913 = arith.constant 7 : i32
      %add3A_914 = vector.broadcast %add3A_913 : i32 to vector<16xi32>
      %add3A_915 = arith.addi %mul3A_109, %add3A_914 : vector<16xi32>
      %scatter3A_916 = arith.constant 0 : i32
      %scatter3A_917 = arith.constant 0 : i32
      %scatter3A_918 = tpu.memref_slice %arg5[%scan3A_139, %scatter3A_916, %scatter3A_917] : memref<50x8x128xf32, #tpu.memory_space<vmem>> -> memref<1x8x128xf32, #tpu.memory_space<vmem>>
      %scatter3A_919 = tpu.memref_squeeze %scatter3A_918 : memref<1x8x128xf32, #tpu.memory_space<vmem>> -> memref<8x128xf32, #tpu.memory_space<vmem>>
      tpu.vector_store_idx %scatter3A_919[%shift_right_arithmetic3A_41, %add3A_915], %get3A_912 : memref<8x128xf32, #tpu.memory_space<vmem>>[vector<16xi32>, vector<16xi32>], vector<16xf32>,
      %get3A_920 = arith.constant 7 : i32
      %get3A_921 = arith.index_cast %scan3A_139 : i32 to index
      %get3A_922 = arith.index_cast %get3A_920 : i32 to index
      %get3A_923 = arith.constant 112 : index
      %get3A_924 = tpu.vector_load %arg4[%get3A_921, %get3A_922, %get3A_923] {strides = array<i32>} : memref<50x8x128xf32, #tpu.memory_space<vmem>>, vector<16xf32>,
      %add3A_925 = arith.constant 7 : i32
      %add3A_926 = vector.broadcast %add3A_925 : i32 to vector<16xi32>
      %add3A_927 = arith.addi %mul3A_118, %add3A_926 : vector<16xi32>
      %scatter3A_928 = arith.constant 0 : i32
      %scatter3A_929 = arith.constant 0 : i32
      %scatter3A_930 = tpu.memref_slice %arg5[%scan3A_139, %scatter3A_928, %scatter3A_929] : memref<50x8x128xf32, #tpu.memory_space<vmem>> -> memref<1x8x128xf32, #tpu.memory_space<vmem>>
      %scatter3A_931 = tpu.memref_squeeze %scatter3A_930 : memref<1x8x128xf32, #tpu.memory_space<vmem>> -> memref<8x128xf32, #tpu.memory_space<vmem>>
      tpu.vector_store_idx %scatter3A_931[%shift_right_arithmetic3A_47, %add3A_927], %get3A_924 : memref<8x128xf32, #tpu.memory_space<vmem>>[vector<16xi32>, vector<16xi32>], vector<16xf32>,
      %dma_start3A = arith.constant 0 : i32
      %dma_start3A_932 = arith.constant 0 : i32
      %dma_start3A_933 = tpu.memref_slice %arg5[%scan3A_139, %dma_start3A, %dma_start3A_932] : memref<50x8x128xf32, #tpu.memory_space<vmem>> -> memref<1x8x128xf32, #tpu.memory_space<vmem>>
      %dma_start3A_934 = tpu.memref_squeeze %dma_start3A_933 : memref<1x8x128xf32, #tpu.memory_space<vmem>> -> memref<8x128xf32, #tpu.memory_space<vmem>>
      %dma_start3A_935 = arith.constant 0 : i32
      %dma_start3A_936 = arith.constant 0 : i32
      %dma_start3A_937 = tpu.memref_slice %arg3[%add3A_143, %dma_start3A_935, %dma_start3A_936] : memref<1600x8x128xf32, #tpu.memory_space<hbm>> -> memref<1x8x128xf32, #tpu.memory_space<hbm>>
      %dma_start3A_938 = tpu.memref_squeeze %dma_start3A_937 : memref<1x8x128xf32, #tpu.memory_space<hbm>> -> memref<8x128xf32, #tpu.memory_space<hbm>>
      %dma_start3A_939 = arith.constant 0 : i32
      %dma_start3A_940 = arith.constant 0 : i32
      %dma_start3A_941 = tpu.memref_slice %arg3[%add3A_143, %dma_start3A_939, %dma_start3A_940] : memref<1600x8x128xf32, #tpu.memory_space<hbm>> -> memref<1x8x128xf32, #tpu.memory_space<hbm>>
      %dma_start3A_942 = tpu.memref_squeeze %dma_start3A_941 : memref<1x8x128xf32, #tpu.memory_space<hbm>> -> memref<8x128xf32, #tpu.memory_space<hbm>>
      %dma_start3A_943 = arith.constant 0 : i32
      %dma_start3A_944 = arith.constant 0 : i32
      %dma_start3A_945 = tpu.memref_slice %arg5[%scan3A_139, %dma_start3A_943, %dma_start3A_944] : memref<50x8x128xf32, #tpu.memory_space<vmem>> -> memref<1x8x128xf32, #tpu.memory_space<vmem>>
      %dma_start3A_946 = tpu.memref_squeeze %dma_start3A_945 : memref<1x8x128xf32, #tpu.memory_space<vmem>> -> memref<8x128xf32, #tpu.memory_space<vmem>>
      tpu.enqueue_dma source(%dma_start3A_946 : memref<8x128xf32, #tpu.memory_space<vmem>>) target(%dma_start3A_942 : memref<8x128xf32, #tpu.memory_space<hbm>>) target_semaphore(%arg7 : memref<!tpu.dma_semaphore, #tpu.memory_space<semaphore_mem>>)
      %scan3A_947 = arith.constant 0 : i32
      scf.yield %scan3A_947 : i32
    }
    %scan3A_131 = arith.constant 50 : i32
    %scan3A_132 = arith.constant 0 : i32
    %scan3A_133 = arith.constant 0 : i32
    %scan3A_134 = arith.constant 50 : i32
    %scan3A_135 = arith.addi %scan3A_133, %scan3A_134 : i32
    %scan3A_136 = arith.constant 1 : i32
    %scan3A_137 = scf.for %scan3A_139 = %scan3A_133 to %scan3A_135 step %scan3A_136 iter_args(%scan3A_140 = %scan3A_132) -> (i32)  : i32 {
      %mul3A_141 = arith.constant 50 : i32
      %mul3A_142 = arith.muli %add3A, %mul3A_141 : i32
      %add3A_143 = arith.addi %mul3A_142, %scan3A_139 : i32
      %dma_wait3A = arith.constant 0 : i32
      %dma_wait3A_144 = arith.constant 0 : i32
      %dma_wait3A_145 = tpu.memref_slice %arg5[%scan3A_139, %dma_wait3A, %dma_wait3A_144] : memref<50x8x128xf32, #tpu.memory_space<vmem>> -> memref<1x8x128xf32, #tpu.memory_space<vmem>>
      %dma_wait3A_146 = tpu.memref_squeeze %dma_wait3A_145 : memref<1x8x128xf32, #tpu.memory_space<vmem>> -> memref<8x128xf32, #tpu.memory_space<vmem>>
      %dma_wait3A_147 = arith.constant 0 : i32
      %dma_wait3A_148 = arith.constant 0 : i32
      %dma_wait3A_149 = tpu.memref_slice %arg3[%add3A_143, %dma_wait3A_147, %dma_wait3A_148] : memref<1600x8x128xf32, #tpu.memory_space<hbm>> -> memref<1x8x128xf32, #tpu.memory_space<hbm>>
      %dma_wait3A_150 = tpu.memref_squeeze %dma_wait3A_149 : memref<1x8x128xf32, #tpu.memory_space<hbm>> -> memref<8x128xf32, #tpu.memory_space<hbm>>
      %dma_wait3A_151 = arith.constant 0 : i32
      %dma_wait3A_152 = arith.constant 0 : i32
      %dma_wait3A_153 = tpu.memref_slice %arg3[%add3A_143, %dma_wait3A_151, %dma_wait3A_152] : memref<1600x8x128xf32, #tpu.memory_space<hbm>> -> memref<1x8x128xf32, #tpu.memory_space<hbm>>
      %dma_wait3A_154 = tpu.memref_squeeze %dma_wait3A_153 : memref<1x8x128xf32, #tpu.memory_space<hbm>> -> memref<8x128xf32, #tpu.memory_space<hbm>>
      %dma_wait3A_155 = arith.constant 0 : i32
      %dma_wait3A_156 = arith.constant 0 : i32
      %dma_wait3A_157 = tpu.memref_slice %arg5[%scan3A_139, %dma_wait3A_155, %dma_wait3A_156] : memref<50x8x128xf32, #tpu.memory_space<vmem>> -> memref<1x8x128xf32, #tpu.memory_space<vmem>>
      %dma_wait3A_158 = tpu.memref_squeeze %dma_wait3A_157 : memref<1x8x128xf32, #tpu.memory_space<vmem>> -> memref<8x128xf32, #tpu.memory_space<vmem>>
      tpu.wait_dma2 semaphore(%arg7 : memref<!tpu.dma_semaphore, #tpu.memory_space<semaphore_mem>>) src(%dma_wait3A_158 : memref<8x128xf32, #tpu.memory_space<vmem>>) dst(%dma_wait3A_154 : memref<8x128xf32, #tpu.memory_space<hbm>>)
      %scan3A_159 = arith.constant 0 : i32
      scf.yield %scan3A_159 : i32
    }
    %scan3A_138 = arith.constant 50 : i32
    "tpu.trace_stop"() : () -> ()
    return
  }
}

module attributes {stable_mosaic.version = 14 : i64} {
  func.func @body(%arg0: i32, %arg1: memref<8x4x24x128xf32, #tpu.memory_space<vmem>>, %arg2: memref<32x24xf32, #tpu.memory_space<vmem>>, %arg3: memref<32x32xf32, #tpu.memory_space<vmem>>, %arg4: memref<32x32xf32, #tpu.memory_space<vmem>>, %arg5: memref<3x32xf32, #tpu.memory_space<vmem>>, %arg6: memref<3x4096xf32, #tpu.memory_space<vmem>>) attributes {dimension_semantics = [#tpu.dimension_semantics<arbitrary>], iteration_bounds = array<i64: 4>, scalar_prefetch = 0 : i64, scratch_operands = 0 : i64, tpu.core_type = #tpu.core_type<tc>, window_params = [{transform_indices = @transform_0, window_bounds = array<i64: 8, 4, 24, 128>}, {pipeline_mode = #tpu.pipeline_mode<synchronous>, transform_indices = @transform_1, window_bounds = array<i64: 32, 24>}, {pipeline_mode = #tpu.pipeline_mode<synchronous>, transform_indices = @transform_2, window_bounds = array<i64: 32, 32>}, {pipeline_mode = #tpu.pipeline_mode<synchronous>, transform_indices = @transform_3, window_bounds = array<i64: 32, 32>}, {pipeline_mode = #tpu.pipeline_mode<synchronous>, transform_indices = @transform_4, window_bounds = array<i64: 3, 32>}, {transform_indices = @transform_5, window_bounds = array<i64: 3, 4096>}]} {
    %get3A = arith.constant 0 : index
    %get3A_0 = arith.constant 0 : index
    %get3A_1 = vector.load %arg2[%get3A, %get3A_0] : memref<32x24xf32, #tpu.memory_space<vmem>>, vector<32x24xf32>
    %get3A_2 = arith.constant 0 : index
    %get3A_3 = arith.constant 0 : index
    %get3A_4 = vector.load %arg3[%get3A_2, %get3A_3] : memref<32x32xf32, #tpu.memory_space<vmem>>, vector<32x32xf32>
    %get3A_5 = arith.constant 0 : index
    %get3A_6 = arith.constant 0 : index
    %get3A_7 = vector.load %arg4[%get3A_5, %get3A_6] : memref<32x32xf32, #tpu.memory_space<vmem>>, vector<32x32xf32>
    %get3A_8 = arith.constant 0 : index
    %get3A_9 = arith.constant 0 : index
    %get3A_10 = vector.load %arg5[%get3A_8, %get3A_9] : memref<3x32xf32, #tpu.memory_space<vmem>>, vector<3x32xf32>
    %get3A_11 = arith.constant 0 : index
    %get3A_12 = arith.constant 0 : index
    %get3A_13 = arith.constant 0 : index
    %get3A_14 = arith.constant 0 : index
    %get3A_15 = vector.load %arg1[%get3A_11, %get3A_12, %get3A_13, %get3A_14] : memref<8x4x24x128xf32, #tpu.memory_space<vmem>>, vector<1x1x24x128xf32>
    %get3A_16 = vector.shape_cast %get3A_15 : vector<1x1x24x128xf32> to vector<24x128xf32>
    %get3A_17 = arith.constant 0 : index
    %get3A_18 = arith.constant 1 : index
    %get3A_19 = arith.constant 0 : index
    %get3A_20 = arith.constant 0 : index
    %get3A_21 = vector.load %arg1[%get3A_17, %get3A_18, %get3A_19, %get3A_20] : memref<8x4x24x128xf32, #tpu.memory_space<vmem>>, vector<1x1x24x128xf32>
    %get3A_22 = vector.shape_cast %get3A_21 : vector<1x1x24x128xf32> to vector<24x128xf32>
    %get3A_23 = arith.constant 0 : index
    %get3A_24 = arith.constant 2 : index
    %get3A_25 = arith.constant 0 : index
    %get3A_26 = arith.constant 0 : index
    %get3A_27 = vector.load %arg1[%get3A_23, %get3A_24, %get3A_25, %get3A_26] : memref<8x4x24x128xf32, #tpu.memory_space<vmem>>, vector<1x1x24x128xf32>
    %get3A_28 = vector.shape_cast %get3A_27 : vector<1x1x24x128xf32> to vector<24x128xf32>
    %get3A_29 = arith.constant 0 : index
    %get3A_30 = arith.constant 3 : index
    %get3A_31 = arith.constant 0 : index
    %get3A_32 = arith.constant 0 : index
    %get3A_33 = vector.load %arg1[%get3A_29, %get3A_30, %get3A_31, %get3A_32] : memref<8x4x24x128xf32, #tpu.memory_space<vmem>>, vector<1x1x24x128xf32>
    %get3A_34 = vector.shape_cast %get3A_33 : vector<1x1x24x128xf32> to vector<24x128xf32>
    %get3A_35 = arith.constant 1 : index
    %get3A_36 = arith.constant 0 : index
    %get3A_37 = arith.constant 0 : index
    %get3A_38 = arith.constant 0 : index
    %get3A_39 = vector.load %arg1[%get3A_35, %get3A_36, %get3A_37, %get3A_38] : memref<8x4x24x128xf32, #tpu.memory_space<vmem>>, vector<1x1x24x128xf32>
    %get3A_40 = vector.shape_cast %get3A_39 : vector<1x1x24x128xf32> to vector<24x128xf32>
    %get3A_41 = arith.constant 1 : index
    %get3A_42 = arith.constant 1 : index
    %get3A_43 = arith.constant 0 : index
    %get3A_44 = arith.constant 0 : index
    %get3A_45 = vector.load %arg1[%get3A_41, %get3A_42, %get3A_43, %get3A_44] : memref<8x4x24x128xf32, #tpu.memory_space<vmem>>, vector<1x1x24x128xf32>
    %get3A_46 = vector.shape_cast %get3A_45 : vector<1x1x24x128xf32> to vector<24x128xf32>
    %get3A_47 = arith.constant 1 : index
    %get3A_48 = arith.constant 2 : index
    %get3A_49 = arith.constant 0 : index
    %get3A_50 = arith.constant 0 : index
    %get3A_51 = vector.load %arg1[%get3A_47, %get3A_48, %get3A_49, %get3A_50] : memref<8x4x24x128xf32, #tpu.memory_space<vmem>>, vector<1x1x24x128xf32>
    %get3A_52 = vector.shape_cast %get3A_51 : vector<1x1x24x128xf32> to vector<24x128xf32>
    %get3A_53 = arith.constant 1 : index
    %get3A_54 = arith.constant 3 : index
    %get3A_55 = arith.constant 0 : index
    %get3A_56 = arith.constant 0 : index
    %get3A_57 = vector.load %arg1[%get3A_53, %get3A_54, %get3A_55, %get3A_56] : memref<8x4x24x128xf32, #tpu.memory_space<vmem>>, vector<1x1x24x128xf32>
    %get3A_58 = vector.shape_cast %get3A_57 : vector<1x1x24x128xf32> to vector<24x128xf32>
    %get3A_59 = arith.constant 2 : index
    %get3A_60 = arith.constant 0 : index
    %get3A_61 = arith.constant 0 : index
    %get3A_62 = arith.constant 0 : index
    %get3A_63 = vector.load %arg1[%get3A_59, %get3A_60, %get3A_61, %get3A_62] : memref<8x4x24x128xf32, #tpu.memory_space<vmem>>, vector<1x1x24x128xf32>
    %get3A_64 = vector.shape_cast %get3A_63 : vector<1x1x24x128xf32> to vector<24x128xf32>
    %get3A_65 = arith.constant 2 : index
    %get3A_66 = arith.constant 1 : index
    %get3A_67 = arith.constant 0 : index
    %get3A_68 = arith.constant 0 : index
    %get3A_69 = vector.load %arg1[%get3A_65, %get3A_66, %get3A_67, %get3A_68] : memref<8x4x24x128xf32, #tpu.memory_space<vmem>>, vector<1x1x24x128xf32>
    %get3A_70 = vector.shape_cast %get3A_69 : vector<1x1x24x128xf32> to vector<24x128xf32>
    %get3A_71 = arith.constant 2 : index
    %get3A_72 = arith.constant 2 : index
    %get3A_73 = arith.constant 0 : index
    %get3A_74 = arith.constant 0 : index
    %get3A_75 = vector.load %arg1[%get3A_71, %get3A_72, %get3A_73, %get3A_74] : memref<8x4x24x128xf32, #tpu.memory_space<vmem>>, vector<1x1x24x128xf32>
    %get3A_76 = vector.shape_cast %get3A_75 : vector<1x1x24x128xf32> to vector<24x128xf32>
    %get3A_77 = arith.constant 2 : index
    %get3A_78 = arith.constant 3 : index
    %get3A_79 = arith.constant 0 : index
    %get3A_80 = arith.constant 0 : index
    %get3A_81 = vector.load %arg1[%get3A_77, %get3A_78, %get3A_79, %get3A_80] : memref<8x4x24x128xf32, #tpu.memory_space<vmem>>, vector<1x1x24x128xf32>
    %get3A_82 = vector.shape_cast %get3A_81 : vector<1x1x24x128xf32> to vector<24x128xf32>
    %get3A_83 = arith.constant 3 : index
    %get3A_84 = arith.constant 0 : index
    %get3A_85 = arith.constant 0 : index
    %get3A_86 = arith.constant 0 : index
    %get3A_87 = vector.load %arg1[%get3A_83, %get3A_84, %get3A_85, %get3A_86] : memref<8x4x24x128xf32, #tpu.memory_space<vmem>>, vector<1x1x24x128xf32>
    %get3A_88 = vector.shape_cast %get3A_87 : vector<1x1x24x128xf32> to vector<24x128xf32>
    %get3A_89 = arith.constant 3 : index
    %get3A_90 = arith.constant 1 : index
    %get3A_91 = arith.constant 0 : index
    %get3A_92 = arith.constant 0 : index
    %get3A_93 = vector.load %arg1[%get3A_89, %get3A_90, %get3A_91, %get3A_92] : memref<8x4x24x128xf32, #tpu.memory_space<vmem>>, vector<1x1x24x128xf32>
    %get3A_94 = vector.shape_cast %get3A_93 : vector<1x1x24x128xf32> to vector<24x128xf32>
    %get3A_95 = arith.constant 3 : index
    %get3A_96 = arith.constant 2 : index
    %get3A_97 = arith.constant 0 : index
    %get3A_98 = arith.constant 0 : index
    %get3A_99 = vector.load %arg1[%get3A_95, %get3A_96, %get3A_97, %get3A_98] : memref<8x4x24x128xf32, #tpu.memory_space<vmem>>, vector<1x1x24x128xf32>
    %get3A_100 = vector.shape_cast %get3A_99 : vector<1x1x24x128xf32> to vector<24x128xf32>
    %get3A_101 = arith.constant 3 : index
    %get3A_102 = arith.constant 3 : index
    %get3A_103 = arith.constant 0 : index
    %get3A_104 = arith.constant 0 : index
    %get3A_105 = vector.load %arg1[%get3A_101, %get3A_102, %get3A_103, %get3A_104] : memref<8x4x24x128xf32, #tpu.memory_space<vmem>>, vector<1x1x24x128xf32>
    %get3A_106 = vector.shape_cast %get3A_105 : vector<1x1x24x128xf32> to vector<24x128xf32>
    %get3A_107 = arith.constant 4 : index
    %get3A_108 = arith.constant 0 : index
    %get3A_109 = arith.constant 0 : index
    %get3A_110 = arith.constant 0 : index
    %get3A_111 = vector.load %arg1[%get3A_107, %get3A_108, %get3A_109, %get3A_110] : memref<8x4x24x128xf32, #tpu.memory_space<vmem>>, vector<1x1x24x128xf32>
    %get3A_112 = vector.shape_cast %get3A_111 : vector<1x1x24x128xf32> to vector<24x128xf32>
    %get3A_113 = arith.constant 4 : index
    %get3A_114 = arith.constant 1 : index
    %get3A_115 = arith.constant 0 : index
    %get3A_116 = arith.constant 0 : index
    %get3A_117 = vector.load %arg1[%get3A_113, %get3A_114, %get3A_115, %get3A_116] : memref<8x4x24x128xf32, #tpu.memory_space<vmem>>, vector<1x1x24x128xf32>
    %get3A_118 = vector.shape_cast %get3A_117 : vector<1x1x24x128xf32> to vector<24x128xf32>
    %get3A_119 = arith.constant 4 : index
    %get3A_120 = arith.constant 2 : index
    %get3A_121 = arith.constant 0 : index
    %get3A_122 = arith.constant 0 : index
    %get3A_123 = vector.load %arg1[%get3A_119, %get3A_120, %get3A_121, %get3A_122] : memref<8x4x24x128xf32, #tpu.memory_space<vmem>>, vector<1x1x24x128xf32>
    %get3A_124 = vector.shape_cast %get3A_123 : vector<1x1x24x128xf32> to vector<24x128xf32>
    %get3A_125 = arith.constant 4 : index
    %get3A_126 = arith.constant 3 : index
    %get3A_127 = arith.constant 0 : index
    %get3A_128 = arith.constant 0 : index
    %get3A_129 = vector.load %arg1[%get3A_125, %get3A_126, %get3A_127, %get3A_128] : memref<8x4x24x128xf32, #tpu.memory_space<vmem>>, vector<1x1x24x128xf32>
    %get3A_130 = vector.shape_cast %get3A_129 : vector<1x1x24x128xf32> to vector<24x128xf32>
    %get3A_131 = arith.constant 5 : index
    %get3A_132 = arith.constant 0 : index
    %get3A_133 = arith.constant 0 : index
    %get3A_134 = arith.constant 0 : index
    %get3A_135 = vector.load %arg1[%get3A_131, %get3A_132, %get3A_133, %get3A_134] : memref<8x4x24x128xf32, #tpu.memory_space<vmem>>, vector<1x1x24x128xf32>
    %get3A_136 = vector.shape_cast %get3A_135 : vector<1x1x24x128xf32> to vector<24x128xf32>
    %get3A_137 = arith.constant 5 : index
    %get3A_138 = arith.constant 1 : index
    %get3A_139 = arith.constant 0 : index
    %get3A_140 = arith.constant 0 : index
    %get3A_141 = vector.load %arg1[%get3A_137, %get3A_138, %get3A_139, %get3A_140] : memref<8x4x24x128xf32, #tpu.memory_space<vmem>>, vector<1x1x24x128xf32>
    %get3A_142 = vector.shape_cast %get3A_141 : vector<1x1x24x128xf32> to vector<24x128xf32>
    %get3A_143 = arith.constant 5 : index
    %get3A_144 = arith.constant 2 : index
    %get3A_145 = arith.constant 0 : index
    %get3A_146 = arith.constant 0 : index
    %get3A_147 = vector.load %arg1[%get3A_143, %get3A_144, %get3A_145, %get3A_146] : memref<8x4x24x128xf32, #tpu.memory_space<vmem>>, vector<1x1x24x128xf32>
    %get3A_148 = vector.shape_cast %get3A_147 : vector<1x1x24x128xf32> to vector<24x128xf32>
    %get3A_149 = arith.constant 5 : index
    %get3A_150 = arith.constant 3 : index
    %get3A_151 = arith.constant 0 : index
    %get3A_152 = arith.constant 0 : index
    %get3A_153 = vector.load %arg1[%get3A_149, %get3A_150, %get3A_151, %get3A_152] : memref<8x4x24x128xf32, #tpu.memory_space<vmem>>, vector<1x1x24x128xf32>
    %get3A_154 = vector.shape_cast %get3A_153 : vector<1x1x24x128xf32> to vector<24x128xf32>
    %get3A_155 = arith.constant 6 : index
    %get3A_156 = arith.constant 0 : index
    %get3A_157 = arith.constant 0 : index
    %get3A_158 = arith.constant 0 : index
    %get3A_159 = vector.load %arg1[%get3A_155, %get3A_156, %get3A_157, %get3A_158] : memref<8x4x24x128xf32, #tpu.memory_space<vmem>>, vector<1x1x24x128xf32>
    %get3A_160 = vector.shape_cast %get3A_159 : vector<1x1x24x128xf32> to vector<24x128xf32>
    %get3A_161 = arith.constant 6 : index
    %get3A_162 = arith.constant 1 : index
    %get3A_163 = arith.constant 0 : index
    %get3A_164 = arith.constant 0 : index
    %get3A_165 = vector.load %arg1[%get3A_161, %get3A_162, %get3A_163, %get3A_164] : memref<8x4x24x128xf32, #tpu.memory_space<vmem>>, vector<1x1x24x128xf32>
    %get3A_166 = vector.shape_cast %get3A_165 : vector<1x1x24x128xf32> to vector<24x128xf32>
    %get3A_167 = arith.constant 6 : index
    %get3A_168 = arith.constant 2 : index
    %get3A_169 = arith.constant 0 : index
    %get3A_170 = arith.constant 0 : index
    %get3A_171 = vector.load %arg1[%get3A_167, %get3A_168, %get3A_169, %get3A_170] : memref<8x4x24x128xf32, #tpu.memory_space<vmem>>, vector<1x1x24x128xf32>
    %get3A_172 = vector.shape_cast %get3A_171 : vector<1x1x24x128xf32> to vector<24x128xf32>
    %get3A_173 = arith.constant 6 : index
    %get3A_174 = arith.constant 3 : index
    %get3A_175 = arith.constant 0 : index
    %get3A_176 = arith.constant 0 : index
    %get3A_177 = vector.load %arg1[%get3A_173, %get3A_174, %get3A_175, %get3A_176] : memref<8x4x24x128xf32, #tpu.memory_space<vmem>>, vector<1x1x24x128xf32>
    %get3A_178 = vector.shape_cast %get3A_177 : vector<1x1x24x128xf32> to vector<24x128xf32>
    %get3A_179 = arith.constant 7 : index
    %get3A_180 = arith.constant 0 : index
    %get3A_181 = arith.constant 0 : index
    %get3A_182 = arith.constant 0 : index
    %get3A_183 = vector.load %arg1[%get3A_179, %get3A_180, %get3A_181, %get3A_182] : memref<8x4x24x128xf32, #tpu.memory_space<vmem>>, vector<1x1x24x128xf32>
    %get3A_184 = vector.shape_cast %get3A_183 : vector<1x1x24x128xf32> to vector<24x128xf32>
    %get3A_185 = arith.constant 7 : index
    %get3A_186 = arith.constant 1 : index
    %get3A_187 = arith.constant 0 : index
    %get3A_188 = arith.constant 0 : index
    %get3A_189 = vector.load %arg1[%get3A_185, %get3A_186, %get3A_187, %get3A_188] : memref<8x4x24x128xf32, #tpu.memory_space<vmem>>, vector<1x1x24x128xf32>
    %get3A_190 = vector.shape_cast %get3A_189 : vector<1x1x24x128xf32> to vector<24x128xf32>
    %get3A_191 = arith.constant 7 : index
    %get3A_192 = arith.constant 2 : index
    %get3A_193 = arith.constant 0 : index
    %get3A_194 = arith.constant 0 : index
    %get3A_195 = vector.load %arg1[%get3A_191, %get3A_192, %get3A_193, %get3A_194] : memref<8x4x24x128xf32, #tpu.memory_space<vmem>>, vector<1x1x24x128xf32>
    %get3A_196 = vector.shape_cast %get3A_195 : vector<1x1x24x128xf32> to vector<24x128xf32>
    %get3A_197 = arith.constant 7 : index
    %get3A_198 = arith.constant 3 : index
    %get3A_199 = arith.constant 0 : index
    %get3A_200 = arith.constant 0 : index
    %get3A_201 = vector.load %arg1[%get3A_197, %get3A_198, %get3A_199, %get3A_200] : memref<8x4x24x128xf32, #tpu.memory_space<vmem>>, vector<1x1x24x128xf32>
    %get3A_202 = vector.shape_cast %get3A_201 : vector<1x1x24x128xf32> to vector<24x128xf32>
    %concatenate3A = tpu.concatenate %get3A_16, %get3A_22, %get3A_28, %get3A_34, %get3A_40, %get3A_46, %get3A_52, %get3A_58, %get3A_64, %get3A_70, %get3A_76, %get3A_82, %get3A_88, %get3A_94, %get3A_100, %get3A_106, %get3A_112, %get3A_118, %get3A_124, %get3A_130, %get3A_136, %get3A_142, %get3A_148, %get3A_154, %get3A_160, %get3A_166, %get3A_172, %get3A_178, %get3A_184, %get3A_190, %get3A_196, %get3A_202 in 1 : vector<24x128xf32>, vector<24x128xf32>, vector<24x128xf32>, vector<24x128xf32>, vector<24x128xf32>, vector<24x128xf32>, vector<24x128xf32>, vector<24x128xf32>, vector<24x128xf32>, vector<24x128xf32>, vector<24x128xf32>, vector<24x128xf32>, vector<24x128xf32>, vector<24x128xf32>, vector<24x128xf32>, vector<24x128xf32>, vector<24x128xf32>, vector<24x128xf32>, vector<24x128xf32>, vector<24x128xf32>, vector<24x128xf32>, vector<24x128xf32>, vector<24x128xf32>, vector<24x128xf32>, vector<24x128xf32>, vector<24x128xf32>, vector<24x128xf32>, vector<24x128xf32>, vector<24x128xf32>, vector<24x128xf32>, vector<24x128xf32>, vector<24x128xf32> -> vector<24x4096xf32>
    %dot_general3A = arith.constant dense<0.000000e+00> : vector<32x4096xf32>
    %dot_general3A_203 = tpu.matmul %get3A_1, %concatenate3A, %dot_general3A {dimension_numbers = #tpu.dot_dimension_numbers<[1], [0], [0], [1], [0, 0, 1, 1], [], []>, transpose_lhs_hint = false} : vector<32x24xf32>, vector<24x4096xf32>, vector<32x4096xf32> -> vector<32x4096xf32>
    %max3A = arith.constant 0.000000e+00 : f32
    %max3A_204 = vector.broadcast %max3A : f32 to vector<32x4096xf32>
    %max3A_205 = arith.maximumf %dot_general3A_203, %max3A_204 : vector<32x4096xf32>
    %dot_general3A_206 = arith.constant dense<0.000000e+00> : vector<32x4096xf32>
    %dot_general3A_207 = tpu.matmul %get3A_4, %max3A_205, %dot_general3A_206 {dimension_numbers = #tpu.dot_dimension_numbers<[1], [0], [0], [1], [0, 0, 1, 1], [], []>, transpose_lhs_hint = false} : vector<32x32xf32>, vector<32x4096xf32>, vector<32x4096xf32> -> vector<32x4096xf32>
    %max3A_208 = arith.constant 0.000000e+00 : f32
    %max3A_209 = vector.broadcast %max3A_208 : f32 to vector<32x4096xf32>
    %max3A_210 = arith.maximumf %dot_general3A_207, %max3A_209 : vector<32x4096xf32>
    %dot_general3A_211 = arith.constant dense<0.000000e+00> : vector<32x4096xf32>
    %dot_general3A_212 = tpu.matmul %get3A_7, %max3A_210, %dot_general3A_211 {dimension_numbers = #tpu.dot_dimension_numbers<[1], [0], [0], [1], [0, 0, 1, 1], [], []>, transpose_lhs_hint = false} : vector<32x32xf32>, vector<32x4096xf32>, vector<32x4096xf32> -> vector<32x4096xf32>
    %max3A_213 = arith.constant 0.000000e+00 : f32
    %max3A_214 = vector.broadcast %max3A_213 : f32 to vector<32x4096xf32>
    %max3A_215 = arith.maximumf %dot_general3A_212, %max3A_214 : vector<32x4096xf32>
    %dot_general3A_216 = arith.constant dense<0.000000e+00> : vector<3x4096xf32>
    %dot_general3A_217 = tpu.matmul %get3A_10, %max3A_215, %dot_general3A_216 {dimension_numbers = #tpu.dot_dimension_numbers<[1], [0], [0], [1], [0, 0, 1, 1], [], []>, transpose_lhs_hint = false} : vector<3x32xf32>, vector<32x4096xf32>, vector<3x4096xf32> -> vector<3x4096xf32>
    %swap3A = arith.constant 0 : index
    %swap3A_218 = arith.constant 0 : index
    %swap3A_219 = vector.load %arg6[%swap3A, %swap3A_218] : memref<3x4096xf32, #tpu.memory_space<vmem>>, vector<3x4096xf32>
    tpu.vector_store %arg6[%swap3A, %swap3A_218], %dot_general3A_217 {strides = array<i32>} : memref<3x4096xf32, #tpu.memory_space<vmem>>, vector<3x4096xf32>,
    return
  }
  func.func @transform_0(%arg0: i32) -> (i32, i32, i32, i32) {
    %c0_i32 = arith.constant 0 : i32
    %c0_i32_0 = arith.constant 0 : i32
    %c0_i32_1 = arith.constant 0 : i32
    %c0_i32_2 = arith.constant 0 : i32
    return %arg0, %c0_i32, %c0_i32_0, %c0_i32_1 : i32, i32, i32, i32
  }
  func.func @transform_1(%arg0: i32) -> (i32, i32) {
    %c0_i32 = arith.constant 0 : i32
    %c0_i32_0 = arith.constant 0 : i32
    %c0_i32_1 = arith.constant 0 : i32
    return %c0_i32, %c0_i32_0 : i32, i32
  }
  func.func @transform_2(%arg0: i32) -> (i32, i32) {
    %c0_i32 = arith.constant 0 : i32
    %c0_i32_0 = arith.constant 0 : i32
    %c0_i32_1 = arith.constant 0 : i32
    return %c0_i32, %c0_i32_0 : i32, i32
  }
  func.func @transform_3(%arg0: i32) -> (i32, i32) {
    %c0_i32 = arith.constant 0 : i32
    %c0_i32_0 = arith.constant 0 : i32
    %c0_i32_1 = arith.constant 0 : i32
    return %c0_i32, %c0_i32_0 : i32, i32
  }
  func.func @transform_4(%arg0: i32) -> (i32, i32) {
    %c0_i32 = arith.constant 0 : i32
    %c0_i32_0 = arith.constant 0 : i32
    %c0_i32_1 = arith.constant 0 : i32
    return %c0_i32, %c0_i32_0 : i32, i32
  }
  func.func @transform_5(%arg0: i32) -> (i32, i32) {
    %c0_i32 = arith.constant 0 : i32
    %c0_i32_0 = arith.constant 0 : i32
    return %c0_i32, %arg0 : i32, i32
  }
}

</mosaic_0001>

<sc_bundles>
// kernel: kernel.5.cloned.1.call-start
scs
__scs_entry_jumppad:
0x0: {  	(pc) =	sbr.rel $0x88, $3  }
0x1: {  	(tag) =	ssettag $0x0;
	lr =	simm.s32 $0x1  }
0x2: {  	[smem:$0x3F99] =	sst lr;
	_ =	strace $0xD0000000  }
0x3: {  	_ = 	snop  }
0x4: {  	_ = 	snop  }
0x5: {  	_ = 	snop  }
0x6: {  	_ = 	snop  }
0x7: {  	_ = 	snop  }
__scs_overlays_trampoline_lowered:
0x8: {  	[smem:$0x3FA8] =	sst s0  }
0x9: {  	[smem:$0x3FA9] =	sst s1  }
0xa: {  	[smem:$0x3FAA] =	sst s2  }
0xb: {  	[smem:$0x3FAB] =	sst s3  }
0xc: {  	[smem:$0x3FAC] =	sst s4  }
0xd: {  	[smem:$0x3FAD] =	sst s5  }
0xe: {  	[smem:$0x3FAE] =	sst s6  }
0xf: {  	[smem:$0x3FAF] =	sst s7  }
0x10: {  	[smem:$0x3FB0] =	sst s8  }
0x11: {  	[smem:$0x3FB1] =	sst s9;
	s0 =	simm.s32 @!p0 $0x0  }
0x12: {  	s1 =	sld [smem:$0x3F97];
	s0 =	simm.s32 @p0 $0x1  }
0x13: {  	[smem:$0x3FB2] =	sst s0;
	s0 =	simm.s32 @!p1 $0x0  }
0x14: {  	s2 =	sld [smem:$0x3F96];
	s0 =	simm.s32 @p1 $0x1  }
0x15: {  	[smem:$0x3FB3] =	sst s0;
	s0 =	simm.s32 @!p2 $0x0  }
0x16: {  	s3 =	sld [smem:$0x3FDB];
	s0 =	simm.s32 @p2 $0x1  }
0x17: {  	s4 =	simm.s32 $0x1BF5;
	[smem:$0x3FB5] =	sst s0  }
0x18: {  	s0 =	sld [smem:$0x3F98];
	_ =	swait.ge [sflag:s4], $0x0  }
0x19: {  	s7 =	sld [smem:$0x3F99]  }
0x1a: {  	s8 =	sadd.s32 $0xFFFFE003, lr  }
0x1b: {  	s9 =	sadd.s32 $0xFFFFFEF7, lr;
	s5 =	simm.s32 $0xFFFFFFFF;
	p2 =	slt.u32 s8, $0xFFFFF086  }
0x1c: {  	p1 =	slt.u32 s9, $0xF7A;
	s5 =	simm.s32 @!p2 $0x0  }
0x1d: {  	s5 =	simm.s32 @p1 $0x1;
	p0 =	seq.s32 s7, s2  }
0x1e: {  	s7 =	smul.u32 @!p0 $0xF7A, s2;
	p2 =	seq.s32 @!p0 s5, $0x0  }
0x1f: {  	s9 =	smul.u32 $0xF7A, s1;
	s8 =	simm.s32 @!p0 $0x1BF5;
	p2 =	por !p2, p0  }
0x20: {  	[sflag:s8] =	ssyncset.s32 @!p0 $0xFFFFF086;
	s6 =	sadd.s32 @!p0 s3, s7;
	s7 =	simm.s32 @!p0 $0x108  }
0x21: {  	s3 =	sadd.s32 s3, s9;
	s6 =	sadd.s32 @!p0 $0x88, s6;
	s7 =	simm.s32 @p2 $0x1082  }
0x22: {  	[simem:s7], [sflag:s8] =	dma.local @!p0 [hbm:s6], $0xF7A  }
0x23: {  	s9 =	sor.u32 $0xD0000000, s2;
	s6 =	simm.s32 $0x108;
	_ =	swait.ge @!p0 [sflag:s8], $0x0  }
0x24: {  	s3 =	sadd.s32 $0x88, s3;
	s6 =	simm.s32 @!p1 $0x1082;
	[sflag:s4] =	ssyncset.s32 $0xFFFFF086  }
0x25: {  	[simem:s6], [sflag:s4] =	dma.local [hbm:s3], $0xF7A  }
0x26: {  	[smem:$0x3F99] =	sst s1;
	(tag) =	ssettag s2;
	_ =	strace s9  }
0x27: {  	s1 =	sld [smem:$0x3FA9]  }
0x28: {  	s2 =	sld [smem:$0x3FAA]  }
0x29: {  	s4 =	sld [smem:$0x3FAC]  }
0x2a: {  	p0 =	seq.s32 s5, $0x0;
	s5 =	sld [smem:$0x3FAD]  }
0x2b: {  	s6 =	sld [smem:$0x3FAE]  }
0x2c: {  	s7 =	sld [smem:$0x3FAF]  }
0x2d: {  	s3 =	simm.s32 $0x108;
	s8 =	sld [smem:$0x3FB0]  }
0x2e: {  	s3 =	simm.s32 @!p0 $0x1082;
	s9 =	sld [smem:$0x3FB1]  }
0x2f: {  	lr =	sadd.s32 s0, s3;
	s0 =	sld [smem:$0x3FA8]  }
0x30: {  	s3 =	sld [smem:$0x3FAB]  }
0x31: {  	[smem:$0x3FB4] =	sst s10  }
0x32: {  	s10 =	sld [smem:$0x3FB2];
	_ =	sdelay $0x3  }
0x33: {  	p0 =	seq.s32 s10, $0x1;
	s10 =	sld [smem:$0x3FB4];
	_ =	sdelay $0x3  }
0x34: {  	[smem:$0x3FB4] =	sst s10  }
0x35: {  	s10 =	sld [smem:$0x3FB3];
	_ =	sdelay $0x3  }
0x36: {  	p1 =	seq.s32 s10, $0x1;
	s10 =	sld [smem:$0x3FB4];
	_ =	sdelay $0x3  }
0x37: {  	[smem:$0x3FB4] =	sst s10  }
0x38: {  	s10 =	sld [smem:$0x3FB5]  }
0x39: {  	_ = 	snop;
	(pc) =	sbr.ind lr, $3  }
0x3a: {  	_ = 	snop  }
0x3b: {  	_ = 	snop  }
0x3c: {  	p2 =	seq.s32 s10, $0x1;
	s10 =	sld [smem:$0x3FB4]  }
0x3d: {  	_ =	shalt  }
0x3e: {  	_ =	shalt  }
0x3f: {  	_ =	shalt  }
0x40: {  	_ =	shalt  }
0x41: {  	_ =	shalt  }
0x42: {  	_ =	shalt  }
0x43: {  	_ =	shalt  }
0x44: {  	_ =	shalt  }
0x45: {  	_ =	shalt  }
0x46: {  	_ =	shalt  }
0x47: {  	_ =	shalt  }
0x48: {  	_ =	shalt  }
0x49: {  	_ =	shalt  }
0x4a: {  	_ =	shalt  }
0x4b: {  	_ =	shalt  }
0x4c: {  	_ =	shalt  }
0x4d: {  	_ =	shalt  }
0x4e: {  	_ =	shalt  }
0x4f: {  	_ =	shalt  }
0x50: {  	_ =	shalt  }
0x51: {  	_ =	shalt  }
0x52: {  	_ =	shalt  }
0x53: {  	_ =	shalt  }
0x54: {  	_ =	shalt  }
0x55: {  	_ =	shalt  }
0x56: {  	_ =	shalt  }
0x57: {  	_ =	shalt  }
0x58: {  	_ =	shalt  }
0x59: {  	_ =	shalt  }
0x5a: {  	_ =	shalt  }
0x5b: {  	_ =	shalt  }
0x5c: {  	_ =	shalt  }
0x5d: {  	_ =	shalt  }
0x5e: {  	_ =	shalt  }
0x5f: {  	_ =	shalt  }
0x60: {  	_ =	shalt  }
0x61: {  	_ =	shalt  }
0x62: {  	_ =	shalt  }
0x63: {  	_ =	shalt  }
0x64: {  	_ =	shalt  }
0x65: {  	_ =	shalt  }
0x66: {  	_ =	shalt  }
0x67: {  	_ =	shalt  }
0x68: {  	_ =	shalt  }
0x69: {  	_ =	shalt  }
0x6a: {  	_ =	shalt  }
0x6b: {  	_ =	shalt  }
0x6c: {  	_ =	shalt  }
0x6d: {  	_ =	shalt  }
0x6e: {  	_ =	shalt  }
0x6f: {  	_ =	shalt  }
0x70: {  	_ =	shalt  }
0x71: {  	_ =	shalt  }
0x72: {  	_ =	shalt  }
0x73: {  	_ =	shalt  }
0x74: {  	_ =	shalt  }
0x75: {  	_ =	shalt  }
0x76: {  	_ =	shalt  }
0x77: {  	_ =	shalt  }
0x78: {  	_ =	shalt  }
0x79: {  	_ =	shalt  }
0x7a: {  	_ =	shalt  }
0x7b: {  	_ =	shalt  }
0x7c: {  	_ =	shalt  }
0x7d: {  	_ =	shalt  }
0x7e: {  	_ =	shalt  }
0x7f: {  	_ =	shalt  }
0x80: {  	_ =	shalt  }
0x81: {  	_ =	shalt  }
0x82: {  	_ =	shalt  }
0x83: {  	_ =	shalt  }
0x84: {  	_ =	shalt  }
0x85: {  	_ =	shalt  }
0x86: {  	_ =	shalt  }
0x87: {  	_ =	shalt  }
.Lfunc_end0:
.L_simem_size_0:
called_computation_lowered:
.L_overlay_start_0:
0x88: {  	s2 =	sld [smem:$0x3FD9]  }
0x89: {  	s3 =	sld [smem:$0x3FFE];
	_ =	sdelay $0x1  }
0x8a: {  	s1 =	srdreg.scid  }
0x8b: {  	s0 =	sand.u32 $0x1, s1  }
0x8c: {  	s17 =	sshll.u32 s0, $0xA;
	s2 =	sadd.s32 s3, s2  }
0x8d: {  	s2 =	sadd.s32 s2, s17  }
0x8e: {  	[smem:$0x3FC0] =	sst s2  }
0x8f: {  	_ = 	snop  }
0x90: {  	s2 =	sld [smem:$0x3FC8];
	(tm) =	ssettm $0x1  }
0x91: {  	s18 =	sld [smem:$0x3FFB];
	_ =	sdelay $0x3  }
0x92: {  	_ =	strace s18  }
0x93: {  	s3 =	sld [smem:$0x3FFC];
	_ =	sdelay $0x3  }
0x94: {  	_ =	strace s3  }
0x95: {  	s3 =	sld [smem:$0x3FFD];
	_ =	sdelay $0x3  }
0x96: {  	_ =	strace s3  }
0x97: {  	_ =	strace $0x8FFFFFFF  }
0x98: {  	s19 =	sld [smem:$0x3FDB];
	_ =	sdelay $0x1  }
0x99: {  	s4 =	simm.s32 $_scs_section_size  }
0x9a: {  	s5 =	simm.s32 $_size__tile_overlayer_lowered;
	s6 =	simm.s32 $_tile_overlayer_lowered  }
0x9b: {  	s22 =	simm.s32 $0x1BFF;
	s21 =	sshll.u32 s6, $0x1;
	s3 =	sadd.s32 s4, s19  }
0x9c: {  	s7 =	simm.s32 $0x0;
	s20 =	sshll.u32 s5, $0x1;
	s5 =	sadd.s32 s21, s3  }
0x9d: {  	[timem:s7], [sflag:s22] =	dma.local [hbm:s5], s20  }
0x9e: {  	_ =	swait.ge [sflag:s22], s20  }
0x9f: {  	s4 =	ssub.s32 $0x0, s20;
	[sflag:s22] =	ssyncset.done $0x0  }
0xa0: {  	[sflag:s22] =	ssyncadd.s32 s4;
	_ =	sdelay $0x1  }
0xa1: {  	s23 =	simm.s32 $0x1B8B  }
0xa2: {  	_ =	swait.ge [sflag:s23], $0x1  }
0xa3: {  	[sflag:s23] =	ssyncset.done $0x0  }
0xa4: {  	s25 =	simm.s32 $0x1B8E;
	s24 =	sld [smem:$0x3FFE];
	[sflag:s23] =	ssyncadd.s32 $0xFFFFFFFF  }
0xa5: {  	s26 =	simm.s32 $execute0_lowered;
	[smem:$0x3FD2] =	sst s25  }
0xa6: {  	s5 =	sshll.u32 s26, $0x1;
	_ =	strace $0x80000046;
	[dreg:$0x1] =	wrdreg $0xFFFFFFFF  }
0xa7: {  	s28 =	simm.s32 $_size_execute0_lowered;
	s3 =	sadd.s32 s3, s5;
	[dreg:$0x0] =	wrdreg $0x0  }
0xa8: {  	s5 =	sshll.u32 s28, $0x1;
	[dreg:$0x2] =	wrdreg s3  }
0xa9: {  	[dreg:$0x3] =	wrdreg s5  }
0xaa: {  	[dreg:$0x4] =	wrdreg $0xC0  }
0xab: {  	_ =	task [dreg:s7], $0x5FFFF  }
0xac: {  	[dreg:$0x1] =	wrdreg $0xFFFFFFFF  }
0xad: {  	[dreg:$0x0] =	wrdreg $0x60  }
0xae: {  	[dreg:$0x2] =	wrdreg s2  }
0xaf: {  	[dreg:$0x3] =	wrdreg s24  }
0xb0: {  	[dreg:$0x4] =	wrdreg $0x9  }
0xb1: {  	_ =	task.clear_ibuf [dreg:s7], $0x5FFFF;
	_ =	strace $0x90000046  }
0xb2: {  	s29 =	simm.s32 $0x9;
	_ =	strace $0x80000049  }
0xb3: {  	_ =	swait.ge [sflag:s29], $0x1  }
0xb4: {  	[sflag:s29] =	ssyncadd.s32 $0xFFFFFFFF  }
0xb5: {  	_ =	strace $0x90000049  }
0xb6: {  	_ =	sfence  }
0xb7: {  	s30 =	sld [smem:$0x0];
	_ =	sdelay $0x2  }
0xb8: {  	s31 =	sshll.u32 s1, $0xD;
	s1 =	sshrl.u32 s1, $0x2  }
0xb9: {  	s3 =	sand.u32 $0x4000, s31;
	s1 =	sadd.s32 s1, s30  }
0xba: {  	s0 =	sor.u32 s3, s0;
	s1 =	sshll.u32 s1, $0x11  }
0xbb: {  	s0 =	sor.u32 s1, s0  }
0xbc: {  	s0 =	sadd.s32 $0x8F2B, s0  }
0xbd: {  	[sflag:s0] =	ssyncadd.remote.s32 $0x1  }
0xbe: {  	_ =	sfence.sel $0xFFFF  }
0xbf: {  	[dreg:$0x0] =	wrdreg $0xFFFFFFFF;
	(pc) =	sbr.abs _section_cstart, $3  }
0xc0: {  	[dreg:$0x1] =	wrdreg $0xFFFFFFFF  }
0xc1: {  	_ =	task.clear_ibuf [dreg:s7], $0x2FFFF;
	_ =	strace $0x9FFFFFFF  }
0xc2: {  	(tm) =	ssettm $0x7FFFFFFF  }
0xc3: {  	_ =	shalt  }
tec
execute0_lowered:
.L_overlay_start_1:
0x0: {  	(tag) =	ssettag $0x1  }
0x1: {  	v0 =	vlaneseq.u32;
	s3 =	rddreg [dreg:$0x0]  }
0x2: {  	s4 =	rddreg [dreg:$0x1];
	s2 =	simm.s32 $0x0;
	v17 =	vmul.u32 $0x8, v0  }
0x3: {  	[smem:$0x7FF] =	sst s2  }
0x4: {  	s0 =	rddreg [dreg:$0x2];
	_ =	strace $0x80000047;
	v1 =	vor.u32 $0x80, v17;
	[tilespmem:$0x1FD10] =	vst v17  }
0x5: {  	v2 =	vor.u32 $0x100, v17;
	[tilespmem:$0x1FC00] =	vst v1  }
0x6: {  	v3 =	vor.u32 $0x180, v17;
	[tilespmem:$0x1FC10] =	vst v2  }
0x7: {  	v4 =	vor.u32 $0x200, v17;
	[tilespmem:$0x1FC20] =	vst v3  }
0x8: {  	v5 =	vor.u32 $0x280, v17;
	[tilespmem:$0x1FC30] =	vst v4  }
0x9: {  	v6 =	vor.u32 $0x300, v17;
	[tilespmem:$0x1FC40] =	vst v5  }
0xa: {  	v7 =	vor.u32 $0x380, v17;
	[tilespmem:$0x1FC50] =	vst v6  }
0xb: {  	v8 =	vor.u32 $0x1, v17;
	[tilespmem:$0x1FC60] =	vst v7  }
0xc: {  	v9 =	vor.u32 $0x81, v17;
	[tilespmem:$0x1FC70] =	vst v8  }
0xd: {  	v10 =	vor.u32 $0x101, v17;
	[tilespmem:$0x1FC80] =	vst v9  }
0xe: {  	v11 =	vor.u32 $0x181, v17;
	[tilespmem:$0x1FC90] =	vst v10  }
0xf: {  	v12 =	vor.u32 $0x201, v17;
	[tilespmem:$0x1FCA0] =	vst v11  }
0x10: {  	v13 =	vor.u32 $0x281, v17;
	[tilespmem:$0x1FCB0] =	vst v12  }
0x11: {  	v14 =	vor.u32 $0x301, v17;
	[tilespmem:$0x1FCC0] =	vst v13  }
0x12: {  	v15 =	vor.u32 $0x381, v17;
	[tilespmem:$0x1FCD0] =	vst v14  }
0x13: {  	v16 =	vor.u32 $0x2, v17;
	[tilespmem:$0x1FCE0] =	vst v15  }
0x14: {  	v0 =	vor.u32 $0x82, v17;
	[tilespmem:$0x1FCF0] =	vst v16  }
0x15: {  	v18 =	vor.u32 $0x102, v17;
	[tilespmem:$0x1FD00] =	vst v0  }
0x16: {  	v19 =	vor.u32 $0x182, v17;
	[tilespmem:$0x1FD20] =	vst v18  }
0x17: {  	v20 =	vor.u32 $0x202, v17;
	[tilespmem:$0x1FD30] =	vst v19  }
0x18: {  	v21 =	vor.u32 $0x282, v17;
	[tilespmem:$0x1FD40] =	vst v20  }
0x19: {  	v22 =	vor.u32 $0x302, v17;
	[tilespmem:$0x1FD50] =	vst v21  }
0x1a: {  	v23 =	vor.u32 $0x382, v17;
	[tilespmem:$0x1FD60] =	vst v22  }
0x1b: {  	v24 =	vor.u32 $0x3, v17;
	[tilespmem:$0x1FD70] =	vst v23  }
0x1c: {  	v25 =	vor.u32 $0x83, v17;
	[tilespmem:$0x1FD80] =	vst v24  }
0x1d: {  	v26 =	vor.u32 $0x103, v17;
	[tilespmem:$0x1FD90] =	vst v25  }
0x1e: {  	v27 =	vor.u32 $0x183, v17;
	[tilespmem:$0x1FDA0] =	vst v26  }
0x1f: {  	v28 =	vor.u32 $0x203, v17;
	[tilespmem:$0x1FDB0] =	vst v27  }
0x20: {  	v29 =	vor.u32 $0x283, v17;
	[tilespmem:$0x1FDC0] =	vst v28  }
0x21: {  	v30 =	vor.u32 $0x303, v17;
	[tilespmem:$0x1FDD0] =	vst v29  }
0x22: {  	v31 =	vor.u32 $0x383, v17;
	[tilespmem:$0x1FDE0] =	vst v30  }
0x23: {  	v32 =	vor.u32 $0x4, v17;
	[tilespmem:$0x1FDF0] =	vst v31  }
0x24: {  	v33 =	vor.u32 $0x84, v17;
	[tilespmem:$0x1FE00] =	vst v32  }
0x25: {  	v34 =	vor.u32 $0x104, v17;
	[tilespmem:$0x1FE10] =	vst v33  }
0x26: {  	v35 =	vor.u32 $0x184, v17;
	[tilespmem:$0x1FE20] =	vst v34  }
0x27: {  	v36 =	vor.u32 $0x204, v17;
	[tilespmem:$0x1FE30] =	vst v35  }
0x28: {  	v37 =	vor.u32 $0x284, v17;
	[tilespmem:$0x1FE40] =	vst v36  }
0x29: {  	v38 =	vor.u32 $0x304, v17;
	[tilespmem:$0x1FE50] =	vst v37  }
0x2a: {  	v39 =	vor.u32 $0x384, v17;
	[tilespmem:$0x1FE60] =	vst v38  }
0x2b: {  	v40 =	vor.u32 $0x5, v17;
	[tilespmem:$0x1FE70] =	vst v39  }
0x2c: {  	v41 =	vor.u32 $0x85, v17;
	[tilespmem:$0x1FE80] =	vst v40  }
0x2d: {  	v42 =	vor.u32 $0x105, v17;
	[tilespmem:$0x1FE90] =	vst v41  }
0x2e: {  	v43 =	vor.u32 $0x185, v17;
	[tilespmem:$0x1FEA0] =	vst v42  }
0x2f: {  	v44 =	vor.u32 $0x205, v17;
	[tilespmem:$0x1FEB0] =	vst v43  }
0x30: {  	v45 =	vor.u32 $0x285, v17;
	[tilespmem:$0x1FEC0] =	vst v44  }
0x31: {  	v46 =	vor.u32 $0x305, v17;
	[tilespmem:$0x1FED0] =	vst v45  }
0x32: {  	v47 =	vor.u32 $0x385, v17;
	[tilespmem:$0x1FEE0] =	vst v46  }
0x33: {  	v48 =	vor.u32 $0x6, v17;
	[tilespmem:$0x1FEF0] =	vst v47  }
0x34: {  	v49 =	vor.u32 $0x86, v17;
	[tilespmem:$0x1FF00] =	vst v48  }
0x35: {  	v50 =	vor.u32 $0x106, v17;
	[tilespmem:$0x1FF10] =	vst v49  }
0x36: {  	v51 =	vor.u32 $0x186, v17;
	[tilespmem:$0x1FF20] =	vst v50  }
0x37: {  	v52 =	vor.u32 $0x206, v17;
	[tilespmem:$0x1FF30] =	vst v51  }
0x38: {  	v53 =	vor.u32 $0x286, v17;
	[tilespmem:$0x1FF40] =	vst v52  }
0x39: {  	v54 =	vor.u32 $0x306, v17;
	[tilespmem:$0x1FF50] =	vst v53  }
0x3a: {  	v55 =	vor.u32 $0x386, v17;
	[tilespmem:$0x1FF60] =	vst v54  }
0x3b: {  	v56 =	vor.u32 $0x7, v17;
	[tilespmem:$0x1FF70] =	vst v55  }
0x3c: {  	v57 =	vor.u32 $0x87, v17;
	[tilespmem:$0x1FF80] =	vst v56  }
0x3d: {  	s1 =	stileid.u32;
	s5 =	srdreg.scid;
	v58 =	vor.u32 $0x107, v17;
	[tilespmem:$0x1FF90] =	vst v57  }
0x3e: {  	s6 =	smul.u32 $0x3200, s1;
	s5 =	sand.u32 $0x1, s5;
	v59 =	vor.u32 $0x187, v17;
	[tilespmem:$0x1FFA0] =	vst v58  }
0x3f: {  	s7 =	ssub.s32 $0x2, s5;
	s5 =	smul.u32 $0x1900, s5;
	v60 =	vor.u32 $0x207, v17;
	[tilespmem:$0x1FFB0] =	vst v59  }
0x40: {  	s4 =	sadd.s32 s6, s4;
	s8 =	sshrl.u32 s7, $0x1;
	v61 =	vor.u32 $0x287, v17;
	[tilespmem:$0x1FFC0] =	vst v60  }
0x41: {  	s6 =	sadd.s32 s6, s3;
	v62 =	vor.u32 $0x307, v17;
	s7 =	ssub.s32 s7, s8;
	s31 =	sadd.s32 s5, s4;
	[tilespmem:$0x1FFD0] =	vst v61  }
0x42: {  	v63 =	vor.u32 $0x387, v17;
	s4 =	sadd.s32 s5, s6;
	s6 =	simm.s32 $0x1;
	s8 =	simm.s32 $0x0;
	[tilespmem:$0x1FFE0] =	vst v62  }
0x43: {  	[tilespmem:$0x1FFF0] =	vst v63;
	s3 =	smax.u32 s7, $0x1;
	s5 =	sadd.s32 $0x1800, s31;
	s7 =	simm.s32 $0x2  }
.LBB2_1:
0x44: {  	_ =	strace $0x80000048  }
0x45: {  	s9 =	sadd.s32 $0x0, s4;
	s10 =	simm.s32 $0x80;
	s11 =	simm.s32 $0x0  }
0x46: {  	[tilespmem:s2], [sflag:$0x1] =	stream.linear.gather [hbm4b:s9+s2], $0x400, $0x200038;
	[tilespmem:$0x19000] =	vst v63  }
.LBB2_2:
0x47: {  	p0 =	sne.s32 s10, $0x1880  }
.Ltmp0:
0x48: {  	_ = 	snop;
	(pc) =	sbr.rel @p0 .LBB2_2-.Ltmp0, $4  }
0x49: {  	_ = 	snop  }
0x4a: {  	s12 =	sadd.s32 s10, s4;
	s11 =	sadd.s32 $0x400, s11  }
0x4b: {  	s9 =	simm.s32 $0x0;
	s10 =	sadd.s32 $0x80, s10  }
0x4c: {  	[tilespmem:s11], [sflag:$0x1] =	stream.linear.gather [hbm4b:s12+s9], $0x400, $0x200038;
	[tilespmem:$0x19000] =	vst v63  }
0x4d: {  	v3 =	vld [tilespmem:$0x1FC10]  }
0x4e: {  	v4 =	vld [tilespmem:$0x1FC20]  }
0x4f: {  	v5 =	vld [tilespmem:$0x1FC30]  }
0x50: {  	v6 =	vld [tilespmem:$0x1FC40]  }
0x51: {  	v7 =	vld [tilespmem:$0x1FC50]  }
0x52: {  	v8 =	vld [tilespmem:$0x1FC60]  }
0x53: {  	v9 =	vld [tilespmem:$0x1FC70]  }
0x54: {  	v10 =	vld [tilespmem:$0x1FC80]  }
0x55: {  	v11 =	vld [tilespmem:$0x1FC90]  }
0x56: {  	v12 =	vld [tilespmem:$0x1FCA0]  }
0x57: {  	v13 =	vld [tilespmem:$0x1FCB0]  }
0x58: {  	v14 =	vld [tilespmem:$0x1FCC0]  }
0x59: {  	v15 =	vld [tilespmem:$0x1FCD0]  }
0x5a: {  	v16 =	vld [tilespmem:$0x1FCE0]  }
0x5b: {  	v17 =	vld [tilespmem:$0x1FCF0]  }
0x5c: {  	v0 =	vld [tilespmem:$0x1FD00]  }
0x5d: {  	v18 =	vld [tilespmem:$0x1FD10]  }
0x5e: {  	v19 =	vld [tilespmem:$0x1FD20]  }
0x5f: {  	v21 =	vld [tilespmem:$0x1FD40]  }
0x60: {  	v22 =	vld [tilespmem:$0x1FD50]  }
0x61: {  	v23 =	vld [tilespmem:$0x1FD60]  }
0x62: {  	v24 =	vld [tilespmem:$0x1FD70]  }
0x63: {  	v25 =	vld [tilespmem:$0x1FD80]  }
0x64: {  	v26 =	vld [tilespmem:$0x1FD90]  }
0x65: {  	v27 =	vld [tilespmem:$0x1FDA0]  }
0x66: {  	v28 =	vld [tilespmem:$0x1FDB0]  }
0x67: {  	v29 =	vld [tilespmem:$0x1FDC0]  }
0x68: {  	v30 =	vld [tilespmem:$0x1FDD0]  }
0x69: {  	v31 =	vld [tilespmem:$0x1FDE0]  }
0x6a: {  	v32 =	vld [tilespmem:$0x1FDF0]  }
0x6b: {  	v33 =	vld [tilespmem:$0x1FE00]  }
0x6c: {  	v34 =	vld [tilespmem:$0x1FE10]  }
0x6d: {  	v35 =	vld [tilespmem:$0x1FE20]  }
0x6e: {  	v36 =	vld [tilespmem:$0x1FE30]  }
0x6f: {  	v37 =	vld [tilespmem:$0x1FE40]  }
0x70: {  	v38 =	vld [tilespmem:$0x1FE50]  }
0x71: {  	v39 =	vld [tilespmem:$0x1FE60]  }
0x72: {  	v40 =	vld [tilespmem:$0x1FE70]  }
0x73: {  	v41 =	vld [tilespmem:$0x1FE80]  }
0x74: {  	v42 =	vld [tilespmem:$0x1FE90]  }
0x75: {  	v43 =	vld [tilespmem:$0x1FEA0]  }
0x76: {  	v44 =	vld [tilespmem:$0x1FEB0]  }
0x77: {  	v45 =	vld [tilespmem:$0x1FEC0]  }
0x78: {  	v46 =	vld [tilespmem:$0x1FED0]  }
0x79: {  	v47 =	vld [tilespmem:$0x1FEE0]  }
0x7a: {  	v48 =	vld [tilespmem:$0x1FEF0]  }
0x7b: {  	v49 =	vld [tilespmem:$0x1FF00]  }
0x7c: {  	v50 =	vld [tilespmem:$0x1FF10]  }
0x7d: {  	v51 =	vld [tilespmem:$0x1FF20]  }
0x7e: {  	v52 =	vld [tilespmem:$0x1FF30]  }
0x7f: {  	v53 =	vld [tilespmem:$0x1FF40]  }
0x80: {  	v54 =	vld [tilespmem:$0x1FF50]  }
0x81: {  	v55 =	vld [tilespmem:$0x1FF60]  }
0x82: {  	v56 =	vld [tilespmem:$0x1FF70]  }
0x83: {  	v57 =	vld [tilespmem:$0x1FF80]  }
0x84: {  	v58 =	vld [tilespmem:$0x1FF90]  }
0x85: {  	v59 =	vld [tilespmem:$0x1FFA0]  }
0x86: {  	v60 =	vld [tilespmem:$0x1FFB0]  }
0x87: {  	v61 =	vld [tilespmem:$0x1FFC0]  }
0x88: {  	v62 =	vld [tilespmem:$0x1FFD0]  }
0x89: {  	v63 =	vld [tilespmem:$0x1FFE0]  }
0x8a: {  	s10 =	smov.u32 s5;
	v2 =	vld [tilespmem:$0x1FFF0]  }
.LBB2_4:
0x8b: {  	_ =	swait.ge [sflag:s6], $0x400  }
0x8c: {  	[sflag:s6] =	ssyncset.done $0x0  }
0x8d: {  	s11 =	sshra.s32 s9, $0x2;
	[sflag:s6] =	ssyncadd.s32 $0xFFFFFC00  }
0x8e: {  	v1 =	vld [tilespmem:s11+$0x0];
	_ =	sdelay $0x2  }
0x8f: {  	v20 =	vld [tilespmem:$0x1FC00];
	_ =	sdelay $0x1  }
0x90: {  	[tilespmem:v18+s11+$0xC800] =	vst.idx.msk $0xffff, v1  }
0x91: {  	v1 =	vld [tilespmem:s11+$0x10];
	_ =	sdelay $0x4  }
0x92: {  	[tilespmem:v20+s11+$0xC800] =	vst.idx.msk $0xffff, v1  }
0x93: {  	v1 =	vld [tilespmem:s11+$0x20];
	_ =	sdelay $0x4  }
0x94: {  	[tilespmem:v3+s11+$0xC800] =	vst.idx.msk $0xffff, v1  }
0x95: {  	v1 =	vld [tilespmem:s11+$0x30];
	_ =	sdelay $0x4  }
0x96: {  	[tilespmem:v4+s11+$0xC800] =	vst.idx.msk $0xffff, v1  }
0x97: {  	v1 =	vld [tilespmem:s11+$0x40];
	_ =	sdelay $0x4  }
0x98: {  	[tilespmem:v5+s11+$0xC800] =	vst.idx.msk $0xffff, v1  }
0x99: {  	v1 =	vld [tilespmem:s11+$0x50];
	_ =	sdelay $0x4  }
0x9a: {  	[tilespmem:v6+s11+$0xC800] =	vst.idx.msk $0xffff, v1  }
0x9b: {  	v1 =	vld [tilespmem:s11+$0x60];
	_ =	sdelay $0x4  }
0x9c: {  	[tilespmem:v7+s11+$0xC800] =	vst.idx.msk $0xffff, v1  }
0x9d: {  	v1 =	vld [tilespmem:s11+$0x70];
	_ =	sdelay $0x4  }
0x9e: {  	[tilespmem:v8+s11+$0xC800] =	vst.idx.msk $0xffff, v1  }
0x9f: {  	v1 =	vld [tilespmem:s11+$0x80];
	_ =	sdelay $0x4  }
0xa0: {  	[tilespmem:v9+s11+$0xC800] =	vst.idx.msk $0xffff, v1  }
0xa1: {  	v1 =	vld [tilespmem:s11+$0x90];
	_ =	sdelay $0x4  }
0xa2: {  	[tilespmem:v10+s11+$0xC800] =	vst.idx.msk $0xffff, v1  }
0xa3: {  	v1 =	vld [tilespmem:s11+$0xA0];
	_ =	sdelay $0x4  }
0xa4: {  	[tilespmem:v11+s11+$0xC800] =	vst.idx.msk $0xffff, v1  }
0xa5: {  	v1 =	vld [tilespmem:s11+$0xB0];
	_ =	sdelay $0x4  }
0xa6: {  	[tilespmem:v12+s11+$0xC800] =	vst.idx.msk $0xffff, v1  }
0xa7: {  	v1 =	vld [tilespmem:s11+$0xC0];
	_ =	sdelay $0x4  }
0xa8: {  	[tilespmem:v13+s11+$0xC800] =	vst.idx.msk $0xffff, v1  }
0xa9: {  	v1 =	vld [tilespmem:s11+$0xD0];
	_ =	sdelay $0x4  }
0xaa: {  	[tilespmem:v14+s11+$0xC800] =	vst.idx.msk $0xffff, v1  }
0xab: {  	v1 =	vld [tilespmem:s11+$0xE0];
	_ =	sdelay $0x4  }
0xac: {  	[tilespmem:v15+s11+$0xC800] =	vst.idx.msk $0xffff, v1  }
0xad: {  	v1 =	vld [tilespmem:s11+$0xF0];
	_ =	sdelay $0x4  }
0xae: {  	[tilespmem:v16+s11+$0xC800] =	vst.idx.msk $0xffff, v1  }
0xaf: {  	v1 =	vld [tilespmem:s11+$0x100];
	_ =	sdelay $0x4  }
0xb0: {  	[tilespmem:v17+s11+$0xC800] =	vst.idx.msk $0xffff, v1  }
0xb1: {  	v1 =	vld [tilespmem:s11+$0x110];
	_ =	sdelay $0x4  }
0xb2: {  	[tilespmem:v0+s11+$0xC800] =	vst.idx.msk $0xffff, v1  }
0xb3: {  	v1 =	vld [tilespmem:s11+$0x120];
	_ =	sdelay $0x2  }
0xb4: {  	v20 =	vld [tilespmem:$0x1FD30];
	_ =	sdelay $0x1  }
0xb5: {  	[tilespmem:v19+s11+$0xC800] =	vst.idx.msk $0xffff, v1  }
0xb6: {  	v1 =	vld [tilespmem:s11+$0x130];
	_ =	sdelay $0x4  }
0xb7: {  	[tilespmem:v20+s11+$0xC800] =	vst.idx.msk $0xffff, v1  }
0xb8: {  	v1 =	vld [tilespmem:s11+$0x140];
	_ =	sdelay $0x4  }
0xb9: {  	[tilespmem:v21+s11+$0xC800] =	vst.idx.msk $0xffff, v1  }
0xba: {  	v1 =	vld [tilespmem:s11+$0x150];
	_ =	sdelay $0x4  }
0xbb: {  	[tilespmem:v22+s11+$0xC800] =	vst.idx.msk $0xffff, v1  }
0xbc: {  	v1 =	vld [tilespmem:s11+$0x160];
	_ =	sdelay $0x4  }
0xbd: {  	[tilespmem:v23+s11+$0xC800] =	vst.idx.msk $0xffff, v1  }
0xbe: {  	v1 =	vld [tilespmem:s11+$0x170];
	_ =	sdelay $0x4  }
0xbf: {  	[tilespmem:v24+s11+$0xC800] =	vst.idx.msk $0xffff, v1  }
0xc0: {  	v1 =	vld [tilespmem:s11+$0x180];
	_ =	sdelay $0x4  }
0xc1: {  	[tilespmem:v25+s11+$0xC800] =	vst.idx.msk $0xffff, v1  }
0xc2: {  	v1 =	vld [tilespmem:s11+$0x190];
	_ =	sdelay $0x4  }
0xc3: {  	[tilespmem:v26+s11+$0xC800] =	vst.idx.msk $0xffff, v1  }
0xc4: {  	v1 =	vld [tilespmem:s11+$0x1A0];
	_ =	sdelay $0x4  }
0xc5: {  	[tilespmem:v27+s11+$0xC800] =	vst.idx.msk $0xffff, v1  }
0xc6: {  	v1 =	vld [tilespmem:s11+$0x1B0];
	_ =	sdelay $0x4  }
0xc7: {  	[tilespmem:v28+s11+$0xC800] =	vst.idx.msk $0xffff, v1  }
0xc8: {  	v1 =	vld [tilespmem:s11+$0x1C0];
	_ =	sdelay $0x4  }
0xc9: {  	[tilespmem:v29+s11+$0xC800] =	vst.idx.msk $0xffff, v1  }
0xca: {  	v1 =	vld [tilespmem:s11+$0x1D0];
	_ =	sdelay $0x4  }
0xcb: {  	[tilespmem:v30+s11+$0xC800] =	vst.idx.msk $0xffff, v1  }
0xcc: {  	v1 =	vld [tilespmem:s11+$0x1E0];
	_ =	sdelay $0x4  }
0xcd: {  	[tilespmem:v31+s11+$0xC800] =	vst.idx.msk $0xffff, v1  }
0xce: {  	v1 =	vld [tilespmem:s11+$0x1F0];
	_ =	sdelay $0x4  }
0xcf: {  	[tilespmem:v32+s11+$0xC800] =	vst.idx.msk $0xffff, v1  }
0xd0: {  	v1 =	vld [tilespmem:s11+$0x200];
	_ =	sdelay $0x4  }
0xd1: {  	[tilespmem:v33+s11+$0xC800] =	vst.idx.msk $0xffff, v1  }
0xd2: {  	v1 =	vld [tilespmem:s11+$0x210];
	_ =	sdelay $0x4  }
0xd3: {  	[tilespmem:v34+s11+$0xC800] =	vst.idx.msk $0xffff, v1  }
0xd4: {  	v1 =	vld [tilespmem:s11+$0x220];
	_ =	sdelay $0x4  }
0xd5: {  	[tilespmem:v35+s11+$0xC800] =	vst.idx.msk $0xffff, v1  }
0xd6: {  	v1 =	vld [tilespmem:s11+$0x230];
	_ =	sdelay $0x4  }
0xd7: {  	[tilespmem:v36+s11+$0xC800] =	vst.idx.msk $0xffff, v1  }
0xd8: {  	v1 =	vld [tilespmem:s11+$0x240];
	_ =	sdelay $0x4  }
0xd9: {  	[tilespmem:v37+s11+$0xC800] =	vst.idx.msk $0xffff, v1  }
0xda: {  	v1 =	vld [tilespmem:s11+$0x250];
	_ =	sdelay $0x4  }
0xdb: {  	[tilespmem:v38+s11+$0xC800] =	vst.idx.msk $0xffff, v1  }
0xdc: {  	v1 =	vld [tilespmem:s11+$0x260];
	_ =	sdelay $0x4  }
0xdd: {  	[tilespmem:v39+s11+$0xC800] =	vst.idx.msk $0xffff, v1  }
0xde: {  	v1 =	vld [tilespmem:s11+$0x270];
	_ =	sdelay $0x4  }
0xdf: {  	[tilespmem:v40+s11+$0xC800] =	vst.idx.msk $0xffff, v1  }
0xe0: {  	v1 =	vld [tilespmem:s11+$0x280];
	_ =	sdelay $0x4  }
0xe1: {  	[tilespmem:v41+s11+$0xC800] =	vst.idx.msk $0xffff, v1  }
0xe2: {  	v1 =	vld [tilespmem:s11+$0x290];
	_ =	sdelay $0x4  }
0xe3: {  	[tilespmem:v42+s11+$0xC800] =	vst.idx.msk $0xffff, v1  }
0xe4: {  	v1 =	vld [tilespmem:s11+$0x2A0];
	_ =	sdelay $0x4  }
0xe5: {  	[tilespmem:v43+s11+$0xC800] =	vst.idx.msk $0xffff, v1  }
0xe6: {  	v1 =	vld [tilespmem:s11+$0x2B0];
	_ =	sdelay $0x4  }
0xe7: {  	[tilespmem:v44+s11+$0xC800] =	vst.idx.msk $0xffff, v1  }
0xe8: {  	v1 =	vld [tilespmem:s11+$0x2C0];
	_ =	sdelay $0x4  }
0xe9: {  	[tilespmem:v45+s11+$0xC800] =	vst.idx.msk $0xffff, v1  }
0xea: {  	v1 =	vld [tilespmem:s11+$0x2D0];
	_ =	sdelay $0x4  }
0xeb: {  	[tilespmem:v46+s11+$0xC800] =	vst.idx.msk $0xffff, v1  }
0xec: {  	v1 =	vld [tilespmem:s11+$0x2E0];
	_ =	sdelay $0x4  }
0xed: {  	[tilespmem:v47+s11+$0xC800] =	vst.idx.msk $0xffff, v1  }
0xee: {  	v1 =	vld [tilespmem:s11+$0x2F0];
	_ =	sdelay $0x4  }
0xef: {  	[tilespmem:v48+s11+$0xC800] =	vst.idx.msk $0xffff, v1  }
0xf0: {  	v1 =	vld [tilespmem:s11+$0x300];
	_ =	sdelay $0x4  }
0xf1: {  	[tilespmem:v49+s11+$0xC800] =	vst.idx.msk $0xffff, v1  }
0xf2: {  	v1 =	vld [tilespmem:s11+$0x310];
	_ =	sdelay $0x4  }
0xf3: {  	[tilespmem:v50+s11+$0xC800] =	vst.idx.msk $0xffff, v1  }
0xf4: {  	v1 =	vld [tilespmem:s11+$0x320];
	_ =	sdelay $0x4  }
0xf5: {  	[tilespmem:v51+s11+$0xC800] =	vst.idx.msk $0xffff, v1  }
0xf6: {  	v1 =	vld [tilespmem:s11+$0x330];
	_ =	sdelay $0x4  }
0xf7: {  	[tilespmem:v52+s11+$0xC800] =	vst.idx.msk $0xffff, v1  }
0xf8: {  	v1 =	vld [tilespmem:s11+$0x340];
	_ =	sdelay $0x4  }
0xf9: {  	[tilespmem:v53+s11+$0xC800] =	vst.idx.msk $0xffff, v1  }
0xfa: {  	v1 =	vld [tilespmem:s11+$0x350];
	_ =	sdelay $0x4  }
0xfb: {  	[tilespmem:v54+s11+$0xC800] =	vst.idx.msk $0xffff, v1  }
0xfc: {  	v1 =	vld [tilespmem:s11+$0x360];
	_ =	sdelay $0x4  }
0xfd: {  	[tilespmem:v55+s11+$0xC800] =	vst.idx.msk $0xffff, v1  }
0xfe: {  	v1 =	vld [tilespmem:s11+$0x370];
	_ =	sdelay $0x4  }
0xff: {  	[tilespmem:v56+s11+$0xC800] =	vst.idx.msk $0xffff, v1  }
0x100: {  	v1 =	vld [tilespmem:s11+$0x380];
	_ =	sdelay $0x4  }
0x101: {  	[tilespmem:v57+s11+$0xC800] =	vst.idx.msk $0xffff, v1  }
0x102: {  	v1 =	vld [tilespmem:s11+$0x390];
	_ =	sdelay $0x4  }
0x103: {  	[tilespmem:v58+s11+$0xC800] =	vst.idx.msk $0xffff, v1  }
0x104: {  	v1 =	vld [tilespmem:s11+$0x3A0];
	_ =	sdelay $0x4  }
0x105: {  	[tilespmem:v59+s11+$0xC800] =	vst.idx.msk $0xffff, v1  }
0x106: {  	v1 =	vld [tilespmem:s11+$0x3B0];
	_ =	sdelay $0x4  }
0x107: {  	[tilespmem:v60+s11+$0xC800] =	vst.idx.msk $0xffff, v1  }
0x108: {  	v1 =	vld [tilespmem:s11+$0x3C0];
	_ =	sdelay $0x4  }
0x109: {  	[tilespmem:v61+s11+$0xC800] =	vst.idx.msk $0xffff, v1  }
0x10a: {  	v1 =	vld [tilespmem:s11+$0x3D0];
	_ =	sdelay $0x4  }
0x10b: {  	[tilespmem:v62+s11+$0xC800] =	vst.idx.msk $0xffff, v1  }
0x10c: {  	v1 =	vld [tilespmem:s11+$0x3E0];
	_ =	sdelay $0x4  }
0x10d: {  	[tilespmem:v63+s11+$0xC800] =	vst.idx.msk $0xffff, v1  }
0x10e: {  	v1 =	vld [tilespmem:s11+$0x3F0];
	_ =	sdelay $0x1  }
0x10f: {  	p0 =	sne.s32 s9, $0x31000  }
.Ltmp1:
0x110: {  	_ = 	snop;
	(pc) =	sbr.rel @p0 .LBB2_4-.Ltmp1, $4  }
0x111: {  	_ = 	snop  }
0x112: {  	[tilespmem:v2+s11+$0xC800] =	vst.idx.msk $0xffff, v1;
	s11 =	sadd.s32 $0xC800, s11  }
0x113: {  	[hbm4b:s10+s2] =	stream.linear.scatter [tilespmem:s11], [sflag:$0x2], $0x400, $0x200038;
	[tilespmem:$0x19000] =	vst v63  }
0x114: {  	s9 =	sadd.s32 $0x1000, s9;
	s10 =	sadd.s32 $0x80, s10  }
0x115: {  	_ =	swait.ge [sflag:s7], $0x400  }
0x116: {  	s9 =	simm.s32 $0x31;
	[sflag:s7] =	ssyncset.done $0x0  }
.LBB2_6:
0x117: {  	p0 =	sne.s32 s9, $0x1;
	s9 =	sadd.s32 $0xFFFFFFFF, s9;
	[sflag:s7] =	ssyncadd.s32 $0xFFFFFC00  }
.Ltmp2:
0x118: {  	(pc) =	sbr.rel @p0 .LBB2_6-.Ltmp2, $3  }
0x119: {  	_ =	sdelay $0x1  }
0x11a: {  	_ =	swait.ge [sflag:s7], $0x400  }
0x11b: {  	[sflag:s7] =	ssyncset.done $0x0  }
0x11c: {  	s8 =	sadd.s32 $0x1, s8  }
0x11d: {  	p0 =	sne.s32 s8, s3  }
.Ltmp3:
0x11e: {  	_ = 	snop;
	(pc) =	sbr.rel @p0 .LBB2_1-.Ltmp3, $3  }
0x11f: {  	_ =	sdelay $0x1  }
0x120: {  	[sflag:s7] =	ssyncadd.s32 $0xFFFFFC00  }
0x121: {  	_ =	strace $0x90000048  }
0x122: {  	_ =	sfence.sel $0x180000  }
0x123: {  	[bflag:$0x0] =	sbarrier.arrive $0xFFFF  }
0x124: {  	p0 =	sne.s32 s1, $0x0;
	_ =	strace $0x90000047  }
0x125: {  	s0 =	sadd.s32 @!p0 $0x100000, s0;
	[bflag:$0x2] =	sbarrier.arrive $0xFFFF  }
0x126: {  	[sflag:s0] =	ssyncadd.tile.s32 @!p0 $0x1;
	_ =	shalt  }
.Lfunc_end2:
_tile_overlayer_lowered:
.L_overlay_start_2:
0x127: {  	(tag) =	ssettag $0x2  }
0x128: {  	s0 =	rddreg [dreg:$0x0];
	s2 =	stileid.u32  }
0x129: {  	s1 =	rddreg [dreg:$0x1];
	p0 =	sne.s32 s2, $0x0  }
0x12a: {  	s3 =	rddreg [dreg:$0x2];
	[bflag:$0x3] =	sbarrier.arrive $0xFFFF;
	s2 =	simm.s32 @!p0 $0x1C03  }
0x12b: {  	[timem:s3], [sflag:s2] =	dma.local @!p0 [hbm:s0], s1  }
0x12c: {  	s0 =	simm.s32 @!p0 $0x3  }
0x12d: {  	_ =	swait.ge @!p0 [sflag:s0], s1  }
0x12e: {  	s1 =	ssub.s32 @!p0 $0x0, s1;
	[sflag:s0] =	ssyncset.done @!p0 $0x0  }
0x12f: {  	[sflag:s0] =	ssyncadd.s32 @!p0 s1  }
0x130: {  	[bflag:$0x3] =	sbarrier.arrive $0xFFFF  }
0x131: {  	_ =	shalt  }

// kernel: kernel.8.cloned.1.call-start
scs
__scs_entry_jumppad:
0x0: {  	(pc) =	sbr.rel $0x88, $3  }
0x1: {  	(tag) =	ssettag $0x0;
	lr =	simm.s32 $0x1  }
0x2: {  	[smem:$0x3F99] =	sst lr;
	_ =	strace $0xD0000000  }
0x3: {  	_ = 	snop  }
0x4: {  	_ = 	snop  }
0x5: {  	_ = 	snop  }
0x6: {  	_ = 	snop  }
0x7: {  	_ = 	snop  }
__scs_overlays_trampoline_lowered:
0x8: {  	[smem:$0x3FA8] =	sst s0  }
0x9: {  	[smem:$0x3FA9] =	sst s1  }
0xa: {  	[smem:$0x3FAA] =	sst s2  }
0xb: {  	[smem:$0x3FAB] =	sst s3  }
0xc: {  	[smem:$0x3FAC] =	sst s4  }
0xd: {  	[smem:$0x3FAD] =	sst s5  }
0xe: {  	[smem:$0x3FAE] =	sst s6  }
0xf: {  	[smem:$0x3FAF] =	sst s7  }
0x10: {  	[smem:$0x3FB0] =	sst s8  }
0x11: {  	[smem:$0x3FB1] =	sst s9;
	s0 =	simm.s32 @!p0 $0x0  }
0x12: {  	s1 =	sld [smem:$0x3F97];
	s0 =	simm.s32 @p0 $0x1  }
0x13: {  	[smem:$0x3FB2] =	sst s0;
	s0 =	simm.s32 @!p1 $0x0  }
0x14: {  	s2 =	sld [smem:$0x3F96];
	s0 =	simm.s32 @p1 $0x1  }
0x15: {  	[smem:$0x3FB3] =	sst s0;
	s0 =	simm.s32 @!p2 $0x0  }
0x16: {  	s3 =	sld [smem:$0x3FDB];
	s0 =	simm.s32 @p2 $0x1  }
0x17: {  	s4 =	simm.s32 $0x1BF5;
	[smem:$0x3FB5] =	sst s0  }
0x18: {  	s0 =	sld [smem:$0x3F98];
	_ =	swait.ge [sflag:s4], $0x0  }
0x19: {  	s7 =	sld [smem:$0x3F99]  }
0x1a: {  	s8 =	sadd.s32 $0xFFFFE003, lr  }
0x1b: {  	s9 =	sadd.s32 $0xFFFFFEF7, lr;
	s5 =	simm.s32 $0xFFFFFFFF;
	p2 =	slt.u32 s8, $0xFFFFF086  }
0x1c: {  	p1 =	slt.u32 s9, $0xF7A;
	s5 =	simm.s32 @!p2 $0x0  }
0x1d: {  	s5 =	simm.s32 @p1 $0x1;
	p0 =	seq.s32 s7, s2  }
0x1e: {  	s7 =	smul.u32 @!p0 $0xF7A, s2;
	p2 =	seq.s32 @!p0 s5, $0x0  }
0x1f: {  	s9 =	smul.u32 $0xF7A, s1;
	s8 =	simm.s32 @!p0 $0x1BF5;
	p2 =	por !p2, p0  }
0x20: {  	[sflag:s8] =	ssyncset.s32 @!p0 $0xFFFFF086;
	s6 =	sadd.s32 @!p0 s3, s7;
	s7 =	simm.s32 @!p0 $0x108  }
0x21: {  	s3 =	sadd.s32 s3, s9;
	s6 =	sadd.s32 @!p0 $0x88, s6;
	s7 =	simm.s32 @p2 $0x1082  }
0x22: {  	[simem:s7], [sflag:s8] =	dma.local @!p0 [hbm:s6], $0xF7A  }
0x23: {  	s9 =	sor.u32 $0xD0000000, s2;
	s6 =	simm.s32 $0x108;
	_ =	swait.ge @!p0 [sflag:s8], $0x0  }
0x24: {  	s3 =	sadd.s32 $0x88, s3;
	s6 =	simm.s32 @!p1 $0x1082;
	[sflag:s4] =	ssyncset.s32 $0xFFFFF086  }
0x25: {  	[simem:s6], [sflag:s4] =	dma.local [hbm:s3], $0xF7A  }
0x26: {  	[smem:$0x3F99] =	sst s1;
	(tag) =	ssettag s2;
	_ =	strace s9  }
0x27: {  	s1 =	sld [smem:$0x3FA9]  }
0x28: {  	s2 =	sld [smem:$0x3FAA]  }
0x29: {  	s4 =	sld [smem:$0x3FAC]  }
0x2a: {  	p0 =	seq.s32 s5, $0x0;
	s5 =	sld [smem:$0x3FAD]  }
0x2b: {  	s6 =	sld [smem:$0x3FAE]  }
0x2c: {  	s7 =	sld [smem:$0x3FAF]  }
0x2d: {  	s3 =	simm.s32 $0x108;
	s8 =	sld [smem:$0x3FB0]  }
0x2e: {  	s3 =	simm.s32 @!p0 $0x1082;
	s9 =	sld [smem:$0x3FB1]  }
0x2f: {  	lr =	sadd.s32 s0, s3;
	s0 =	sld [smem:$0x3FA8]  }
0x30: {  	s3 =	sld [smem:$0x3FAB]  }
0x31: {  	[smem:$0x3FB4] =	sst s10  }
0x32: {  	s10 =	sld [smem:$0x3FB2];
	_ =	sdelay $0x3  }
0x33: {  	p0 =	seq.s32 s10, $0x1;
	s10 =	sld [smem:$0x3FB4];
	_ =	sdelay $0x3  }
0x34: {  	[smem:$0x3FB4] =	sst s10  }
0x35: {  	s10 =	sld [smem:$0x3FB3];
	_ =	sdelay $0x3  }
0x36: {  	p1 =	seq.s32 s10, $0x1;
	s10 =	sld [smem:$0x3FB4];
	_ =	sdelay $0x3  }
0x37: {  	[smem:$0x3FB4] =	sst s10  }
0x38: {  	s10 =	sld [smem:$0x3FB5]  }
0x39: {  	_ = 	snop;
	(pc) =	sbr.ind lr, $3  }
0x3a: {  	_ = 	snop  }
0x3b: {  	_ = 	snop  }
0x3c: {  	p2 =	seq.s32 s10, $0x1;
	s10 =	sld [smem:$0x3FB4]  }
0x3d: {  	_ =	shalt  }
0x3e: {  	_ =	shalt  }
0x3f: {  	_ =	shalt  }
0x40: {  	_ =	shalt  }
0x41: {  	_ =	shalt  }
0x42: {  	_ =	shalt  }
0x43: {  	_ =	shalt  }
0x44: {  	_ =	shalt  }
0x45: {  	_ =	shalt  }
0x46: {  	_ =	shalt  }
0x47: {  	_ =	shalt  }
0x48: {  	_ =	shalt  }
0x49: {  	_ =	shalt  }
0x4a: {  	_ =	shalt  }
0x4b: {  	_ =	shalt  }
0x4c: {  	_ =	shalt  }
0x4d: {  	_ =	shalt  }
0x4e: {  	_ =	shalt  }
0x4f: {  	_ =	shalt  }
0x50: {  	_ =	shalt  }
0x51: {  	_ =	shalt  }
0x52: {  	_ =	shalt  }
0x53: {  	_ =	shalt  }
0x54: {  	_ =	shalt  }
0x55: {  	_ =	shalt  }
0x56: {  	_ =	shalt  }
0x57: {  	_ =	shalt  }
0x58: {  	_ =	shalt  }
0x59: {  	_ =	shalt  }
0x5a: {  	_ =	shalt  }
0x5b: {  	_ =	shalt  }
0x5c: {  	_ =	shalt  }
0x5d: {  	_ =	shalt  }
0x5e: {  	_ =	shalt  }
0x5f: {  	_ =	shalt  }
0x60: {  	_ =	shalt  }
0x61: {  	_ =	shalt  }
0x62: {  	_ =	shalt  }
0x63: {  	_ =	shalt  }
0x64: {  	_ =	shalt  }
0x65: {  	_ =	shalt  }
0x66: {  	_ =	shalt  }
0x67: {  	_ =	shalt  }
0x68: {  	_ =	shalt  }
0x69: {  	_ =	shalt  }
0x6a: {  	_ =	shalt  }
0x6b: {  	_ =	shalt  }
0x6c: {  	_ =	shalt  }
0x6d: {  	_ =	shalt  }
0x6e: {  	_ =	shalt  }
0x6f: {  	_ =	shalt  }
0x70: {  	_ =	shalt  }
0x71: {  	_ =	shalt  }
0x72: {  	_ =	shalt  }
0x73: {  	_ =	shalt  }
0x74: {  	_ =	shalt  }
0x75: {  	_ =	shalt  }
0x76: {  	_ =	shalt  }
0x77: {  	_ =	shalt  }
0x78: {  	_ =	shalt  }
0x79: {  	_ =	shalt  }
0x7a: {  	_ =	shalt  }
0x7b: {  	_ =	shalt  }
0x7c: {  	_ =	shalt  }
0x7d: {  	_ =	shalt  }
0x7e: {  	_ =	shalt  }
0x7f: {  	_ =	shalt  }
0x80: {  	_ =	shalt  }
0x81: {  	_ =	shalt  }
0x82: {  	_ =	shalt  }
0x83: {  	_ =	shalt  }
0x84: {  	_ =	shalt  }
0x85: {  	_ =	shalt  }
0x86: {  	_ =	shalt  }
0x87: {  	_ =	shalt  }
.Lfunc_end0:
.L_simem_size_0:
called_computation.1_lowered:
.L_overlay_start_0:
0x88: {  	s2 =	sld [smem:$0x3FD9]  }
0x89: {  	s3 =	sld [smem:$0x3FFE];
	_ =	sdelay $0x1  }
0x8a: {  	s1 =	srdreg.scid  }
0x8b: {  	s0 =	sand.u32 $0x1, s1  }
0x8c: {  	s17 =	sshll.u32 s0, $0xA;
	s2 =	sadd.s32 s3, s2  }
0x8d: {  	s2 =	sadd.s32 s2, s17  }
0x8e: {  	[smem:$0x3FC0] =	sst s2  }
0x8f: {  	_ = 	snop  }
0x90: {  	s2 =	sld [smem:$0x3FD0];
	(tm) =	ssettm $0x1  }
0x91: {  	s18 =	sld [smem:$0x3FFB];
	_ =	sdelay $0x3  }
0x92: {  	_ =	strace s18  }
0x93: {  	s3 =	sld [smem:$0x3FFC];
	_ =	sdelay $0x3  }
0x94: {  	_ =	strace s3  }
0x95: {  	s3 =	sld [smem:$0x3FFD];
	_ =	sdelay $0x3  }
0x96: {  	_ =	strace s3  }
0x97: {  	_ =	strace $0x8FFFFFFF  }
0x98: {  	s19 =	sld [smem:$0x3FDB];
	_ =	sdelay $0x1  }
0x99: {  	s4 =	simm.s32 $_scs_section_size  }
0x9a: {  	s5 =	simm.s32 $_size__tile_overlayer_lowered;
	s6 =	simm.s32 $_tile_overlayer_lowered  }
0x9b: {  	s22 =	simm.s32 $0x1BFF;
	s21 =	sshll.u32 s6, $0x1;
	s3 =	sadd.s32 s4, s19  }
0x9c: {  	s7 =	simm.s32 $0x0;
	s20 =	sshll.u32 s5, $0x1;
	s5 =	sadd.s32 s21, s3  }
0x9d: {  	[timem:s7], [sflag:s22] =	dma.local [hbm:s5], s20  }
0x9e: {  	_ =	swait.ge [sflag:s22], s20  }
0x9f: {  	s4 =	ssub.s32 $0x0, s20;
	[sflag:s22] =	ssyncset.done $0x0  }
0xa0: {  	[sflag:s22] =	ssyncadd.s32 s4;
	_ =	sdelay $0x1  }
0xa1: {  	s23 =	simm.s32 $0x1B8B  }
0xa2: {  	_ =	swait.ge [sflag:s23], $0x1  }
0xa3: {  	[sflag:s23] =	ssyncset.done $0x0  }
0xa4: {  	s25 =	simm.s32 $0x1B8E;
	s24 =	sld [smem:$0x3FFE];
	[sflag:s23] =	ssyncadd.s32 $0xFFFFFFFF  }
0xa5: {  	s26 =	simm.s32 $execute0_lowered;
	[smem:$0x3FD2] =	sst s25  }
0xa6: {  	s5 =	sshll.u32 s26, $0x1;
	_ =	strace $0x8000004A;
	[dreg:$0x1] =	wrdreg $0xFFFFFFFF  }
0xa7: {  	s28 =	simm.s32 $_size_execute0_lowered;
	s3 =	sadd.s32 s3, s5;
	[dreg:$0x0] =	wrdreg $0x0  }
0xa8: {  	s5 =	sshll.u32 s28, $0x1;
	[dreg:$0x2] =	wrdreg s3  }
0xa9: {  	[dreg:$0x3] =	wrdreg s5  }
0xaa: {  	[dreg:$0x4] =	wrdreg $0xC0  }
0xab: {  	_ =	task [dreg:s7], $0x5FFFF  }
0xac: {  	[dreg:$0x1] =	wrdreg $0xFFFFFFFF  }
0xad: {  	[dreg:$0x0] =	wrdreg $0x60  }
0xae: {  	[dreg:$0x2] =	wrdreg s24  }
0xaf: {  	[dreg:$0x3] =	wrdreg s2  }
0xb0: {  	[dreg:$0x4] =	wrdreg $0x9  }
0xb1: {  	_ =	task.clear_ibuf [dreg:s7], $0x5FFFF;
	_ =	strace $0x9000004A  }
0xb2: {  	s29 =	simm.s32 $0x9;
	_ =	strace $0x80000054  }
0xb3: {  	_ =	swait.ge [sflag:s29], $0x1  }
0xb4: {  	[sflag:s29] =	ssyncadd.s32 $0xFFFFFFFF  }
0xb5: {  	_ =	strace $0x90000054  }
0xb6: {  	_ =	sfence  }
0xb7: {  	s30 =	sld [smem:$0x0];
	_ =	sdelay $0x2  }
0xb8: {  	s31 =	sshll.u32 s1, $0xD;
	s1 =	sshrl.u32 s1, $0x2  }
0xb9: {  	s3 =	sand.u32 $0x4000, s31;
	s1 =	sadd.s32 s1, s30  }
0xba: {  	s0 =	sor.u32 s3, s0;
	s1 =	sshll.u32 s1, $0x11  }
0xbb: {  	s0 =	sor.u32 s1, s0  }
0xbc: {  	s0 =	sadd.s32 $0x8F2B, s0  }
0xbd: {  	[sflag:s0] =	ssyncadd.remote.s32 $0x1  }
0xbe: {  	_ =	sfence.sel $0xFFFF  }
0xbf: {  	[dreg:$0x0] =	wrdreg $0xFFFFFFFF;
	(pc) =	sbr.abs _section_cstart, $3  }
0xc0: {  	[dreg:$0x1] =	wrdreg $0xFFFFFFFF  }
0xc1: {  	_ =	task.clear_ibuf [dreg:s7], $0x2FFFF;
	_ =	strace $0x9FFFFFFF  }
0xc2: {  	(tm) =	ssettm $0x7FFFFFFF  }
0xc3: {  	_ =	shalt  }
tec
execute0_lowered:
.L_overlay_start_1:
0x0: {  	(tag) =	ssettag $0x1  }
0x1: {  	s0 =	rddreg [dreg:$0x0]  }
0x2: {  	s1 =	srdreg.scid;
	s2 =	stileid.u32  }
0x3: {  	s3 =	simm.s32 $0x0;
	s18 =	simm.s32 $0x7C00;
	s19 =	simm.s32 $0xD380  }
0x4: {  	s20 =	simm.s32 $0x2;
	s21 =	simm.s32 $0x80;
	s22 =	simm.s32 $0xC00  }
0x5: {  	s23 =	simm.s32 $0x3C00;
	s17 =	simm.s32 $0x7400;
	s24 =	simm.s32 $0x1380  }
0x6: {  	s25 =	simm.s32 $0x7800;
	s26 =	simm.s32 $0x1;
	s28 =	simm.s32 $0x12B00  }
0x7: {  	s29 =	simm.s32 $0x3;
	s30 =	simm.s32 $0x0;
	s1 =	sand.u32 $0x1, s1  }
0x8: {  	s2 =	sshll.u32 s2, $0x1;
	[smem:$0x7FF] =	sst s3;
	s5 =	sadd.s32 $0x36800, s0  }
0x9: {  	s2 =	sor.u32 s1, s2;
	_ =	strace $0x8000004B;
	s1 =	ssub.s32 $0x2, s1  }
0xa: {  	s4 =	sshll.u32 s2, $0x6;
	s2 =	smul.u32 $0x600, s2;
	s6 =	sshrl.u32 s1, $0x1  }
0xb: {  	s11 =	sadd.s32 s4, s0;
	s4 =	sadd.s32 $0x1800, s0;
	s1 =	ssub.s32 s1, s6  }
0xc: {  	s0 =	sadd.s32 s2, s0;
	s6 =	sadd.s32 $0x33800, s11;
	s7 =	sadd.s32 $0x34000, s11  }
0xd: {  	v0 =	vlaneseq.u32;
	s8 =	sadd.s32 $0x34800, s11;
	s9 =	sadd.s32 $0x35000, s11;
	s10 =	sadd.s32 $0x35800, s11  }
0xe: {  	v0 =	vmul.u32 $0x8, v0;
	s11 =	sadd.s32 $0x36000, s11;
	s13 =	smax.u32 s1, $0x1;
	s12 =	sadd.s32 $0x37400, s0  }
.LBB2_1:
0xf: {  	[tilespmem:s3], [sflag:$0x2] =	stream.linear.gather [hbm4b:s6+s3], $0x200, $0x38;
	[tilespmem:$0x15B00] =	vst v63  }
0x10: {  	s0 =	simm.s32 $0x200  }
0x11: {  	[tilespmem:s0], [sflag:$0x2] =	stream.linear.gather [hbm4b:s7+s3], $0x200, $0x38;
	[tilespmem:$0x15B00] =	vst v63  }
0x12: {  	s1 =	simm.s32 $0x400  }
0x13: {  	[tilespmem:s1], [sflag:$0x2] =	stream.linear.gather [hbm4b:s8+s3], $0x200, $0x38;
	[tilespmem:$0x15B00] =	vst v63  }
0x14: {  	s14 =	simm.s32 $0x600  }
0x15: {  	[tilespmem:s14], [sflag:$0x2] =	stream.linear.gather [hbm4b:s9+s3], $0x200, $0x38;
	[tilespmem:$0x15B00] =	vst v63  }
0x16: {  	s15 =	simm.s32 $0x800  }
0x17: {  	[tilespmem:s15], [sflag:$0x2] =	stream.linear.gather [hbm4b:s10+s3], $0x200, $0x38;
	[tilespmem:$0x15B00] =	vst v63  }
0x18: {  	s16 =	simm.s32 $0xA00  }
0x19: {  	[tilespmem:s16], [sflag:$0x2] =	stream.linear.gather [hbm4b:s11+s3], $0x200, $0x38;
	[tilespmem:$0x15B00] =	vst v63  }
0x1a: {  	s31 =	rddreg [dreg:$0x1]  }
0x1b: {  	[tilespmem:s18], [sflag:$0x2] =	stream.linear.gather [hbm4b:s31+s3], $0x5780, $0x38;
	[tilespmem:$0x15B00] =	vst v63  }
0x1c: {  	_ = 	snop  }
0x1d: {  	[tilespmem:s19], [sflag:$0x2] =	stream.linear.gather [hbm4b:s5+s3], $0x5780, $0x38;
	[tilespmem:$0x15B00] =	vst v63  }
0x1e: {  	_ =	swait.ge [sflag:s20], $0x200  }
0x1f: {  	[sflag:s20] =	ssyncset.done $0x0  }
0x20: {  	[sflag:s20] =	ssyncadd.s32 $0xFFFFFE00  }
0x21: {  	_ =	swait.ge [sflag:s20], $0x200  }
0x22: {  	[sflag:s20] =	ssyncset.done $0x0  }
0x23: {  	[sflag:s20] =	ssyncadd.s32 $0xFFFFFE00  }
0x24: {  	_ =	swait.ge [sflag:s20], $0x200  }
0x25: {  	[sflag:s20] =	ssyncset.done $0x0  }
0x26: {  	[sflag:s20] =	ssyncadd.s32 $0xFFFFFE00  }
0x27: {  	_ =	swait.ge [sflag:s20], $0x200  }
0x28: {  	[sflag:s20] =	ssyncset.done $0x0  }
0x29: {  	[sflag:s20] =	ssyncadd.s32 $0xFFFFFE00  }
0x2a: {  	_ =	swait.ge [sflag:s20], $0x200  }
0x2b: {  	[sflag:s20] =	ssyncset.done $0x0  }
0x2c: {  	[sflag:s20] =	ssyncadd.s32 $0xFFFFFE00  }
0x2d: {  	_ =	swait.ge [sflag:s20], $0x200  }
0x2e: {  	[sflag:s20] =	ssyncset.done $0x0  }
0x2f: {  	[sflag:s20] =	ssyncadd.s32 $0xFFFFFE00  }
0x30: {  	_ =	strace $0x8000004C  }
0x31: {  	v1 =	vld [tilespmem:s0+$0x0]  }
0x32: {  	v2 =	vld [tilespmem:s0+$0xFFFFFE00];
	_ =	sdelay $0x3  }
0x33: {  	v1 =	vmax.f32 v1, $0.0e+00  }
0x34: {  	v2 =	vmax.f32 v2, $0.0e+00;
	v1 =	vmin.f32 v1, $1.000000000e+00  }
0x35: {  	v2 =	vmin.f32 v2, $1.000000000e+00;
	v1 =	vmul.f32 $3.990000000e+02, v1  }
0x36: {  	v2 =	vmul.f32 $3.990000000e+02, v2  }
0x37: {  	v3 =	vtrunc.f32 v1  }
0x38: {  	v4 =	vtrunc.f32 v2;
	v3 =	vcvt.f32.s32 v3  }
0x39: {  	v4 =	vcvt.f32.s32 v4  }
0x3a: {  	v5 =	vcvt.s32.f32 v3;
	v6 =	vadd.s32 $0x1, v3;
	v3 =	vshll.u32 v3, $0x9  }
0x3b: {  	v7 =	vcvt.s32.f32 v4;
	v8 =	vadd.s32 $0x1, v4;
	vm0 =	vlt.s32 v6, $0x18F  }
0x3c: {  	vm1 =	vlt.s32 v8, $0x18F;
	v9 =	vsub.f32 v1, v5;
	v5 =	vnsel vm0, $0x18F, v6  }
0x3d: {  	v1 =	vsub.f32 v2, v7;
	v2 =	vnsel vm1, $0x18F, v8;
	v6 =	vadd.s32 v4, v3  }
0x3e: {  	s14 =	sand.u32 $0x1F0, s3;
	v5 =	vshll.u32 v5, $0x9;
	[tilespmem:s22+$0x0] =	vst v6;
	v3 =	vadd.s32 v2, v3  }
0x3f: {  	[tilespmem:s14+$0xE00] =	vst v3;
	v4 =	vadd.s32 v4, v5;
	v6 =	vsub.f32 $1.000000000e+00, v1;
	v3 =	vsub.f32 $1.000000000e+00, v9  }
0x40: {  	s2 =	simm.s32 $0x10;
	[tilespmem:s14+$0x1000] =	vst v4;
	v4 =	vadd.s32 v2, v5;
	v2 =	vmul.f32 v9, v1  }
0x41: {  	s1 =	simm.s32 $0x2800;
	s15 =	simm.s32 $0xC00;
	[tilespmem:s14+$0x1200] =	vst v4;
	v5 =	vmul.f32 v3, v6;
	v4 =	vmul.f32 v9, v6;
	s14 =	simm.s32 $0x2800  }
.LBB2_2:
0x42: {  	v1 =	vmul.f32 v3, v1;
	s1 =	sadd.s32 $0x10, s1;
	s0 =	sadd.s32 $0x10, s0;
	s15 =	sadd.s32 $0x10, s15  }
0x43: {  	p0 =	sne.s32 s2, $0x1F0;
	s31 =	smov.u32 s2;
	s2 =	sadd.s32 $0x10, s2;
	[tilespmem:s14+$0xFFFFFC00] =	vst v5  }
0x44: {  	[tilespmem:s14+$0xFFFFFE00] =	vst v1  }
0x45: {  	[tilespmem:s14+$0x0] =	vst v4  }
0x46: {  	[tilespmem:s14+$0x200] =	vst v2;
	s14 =	smov.u32 s1  }
0x47: {  	v1 =	vld [tilespmem:s0+$0x0]  }
0x48: {  	v2 =	vld [tilespmem:s0+$0xFFFFFE00];
	_ =	sdelay $0x3  }
0x49: {  	v1 =	vmax.f32 v1, $0.0e+00  }
0x4a: {  	v2 =	vmax.f32 v2, $0.0e+00;
	v1 =	vmin.f32 v1, $1.000000000e+00  }
0x4b: {  	v2 =	vmin.f32 v2, $1.000000000e+00;
	v1 =	vmul.f32 $3.990000000e+02, v1  }
0x4c: {  	v2 =	vmul.f32 $3.990000000e+02, v2  }
0x4d: {  	v3 =	vtrunc.f32 v1  }
0x4e: {  	v4 =	vtrunc.f32 v2;
	v3 =	vcvt.f32.s32 v3  }
0x4f: {  	v4 =	vcvt.f32.s32 v4  }
0x50: {  	v5 =	vcvt.s32.f32 v3;
	v6 =	vadd.s32 $0x1, v3;
	v3 =	vshll.u32 v3, $0x9  }
0x51: {  	v7 =	vcvt.s32.f32 v4;
	v8 =	vadd.s32 $0x1, v4;
	vm0 =	vlt.s32 v6, $0x18F  }
0x52: {  	v9 =	vsub.f32 v1, v5;
	vm1 =	vlt.s32 v8, $0x18F;
	v5 =	vnsel vm0, $0x18F, v6  }
.Ltmp0:
0x53: {  	v6 =	vadd.s32 v4, v3;
	v1 =	vsub.f32 v2, v7;
	v2 =	vnsel vm1, $0x18F, v8;
	(pc) =	sbr.rel @p0 .LBB2_2-.Ltmp0, $4  }
0x54: {  	s31 =	sand.u32 $0x1F0, s31;
	v5 =	vshll.u32 v5, $0x9;
	[tilespmem:s15+$0x0] =	vst v6;
	v3 =	vadd.s32 v2, v3  }
0x55: {  	v4 =	vadd.s32 v4, v5;
	[tilespmem:s31+$0xE00] =	vst v3;
	v6 =	vsub.f32 $1.000000000e+00, v1;
	v3 =	vsub.f32 $1.000000000e+00, v9  }
0x56: {  	[tilespmem:s31+$0x1000] =	vst v4;
	v4 =	vadd.s32 v2, v5;
	v2 =	vmul.f32 v9, v1  }
0x57: {  	[tilespmem:s31+$0x1200] =	vst v4;
	v5 =	vmul.f32 v3, v6;
	v4 =	vmul.f32 v9, v6  }
0x58: {  	[tilespmem:s14+$0x200] =	vst v2  }
0x59: {  	v1 =	vmul.f32 v3, v1;
	[tilespmem:s14+$0xFFFFFC00] =	vst v5  }
0x5a: {  	[tilespmem:s14+$0x0] =	vst v4  }
0x5b: {  	[tilespmem:s14+$0xFFFFFE00] =	vst v1  }
0x5c: {  	_ =	strace $0x9000004C  }
0x5d: {  	_ =	strace $0x8000004D  }
0x5e: {  	[tilespmem:s23], [sflag:$0x1] =	stream.indirect.gather [hbm4b:s4+s21], $0x8, s22, s21, $0x2000b8;
	[tilespmem:$0x15B00] =	vst v63  }
0x5f: {  	s0 =	simm.s32 $0xC80;
	s1 =	simm.s32 $0x4000  }
0x60: {  	[tilespmem:s1], [sflag:$0x1] =	stream.indirect.gather [hbm4b:s4+s21], $0x8, s0, s21, $0x2000b8;
	[tilespmem:$0x15B00] =	vst v63  }
0x61: {  	s16 =	simm.s32 $0xD00;
	s31 =	simm.s32 $0x4400  }
0x62: {  	[tilespmem:s31], [sflag:$0x1] =	stream.indirect.gather [hbm4b:s4+s21], $0x8, s16, s21, $0x2000b8;
	[tilespmem:$0x15B00] =	vst v63  }
0x63: {  	s2 =	simm.s32 $0x4800;
	s1 =	simm.s32 $0xD80  }
0x64: {  	[tilespmem:s2], [sflag:$0x1] =	stream.indirect.gather [hbm4b:s4+s21], $0x8, s1, s21, $0x2000b8;
	[tilespmem:$0x15B00] =	vst v63  }
0x65: {  	s15 =	simm.s32 $0x4C00;
	s14 =	simm.s32 $0xE00  }
0x66: {  	[tilespmem:s15], [sflag:$0x1] =	stream.indirect.gather [hbm4b:s4+s21], $0x8, s14, s21, $0x2000b8;
	[tilespmem:$0x15B00] =	vst v63  }
0x67: {  	s16 =	simm.s32 $0xE80;
	s31 =	simm.s32 $0x5000  }
0x68: {  	[tilespmem:s31], [sflag:$0x1] =	stream.indirect.gather [hbm4b:s4+s21], $0x8, s16, s21, $0x2000b8;
	[tilespmem:$0x15B00] =	vst v63  }
0x69: {  	s1 =	simm.s32 $0xF00;
	s2 =	simm.s32 $0x5400  }
0x6a: {  	[tilespmem:s2], [sflag:$0x1] =	stream.indirect.gather [hbm4b:s4+s21], $0x8, s1, s21, $0x2000b8;
	[tilespmem:$0x15B00] =	vst v63  }
0x6b: {  	s14 =	simm.s32 $0xF80;
	s15 =	simm.s32 $0x5800  }
0x6c: {  	[tilespmem:s15], [sflag:$0x1] =	stream.indirect.gather [hbm4b:s4+s21], $0x8, s14, s21, $0x2000b8;
	[tilespmem:$0x15B00] =	vst v63  }
0x6d: {  	s16 =	simm.s32 $0x1000;
	s31 =	simm.s32 $0x5C00  }
0x6e: {  	[tilespmem:s31], [sflag:$0x1] =	stream.indirect.gather [hbm4b:s4+s21], $0x8, s16, s21, $0x2000b8;
	[tilespmem:$0x15B00] =	vst v63  }
0x6f: {  	s1 =	simm.s32 $0x1080;
	s2 =	simm.s32 $0x6000  }
0x70: {  	[tilespmem:s2], [sflag:$0x1] =	stream.indirect.gather [hbm4b:s4+s21], $0x8, s1, s21, $0x2000b8;
	[tilespmem:$0x15B00] =	vst v63  }
0x71: {  	s14 =	simm.s32 $0x1100;
	s15 =	simm.s32 $0x6400  }
0x72: {  	[tilespmem:s15], [sflag:$0x1] =	stream.indirect.gather [hbm4b:s4+s21], $0x8, s14, s21, $0x2000b8;
	[tilespmem:$0x15B00] =	vst v63  }
0x73: {  	s16 =	simm.s32 $0x1180;
	s31 =	simm.s32 $0x6800  }
0x74: {  	[tilespmem:s31], [sflag:$0x1] =	stream.indirect.gather [hbm4b:s4+s21], $0x8, s16, s21, $0x2000b8;
	[tilespmem:$0x15B00] =	vst v63  }
0x75: {  	s2 =	simm.s32 $0x1200;
	s14 =	simm.s32 $0x6C00  }
0x76: {  	[tilespmem:s14], [sflag:$0x1] =	stream.indirect.gather [hbm4b:s4+s21], $0x8, s2, s21, $0x2000b8;
	[tilespmem:$0x15B00] =	vst v63  }
0x77: {  	s15 =	simm.s32 $0x1280;
	s16 =	simm.s32 $0x7000  }
0x78: {  	[tilespmem:s16], [sflag:$0x1] =	stream.indirect.gather [hbm4b:s4+s21], $0x8, s15, s21, $0x2000b8;
	[tilespmem:$0x15B00] =	vst v63  }
0x79: {  	s31 =	simm.s32 $0x1300  }
0x7a: {  	[tilespmem:s17], [sflag:$0x1] =	stream.indirect.gather [hbm4b:s4+s21], $0x8, s31, s21, $0x2000b8;
	[tilespmem:$0x15B00] =	vst v63  }
0x7b: {  	_ = 	snop  }
0x7c: {  	[tilespmem:s25], [sflag:$0x1] =	stream.indirect.gather [hbm4b:s4+s21], $0x8, s24, s21, $0x2000b8;
	[tilespmem:$0x15B00] =	vst v63  }
0x7d: {  	_ =	strace $0x9000004D  }
0x7e: {  	s0 =	simm.s32 $0x0;
	_ =	strace $0x8000004E  }
0x7f: {  	v1 =	vld [tilespmem:s0+$0xA00]  }
0x80: {  	v2 =	vld [tilespmem:s0+$0x600]  }
0x81: {  	v3 =	vld [tilespmem:s0+$0x400];
	_ =	sdelay $0x4  }
0x82: {  	v4 =	vtrunc.f32 v1;
	v5 =	vtrunc.f32 v2;
	v3 =	vmax.f32 v3, $0.0e+00  }
0x83: {  	v6 =	vld [tilespmem:s0+$0x800];
	v4 =	vcvt.f32.s32 v4;
	v5 =	vcvt.f32.s32 v5;
	v3 =	vmin.f32 v3, $1.000000000e+00  }
0x84: {  	v3 =	vmul.f32 $4.900000000e+01, v3  }
0x85: {  	v4 =	vcvt.s32.f32 v4;
	v5 =	vcvt.s32.f32 v5;
	_ =	sdelay $0x1  }
0x86: {  	v1 =	vsub.f32 v1, v4;
	v4 =	vsub.f32 v2, v5;
	v2 =	vtrunc.f32 v3  }
0x87: {  	v5 =	vmax.f32 v6, $0.0e+00;
	v2 =	vcvt.f32.s32 v2  }
0x88: {  	v1 =	vmul.f32 $5.000000000e+01, v1;
	v7 =	vmul.f32 $5.000000000e+01, v4;
	v4 =	vmin.f32 v5, $1.000000000e+00  }
0x89: {  	v10 =	vmul.f32 $4.900000000e+01, v4  }
0x8a: {  	v5 =	vadd.s32 $0x1, v2;
	v9 =	vcvt.s32.f32 v2;
	v6 =	vtrunc.f32 v1  }
0x8b: {  	v4 =	vtrunc.f32 v7;
	vm0 =	vlt.s32 v5, $0x31;
	v12 =	vcvt.f32.s32 v6  }
0x8c: {  	v11 =	vcvt.f32.s32 v4;
	v4 =	vnsel vm0, $0x31, v5;
	v5 =	vtrunc.f32 v10  }
0x8d: {  	v5 =	vcvt.f32.s32 v5;
	v6 =	vcvt.s32.f32 v12  }
0x8e: {  	v9 =	vsub.f32 v3, v9;
	v8 =	vcvt.s32.f32 v11;
	vm1 =	vgt.s32 v11, $0x31  }
0x8f: {  	v13 =	vadd.s32 $0xFFFFFFCE, v11;
	v6 =	vsub.f32 v1, v6;
	v1 =	vcvt.s32.f32 v5  }
0x90: {  	vm0 =	vgt.s32 v12, $0x31;
	v3 =	vsel vm1, v13, v11;
	v8 =	vsub.f32 v7, v8  }
0x91: {  	v16 =	vadd.s32 $0x1, v5;
	v7 =	vsub.f32 v10, v1;
	v11 =	vsub.f32 $1.000000000e+00, v6  }
0x92: {  	v14 =	vadd.s32 $0xFFFFFFCE, v12;
	v15 =	vsub.f32 $1.000000000e+00, v9;
	vm1 =	vlt.s32 v16, $0x31  }
0x93: {  	v17 =	vadd.s32 $0xFFFFFFCF, v3;
	v1 =	vsel vm0, v14, v12;
	v18 =	vmul.f32 v11, v7  }
0x94: {  	v13 =	vsub.f32 $1.000000000e+00, v8;
	v14 =	vadd.s32 $0x1, v3;
	v10 =	vadd.s32 $0x1, v1  }
0x95: {  	s1 =	simm.s32 $0x10;
	s2 =	simm.s32 $0x80;
	vm2 =	vgt.s32 v14, $0x31;
	v12 =	vsub.f32 $1.000000000e+00, v7;
	vm0 =	vgt.s32 v10, $0x31;
	[tilespmem:s0+$0x3800] =	vst v18  }
.LBB2_4:
0x96: {  	p0 =	sne.s32 s2, $0x7C0;
	v18 =	vld [tilespmem:s1+$0xA00];
	v19 =	vmul.f32 v15, v13;
	v20 =	vadd.s32 $0xFFFFFFCF, v1;
	v16 =	vnsel vm1, $0x31, v16  }
0x97: {  	v14 =	vsel vm2, v17, v14;
	v13 =	vmul.f32 v13, v9;
	v11 =	vmul.f32 v12, v11;
	v21 =	vld [tilespmem:s1+$0x600]  }
0x98: {  	v15 =	vmul.f32 v15, v8;
	v8 =	vmul.f32 v9, v8;
	v9 =	vsel vm0, v20, v10;
	v17 =	vld [tilespmem:s1+$0x400];
	[tilespmem:s0+$0x2C00] =	vst v19  }
0x99: {  	v4 =	vshll.u32 v4, $0x9;
	v10 =	vmul.f32 v12, v6;
	v6 =	vmul.f32 v7, v6;
	[tilespmem:s0+$0x3000] =	vst v13  }
0x9a: {  	v2 =	vshll.u32 v2, $0x9;
	v5 =	vshll.u32 v5, $0x9;
	v7 =	vshll.u32 v16, $0x9;
	[tilespmem:s0+$0x3400] =	vst v11  }
0x9b: {  	v12 =	vadd.s32 v2, v14;
	v13 =	vadd.s32 v4, v14;
	v11 =	vtrunc.f32 v18;
	[tilespmem:s0+$0x2E00] =	vst v15  }
0x9c: {  	v14 =	vtrunc.f32 v21;
	v11 =	vcvt.f32.s32 v11;
	[tilespmem:s0+$0x1600] =	vst v12;
	v12 =	vadd.s32 v5, v9  }
0x9d: {  	v9 =	vadd.s32 v7, v9;
	v14 =	vcvt.f32.s32 v14;
	v15 =	vmax.f32 v17, $0.0e+00;
	v16 =	vld [tilespmem:s1+$0x800];
	[tilespmem:s0+$0x1A00] =	vst v13  }
0x9e: {  	v13 =	vmin.f32 v15, $1.000000000e+00;
	v11 =	vcvt.s32.f32 v11;
	v15 =	vadd.s32 v2, v3;
	[tilespmem:s0+$0x3200] =	vst v8  }
0x9f: {  	v3 =	vadd.s32 v3, v4;
	v2 =	vcvt.s32.f32 v14;
	v13 =	vmul.f32 $4.900000000e+01, v13;
	[tilespmem:s0+$0x1E00] =	vst v12  }
0xa0: {  	v5 =	vadd.s32 v5, v1;
	v1 =	vadd.s32 v1, v7;
	v4 =	vsub.f32 v18, v11;
	[tilespmem:s0+$0x2200] =	vst v9  }
0xa1: {  	v7 =	vsub.f32 v21, v2;
	v2 =	vtrunc.f32 v13;
	[tilespmem:s0+$0x3600] =	vst v10  }
0xa2: {  	v2 =	vcvt.f32.s32 v2;
	v8 =	vmul.f32 $5.000000000e+01, v4;
	v4 =	vmax.f32 v16, $0.0e+00;
	[tilespmem:s0+$0x3A00] =	vst v6  }
0xa3: {  	v7 =	vmul.f32 $5.000000000e+01, v7;
	v4 =	vmin.f32 v4, $1.000000000e+00;
	[tilespmem:s0+$0x1400] =	vst v15  }
0xa4: {  	v6 =	vadd.s32 $0x1, v2;
	v9 =	vtrunc.f32 v8;
	v10 =	vmul.f32 $4.900000000e+01, v4;
	[tilespmem:s0+$0x1800] =	vst v3  }
0xa5: {  	v3 =	vtrunc.f32 v7;
	vm0 =	vlt.s32 v6, $0x31;
	v12 =	vcvt.f32.s32 v9;
	[tilespmem:s0+$0x1C00] =	vst v5  }
0xa6: {  	v3 =	vcvt.f32.s32 v3;
	v4 =	vnsel vm0, $0x31, v6;
	v5 =	vtrunc.f32 v10;
	[tilespmem:s0+$0x2000] =	vst v1;
	s0 =	smov.u32 s1  }
0xa7: {  	v1 =	vcvt.s32.f32 v12;
	vm0 =	vgt.s32 v12, $0x31;
	v5 =	vcvt.f32.s32 v5  }
0xa8: {  	v11 =	vcvt.s32.f32 v2;
	v9 =	vcvt.s32.f32 v3;
	vm1 =	vgt.s32 v3, $0x31  }
0xa9: {  	v14 =	vadd.s32 $0xFFFFFFCE, v3;
	v6 =	vsub.f32 v8, v1;
	v1 =	vcvt.s32.f32 v5  }
0xaa: {  	v15 =	vadd.s32 $0xFFFFFFCE, v12;
	v8 =	vsub.f32 v7, v9;
	v9 =	vsub.f32 v13, v11  }
.Ltmp1:
0xab: {  	v3 =	vsel vm1, v14, v3;
	v7 =	vsub.f32 v10, v1;
	v11 =	vsub.f32 $1.000000000e+00, v6;
	(pc) =	sbr.rel @p0 .LBB2_4-.Ltmp1, $4  }
0xac: {  	v16 =	vadd.s32 $0x1, v5;
	v1 =	vsel vm0, v15, v12;
	v13 =	vsub.f32 $1.000000000e+00, v8  }
0xad: {  	v14 =	vadd.s32 $0x1, v3;
	v10 =	vadd.s32 $0x1, v1;
	v18 =	vmul.f32 v11, v7  }
0xae: {  	vm1 =	vlt.s32 v16, $0x31;
	v15 =	vsub.f32 $1.000000000e+00, v9;
	v12 =	vsub.f32 $1.000000000e+00, v7  }
0xaf: {  	s1 =	sshra.s32 s2, $0x2;
	s2 =	sadd.s32 $0x40, s2;
	v17 =	vadd.s32 $0xFFFFFFCF, v3;
	vm2 =	vgt.s32 v14, $0x31;
	vm0 =	vgt.s32 v10, $0x31;
	[tilespmem:s0+$0x3800] =	vst v18  }
0xb0: {  	v18 =	vld [tilespmem:s1+$0xA00];
	v19 =	vmul.f32 v15, v13  }
0xb1: {  	v20 =	vld [tilespmem:s1+$0x600];
	v60 =	vmul.f32 v13, v9  }
0xb2: {  	v21 =	vld [tilespmem:s1+$0x400];
	v11 =	vmul.f32 v12, v11;
	[tilespmem:s0+$0x2C00] =	vst v19  }
0xb3: {  	v62 =	vmul.f32 v15, v8;
	[tilespmem:s0+$0x3000] =	vst v60  }
0xb4: {  	v16 =	vnsel vm1, $0x31, v16;
	v63 =	vsel vm2, v17, v14;
	v2 =	vshll.u32 v2, $0x9;
	[tilespmem:s0+$0x3400] =	vst v11  }
0xb5: {  	v61 =	vadd.s32 $0xFFFFFFCF, v1;
	v22 =	vmul.f32 v9, v8;
	v25 =	vadd.s32 v2, v63;
	[tilespmem:s0+$0x2E00] =	vst v62  }
0xb6: {  	v23 =	vmul.f32 v12, v6;
	v4 =	vshll.u32 v4, $0x9;
	v27 =	vmul.f32 v7, v6;
	[tilespmem:s0+$0x1600] =	vst v25  }
0xb7: {  	v5 =	vshll.u32 v5, $0x9;
	v10 =	vsel vm0, v61, v10;
	v30 =	vshll.u32 v16, $0x9;
	v12 =	vld [tilespmem:s1+$0x800]  }
0xb8: {  	v13 =	vadd.s32 v4, v63;
	v2 =	vadd.s32 v2, v3;
	v24 =	vtrunc.f32 v18  }
0xb9: {  	v26 =	vtrunc.f32 v20;
	v29 =	vmax.f32 v21, $0.0e+00;
	v11 =	vcvt.f32.s32 v24  }
0xba: {  	v3 =	vadd.s32 v3, v4;
	v28 =	vcvt.f32.s32 v26;
	v14 =	vmin.f32 v29, $1.000000000e+00  }
0xbb: {  	v31 =	vadd.s32 v5, v10;
	v14 =	vmul.f32 $4.900000000e+01, v14;
	v11 =	vcvt.s32.f32 v11  }
0xbc: {  	v10 =	vadd.s32 v30, v10;
	v7 =	vcvt.s32.f32 v28;
	v12 =	vmax.f32 v12, $0.0e+00  }
0xbd: {  	v32 =	vtrunc.f32 v14;
	v12 =	vmin.f32 v12, $1.000000000e+00;
	v11 =	vsub.f32 v18, v11  }
0xbe: {  	v7 =	vsub.f32 v20, v7;
	v17 =	vcvt.f32.s32 v32;
	v12 =	vmul.f32 $4.900000000e+01, v12  }
0xbf: {  	v5 =	vadd.s32 v5, v1;
	v1 =	vadd.s32 v1, v30;
	v11 =	vmul.f32 $5.000000000e+01, v11  }
0xc0: {  	v7 =	vmul.f32 $5.000000000e+01, v7;
	v36 =	vtrunc.f32 v12;
	v38 =	vadd.s32 $0x1, v17  }
0xc1: {  	[tilespmem:s0+$0x1A00] =	vst v13;
	v40 =	vcvt.s32.f32 v17;
	v56 =	vshll.u32 v17, $0x9;
	v8 =	vcvt.f32.s32 v36  }
0xc2: {  	[tilespmem:s0+$0x3200] =	vst v22;
	vm10 =	vlt.s32 v38, $0x31;
	v33 =	vtrunc.f32 v11;
	v34 =	vtrunc.f32 v7  }
0xc3: {  	[tilespmem:s0+$0x1E00] =	vst v31;
	v43 =	vnsel vm10, $0x31, v38;
	v44 =	vsub.f32 v14, v40;
	v35 =	vcvt.f32.s32 v33  }
0xc4: {  	[tilespmem:s0+$0x2200] =	vst v10;
	v4 =	vcvt.f32.s32 v34;
	v42 =	vcvt.s32.f32 v8;
	v52 =	vadd.s32 $0x1, v8  }
0xc5: {  	[tilespmem:s0+$0x3600] =	vst v23;
	v6 =	vshll.u32 v43, $0x9;
	v46 =	vsub.f32 $1.000000000e+00, v44;
	v37 =	vcvt.s32.f32 v35  }
0xc6: {  	[tilespmem:s0+$0x1400] =	vst v2;
	v39 =	vcvt.s32.f32 v4;
	vm11 =	vgt.s32 v35, $0x31;
	v2 =	vsub.f32 v12, v42  }
0xc7: {  	[tilespmem:s0+$0x3A00] =	vst v27;
	vm12 =	vgt.s32 v4, $0x31;
	v47 =	vadd.s32 $0xFFFFFFCE, v4;
	v48 =	vadd.s32 $0xFFFFFFCE, v35  }
0xc8: {  	[tilespmem:s0+$0x2000] =	vst v1;
	v1 =	vsel vm12, v47, v4;
	v13 =	vsel vm11, v48, v35;
	v41 =	vsub.f32 v11, v37  }
0xc9: {  	[tilespmem:s0+$0x1800] =	vst v3;
	v7 =	vsub.f32 v7, v39;
	v50 =	vsub.f32 $1.000000000e+00, v2;
	v53 =	vadd.s32 $0x1, v1  }
0xca: {  	[tilespmem:s0+$0x1C00] =	vst v5;
	v54 =	vadd.s32 $0x1, v13;
	v55 =	vadd.s32 $0xFFFFFFCF, v1;
	v63 =	vadd.s32 v56, v1  }
0xcb: {  	v58 =	vadd.s32 $0xFFFFFFCF, v13;
	v1 =	vadd.s32 v1, v6;
	[tilespmem:s1+$0x1400] =	vst v63;
	v12 =	vmul.f32 v46, v7  }
0xcc: {  	vm15 =	vgt.s32 v54, $0x31;
	[tilespmem:s1+$0x1800] =	vst v1;
	v3 =	vsub.f32 $1.000000000e+00, v7;
	v7 =	vmul.f32 v44, v7  }
0xcd: {  	v8 =	vshll.u32 v8, $0x9;
	v45 =	vsub.f32 $1.000000000e+00, v41;
	v60 =	vsel vm15, v58, v54;
	[tilespmem:s1+$0x2E00] =	vst v12  }
0xce: {  	v4 =	vmul.f32 v50, v41;
	v61 =	vadd.s32 v8, v60;
	[tilespmem:s1+$0x3200] =	vst v7  }
0xcf: {  	v49 =	vmul.f32 v45, v2;
	[tilespmem:s1+$0x1E00] =	vst v61  }
0xd0: {  	v51 =	vmul.f32 v46, v3;
	[tilespmem:s1+$0x3600] =	vst v4  }
0xd1: {  	v3 =	vmul.f32 v3, v44;
	[tilespmem:s1+$0x3800] =	vst v49  }
0xd2: {  	v11 =	vmul.f32 v50, v45;
	[tilespmem:s1+$0x2C00] =	vst v51  }
0xd3: {  	v2 =	vmul.f32 v2, v41;
	[tilespmem:s1+$0x3000] =	vst v3  }
0xd4: {  	vm13 =	vgt.s32 v53, $0x31;
	[tilespmem:s1+$0x3400] =	vst v11  }
0xd5: {  	vm14 =	vlt.s32 v52, $0x31;
	v3 =	vsel vm13, v55, v53;
	[tilespmem:s1+$0x3A00] =	vst v2;
	v2 =	vadd.s32 v8, v13  }
0xd6: {  	v59 =	vnsel vm14, $0x31, v52;
	v57 =	vadd.s32 v56, v3;
	v3 =	vadd.s32 v6, v3;
	[tilespmem:s1+$0x1C00] =	vst v2  }
0xd7: {  	[tilespmem:s1+$0x1A00] =	vst v3;
	v3 =	vshll.u32 v59, $0x9  }
0xd8: {  	[tilespmem:s1+$0x1600] =	vst v57;
	v62 =	vadd.s32 v3, v60  }
0xd9: {  	v1 =	vadd.s32 v13, v3;
	[tilespmem:s1+$0x2200] =	vst v62  }
0xda: {  	[tilespmem:s1+$0x2000] =	vst v1  }
0xdb: {  	_ =	strace $0x9000004E  }
0xdc: {  	_ =	strace $0x8000004F  }
0xdd: {  	_ =	swait.ge [sflag:s20], $0x5780  }
0xde: {  	[sflag:s20] =	ssyncset.done $0x0  }
0xdf: {  	[sflag:s20] =	ssyncadd.s32 $0xFFFFA880  }
0xe0: {  	_ =	swait.ge [sflag:s20], $0x5780  }
0xe1: {  	[sflag:s20] =	ssyncset.done $0x0  }
0xe2: {  	s31 =	simm.s32 $0x3000;
	[sflag:s20] =	ssyncadd.s32 $0xFFFFA880  }
0xe3: {  	s2 =	simm.s32 $0x1800;
	s14 =	simm.s32 $0x0;
	_ =	strace $0x9000004F  }
0xe4: {  	s0 =	simm.s32 $0x0;
	s1 =	simm.s32 $0x2000;
	_ =	strace $0x80000050  }
.LBB2_6:
0xe5: {  	v1 =	vld [tilespmem:s2+$0xFFFFFC00]  }
0xe6: {  	v22 =	vld [tilespmem:s2+$0x200];
	_ =	sdelay $0x3  }
0xe7: {  	v2 =	vshra.s32 v1, $0x9  }
0xe8: {  	v24 =	vshra.s32 v22, $0x9;
	v2 =	vmul.u32 $0x1C0, v2  }
0xe9: {  	v3 =	vand.u32 $0x1F8, v1;
	v24 =	vmul.u32 $0x1C0, v24  }
0xea: {  	v6 =	vld [tilespmem:s31+$0xFFFFFC00];
	v1 =	vand.u32 $0x7, v1;
	v29 =	vand.u32 $0x1F8, v22;
	v2 =	vadd.s32 v3, v2  }
0xeb: {  	v49 =	vld [tilespmem:s2+$0x0];
	v22 =	vand.u32 $0x7, v22;
	v24 =	vadd.s32 v29, v24;
	v1 =	vor.u32 v1, v2  }
0xec: {  	v14 =	vld [tilespmem:s31+$0xFFFFFE00];
	v22 =	vor.u32 v22, v24  }
0xed: {  	v3 =	vld [tilespmem:s2+$0xFFFFFE00];
	v2 =	vadd.s32 $0x38, v1  }
0xee: {  	v25 =	vld [tilespmem:s31+$0x0];
	v4 =	vadd.s32 $0x70, v1  }
0xef: {  	v58 =	vld [tilespmem:s31+$0x200];
	v5 =	vadd.s32 $0xA8, v1  }
0xf0: {  	v7 =	vadd.s32 $0xE0, v1;
	v8 =	vld.idx.msk [tilespmem:v1+s18+$0x0], $0xffff  }
0xf1: {  	v9 =	vadd.s32 $0x118, v1;
	v60 =	vld.idx.msk [tilespmem:v22+s18+$0x0], $0xffff  }
0xf2: {  	v19 =	vshra.s32 v49, $0x9;
	v11 =	vadd.s32 $0x150, v1;
	v10 =	vshra.s32 v3, $0x9;
	v2 =	vld.idx.msk [tilespmem:v2+s18+$0x0], $0xffff  }
0xf3: {  	v21 =	vand.u32 $0x1F8, v49;
	v54 =	vadd.s32 $0x38, v22;
	v10 =	vmul.u32 $0x1C0, v10;
	v4 =	vld.idx.msk [tilespmem:v4+s18+$0x0], $0xffff  }
0xf4: {  	v19 =	vmul.u32 $0x1C0, v19;
	v57 =	vadd.s32 $0xA8, v22;
	v12 =	vand.u32 $0x1F8, v3;
	v5 =	vld.idx.msk [tilespmem:v5+s18+$0x0], $0xffff  }
0xf5: {  	v3 =	vand.u32 $0x7, v3;
	v1 =	vadd.s32 $0x188, v1;
	v7 =	vld.idx.msk [tilespmem:v7+s18+$0x0], $0xffff;
	v10 =	vadd.s32 v12, v10  }
0xf6: {  	v19 =	vadd.s32 v21, v19;
	v9 =	vld.idx.msk [tilespmem:v9+s18+$0x0], $0xffff;
	v12 =	vand.u32 $0x7, v49;
	v3 =	vor.u32 v3, v10  }
0xf7: {  	v11 =	vld.idx.msk [tilespmem:v11+s18+$0x0], $0xffff;
	v12 =	vor.u32 v12, v19  }
0xf8: {  	v62 =	vld.idx.msk [tilespmem:v54+s18+$0x0], $0xffff;
	v10 =	vadd.s32 $0x38, v3  }
0xf9: {  	v29 =	vld.idx.msk [tilespmem:v57+s18+$0x0], $0xffff;
	v13 =	vadd.s32 $0x70, v3  }
0xfa: {  	v15 =	vadd.s32 $0xA8, v3;
	v1 =	vld.idx.msk [tilespmem:v1+s18+$0x0], $0xffff  }
0xfb: {  	v17 =	vadd.s32 $0xE0, v3;
	v16 =	vld.idx.msk [tilespmem:v3+s18+$0x0], $0xffff  }
0xfc: {  	v18 =	vadd.s32 $0x118, v3;
	v27 =	vld.idx.msk [tilespmem:v12+s18+$0x0], $0xffff  }
0xfd: {  	v20 =	vadd.s32 $0x150, v3;
	v10 =	vld.idx.msk [tilespmem:v10+s18+$0x0], $0xffff  }
0xfe: {  	v19 =	vadd.s32 $0x38, v12;
	v13 =	vld.idx.msk [tilespmem:v13+s18+$0x0], $0xffff  }
0xff: {  	v56 =	vadd.s32 $0x70, v22;
	v59 =	vadd.s32 $0xE0, v22;
	v23 =	vadd.s32 $0xA8, v12;
	v15 =	vld.idx.msk [tilespmem:v15+s18+$0x0], $0xffff  }
0x100: {  	v26 =	vadd.s32 $0xE0, v12;
	v8 =	vmul.f32 v8, v6;
	v32 =	vmul.f32 v60, v58;
	v17 =	vld.idx.msk [tilespmem:v17+s18+$0x0], $0xffff  }
0x101: {  	v61 =	vadd.s32 $0x118, v22;
	v2 =	vmul.f32 v2, v6;
	v4 =	vmul.f32 v4, v6;
	v18 =	vld.idx.msk [tilespmem:v18+s18+$0x0], $0xffff  }
0x102: {  	v5 =	vmul.f32 v5, v6;
	v7 =	vmul.f32 v7, v6;
	v3 =	vadd.s32 $0x188, v3;
	v20 =	vld.idx.msk [tilespmem:v20+s18+$0x0], $0xffff  }
0x103: {  	v51 =	vadd.s32 $0x150, v12;
	v9 =	vmul.f32 v9, v6;
	v11 =	vmul.f32 v11, v6;
	v19 =	vld.idx.msk [tilespmem:v19+s18+$0x0], $0xffff  }
0x104: {  	v50 =	vadd.s32 $0x70, v12;
	v36 =	vmul.f32 v29, v58;
	v23 =	vld.idx.msk [tilespmem:v23+s18+$0x0], $0xffff;
	v1 =	vmul.f32 v1, v6  }
0x105: {  	v28 =	vadd.s32 $0x118, v12;
	v52 =	vld.idx.msk [tilespmem:v26+s18+$0x0], $0xffff;
	v16 =	vmul.f32 v16, v14;
	v27 =	vmul.f32 v27, v25  }
0x106: {  	v12 =	vadd.s32 $0x188, v12;
	v26 =	vld.idx.msk [tilespmem:v56+s18+$0x0], $0xffff;
	v10 =	vmul.f32 v10, v14;
	v13 =	vmul.f32 v13, v14  }
0x107: {  	v63 =	vadd.s32 $0x150, v22;
	v3 =	vld.idx.msk [tilespmem:v3+s18+$0x0], $0xffff;
	v15 =	vmul.f32 v15, v14;
	v17 =	vmul.f32 v17, v14  }
0x108: {  	v22 =	vadd.s32 $0x188, v22;
	v55 =	vld.idx.msk [tilespmem:v51+s18+$0x0], $0xffff;
	v18 =	vmul.f32 v18, v14;
	v20 =	vmul.f32 v20, v14  }
0x109: {  	v21 =	vld.idx.msk [tilespmem:v50+s18+$0x0], $0xffff;
	v19 =	vmul.f32 v19, v25;
	v30 =	vmul.f32 v23, v25;
	v8 =	vadd.f32 v16, v8  }
0x10a: {  	v53 =	vld.idx.msk [tilespmem:v28+s18+$0x0], $0xffff;
	v31 =	vmul.f32 v52, v25;
	v2 =	vadd.f32 v10, v2;
	v4 =	vadd.f32 v13, v4  }
0x10b: {  	v12 =	vld.idx.msk [tilespmem:v12+s18+$0x0], $0xffff;
	v34 =	vmul.f32 v26, v58;
	v5 =	vadd.f32 v15, v5;
	v7 =	vadd.f32 v17, v7  }
0x10c: {  	s15 =	sshrl.u32 s14, $0x3;
	v9 =	vadd.f32 v18, v9;
	v11 =	vadd.f32 v20, v11;
	v15 =	vld.idx.msk [tilespmem:v59+s18+$0x0], $0xffff;
	v3 =	vmul.f32 v3, v14  }
0x10d: {  	s15 =	smul.u32 $0x3000, s15;
	v37 =	vmul.f32 v55, v25;
	v16 =	vld.idx.msk [tilespmem:v63+s18+$0x0], $0xffff;
	v8 =	vadd.f32 v27, v8;
	v2 =	vadd.f32 v19, v2  }
0x10e: {  	v35 =	vld.idx.msk [tilespmem:v22+s18+$0x0], $0xffff;
	v14 =	vmul.f32 v62, v58;
	v1 =	vadd.f32 v3, v1;
	v3 =	vmul.f32 v21, v25  }
0x10f: {  	s16 =	sand.u32 $0x70, s0;
	s15 =	sshra.s32 s15, $0x2;
	v33 =	vld.idx.msk [tilespmem:v61+s18+$0x0], $0xffff;
	v10 =	vmul.f32 v53, v25;
	v5 =	vadd.f32 v30, v5;
	v6 =	vadd.f32 v32, v8  }
0x110: {  	s15 =	sor.u32 s16, s15;
	v39 =	vmul.f32 v12, v25;
	v2 =	vadd.f32 v14, v2;
	v3 =	vadd.f32 v3, v4  }
0x111: {  	v5 =	vadd.f32 v36, v5;
	v38 =	vmul.f32 v15, v58;
	[tilespmem:s15+$0x12F00] =	vst v6;
	v4 =	vadd.f32 v31, v7  }
0x112: {  	v41 =	vmul.f32 v16, v58;
	[tilespmem:s15+$0x12F80] =	vst v2;
	v2 =	vadd.f32 v37, v11;
	v3 =	vadd.f32 v34, v3  }
0x113: {  	v42 =	vmul.f32 v35, v58;
	v1 =	vadd.f32 v39, v1;
	[tilespmem:s15+$0x13080] =	vst v5;
	v4 =	vadd.f32 v38, v4  }
0x114: {  	v40 =	vmul.f32 v33, v58;
	v9 =	vadd.f32 v10, v9;
	v2 =	vadd.f32 v41, v2;
	[tilespmem:s15+$0x13000] =	vst v3  }
0x115: {  	v1 =	vadd.f32 v42, v1;
	[tilespmem:s15+$0x13100] =	vst v4  }
0x116: {  	v3 =	vadd.f32 v40, v9;
	[tilespmem:s15+$0x13200] =	vst v2  }
0x117: {  	[tilespmem:s15+$0x13280] =	vst v1  }
0x118: {  	[tilespmem:s15+$0x13180] =	vst v3  }
0x119: {  	v1 =	vld [tilespmem:s1+$0xFFFFFC00]  }
0x11a: {  	v52 =	vld [tilespmem:s1+$0x0];
	_ =	sdelay $0x3  }
0x11b: {  	v2 =	vshra.s32 v1, $0x9  }
0x11c: {  	v59 =	vshra.s32 v52, $0x9;
	v2 =	vmul.u32 $0x1C0, v2  }
0x11d: {  	v3 =	vand.u32 $0x1F8, v1;
	v19 =	vmul.u32 $0x1C0, v59  }
0x11e: {  	v1 =	vand.u32 $0x7, v1;
	v61 =	vand.u32 $0x1F8, v52;
	v2 =	vadd.s32 v3, v2  }
0x11f: {  	v45 =	vld [tilespmem:s31+$0x400];
	v12 =	vand.u32 $0x7, v52;
	v19 =	vadd.s32 v61, v19;
	v1 =	vor.u32 v1, v2  }
0x120: {  	v54 =	vld [tilespmem:s31+$0x600];
	v12 =	vor.u32 v12, v19  }
0x121: {  	v62 =	vld [tilespmem:s1+$0x200];
	v2 =	vadd.s32 $0x38, v1  }
0x122: {  	v34 =	vld [tilespmem:s31+$0x800];
	v43 =	vadd.s32 $0x70, v1  }
0x123: {  	v3 =	vld [tilespmem:s1+$0xFFFFFE00];
	v44 =	vadd.s32 $0xA8, v1  }
0x124: {  	v46 =	vadd.s32 $0xE0, v1;
	v47 =	vld.idx.msk [tilespmem:v1+s19+$0x0], $0xffff  }
0x125: {  	v48 =	vadd.s32 $0x118, v1;
	v36 =	vld.idx.msk [tilespmem:v12+s19+$0x0], $0xffff  }
0x126: {  	v50 =	vadd.s32 $0x150, v1;
	v2 =	vld.idx.msk [tilespmem:v2+s19+$0x0], $0xffff  }
0x127: {  	v33 =	vshra.s32 v62, $0x9;
	v19 =	vadd.s32 $0x38, v12;
	v4 =	vld.idx.msk [tilespmem:v43+s19+$0x0], $0xffff  }
0x128: {  	v24 =	vmul.u32 $0x1C0, v33;
	v32 =	vadd.s32 $0xA8, v12;
	v5 =	vld.idx.msk [tilespmem:v44+s19+$0x0], $0xffff  }
0x129: {  	v38 =	vand.u32 $0x1F8, v62;
	v39 =	vadd.s32 $0x150, v12;
	v7 =	vld.idx.msk [tilespmem:v46+s19+$0x0], $0xffff  }
0x12a: {  	v22 =	vand.u32 $0x7, v62;
	v24 =	vadd.s32 v38, v24;
	v9 =	vld.idx.msk [tilespmem:v48+s19+$0x0], $0xffff  }
0x12b: {  	v22 =	vor.u32 v22, v24;
	v11 =	vld.idx.msk [tilespmem:v50+s19+$0x0], $0xffff  }
0x12c: {  	v63 =	vadd.s32 $0x70, v12;
	v42 =	vadd.s32 $0x38, v22;
	v49 =	vshra.s32 v3, $0x9;
	v19 =	vld.idx.msk [tilespmem:v19+s19+$0x0], $0xffff  }
0x12d: {  	v35 =	vadd.s32 $0xE0, v12;
	v10 =	vmul.u32 $0x1C0, v49;
	v1 =	vadd.s32 $0x188, v1;
	v23 =	vld.idx.msk [tilespmem:v32+s19+$0x0], $0xffff  }
0x12e: {  	v37 =	vadd.s32 $0x118, v12;
	v51 =	vand.u32 $0x1F8, v3;
	v12 =	vadd.s32 $0x188, v12;
	v43 =	vld.idx.msk [tilespmem:v39+s19+$0x0], $0xffff  }
0x12f: {  	v3 =	vand.u32 $0x7, v3;
	v44 =	vadd.s32 $0x70, v22;
	v46 =	vld [tilespmem:s31+$0xA00];
	v10 =	vadd.s32 v51, v10  }
0x130: {  	v48 =	vld.idx.msk [tilespmem:v22+s19+$0x0], $0xffff;
	v3 =	vor.u32 v3, v10  }
0x131: {  	v50 =	vld.idx.msk [tilespmem:v42+s19+$0x0], $0xffff;
	v10 =	vadd.s32 $0x38, v3  }
0x132: {  	v53 =	vadd.s32 $0x70, v3;
	v1 =	vld.idx.msk [tilespmem:v1+s19+$0x0], $0xffff  }
0x133: {  	v55 =	vadd.s32 $0xA8, v3;
	v12 =	vld.idx.msk [tilespmem:v12+s19+$0x0], $0xffff  }
0x134: {  	v57 =	vadd.s32 $0xE0, v3;
	v8 =	vmul.f32 v47, v45;
	v26 =	vld.idx.msk [tilespmem:v44+s19+$0x0], $0xffff  }
0x135: {  	v58 =	vadd.s32 $0x118, v3;
	v27 =	vmul.f32 v36, v34;
	v2 =	vmul.f32 v2, v45;
	v56 =	vld.idx.msk [tilespmem:v3+s19+$0x0], $0xffff  }
0x136: {  	v60 =	vadd.s32 $0x150, v3;
	v4 =	vmul.f32 v4, v45;
	v5 =	vmul.f32 v5, v45;
	v10 =	vld.idx.msk [tilespmem:v10+s19+$0x0], $0xffff  }
0x137: {  	v7 =	vmul.f32 v7, v45;
	v9 =	vmul.f32 v9, v45;
	v3 =	vadd.s32 $0x188, v3;
	v13 =	vld.idx.msk [tilespmem:v53+s19+$0x0], $0xffff  }
0x138: {  	v11 =	vmul.f32 v11, v45;
	v19 =	vmul.f32 v19, v34;
	v15 =	vld.idx.msk [tilespmem:v55+s19+$0x0], $0xffff  }
0x139: {  	v14 =	vmul.f32 v50, v46;
	v17 =	vld.idx.msk [tilespmem:v57+s19+$0x0], $0xffff;
	v53 =	vmul.f32 v23, v34  }
0x13a: {  	v18 =	vld.idx.msk [tilespmem:v58+s19+$0x0], $0xffff;
	v55 =	vmul.f32 v48, v46;
	v1 =	vmul.f32 v1, v45;
	v45 =	vadd.s32 $0xA8, v22  }
0x13b: {  	v49 =	vadd.s32 $0x118, v22;
	v20 =	vld.idx.msk [tilespmem:v60+s19+$0x0], $0xffff;
	v60 =	vmul.f32 v43, v34;
	v12 =	vmul.f32 v12, v34  }
0x13c: {  	v51 =	vadd.s32 $0x150, v22;
	v57 =	vmul.f32 v26, v46;
	v3 =	vld.idx.msk [tilespmem:v3+s19+$0x0], $0xffff;
	v16 =	vmul.f32 v56, v54  }
0x13d: {  	v41 =	vld.idx.msk [tilespmem:v37+s19+$0x0], $0xffff;
	v47 =	vadd.s32 $0xE0, v22;
	v10 =	vmul.f32 v10, v54;
	v13 =	vmul.f32 v13, v54  }
0x13e: {  	v21 =	vld.idx.msk [tilespmem:v63+s19+$0x0], $0xffff;
	v22 =	vadd.s32 $0x188, v22;
	v15 =	vmul.f32 v15, v54;
	v17 =	vmul.f32 v17, v54  }
0x13f: {  	v18 =	vmul.f32 v18, v54;
	v8 =	vadd.f32 v16, v8;
	v52 =	vld.idx.msk [tilespmem:v45+s19+$0x0], $0xffff;
	v2 =	vadd.f32 v10, v2  }
0x140: {  	v40 =	vld.idx.msk [tilespmem:v35+s19+$0x0], $0xffff;
	v20 =	vmul.f32 v20, v54;
	v4 =	vadd.f32 v13, v4;
	v5 =	vadd.f32 v15, v5  }
0x141: {  	v16 =	vld.idx.msk [tilespmem:v51+s19+$0x0], $0xffff;
	v7 =	vadd.f32 v17, v7;
	v9 =	vadd.f32 v18, v9;
	v3 =	vmul.f32 v3, v54  }
0x142: {  	v11 =	vadd.f32 v20, v11;
	v15 =	vld.idx.msk [tilespmem:v47+s19+$0x0], $0xffff;
	v10 =	vmul.f32 v41, v34;
	v8 =	vadd.f32 v27, v8  }
0x143: {  	v56 =	vld.idx.msk [tilespmem:v49+s19+$0x0], $0xffff;
	v2 =	vadd.f32 v19, v2;
	v1 =	vadd.f32 v3, v1;
	v3 =	vmul.f32 v21, v34  }
0x144: {  	v58 =	vld.idx.msk [tilespmem:v22+s19+$0x0], $0xffff;
	v5 =	vadd.f32 v53, v5;
	v6 =	vadd.f32 v55, v8;
	v59 =	vmul.f32 v52, v46  }
0x145: {  	v54 =	vmul.f32 v40, v34;
	v2 =	vadd.f32 v14, v2;
	v3 =	vadd.f32 v3, v4  }
0x146: {  	v62 =	vmul.f32 v16, v46;
	[tilespmem:s15+$0x13300] =	vst v6;
	v6 =	vadd.f32 v60, v11;
	v5 =	vadd.f32 v59, v5  }
0x147: {  	v61 =	vmul.f32 v15, v46;
	v4 =	vadd.f32 v54, v7;
	[tilespmem:s15+$0x13380] =	vst v2;
	v3 =	vadd.f32 v57, v3  }
0x148: {  	p0 =	sne.s32 s14, $0x1F;
	v9 =	vadd.f32 v10, v9;
	v2 =	vmul.f32 v56, v46;
	v63 =	vadd.f32 v62, v6;
	[tilespmem:s15+$0x13480] =	vst v5  }
.Ltmp2:
0x149: {  	v1 =	vadd.f32 v12, v1;
	v4 =	vadd.f32 v61, v4;
	[tilespmem:s15+$0x13400] =	vst v3;
	v3 =	vmul.f32 v58, v46;
	(pc) =	sbr.rel @p0 .LBB2_6-.Ltmp2, $4  }
0x14a: {  	v2 =	vadd.f32 v2, v9;
	[tilespmem:s15+$0x13600] =	vst v63  }
0x14b: {  	[tilespmem:s15+$0x13500] =	vst v4;
	v1 =	vadd.f32 v3, v1  }
0x14c: {  	s0 =	sadd.s32 $0x10, s0;
	s14 =	sadd.s32 $0x1, s14;
	[tilespmem:s15+$0x13580] =	vst v2  }
0x14d: {  	s2 =	sadd.s32 $0x10, s2;
	s1 =	sadd.s32 $0x10, s1;
	s31 =	sadd.s32 $0x10, s31;
	[tilespmem:s15+$0x13680] =	vst v1  }
0x14e: {  	_ =	strace $0x90000050  }
0x14f: {  	_ =	strace $0x80000051  }
0x150: {  	_ =	swait.ge [sflag:s26], $0x400  }
0x151: {  	[sflag:s26] =	ssyncset.done $0x0  }
0x152: {  	[sflag:s26] =	ssyncadd.s32 $0xFFFFFC00  }
0x153: {  	_ =	swait.ge [sflag:s26], $0x400  }
0x154: {  	[sflag:s26] =	ssyncset.done $0x0  }
0x155: {  	[sflag:s26] =	ssyncadd.s32 $0xFFFFFC00  }
0x156: {  	_ =	swait.ge [sflag:s26], $0x400  }
0x157: {  	[sflag:s26] =	ssyncset.done $0x0  }
0x158: {  	[sflag:s26] =	ssyncadd.s32 $0xFFFFFC00  }
0x159: {  	_ =	swait.ge [sflag:s26], $0x400  }
0x15a: {  	[sflag:s26] =	ssyncset.done $0x0  }
0x15b: {  	[sflag:s26] =	ssyncadd.s32 $0xFFFFFC00  }
0x15c: {  	_ =	swait.ge [sflag:s26], $0x400  }
0x15d: {  	[sflag:s26] =	ssyncset.done $0x0  }
0x15e: {  	[sflag:s26] =	ssyncadd.s32 $0xFFFFFC00  }
0x15f: {  	_ =	swait.ge [sflag:s26], $0x400  }
0x160: {  	[sflag:s26] =	ssyncset.done $0x0  }
0x161: {  	[sflag:s26] =	ssyncadd.s32 $0xFFFFFC00  }
0x162: {  	_ =	swait.ge [sflag:s26], $0x400  }
0x163: {  	[sflag:s26] =	ssyncset.done $0x0  }
0x164: {  	[sflag:s26] =	ssyncadd.s32 $0xFFFFFC00  }
0x165: {  	_ =	swait.ge [sflag:s26], $0x400  }
0x166: {  	[sflag:s26] =	ssyncset.done $0x0  }
0x167: {  	[sflag:s26] =	ssyncadd.s32 $0xFFFFFC00  }
0x168: {  	_ =	swait.ge [sflag:s26], $0x400  }
0x169: {  	[sflag:s26] =	ssyncset.done $0x0  }
0x16a: {  	[sflag:s26] =	ssyncadd.s32 $0xFFFFFC00  }
0x16b: {  	_ =	swait.ge [sflag:s26], $0x400  }
0x16c: {  	[sflag:s26] =	ssyncset.done $0x0  }
0x16d: {  	[sflag:s26] =	ssyncadd.s32 $0xFFFFFC00  }
0x16e: {  	_ =	swait.ge [sflag:s26], $0x400  }
0x16f: {  	[sflag:s26] =	ssyncset.done $0x0  }
0x170: {  	[sflag:s26] =	ssyncadd.s32 $0xFFFFFC00  }
0x171: {  	_ =	swait.ge [sflag:s26], $0x400  }
0x172: {  	[sflag:s26] =	ssyncset.done $0x0  }
0x173: {  	[sflag:s26] =	ssyncadd.s32 $0xFFFFFC00  }
0x174: {  	_ =	swait.ge [sflag:s26], $0x400  }
0x175: {  	[sflag:s26] =	ssyncset.done $0x0  }
0x176: {  	[sflag:s26] =	ssyncadd.s32 $0xFFFFFC00  }
0x177: {  	_ =	swait.ge [sflag:s26], $0x400  }
0x178: {  	[sflag:s26] =	ssyncset.done $0x0  }
0x179: {  	[sflag:s26] =	ssyncadd.s32 $0xFFFFFC00  }
0x17a: {  	_ =	swait.ge [sflag:s26], $0x400  }
0x17b: {  	[sflag:s26] =	ssyncset.done $0x0  }
0x17c: {  	[sflag:s26] =	ssyncadd.s32 $0xFFFFFC00  }
0x17d: {  	_ =	swait.ge [sflag:s26], $0x400  }
0x17e: {  	[sflag:s26] =	ssyncset.done $0x0  }
0x17f: {  	[sflag:s26] =	ssyncadd.s32 $0xFFFFFC00  }
0x180: {  	s0 =	simm.s32 $0x0;
	_ =	strace $0x90000051  }
0x181: {  	s1 =	simm.s32 $0x2800;
	s2 =	simm.s32 $0x0;
	_ =	strace $0x80000052  }
.LBB2_8:
0x182: {  	v1 =	vmov s0  }
0x183: {  	v1 =	vshll.u32 v1, $0x3  }
0x184: {  	v11 =	vor.u32 $0x1000, v0;
	v2 =	vor.u32 v0, v1  }
0x185: {  	v6 =	vld [tilespmem:s1+$0xFFFFFC00];
	v20 =	vor.u32 $0x2000, v0;
	v11 =	vor.u32 v11, v1  }
0x186: {  	v15 =	vld [tilespmem:s1+$0xFFFFFE00];
	v29 =	vor.u32 $0x3000, v0;
	v20 =	vor.u32 v20, v1  }
0x187: {  	v24 =	vld [tilespmem:s1+$0x0];
	v1 =	vor.u32 v29, v1  }
0x188: {  	v44 =	vld [tilespmem:s1+$0x200];
	v3 =	vor.u32 $0x1, v2  }
0x189: {  	v4 =	vor.u32 $0x2, v2;
	v8 =	vld.idx.msk [tilespmem:v2+s23+$0x0], $0xffff  }
0x18a: {  	v5 =	vor.u32 $0x3, v2;
	v17 =	vld.idx.msk [tilespmem:v11+s23+$0x0], $0xffff  }
0x18b: {  	v7 =	vor.u32 $0x4, v2;
	v26 =	vld.idx.msk [tilespmem:v20+s23+$0x0], $0xffff  }
0x18c: {  	v9 =	vor.u32 $0x5, v2;
	v46 =	vld.idx.msk [tilespmem:v1+s23+$0x0], $0xffff  }
0x18d: {  	v10 =	vor.u32 $0x6, v2;
	v3 =	vld.idx.msk [tilespmem:v3+s23+$0x0], $0xffff  }
0x18e: {  	v12 =	vor.u32 $0x1, v11;
	v4 =	vld.idx.msk [tilespmem:v4+s23+$0x0], $0xffff  }
0x18f: {  	v13 =	vor.u32 $0x2, v11;
	v5 =	vld.idx.msk [tilespmem:v5+s23+$0x0], $0xffff  }
0x190: {  	v14 =	vor.u32 $0x3, v11;
	v7 =	vld.idx.msk [tilespmem:v7+s23+$0x0], $0xffff  }
0x191: {  	v16 =	vor.u32 $0x4, v11;
	v9 =	vld.idx.msk [tilespmem:v9+s23+$0x0], $0xffff  }
0x192: {  	v18 =	vor.u32 $0x5, v11;
	v10 =	vld.idx.msk [tilespmem:v10+s23+$0x0], $0xffff  }
0x193: {  	v19 =	vor.u32 $0x6, v11;
	v12 =	vld.idx.msk [tilespmem:v12+s23+$0x0], $0xffff  }
0x194: {  	v21 =	vor.u32 $0x1, v20;
	v13 =	vld.idx.msk [tilespmem:v13+s23+$0x0], $0xffff  }
0x195: {  	v22 =	vor.u32 $0x2, v20;
	v14 =	vld.idx.msk [tilespmem:v14+s23+$0x0], $0xffff  }
0x196: {  	v23 =	vor.u32 $0x3, v20;
	v16 =	vld.idx.msk [tilespmem:v16+s23+$0x0], $0xffff  }
0x197: {  	v27 =	vor.u32 $0x5, v20;
	v18 =	vld.idx.msk [tilespmem:v18+s23+$0x0], $0xffff  }
0x198: {  	v25 =	vor.u32 $0x4, v20;
	v28 =	vor.u32 $0x6, v20;
	v42 =	vor.u32 $0x2, v1;
	v19 =	vld.idx.msk [tilespmem:v19+s23+$0x0], $0xffff  }
0x199: {  	v43 =	vor.u32 $0x3, v1;
	v21 =	vld.idx.msk [tilespmem:v21+s23+$0x0], $0xffff;
	v8 =	vmul.f32 v8, v6;
	v17 =	vmul.f32 v17, v15  }
0x19a: {  	v40 =	vor.u32 $0x1, v1;
	v22 =	vld.idx.msk [tilespmem:v22+s23+$0x0], $0xffff;
	v26 =	vmul.f32 v26, v24;
	v53 =	vmul.f32 v46, v44  }
0x19b: {  	v47 =	vor.u32 $0x5, v1;
	v23 =	vld.idx.msk [tilespmem:v23+s23+$0x0], $0xffff;
	v3 =	vmul.f32 v3, v6;
	v4 =	vmul.f32 v4, v6  }
0x19c: {  	v11 =	vor.u32 $0x7, v11;
	v39 =	vld.idx.msk [tilespmem:v27+s23+$0x0], $0xffff;
	v5 =	vmul.f32 v5, v6;
	v7 =	vmul.f32 v7, v6  }
0x19d: {  	v45 =	vor.u32 $0x4, v1;
	v27 =	vld.idx.msk [tilespmem:v42+s23+$0x0], $0xffff;
	v9 =	vmul.f32 v9, v6;
	v12 =	vmul.f32 v12, v15  }
0x19e: {  	v2 =	vor.u32 $0x7, v2;
	v51 =	vld.idx.msk [tilespmem:v43+s23+$0x0], $0xffff;
	v10 =	vmul.f32 v10, v6;
	v13 =	vmul.f32 v13, v15  }
0x19f: {  	v49 =	vor.u32 $0x6, v1;
	v41 =	vld.idx.msk [tilespmem:v28+s23+$0x0], $0xffff;
	v14 =	vmul.f32 v14, v15;
	v16 =	vmul.f32 v16, v15  }
0x1a0: {  	v20 =	vor.u32 $0x7, v20;
	v54 =	vld.idx.msk [tilespmem:v47+s23+$0x0], $0xffff;
	v18 =	vmul.f32 v18, v15;
	v19 =	vmul.f32 v19, v15  }
0x1a1: {  	v1 =	vor.u32 $0x7, v1;
	v11 =	vld.idx.msk [tilespmem:v11+s23+$0x0], $0xffff;
	v21 =	vmul.f32 v21, v24;
	v50 =	vmul.f32 v22, v24  }
0x1a2: {  	v48 =	vld.idx.msk [tilespmem:v40+s23+$0x0], $0xffff;
	v52 =	vmul.f32 v23, v24;
	v56 =	vmul.f32 v27, v44;
	v8 =	vadd.f32 v17, v8  }
0x1a3: {  	v2 =	vld.idx.msk [tilespmem:v2+s23+$0x0], $0xffff;
	v57 =	vmul.f32 v51, v44;
	v3 =	vadd.f32 v12, v3;
	v4 =	vadd.f32 v13, v4  }
0x1a4: {  	v38 =	vld.idx.msk [tilespmem:v25+s23+$0x0], $0xffff;
	v58 =	vmul.f32 v41, v24;
	v5 =	vadd.f32 v14, v5;
	v7 =	vadd.f32 v16, v7  }
0x1a5: {  	s14 =	sshrl.u32 s2, $0x3;
	v20 =	vld.idx.msk [tilespmem:v20+s23+$0x0], $0xffff;
	v61 =	vmul.f32 v54, v44;
	v9 =	vadd.f32 v18, v9;
	v10 =	vadd.f32 v19, v10  }
0x1a6: {  	s14 =	smul.u32 $0x3000, s14;
	v14 =	vld.idx.msk [tilespmem:v45+s23+$0x0], $0xffff;
	v12 =	vmul.f32 v39, v24;
	v8 =	vadd.f32 v26, v8;
	v11 =	vmul.f32 v11, v15  }
0x1a7: {  	v17 =	vld.idx.msk [tilespmem:v49+s23+$0x0], $0xffff;
	v3 =	vadd.f32 v21, v3;
	v4 =	vadd.f32 v50, v4;
	v15 =	vmul.f32 v48, v44  }
0x1a8: {  	s15 =	sand.u32 $0x70, s0;
	s14 =	sshra.s32 s14, $0x2;
	v1 =	vld.idx.msk [tilespmem:v1+s23+$0x0], $0xffff;
	v2 =	vmul.f32 v2, v6;
	v5 =	vadd.f32 v52, v5;
	v55 =	vadd.f32 v53, v8  }
0x1a9: {  	s14 =	sor.u32 s15, s14;
	v6 =	vmul.f32 v38, v24;
	v9 =	vadd.f32 v12, v9;
	v3 =	vadd.f32 v15, v3  }
0x1aa: {  	v60 =	vmul.f32 v20, v24;
	v2 =	vadd.f32 v11, v2;
	v4 =	vadd.f32 v56, v4;
	[tilespmem:s14+$0x12B00] =	vst v55;
	s14 =	sadd.s32 $0x12B00, s14  }
0x1ab: {  	v6 =	vadd.f32 v6, v7;
	v5 =	vadd.f32 v57, v5;
	v59 =	vmul.f32 v14, v44;
	[tilespmem:s14+$0x80] =	vst v3  }
0x1ac: {  	p0 =	sne.s32 s2, $0x1F;
	v62 =	vmul.f32 v17, v44;
	v63 =	vadd.f32 v61, v9;
	v3 =	vadd.f32 v58, v10;
	[tilespmem:s14+$0x100] =	vst v4  }
.Ltmp3:
0x1ad: {  	v1 =	vmul.f32 v1, v44;
	v2 =	vadd.f32 v60, v2;
	[tilespmem:s14+$0x180] =	vst v5;
	v6 =	vadd.f32 v59, v6;
	(pc) =	sbr.rel @p0 .LBB2_8-.Ltmp3, $4  }
0x1ae: {  	[tilespmem:s14+$0x280] =	vst v63;
	v3 =	vadd.f32 v62, v3  }
0x1af: {  	v1 =	vadd.f32 v1, v2;
	[tilespmem:s14+$0x200] =	vst v6  }
0x1b0: {  	[tilespmem:s14+$0x300] =	vst v3  }
0x1b1: {  	s0 =	sadd.s32 $0x10, s0;
	s1 =	sadd.s32 $0x10, s1;
	s2 =	sadd.s32 $0x1, s2;
	[tilespmem:s14+$0x380] =	vst v1  }
0x1b2: {  	_ =	strace $0x90000052;
	s30 =	sadd.s32 $0x1, s30  }
0x1b3: {  	_ =	strace $0x80000053;
	p0 =	sne.s32 s30, s13  }
0x1b4: {  	[hbm4b:s12+s3] =	stream.linear.scatter [tilespmem:s28], [sflag:$0x3], $0x3000, $0x200038;
	[tilespmem:$0x15B00] =	vst v63  }
.Ltmp4:
0x1b5: {  	_ = 	snop;
	(pc) =	sbr.rel @p0 .LBB2_1-.Ltmp4, $4  }
0x1b6: {  	_ =	swait.ge [sflag:s29], $0x3000  }
0x1b7: {  	[sflag:s29] =	ssyncset.done $0x0  }
0x1b8: {  	[sflag:s29] =	ssyncadd.s32 $0xFFFFD000  }
0x1b9: {  	_ =	strace $0x90000053  }
0x1ba: {  	_ =	sfence.sel $0x180000  }
0x1bb: {  	[bflag:$0x0] =	sbarrier.arrive $0xFFFF  }
0x1bc: {  	_ =	strace $0x9000004B  }
0x1bd: {  	s0 =	stileid.u32;
	[bflag:$0x2] =	sbarrier.arrive $0xFFFF  }
0x1be: {  	p0 =	sne.s32 s0, $0x0;
	s0 =	rddreg [dreg:$0x2]  }
0x1bf: {  	s0 =	sadd.s32 @!p0 $0x100000, s0  }
0x1c0: {  	[sflag:s0] =	ssyncadd.tile.s32 @!p0 $0x1;
	_ =	shalt  }
.Lfunc_end2:
_tile_overlayer_lowered:
.L_overlay_start_2:
0x1c1: {  	(tag) =	ssettag $0x2  }
0x1c2: {  	s0 =	rddreg [dreg:$0x0];
	s2 =	stileid.u32  }
0x1c3: {  	s1 =	rddreg [dreg:$0x1];
	p0 =	sne.s32 s2, $0x0  }
0x1c4: {  	s3 =	rddreg [dreg:$0x2];
	[bflag:$0x3] =	sbarrier.arrive $0xFFFF;
	s2 =	simm.s32 @!p0 $0x1C03  }
0x1c5: {  	[timem:s3], [sflag:s2] =	dma.local @!p0 [hbm:s0], s1  }
0x1c6: {  	s0 =	simm.s32 @!p0 $0x3  }
0x1c7: {  	_ =	swait.ge @!p0 [sflag:s0], s1  }
0x1c8: {  	s1 =	ssub.s32 @!p0 $0x0, s1;
	[sflag:s0] =	ssyncset.done @!p0 $0x0  }
0x1c9: {  	[sflag:s0] =	ssyncadd.s32 @!p0 s1  }
0x1ca: {  	[bflag:$0x3] =	sbarrier.arrive $0xFFFF  }
0x1cb: {  	_ =	shalt  }

</sc_bundles>
